<compile_context>
chip_gen: v7x
topology: tpu7x:2x2x1
jax: 0.10.2.dev20260603
libtpu: 0.0.44.dev20260713+nightly
codegen_flags: <defaults>
</compile_context>

<pallas_src>
import math

import jax
import jax.numpy as jnp
from jax import lax
from jax.experimental import pallas as pl
from jax.experimental.pallas import tpu as pltpu
from jax.experimental.pallas import tpu_sc as plsc

_N = 10000
_E = 320000
_D = 128
_EPS = 1e-5

_NC = 2
_NS = 16
_C = 88
_CHT = 228
_NCHUNKS = _NS * _CHT
_EPAD = _NCHUNKS * _C
_NR = 3
_NI = 4
_UNROLL = 12
_NACC = 10240
_ZROWS = _NACC // _NS
_DW = 16


def _sc_segment_sum(feat, edge_r, with_deg):
    mesh = plsc.VectorSubcoreMesh(core_axis_name="c", subcore_axis_name="s",
                                  num_cores=_NC, num_subcores=_NS)

    def body(feat_hbm, edge_hbm, *refs):
        if with_deg:
            (acc_out, deg_out, i0, i1, i2, i3, d0, d1, d2, d3,
             r0, r1, r2, ones_v, acc_sh, deg_sh,
             si0, si1, si2, si3, sr0, sr1, sr2) = refs
        else:
            (acc_out, i0, i1, i2, i3, d0, d1, d2, d3,
             r0, r1, r2, ones_v, acc_sh, deg_sh,
             si0, si1, si2, si3, sr0, sr1, sr2) = refs
            deg_out = None
        cid = lax.axis_index("c")
        sid = lax.axis_index("s")
        idx = [i0, i1, i2, i3]
        dsti = [d0, d1, d2, d3]
        isem = [si0, si1, si2, si3]
        rows = [r0, r1, r2]
        rsem = [sr0, sr1, sr2]
        cbase = sid * _CHT
        base = sid * _ZROWS

        @pl.when(cid == 0)
        def _sc0():
            def zrow(r, carry):
                for c in range(_D // 16):
                    r0[r, pl.ds(c * 16, 16)] = jnp.zeros((16,),
                                                         jnp.float32)
                return carry
            lax.fori_loop(0, _C, zrow, 0)
            for j in range(_ZROWS // _C):
                pltpu.sync_copy(r0, acc_sh.at[pl.ds(base + j * _C, _C)])
            _rem = _ZROWS % _C
            if _rem:
                pltpu.sync_copy(
                    r0.at[pl.ds(0, _rem)],
                    acc_sh.at[pl.ds(base + (_ZROWS // _C) * _C, _rem)])
            plsc.subcore_barrier()

            def load_idx(j, slot):
                pltpu.async_copy(
                    edge_hbm.at[:, pl.ds((cbase + j) * _C, _C)],
                    idx[slot], isem[slot])

            def wait_idx(j, slot):
                pltpu.make_async_copy(
                    edge_hbm.at[:, pl.ds((cbase + j) * _C, _C)],
                    idx[slot], isem[slot]).wait()

            def gather(slot_i, slot_r):
                pltpu.async_copy(feat_hbm.at[idx[slot_i].at[0]],
                                 rows[slot_r], rsem[slot_r])

            def wait_gather(slot_i, slot_r):
                pltpu.make_async_copy(feat_hbm.at[idx[slot_i].at[0]],
                                      rows[slot_r], rsem[slot_r]).wait()

            for j in range(_NI - 1):
                load_idx(j, j)
            for j in range(_NR - 1):
                wait_idx(j, j)
                gather(j, j)

            def step(it, carry):
                for k in range(_UNROLL):
                    jv = it * _UNROLL + k
                    s_i = k % _NI
                    s_g = (k + _NR - 1) % _NI
                    s_l = (k + _NI - 1) % _NI
                    s_r = k % _NR

                    wait_gather(s_i, s_r)

                    @pl.when(jv + _NR - 1 < _CHT)
                    def _():
                        wait_idx(jv + _NR - 1, s_g)
                        gather(s_g, (k + _NR - 1) % _NR)

                    @pl.when(jv + _NI - 1 < _CHT)
                    def _():
                        load_idx(jv + _NI - 1, s_l)

                    pltpu.sync_copy(rows[s_r], acc_sh.at[idx[s_i].at[1]],
                                    add=True)
                return carry
            lax.fori_loop(0, _CHT // _UNROLL, step, 0)
            plsc.subcore_barrier()

            pltpu.sync_copy(acc_sh.at[pl.ds(base, _ZROWS)],
                            acc_out.at[pl.ds(base, _ZROWS)])

        if with_deg:
            @pl.when(cid == 1)
            def _sc1():
                def fillrow(val):
                    def f(r, carry):
                        ones_v[r, pl.ds(0, _DW)] = jnp.full((_DW,), val,
                                                            jnp.float32)
                        return carry
                    return f
                lax.fori_loop(0, _C, fillrow(0.0), 0)
                for j in range(_ZROWS // _C):
                    pltpu.sync_copy(ones_v,
                                    deg_sh.at[pl.ds(base + j * _C, _C)])
                _rem = _ZROWS % _C
                if _rem:
                    pltpu.sync_copy(
                        ones_v.at[pl.ds(0, _rem)],
                        deg_sh.at[pl.ds(base + (_ZROWS // _C) * _C, _rem)])
                lax.fori_loop(0, _C, fillrow(1.0), 0)
                plsc.subcore_barrier()

                def load_d(j, slot):
                    pltpu.async_copy(
                        edge_hbm.at[pl.ds(1, 1), pl.ds((cbase + j) * _C, _C)],
                        dsti[slot], isem[slot])

                def wait_d(j, slot):
                    pltpu.make_async_copy(
                        edge_hbm.at[pl.ds(1, 1), pl.ds((cbase + j) * _C, _C)],
                        dsti[slot], isem[slot]).wait()

                for j in range(_NI - 1):
                    load_d(j, j)

                def dstep(it, carry):
                    for k in range(_NI):
                        jv = it * _NI + k
                        s_i = k % _NI
                        s_l = (k + _NI - 1) % _NI
                        wait_d(jv, s_i)

                        @pl.when(jv + _NI - 1 < _CHT)
                        def _():
                            load_d(jv + _NI - 1, s_l)

                        pltpu.sync_copy(ones_v,
                                        deg_sh.at[dsti[s_i].at[0]],
                                        add=True)
                    return carry
                lax.fori_loop(0, _CHT // _NI, dstep, 0)
                plsc.subcore_barrier()

                pltpu.sync_copy(deg_sh.at[pl.ds(base, _ZROWS)],
                                deg_out.at[pl.ds(base, _ZROWS)])

    if with_deg:
        out_type = [jax.ShapeDtypeStruct((_NACC, _D), jnp.float32),
                    jax.ShapeDtypeStruct((_NACC, _DW), jnp.float32)]
    else:
        out_type = [jax.ShapeDtypeStruct((_NACC, _D), jnp.float32)]

    return pl.kernel(
        body,
        out_type=out_type,
        mesh=mesh,
        scratch_types=[
            pltpu.VMEM((2, _C), jnp.int32),
            pltpu.VMEM((2, _C), jnp.int32),
            pltpu.VMEM((2, _C), jnp.int32),
            pltpu.VMEM((2, _C), jnp.int32),
            pltpu.VMEM((1, _C), jnp.int32),
            pltpu.VMEM((1, _C), jnp.int32),
            pltpu.VMEM((1, _C), jnp.int32),
            pltpu.VMEM((1, _C), jnp.int32),
            pltpu.VMEM((_C, _D), jnp.float32),
            pltpu.VMEM((_C, _D), jnp.float32),
            pltpu.VMEM((_C, _D), jnp.float32),
            pltpu.VMEM((_C, _DW), jnp.float32),
            pltpu.VMEM_SHARED((_NACC, _D), jnp.float32),
            pltpu.VMEM_SHARED((_NACC, _DW), jnp.float32),
            pltpu.SemaphoreType.DMA,
            pltpu.SemaphoreType.DMA,
            pltpu.SemaphoreType.DMA,
            pltpu.SemaphoreType.DMA,
            pltpu.SemaphoreType.DMA,
            pltpu.SemaphoreType.DMA,
            pltpu.SemaphoreType.DMA,
        ],
        compiler_params=pltpu.CompilerParams(use_tc_tiling_on_sc=False),
    )(feat, edge_r)


_BLK = 2000
_INV_STD = 1.0 / math.sqrt(1.0 + _EPS)


def _l1_body(p_ref, deg_ref, x_ref, wn_ref, wr_ref, b_ref, g_ref, be_ref,
             h_ref):
    rdeg = 1.0 / jnp.maximum(deg_ref[:, 0:1], 1.0)
    mean = p_ref[...] * rdeg
    z = (jnp.dot(mean, wn_ref[...], preferred_element_type=jnp.float32)
         + jnp.dot(x_ref[...], wr_ref[...], preferred_element_type=jnp.float32)
         + b_ref[...])
    z = z * (_INV_STD * g_ref[...]) + be_ref[...]
    h_ref[...] = jnp.maximum(z, 0.0)


def _tc_layer1(p, deg, x, w1nT, w1rT, b1, gamma1, beta1):
    return pl.pallas_call(
        _l1_body,
        grid=(_N // _BLK,),
        in_specs=[
            pl.BlockSpec((_BLK, _D), lambda i: (i, 0)),
            pl.BlockSpec((_BLK, _DW), lambda i: (i, 0)),
            pl.BlockSpec((_BLK, _D), lambda i: (i, 0)),
            pl.BlockSpec((_D, _D), lambda i: (0, 0)),
            pl.BlockSpec((_D, _D), lambda i: (0, 0)),
            pl.BlockSpec((1, _D), lambda i: (0, 0)),
            pl.BlockSpec((1, _D), lambda i: (0, 0)),
            pl.BlockSpec((1, _D), lambda i: (0, 0)),
        ],
        out_specs=pl.BlockSpec((_BLK, _D), lambda i: (i, 0)),
        out_shape=jax.ShapeDtypeStruct((_N, _D), jnp.float32),
    )(p, deg, x, w1nT, w1rT, b1, gamma1, beta1)


def _l2_body(p_ref, h_ref, deg_ref, wn_ref, wr_ref, b_ref, out_ref):
    rdeg = 1.0 / jnp.maximum(deg_ref[:, 0:1], 1.0)
    mean = p_ref[...] * rdeg
    z = (jnp.dot(mean, wn_ref[...], preferred_element_type=jnp.float32)
         + jnp.dot(h_ref[...], wr_ref[...], preferred_element_type=jnp.float32)
         + b_ref[...])
    m = jnp.max(z, axis=1, keepdims=True)
    s = jnp.sum(jnp.exp(z - m), axis=1, keepdims=True)
    out_ref[...] = z - m - jnp.log(s)


def _tc_layer2(p2, h, deg, w2nT, w2rT, b2):
    return pl.pallas_call(
        _l2_body,
        grid=(_N // _BLK,),
        in_specs=[
            pl.BlockSpec((_BLK, _D), lambda i: (i, 0)),
            pl.BlockSpec((_BLK, _D), lambda i: (i, 0)),
            pl.BlockSpec((_BLK, _DW), lambda i: (i, 0)),
            pl.BlockSpec((_D, _D), lambda i: (0, 0)),
            pl.BlockSpec((_D, _D), lambda i: (0, 0)),
            pl.BlockSpec((1, _D), lambda i: (0, 0)),
        ],
        out_specs=pl.BlockSpec((_BLK, _D), lambda i: (i, 0)),
        out_shape=jax.ShapeDtypeStruct((_N, _D), jnp.float32),
    )(p2, h, deg, w2nT, w2rT, b2)


def kernel(x, edge_index, W1n, W1r, b1, gamma1, beta1, W2n, W2r, b2):
    pad = _EPAD - _E
    pad_cols = jnp.stack([jnp.zeros((pad,), jnp.int32),
                          jnp.full((pad,), _N, jnp.int32)])
    edge_r = jnp.concatenate([edge_index, pad_cols], axis=1)

    p1, deg = _sc_segment_sum(x, edge_r, True)
    h = _tc_layer1(p1, deg, x, W1n.T, W1r.T, b1.reshape(1, _D),
                   gamma1.reshape(1, _D), beta1.reshape(1, _D))
    (p2,) = _sc_segment_sum(h, edge_r, False)
    return _tc_layer2(p2, h, deg, W2n.T, W2r.T, b2.reshape(1, _D))

# --- scband reference (transcript-rebuilt; emitter-appended) ---
"""Pipeline reference for scband-graph-sagewith-norm-82205674045441 (READ-ONLY COPY).

The authoritative reference and input builder live on the scoring server;
editing this copy changes nothing except your own understanding.
"""

import jax, jax.numpy as jnp
import numpy as np

N = 10000
E = 320000
D_IN = 128
D_HID = 128
D_OUT = 128
EPS = 1e-5


def setup_inputs(seed: int = 0) -> dict:
    key = jax.random.key(seed)
    ks = jax.random.split(key, 12)
    x = jax.random.normal(ks[0], (N, D_IN), dtype=jnp.float32)
    edge_index = jax.random.randint(ks[1], (2, E), 0, N, dtype=jnp.int32)
    s1 = 1.0 / np.sqrt(D_IN)
    s2 = 1.0 / np.sqrt(D_HID)
    W1n = jax.random.normal(ks[2], (D_HID, D_IN), dtype=jnp.float32) * s1
    W1r = jax.random.normal(ks[3], (D_HID, D_IN), dtype=jnp.float32) * s1
    b1 = jax.random.normal(ks[4], (D_HID,), dtype=jnp.float32) * 0.01
    gamma1 = jnp.ones((D_HID,), dtype=jnp.float32)
    beta1 = jnp.zeros((D_HID,), dtype=jnp.float32)
    W2n = jax.random.normal(ks[5], (D_OUT, D_HID), dtype=jnp.float32) * s2
    W2r = jax.random.normal(ks[6], (D_OUT, D_HID), dtype=jnp.float32) * s2
    b2 = jax.random.normal(ks[7], (D_OUT,), dtype=jnp.float32) * 0.01
    return {"x": x, "edge_index": edge_index, "W1n": W1n, "W1r": W1r, "b1": b1,
            "gamma1": gamma1, "beta1": beta1, "W2n": W2n, "W2r": W2r, "b2": b2}


def _sage_conv(x, edge_index, Wn, Wr, b):
    # PyG-style SAGEConv with mean aggregation:
    # out = lin_neigh(mean_{j in N(i)} x_j) + lin_root(x_i) + b
    src = edge_index[0]
    dst = edge_index[1]
    msg = jnp.take(x, src, axis=0)
    agg = jax.ops.segment_sum(msg, dst, num_segments=N)
    deg = jax.ops.segment_sum(jnp.ones((edge_index.shape[1],), dtype=x.dtype), dst, num_segments=N)
    mean = agg / jnp.maximum(deg, 1.0)[:, None]
    return mean @ Wn.T + x @ Wr.T + b


def reference(x, edge_index, W1n, W1r, b1, gamma1, beta1, W2n, W2r, b2):
    # layer 1: SAGEConv -> BatchNorm1d (eval: running_mean=0, running_var=1) -> ReLU
    # dropout is identity in eval mode
    h = _sage_conv(x, edge_index, W1n, W1r, b1)
    h = (h - 0.0) / jnp.sqrt(1.0 + EPS) * gamma1 + beta1
    h = jax.nn.relu(h)
    out = _sage_conv(h, edge_index, W2n, W2r, b2)
    return jax.nn.log_softmax(out, axis=1)

if __name__ == "__main__":
    import jax
    _d = setup_inputs()
    print(jax.jit(kernel)(*tuple(_d.values())))

</pallas_src>

<mosaic_0001>
#map = affine_map<(d0, d1) -> (0, 0)>
module attributes {stable_mosaic.version = 14 : i64} {
  func.func @body(%arg0: i32, %arg1: i32, %arg2: memref<10000x128xf32, #tpu.memory_space<hbm>>, %arg3: memref<2x321024xi32, #tpu.memory_space<hbm>>, %arg4: memref<10240x128xf32, #tpu.memory_space<hbm>>, %arg5: memref<2x88xi32, #tpu.memory_space<vmem>>, %arg6: memref<2x88xi32, #tpu.memory_space<vmem>>, %arg7: memref<2x88xi32, #tpu.memory_space<vmem>>, %arg8: memref<2x88xi32, #tpu.memory_space<vmem>>, %arg9: memref<1x88xi32, #tpu.memory_space<vmem>>, %arg10: memref<1x88xi32, #tpu.memory_space<vmem>>, %arg11: memref<1x88xi32, #tpu.memory_space<vmem>>, %arg12: memref<1x88xi32, #tpu.memory_space<vmem>>, %arg13: memref<88x128xf32, #tpu.memory_space<vmem>>, %arg14: memref<88x128xf32, #tpu.memory_space<vmem>>, %arg15: memref<88x128xf32, #tpu.memory_space<vmem>>, %arg16: memref<88x16xf32, #tpu.memory_space<vmem>>, %arg17: memref<10240x128xf32, #tpu.memory_space<vmem_shared>>, %arg18: memref<10240x16xf32, #tpu.memory_space<vmem_shared>>, %arg19: memref<!tpu.dma_semaphore, #tpu.memory_space<semaphore_mem>>, %arg20: memref<!tpu.dma_semaphore, #tpu.memory_space<semaphore_mem>>, %arg21: memref<!tpu.dma_semaphore, #tpu.memory_space<semaphore_mem>>, %arg22: memref<!tpu.dma_semaphore, #tpu.memory_space<semaphore_mem>>, %arg23: memref<!tpu.dma_semaphore, #tpu.memory_space<semaphore_mem>>, %arg24: memref<!tpu.dma_semaphore, #tpu.memory_space<semaphore_mem>>, %arg25: memref<!tpu.dma_semaphore, #tpu.memory_space<semaphore_mem>>) attributes {dimension_semantics = [#tpu.dimension_semantics<core_parallel>, #tpu.dimension_semantics<subcore_parallel>], iteration_bounds = array<i64: 2, 16>, scalar_prefetch = 0 : i64, scratch_operands = 21 : i64, tpu.core_type = #tpu.core_type<sc_vector_subcore>, window_params = [{transform_indices = #map}, {transform_indices = #map}, {transform_indices = #map}]} {
    %mul3A = arith.constant 228 : i32
    %mul3A_0 = arith.muli %arg1, %mul3A : i32
    %mul3A_1 = arith.constant 640 : i32
    %mul3A_2 = arith.muli %arg1, %mul3A_1 : i32
    %eq3A = arith.constant 0 : i32
    %eq3A_3 = arith.cmpi eq, %arg0, %eq3A : i32
    %convert_element_type3A = arith.extui %eq3A_3 : i1 to i32
    %cond3A = arith.constant 0 : i32
    %cond3A_4 = arith.cmpi ne, %convert_element_type3A, %cond3A : i32
    scf.if %cond3A_4 {
      %scan3A = arith.constant 0 : i32
      %scan3A_5 = arith.constant 0 : i32
      %scan3A_6 = arith.constant 88 : i32
      %scan3A_7 = arith.addi %scan3A_5, %scan3A_6 : i32
      %scan3A_8 = arith.constant 1 : i32
      scf.for %scan3A_84 = %scan3A_5 to %scan3A_7 step %scan3A_8  : i32 {
        %broadcast_in_dim3A = arith.constant 0.000000e+00 : f32
        %broadcast_in_dim3A_85 = vector.broadcast %broadcast_in_dim3A : f32 to vector<16xf32>
        %swap3A = arith.index_cast %scan3A_84 : i32 to index
        %swap3A_86 = arith.constant 0 : index
        %swap3A_87 = tpu.vector_load %arg13[%swap3A, %swap3A_86] {strides = array<i32>} : memref<88x128xf32, #tpu.memory_space<vmem>>, vector<1x16xf32>,
        %swap3A_88 = vector.shape_cast %swap3A_87 : vector<1x16xf32> to vector<16xf32>
        %swap3A_89 = vector.shape_cast %broadcast_in_dim3A_85 : vector<16xf32> to vector<1x16xf32>
        tpu.vector_store %arg13[%swap3A, %swap3A_86], %swap3A_89 {strides = array<i32>} : memref<88x128xf32, #tpu.memory_space<vmem>>, vector<1x16xf32>,
        %broadcast_in_dim3A_90 = arith.constant 0.000000e+00 : f32
        %broadcast_in_dim3A_91 = vector.broadcast %broadcast_in_dim3A_90 : f32 to vector<16xf32>
        %swap3A_92 = arith.index_cast %scan3A_84 : i32 to index
        %swap3A_93 = arith.constant 16 : index
        %swap3A_94 = tpu.vector_load %arg13[%swap3A_92, %swap3A_93] {strides = array<i32>} : memref<88x128xf32, #tpu.memory_space<vmem>>, vector<1x16xf32>,
        %swap3A_95 = vector.shape_cast %swap3A_94 : vector<1x16xf32> to vector<16xf32>
        %swap3A_96 = vector.shape_cast %broadcast_in_dim3A_91 : vector<16xf32> to vector<1x16xf32>
        tpu.vector_store %arg13[%swap3A_92, %swap3A_93], %swap3A_96 {strides = array<i32>} : memref<88x128xf32, #tpu.memory_space<vmem>>, vector<1x16xf32>,
        %broadcast_in_dim3A_97 = arith.constant 0.000000e+00 : f32
        %broadcast_in_dim3A_98 = vector.broadcast %broadcast_in_dim3A_97 : f32 to vector<16xf32>
        %swap3A_99 = arith.index_cast %scan3A_84 : i32 to index
        %swap3A_100 = arith.constant 32 : index
        %swap3A_101 = tpu.vector_load %arg13[%swap3A_99, %swap3A_100] {strides = array<i32>} : memref<88x128xf32, #tpu.memory_space<vmem>>, vector<1x16xf32>,
        %swap3A_102 = vector.shape_cast %swap3A_101 : vector<1x16xf32> to vector<16xf32>
        %swap3A_103 = vector.shape_cast %broadcast_in_dim3A_98 : vector<16xf32> to vector<1x16xf32>
        tpu.vector_store %arg13[%swap3A_99, %swap3A_100], %swap3A_103 {strides = array<i32>} : memref<88x128xf32, #tpu.memory_space<vmem>>, vector<1x16xf32>,
        %broadcast_in_dim3A_104 = arith.constant 0.000000e+00 : f32
        %broadcast_in_dim3A_105 = vector.broadcast %broadcast_in_dim3A_104 : f32 to vector<16xf32>
        %swap3A_106 = arith.index_cast %scan3A_84 : i32 to index
        %swap3A_107 = arith.constant 48 : index
        %swap3A_108 = tpu.vector_load %arg13[%swap3A_106, %swap3A_107] {strides = array<i32>} : memref<88x128xf32, #tpu.memory_space<vmem>>, vector<1x16xf32>,
        %swap3A_109 = vector.shape_cast %swap3A_108 : vector<1x16xf32> to vector<16xf32>
        %swap3A_110 = vector.shape_cast %broadcast_in_dim3A_105 : vector<16xf32> to vector<1x16xf32>
        tpu.vector_store %arg13[%swap3A_106, %swap3A_107], %swap3A_110 {strides = array<i32>} : memref<88x128xf32, #tpu.memory_space<vmem>>, vector<1x16xf32>,
        %broadcast_in_dim3A_111 = arith.constant 0.000000e+00 : f32
        %broadcast_in_dim3A_112 = vector.broadcast %broadcast_in_dim3A_111 : f32 to vector<16xf32>
        %swap3A_113 = arith.index_cast %scan3A_84 : i32 to index
        %swap3A_114 = arith.constant 64 : index
        %swap3A_115 = tpu.vector_load %arg13[%swap3A_113, %swap3A_114] {strides = array<i32>} : memref<88x128xf32, #tpu.memory_space<vmem>>, vector<1x16xf32>,
        %swap3A_116 = vector.shape_cast %swap3A_115 : vector<1x16xf32> to vector<16xf32>
        %swap3A_117 = vector.shape_cast %broadcast_in_dim3A_112 : vector<16xf32> to vector<1x16xf32>
        tpu.vector_store %arg13[%swap3A_113, %swap3A_114], %swap3A_117 {strides = array<i32>} : memref<88x128xf32, #tpu.memory_space<vmem>>, vector<1x16xf32>,
        %broadcast_in_dim3A_118 = arith.constant 0.000000e+00 : f32
        %broadcast_in_dim3A_119 = vector.broadcast %broadcast_in_dim3A_118 : f32 to vector<16xf32>
        %swap3A_120 = arith.index_cast %scan3A_84 : i32 to index
        %swap3A_121 = arith.constant 80 : index
        %swap3A_122 = tpu.vector_load %arg13[%swap3A_120, %swap3A_121] {strides = array<i32>} : memref<88x128xf32, #tpu.memory_space<vmem>>, vector<1x16xf32>,
        %swap3A_123 = vector.shape_cast %swap3A_122 : vector<1x16xf32> to vector<16xf32>
        %swap3A_124 = vector.shape_cast %broadcast_in_dim3A_119 : vector<16xf32> to vector<1x16xf32>
        tpu.vector_store %arg13[%swap3A_120, %swap3A_121], %swap3A_124 {strides = array<i32>} : memref<88x128xf32, #tpu.memory_space<vmem>>, vector<1x16xf32>,
        %broadcast_in_dim3A_125 = arith.constant 0.000000e+00 : f32
        %broadcast_in_dim3A_126 = vector.broadcast %broadcast_in_dim3A_125 : f32 to vector<16xf32>
        %swap3A_127 = arith.index_cast %scan3A_84 : i32 to index
        %swap3A_128 = arith.constant 96 : index
        %swap3A_129 = tpu.vector_load %arg13[%swap3A_127, %swap3A_128] {strides = array<i32>} : memref<88x128xf32, #tpu.memory_space<vmem>>, vector<1x16xf32>,
        %swap3A_130 = vector.shape_cast %swap3A_129 : vector<1x16xf32> to vector<16xf32>
        %swap3A_131 = vector.shape_cast %broadcast_in_dim3A_126 : vector<16xf32> to vector<1x16xf32>
        tpu.vector_store %arg13[%swap3A_127, %swap3A_128], %swap3A_131 {strides = array<i32>} : memref<88x128xf32, #tpu.memory_space<vmem>>, vector<1x16xf32>,
        %broadcast_in_dim3A_132 = arith.constant 0.000000e+00 : f32
        %broadcast_in_dim3A_133 = vector.broadcast %broadcast_in_dim3A_132 : f32 to vector<16xf32>
        %swap3A_134 = arith.index_cast %scan3A_84 : i32 to index
        %swap3A_135 = arith.constant 112 : index
        %swap3A_136 = tpu.vector_load %arg13[%swap3A_134, %swap3A_135] {strides = array<i32>} : memref<88x128xf32, #tpu.memory_space<vmem>>, vector<1x16xf32>,
        %swap3A_137 = vector.shape_cast %swap3A_136 : vector<1x16xf32> to vector<16xf32>
        %swap3A_138 = vector.shape_cast %broadcast_in_dim3A_133 : vector<16xf32> to vector<1x16xf32>
        tpu.vector_store %arg13[%swap3A_134, %swap3A_135], %swap3A_138 {strides = array<i32>} : memref<88x128xf32, #tpu.memory_space<vmem>>, vector<1x16xf32>,
      }
      %scan3A_9 = arith.constant 88 : i32
      %add3A = arith.constant 0 : i32
      %add3A_10 = arith.addi %mul3A_2, %add3A : i32
      "tpu.region"() ({
        %run_scoped3A = tpu.sem_alloc : memref<!tpu.dma_semaphore, #tpu.memory_space<semaphore_mem>>
        %dma_start3A_84 = arith.constant 0 : i32
        %dma_start3A_85 = tpu.memref_slice %arg17[%add3A_10, %dma_start3A_84] : memref<10240x128xf32, #tpu.memory_space<vmem_shared>> -> memref<88x128xf32, #tpu.memory_space<vmem_shared>>
        %dma_start3A_86 = arith.constant 0 : i32
        %dma_start3A_87 = tpu.memref_slice %arg17[%add3A_10, %dma_start3A_86] : memref<10240x128xf32, #tpu.memory_space<vmem_shared>> -> memref<88x128xf32, #tpu.memory_space<vmem_shared>>
        tpu.enqueue_dma source(%arg13 : memref<88x128xf32, #tpu.memory_space<vmem>>) target(%dma_start3A_87 : memref<88x128xf32, #tpu.memory_space<vmem_shared>>) target_semaphore(%run_scoped3A : memref<!tpu.dma_semaphore, #tpu.memory_space<semaphore_mem>>)
        %dma_wait3A_88 = arith.constant 0 : i32
        %dma_wait3A_89 = tpu.memref_slice %arg17[%add3A_10, %dma_wait3A_88] : memref<10240x128xf32, #tpu.memory_space<vmem_shared>> -> memref<88x128xf32, #tpu.memory_space<vmem_shared>>
        %dma_wait3A_90 = arith.constant 0 : i32
        %dma_wait3A_91 = tpu.memref_slice %arg17[%add3A_10, %dma_wait3A_90] : memref<10240x128xf32, #tpu.memory_space<vmem_shared>> -> memref<88x128xf32, #tpu.memory_space<vmem_shared>>
        tpu.wait_dma2 semaphore(%run_scoped3A : memref<!tpu.dma_semaphore, #tpu.memory_space<semaphore_mem>>) src(%arg13 : memref<88x128xf32, #tpu.memory_space<vmem>>) dst(%dma_wait3A_91 : memref<88x128xf32, #tpu.memory_space<vmem_shared>>)
        tpu.yield
      }) : () -> ()
      %add3A_11 = arith.constant 88 : i32
      %add3A_12 = arith.addi %mul3A_2, %add3A_11 : i32
      "tpu.region"() ({
        %run_scoped3A = tpu.sem_alloc : memref<!tpu.dma_semaphore, #tpu.memory_space<semaphore_mem>>
        %dma_start3A_84 = arith.constant 0 : i32
        %dma_start3A_85 = tpu.memref_slice %arg17[%add3A_12, %dma_start3A_84] : memref<10240x128xf32, #tpu.memory_space<vmem_shared>> -> memref<88x128xf32, #tpu.memory_space<vmem_shared>>
        %dma_start3A_86 = arith.constant 0 : i32
        %dma_start3A_87 = tpu.memref_slice %arg17[%add3A_12, %dma_start3A_86] : memref<10240x128xf32, #tpu.memory_space<vmem_shared>> -> memref<88x128xf32, #tpu.memory_space<vmem_shared>>
        tpu.enqueue_dma source(%arg13 : memref<88x128xf32, #tpu.memory_space<vmem>>) target(%dma_start3A_87 : memref<88x128xf32, #tpu.memory_space<vmem_shared>>) target_semaphore(%run_scoped3A : memref<!tpu.dma_semaphore, #tpu.memory_space<semaphore_mem>>)
        %dma_wait3A_88 = arith.constant 0 : i32
        %dma_wait3A_89 = tpu.memref_slice %arg17[%add3A_12, %dma_wait3A_88] : memref<10240x128xf32, #tpu.memory_space<vmem_shared>> -> memref<88x128xf32, #tpu.memory_space<vmem_shared>>
        %dma_wait3A_90 = arith.constant 0 : i32
        %dma_wait3A_91 = tpu.memref_slice %arg17[%add3A_12, %dma_wait3A_90] : memref<10240x128xf32, #tpu.memory_space<vmem_shared>> -> memref<88x128xf32, #tpu.memory_space<vmem_shared>>
        tpu.wait_dma2 semaphore(%run_scoped3A : memref<!tpu.dma_semaphore, #tpu.memory_space<semaphore_mem>>) src(%arg13 : memref<88x128xf32, #tpu.memory_space<vmem>>) dst(%dma_wait3A_91 : memref<88x128xf32, #tpu.memory_space<vmem_shared>>)
        tpu.yield
      }) : () -> ()
      %add3A_13 = arith.constant 176 : i32
      %add3A_14 = arith.addi %mul3A_2, %add3A_13 : i32
      "tpu.region"() ({
        %run_scoped3A = tpu.sem_alloc : memref<!tpu.dma_semaphore, #tpu.memory_space<semaphore_mem>>
        %dma_start3A_84 = arith.constant 0 : i32
        %dma_start3A_85 = tpu.memref_slice %arg17[%add3A_14, %dma_start3A_84] : memref<10240x128xf32, #tpu.memory_space<vmem_shared>> -> memref<88x128xf32, #tpu.memory_space<vmem_shared>>
        %dma_start3A_86 = arith.constant 0 : i32
        %dma_start3A_87 = tpu.memref_slice %arg17[%add3A_14, %dma_start3A_86] : memref<10240x128xf32, #tpu.memory_space<vmem_shared>> -> memref<88x128xf32, #tpu.memory_space<vmem_shared>>
        tpu.enqueue_dma source(%arg13 : memref<88x128xf32, #tpu.memory_space<vmem>>) target(%dma_start3A_87 : memref<88x128xf32, #tpu.memory_space<vmem_shared>>) target_semaphore(%run_scoped3A : memref<!tpu.dma_semaphore, #tpu.memory_space<semaphore_mem>>)
        %dma_wait3A_88 = arith.constant 0 : i32
        %dma_wait3A_89 = tpu.memref_slice %arg17[%add3A_14, %dma_wait3A_88] : memref<10240x128xf32, #tpu.memory_space<vmem_shared>> -> memref<88x128xf32, #tpu.memory_space<vmem_shared>>
        %dma_wait3A_90 = arith.constant 0 : i32
        %dma_wait3A_91 = tpu.memref_slice %arg17[%add3A_14, %dma_wait3A_90] : memref<10240x128xf32, #tpu.memory_space<vmem_shared>> -> memref<88x128xf32, #tpu.memory_space<vmem_shared>>
        tpu.wait_dma2 semaphore(%run_scoped3A : memref<!tpu.dma_semaphore, #tpu.memory_space<semaphore_mem>>) src(%arg13 : memref<88x128xf32, #tpu.memory_space<vmem>>) dst(%dma_wait3A_91 : memref<88x128xf32, #tpu.memory_space<vmem_shared>>)
        tpu.yield
      }) : () -> ()
      %add3A_15 = arith.constant 264 : i32
      %add3A_16 = arith.addi %mul3A_2, %add3A_15 : i32
      "tpu.region"() ({
        %run_scoped3A = tpu.sem_alloc : memref<!tpu.dma_semaphore, #tpu.memory_space<semaphore_mem>>
        %dma_start3A_84 = arith.constant 0 : i32
        %dma_start3A_85 = tpu.memref_slice %arg17[%add3A_16, %dma_start3A_84] : memref<10240x128xf32, #tpu.memory_space<vmem_shared>> -> memref<88x128xf32, #tpu.memory_space<vmem_shared>>
        %dma_start3A_86 = arith.constant 0 : i32
        %dma_start3A_87 = tpu.memref_slice %arg17[%add3A_16, %dma_start3A_86] : memref<10240x128xf32, #tpu.memory_space<vmem_shared>> -> memref<88x128xf32, #tpu.memory_space<vmem_shared>>
        tpu.enqueue_dma source(%arg13 : memref<88x128xf32, #tpu.memory_space<vmem>>) target(%dma_start3A_87 : memref<88x128xf32, #tpu.memory_space<vmem_shared>>) target_semaphore(%run_scoped3A : memref<!tpu.dma_semaphore, #tpu.memory_space<semaphore_mem>>)
        %dma_wait3A_88 = arith.constant 0 : i32
        %dma_wait3A_89 = tpu.memref_slice %arg17[%add3A_16, %dma_wait3A_88] : memref<10240x128xf32, #tpu.memory_space<vmem_shared>> -> memref<88x128xf32, #tpu.memory_space<vmem_shared>>
        %dma_wait3A_90 = arith.constant 0 : i32
        %dma_wait3A_91 = tpu.memref_slice %arg17[%add3A_16, %dma_wait3A_90] : memref<10240x128xf32, #tpu.memory_space<vmem_shared>> -> memref<88x128xf32, #tpu.memory_space<vmem_shared>>
        tpu.wait_dma2 semaphore(%run_scoped3A : memref<!tpu.dma_semaphore, #tpu.memory_space<semaphore_mem>>) src(%arg13 : memref<88x128xf32, #tpu.memory_space<vmem>>) dst(%dma_wait3A_91 : memref<88x128xf32, #tpu.memory_space<vmem_shared>>)
        tpu.yield
      }) : () -> ()
      %add3A_17 = arith.constant 352 : i32
      %add3A_18 = arith.addi %mul3A_2, %add3A_17 : i32
      "tpu.region"() ({
        %run_scoped3A = tpu.sem_alloc : memref<!tpu.dma_semaphore, #tpu.memory_space<semaphore_mem>>
        %dma_start3A_84 = arith.constant 0 : i32
        %dma_start3A_85 = tpu.memref_slice %arg17[%add3A_18, %dma_start3A_84] : memref<10240x128xf32, #tpu.memory_space<vmem_shared>> -> memref<88x128xf32, #tpu.memory_space<vmem_shared>>
        %dma_start3A_86 = arith.constant 0 : i32
        %dma_start3A_87 = tpu.memref_slice %arg17[%add3A_18, %dma_start3A_86] : memref<10240x128xf32, #tpu.memory_space<vmem_shared>> -> memref<88x128xf32, #tpu.memory_space<vmem_shared>>
        tpu.enqueue_dma source(%arg13 : memref<88x128xf32, #tpu.memory_space<vmem>>) target(%dma_start3A_87 : memref<88x128xf32, #tpu.memory_space<vmem_shared>>) target_semaphore(%run_scoped3A : memref<!tpu.dma_semaphore, #tpu.memory_space<semaphore_mem>>)
        %dma_wait3A_88 = arith.constant 0 : i32
        %dma_wait3A_89 = tpu.memref_slice %arg17[%add3A_18, %dma_wait3A_88] : memref<10240x128xf32, #tpu.memory_space<vmem_shared>> -> memref<88x128xf32, #tpu.memory_space<vmem_shared>>
        %dma_wait3A_90 = arith.constant 0 : i32
        %dma_wait3A_91 = tpu.memref_slice %arg17[%add3A_18, %dma_wait3A_90] : memref<10240x128xf32, #tpu.memory_space<vmem_shared>> -> memref<88x128xf32, #tpu.memory_space<vmem_shared>>
        tpu.wait_dma2 semaphore(%run_scoped3A : memref<!tpu.dma_semaphore, #tpu.memory_space<semaphore_mem>>) src(%arg13 : memref<88x128xf32, #tpu.memory_space<vmem>>) dst(%dma_wait3A_91 : memref<88x128xf32, #tpu.memory_space<vmem_shared>>)
        tpu.yield
      }) : () -> ()
      %add3A_19 = arith.constant 440 : i32
      %add3A_20 = arith.addi %mul3A_2, %add3A_19 : i32
      "tpu.region"() ({
        %run_scoped3A = tpu.sem_alloc : memref<!tpu.dma_semaphore, #tpu.memory_space<semaphore_mem>>
        %dma_start3A_84 = arith.constant 0 : i32
        %dma_start3A_85 = tpu.memref_slice %arg17[%add3A_20, %dma_start3A_84] : memref<10240x128xf32, #tpu.memory_space<vmem_shared>> -> memref<88x128xf32, #tpu.memory_space<vmem_shared>>
        %dma_start3A_86 = arith.constant 0 : i32
        %dma_start3A_87 = tpu.memref_slice %arg17[%add3A_20, %dma_start3A_86] : memref<10240x128xf32, #tpu.memory_space<vmem_shared>> -> memref<88x128xf32, #tpu.memory_space<vmem_shared>>
        tpu.enqueue_dma source(%arg13 : memref<88x128xf32, #tpu.memory_space<vmem>>) target(%dma_start3A_87 : memref<88x128xf32, #tpu.memory_space<vmem_shared>>) target_semaphore(%run_scoped3A : memref<!tpu.dma_semaphore, #tpu.memory_space<semaphore_mem>>)
        %dma_wait3A_88 = arith.constant 0 : i32
        %dma_wait3A_89 = tpu.memref_slice %arg17[%add3A_20, %dma_wait3A_88] : memref<10240x128xf32, #tpu.memory_space<vmem_shared>> -> memref<88x128xf32, #tpu.memory_space<vmem_shared>>
        %dma_wait3A_90 = arith.constant 0 : i32
        %dma_wait3A_91 = tpu.memref_slice %arg17[%add3A_20, %dma_wait3A_90] : memref<10240x128xf32, #tpu.memory_space<vmem_shared>> -> memref<88x128xf32, #tpu.memory_space<vmem_shared>>
        tpu.wait_dma2 semaphore(%run_scoped3A : memref<!tpu.dma_semaphore, #tpu.memory_space<semaphore_mem>>) src(%arg13 : memref<88x128xf32, #tpu.memory_space<vmem>>) dst(%dma_wait3A_91 : memref<88x128xf32, #tpu.memory_space<vmem_shared>>)
        tpu.yield
      }) : () -> ()
      %add3A_21 = arith.constant 528 : i32
      %add3A_22 = arith.addi %mul3A_2, %add3A_21 : i32
      "tpu.region"() ({
        %run_scoped3A = tpu.sem_alloc : memref<!tpu.dma_semaphore, #tpu.memory_space<semaphore_mem>>
        %dma_start3A_84 = arith.constant 0 : i32
        %dma_start3A_85 = tpu.memref_slice %arg17[%add3A_22, %dma_start3A_84] : memref<10240x128xf32, #tpu.memory_space<vmem_shared>> -> memref<88x128xf32, #tpu.memory_space<vmem_shared>>
        %dma_start3A_86 = arith.constant 0 : i32
        %dma_start3A_87 = tpu.memref_slice %arg17[%add3A_22, %dma_start3A_86] : memref<10240x128xf32, #tpu.memory_space<vmem_shared>> -> memref<88x128xf32, #tpu.memory_space<vmem_shared>>
        tpu.enqueue_dma source(%arg13 : memref<88x128xf32, #tpu.memory_space<vmem>>) target(%dma_start3A_87 : memref<88x128xf32, #tpu.memory_space<vmem_shared>>) target_semaphore(%run_scoped3A : memref<!tpu.dma_semaphore, #tpu.memory_space<semaphore_mem>>)
        %dma_wait3A_88 = arith.constant 0 : i32
        %dma_wait3A_89 = tpu.memref_slice %arg17[%add3A_22, %dma_wait3A_88] : memref<10240x128xf32, #tpu.memory_space<vmem_shared>> -> memref<88x128xf32, #tpu.memory_space<vmem_shared>>
        %dma_wait3A_90 = arith.constant 0 : i32
        %dma_wait3A_91 = tpu.memref_slice %arg17[%add3A_22, %dma_wait3A_90] : memref<10240x128xf32, #tpu.memory_space<vmem_shared>> -> memref<88x128xf32, #tpu.memory_space<vmem_shared>>
        tpu.wait_dma2 semaphore(%run_scoped3A : memref<!tpu.dma_semaphore, #tpu.memory_space<semaphore_mem>>) src(%arg13 : memref<88x128xf32, #tpu.memory_space<vmem>>) dst(%dma_wait3A_91 : memref<88x128xf32, #tpu.memory_space<vmem_shared>>)
        tpu.yield
      }) : () -> ()
      %add3A_23 = arith.constant 616 : i32
      %add3A_24 = arith.addi %mul3A_2, %add3A_23 : i32
      "tpu.region"() ({
        %run_scoped3A = tpu.sem_alloc : memref<!tpu.dma_semaphore, #tpu.memory_space<semaphore_mem>>
        %dma_start3A_84 = arith.constant 0 : i32
        %dma_start3A_85 = arith.constant 0 : i32
        %dma_start3A_86 = tpu.memref_slice %arg13[%dma_start3A_84, %dma_start3A_85] : memref<88x128xf32, #tpu.memory_space<vmem>> -> memref<24x128xf32, #tpu.memory_space<vmem>>
        %dma_start3A_87 = arith.constant 0 : i32
        %dma_start3A_88 = tpu.memref_slice %arg17[%add3A_24, %dma_start3A_87] : memref<10240x128xf32, #tpu.memory_space<vmem_shared>> -> memref<24x128xf32, #tpu.memory_space<vmem_shared>>
        %dma_start3A_89 = arith.constant 0 : i32
        %dma_start3A_90 = tpu.memref_slice %arg17[%add3A_24, %dma_start3A_89] : memref<10240x128xf32, #tpu.memory_space<vmem_shared>> -> memref<24x128xf32, #tpu.memory_space<vmem_shared>>
        %dma_start3A_91 = arith.constant 0 : i32
        %dma_start3A_92 = arith.constant 0 : i32
        %dma_start3A_93 = tpu.memref_slice %arg13[%dma_start3A_91, %dma_start3A_92] : memref<88x128xf32, #tpu.memory_space<vmem>> -> memref<24x128xf32, #tpu.memory_space<vmem>>
        tpu.enqueue_dma source(%dma_start3A_93 : memref<24x128xf32, #tpu.memory_space<vmem>>) target(%dma_start3A_90 : memref<24x128xf32, #tpu.memory_space<vmem_shared>>) target_semaphore(%run_scoped3A : memref<!tpu.dma_semaphore, #tpu.memory_space<semaphore_mem>>)
        %dma_wait3A_94 = arith.constant 0 : i32
        %dma_wait3A_95 = arith.constant 0 : i32
        %dma_wait3A_96 = tpu.memref_slice %arg13[%dma_wait3A_94, %dma_wait3A_95] : memref<88x128xf32, #tpu.memory_space<vmem>> -> memref<24x128xf32, #tpu.memory_space<vmem>>
        %dma_wait3A_97 = arith.constant 0 : i32
        %dma_wait3A_98 = tpu.memref_slice %arg17[%add3A_24, %dma_wait3A_97] : memref<10240x128xf32, #tpu.memory_space<vmem_shared>> -> memref<24x128xf32, #tpu.memory_space<vmem_shared>>
        %dma_wait3A_99 = arith.constant 0 : i32
        %dma_wait3A_100 = tpu.memref_slice %arg17[%add3A_24, %dma_wait3A_99] : memref<10240x128xf32, #tpu.memory_space<vmem_shared>> -> memref<24x128xf32, #tpu.memory_space<vmem_shared>>
        %dma_wait3A_101 = arith.constant 0 : i32
        %dma_wait3A_102 = arith.constant 0 : i32
        %dma_wait3A_103 = tpu.memref_slice %arg13[%dma_wait3A_101, %dma_wait3A_102] : memref<88x128xf32, #tpu.memory_space<vmem>> -> memref<24x128xf32, #tpu.memory_space<vmem>>
        tpu.wait_dma2 semaphore(%run_scoped3A : memref<!tpu.dma_semaphore, #tpu.memory_space<semaphore_mem>>) src(%dma_wait3A_103 : memref<24x128xf32, #tpu.memory_space<vmem>>) dst(%dma_wait3A_100 : memref<24x128xf32, #tpu.memory_space<vmem_shared>>)
        tpu.yield
      }) : () -> ()
      %barrier3A = arith.constant 0 : index
      tpu.barrier barrier_id(%barrier3A)
      %add3A_25 = arith.constant 0 : i32
      %add3A_26 = arith.addi %mul3A_0, %add3A_25 : i32
      %mul3A_27 = arith.constant 88 : i32
      %mul3A_28 = arith.muli %add3A_26, %mul3A_27 : i32
      %dma_start3A = arith.constant 0 : i32
      %dma_start3A_29 = tpu.memref_slice %arg3[%dma_start3A, %mul3A_28] : memref<2x321024xi32, #tpu.memory_space<hbm>> -> memref<2x88xi32, #tpu.memory_space<hbm>>
      %dma_start3A_30 = arith.constant 0 : i32
      %dma_start3A_31 = tpu.memref_slice %arg3[%dma_start3A_30, %mul3A_28] : memref<2x321024xi32, #tpu.memory_space<hbm>> -> memref<2x88xi32, #tpu.memory_space<hbm>>
      tpu.enqueue_dma source(%dma_start3A_31 : memref<2x88xi32, #tpu.memory_space<hbm>>) target(%arg5 : memref<2x88xi32, #tpu.memory_space<vmem>>) target_semaphore(%arg19 : memref<!tpu.dma_semaphore, #tpu.memory_space<semaphore_mem>>)
      %add3A_32 = arith.constant 1 : i32
      %add3A_33 = arith.addi %mul3A_0, %add3A_32 : i32
      %mul3A_34 = arith.constant 88 : i32
      %mul3A_35 = arith.muli %add3A_33, %mul3A_34 : i32
      %dma_start3A_36 = arith.constant 0 : i32
      %dma_start3A_37 = tpu.memref_slice %arg3[%dma_start3A_36, %mul3A_35] : memref<2x321024xi32, #tpu.memory_space<hbm>> -> memref<2x88xi32, #tpu.memory_space<hbm>>
      %dma_start3A_38 = arith.constant 0 : i32
      %dma_start3A_39 = tpu.memref_slice %arg3[%dma_start3A_38, %mul3A_35] : memref<2x321024xi32, #tpu.memory_space<hbm>> -> memref<2x88xi32, #tpu.memory_space<hbm>>
      tpu.enqueue_dma source(%dma_start3A_39 : memref<2x88xi32, #tpu.memory_space<hbm>>) target(%arg6 : memref<2x88xi32, #tpu.memory_space<vmem>>) target_semaphore(%arg20 : memref<!tpu.dma_semaphore, #tpu.memory_space<semaphore_mem>>)
      %add3A_40 = arith.constant 2 : i32
      %add3A_41 = arith.addi %mul3A_0, %add3A_40 : i32
      %mul3A_42 = arith.constant 88 : i32
      %mul3A_43 = arith.muli %add3A_41, %mul3A_42 : i32
      %dma_start3A_44 = arith.constant 0 : i32
      %dma_start3A_45 = tpu.memref_slice %arg3[%dma_start3A_44, %mul3A_43] : memref<2x321024xi32, #tpu.memory_space<hbm>> -> memref<2x88xi32, #tpu.memory_space<hbm>>
      %dma_start3A_46 = arith.constant 0 : i32
      %dma_start3A_47 = tpu.memref_slice %arg3[%dma_start3A_46, %mul3A_43] : memref<2x321024xi32, #tpu.memory_space<hbm>> -> memref<2x88xi32, #tpu.memory_space<hbm>>
      tpu.enqueue_dma source(%dma_start3A_47 : memref<2x88xi32, #tpu.memory_space<hbm>>) target(%arg7 : memref<2x88xi32, #tpu.memory_space<vmem>>) target_semaphore(%arg21 : memref<!tpu.dma_semaphore, #tpu.memory_space<semaphore_mem>>)
      %add3A_48 = arith.constant 0 : i32
      %add3A_49 = arith.addi %mul3A_0, %add3A_48 : i32
      %mul3A_50 = arith.constant 88 : i32
      %mul3A_51 = arith.muli %add3A_49, %mul3A_50 : i32
      %dma_wait3A = arith.constant 0 : i32
      %dma_wait3A_52 = tpu.memref_slice %arg3[%dma_wait3A, %mul3A_51] : memref<2x321024xi32, #tpu.memory_space<hbm>> -> memref<2x88xi32, #tpu.memory_space<hbm>>
      %dma_wait3A_53 = arith.constant 0 : i32
      %dma_wait3A_54 = tpu.memref_slice %arg3[%dma_wait3A_53, %mul3A_51] : memref<2x321024xi32, #tpu.memory_space<hbm>> -> memref<2x88xi32, #tpu.memory_space<hbm>>
      tpu.wait_dma2 semaphore(%arg19 : memref<!tpu.dma_semaphore, #tpu.memory_space<semaphore_mem>>) src(%dma_wait3A_54 : memref<2x88xi32, #tpu.memory_space<hbm>>) dst(%arg5 : memref<2x88xi32, #tpu.memory_space<vmem>>)
      %dma_start3A_55 = arith.constant 0 : i32
      %dma_start3A_56 = arith.constant 0 : i32
      %dma_start3A_57 = tpu.memref_slice %arg5[%dma_start3A_55, %dma_start3A_56] : memref<2x88xi32, #tpu.memory_space<vmem>> -> memref<1x88xi32, #tpu.memory_space<vmem>>
      %dma_start3A_58 = tpu.memref_squeeze %dma_start3A_57 : memref<1x88xi32, #tpu.memory_space<vmem>> -> memref<88xi32, #tpu.memory_space<vmem>>
      %dma_start3A_59 = arith.constant 0 : i32
      %dma_start3A_60 = arith.constant 0 : i32
      %dma_start3A_61 = tpu.memref_slice %arg2[%dma_start3A_59, %dma_start3A_60] : memref<10000x128xf32, #tpu.memory_space<hbm>> -> memref<10000x128xf32, #tpu.memory_space<hbm>>
      tpu.enqueue_indirect_dma source(%dma_start3A_61 : memref<10000x128xf32, #tpu.memory_space<hbm>>) target(%arg13 : memref<88x128xf32, #tpu.memory_space<vmem>>) offsets(%dma_start3A_58 : memref<88xi32, #tpu.memory_space<vmem>>) semaphore(%arg23 : memref<!tpu.dma_semaphore, #tpu.memory_space<semaphore_mem>>)
      %add3A_62 = arith.constant 1 : i32
      %add3A_63 = arith.addi %mul3A_0, %add3A_62 : i32
      %mul3A_64 = arith.constant 88 : i32
      %mul3A_65 = arith.muli %add3A_63, %mul3A_64 : i32
      %dma_wait3A_66 = arith.constant 0 : i32
      %dma_wait3A_67 = tpu.memref_slice %arg3[%dma_wait3A_66, %mul3A_65] : memref<2x321024xi32, #tpu.memory_space<hbm>> -> memref<2x88xi32, #tpu.memory_space<hbm>>
      %dma_wait3A_68 = arith.constant 0 : i32
      %dma_wait3A_69 = tpu.memref_slice %arg3[%dma_wait3A_68, %mul3A_65] : memref<2x321024xi32, #tpu.memory_space<hbm>> -> memref<2x88xi32, #tpu.memory_space<hbm>>
      tpu.wait_dma2 semaphore(%arg20 : memref<!tpu.dma_semaphore, #tpu.memory_space<semaphore_mem>>) src(%dma_wait3A_69 : memref<2x88xi32, #tpu.memory_space<hbm>>) dst(%arg6 : memref<2x88xi32, #tpu.memory_space<vmem>>)
      %dma_start3A_70 = arith.constant 0 : i32
      %dma_start3A_71 = arith.constant 0 : i32
      %dma_start3A_72 = tpu.memref_slice %arg6[%dma_start3A_70, %dma_start3A_71] : memref<2x88xi32, #tpu.memory_space<vmem>> -> memref<1x88xi32, #tpu.memory_space<vmem>>
      %dma_start3A_73 = tpu.memref_squeeze %dma_start3A_72 : memref<1x88xi32, #tpu.memory_space<vmem>> -> memref<88xi32, #tpu.memory_space<vmem>>
      %dma_start3A_74 = arith.constant 0 : i32
      %dma_start3A_75 = arith.constant 0 : i32
      %dma_start3A_76 = tpu.memref_slice %arg2[%dma_start3A_74, %dma_start3A_75] : memref<10000x128xf32, #tpu.memory_space<hbm>> -> memref<10000x128xf32, #tpu.memory_space<hbm>>
      tpu.enqueue_indirect_dma source(%dma_start3A_76 : memref<10000x128xf32, #tpu.memory_space<hbm>>) target(%arg14 : memref<88x128xf32, #tpu.memory_space<vmem>>) offsets(%dma_start3A_73 : memref<88xi32, #tpu.memory_space<vmem>>) semaphore(%arg24 : memref<!tpu.dma_semaphore, #tpu.memory_space<semaphore_mem>>)
      %scan3A_77 = arith.constant 0 : i32
      %scan3A_78 = arith.constant 0 : i32
      %scan3A_79 = arith.constant 19 : i32
      %scan3A_80 = arith.addi %scan3A_78, %scan3A_79 : i32
      %scan3A_81 = arith.constant 1 : i32
      scf.for %scan3A_84 = %scan3A_78 to %scan3A_80 step %scan3A_81  : i32 {
        %mul3A_85 = arith.constant 12 : i32
        %mul3A_86 = arith.muli %scan3A_84, %mul3A_85 : i32
        %add3A_87 = arith.constant 0 : i32
        %add3A_88 = arith.addi %mul3A_86, %add3A_87 : i32
        %dma_wait3A_89 = arith.constant 0 : i32
        %dma_wait3A_90 = arith.constant 0 : i32
        %dma_wait3A_91 = tpu.memref_slice %arg5[%dma_wait3A_89, %dma_wait3A_90] : memref<2x88xi32, #tpu.memory_space<vmem>> -> memref<1x88xi32, #tpu.memory_space<vmem>>
        %dma_wait3A_92 = tpu.memref_squeeze %dma_wait3A_91 : memref<1x88xi32, #tpu.memory_space<vmem>> -> memref<88xi32, #tpu.memory_space<vmem>>
        %dma_wait3A_93 = arith.constant 0 : i32
        %dma_wait3A_94 = arith.constant 0 : i32
        %dma_wait3A_95 = tpu.memref_slice %arg2[%dma_wait3A_93, %dma_wait3A_94] : memref<10000x128xf32, #tpu.memory_space<hbm>> -> memref<10000x128xf32, #tpu.memory_space<hbm>>
        tpu.wait_indirect_dma semaphore(%arg23 : memref<!tpu.dma_semaphore, #tpu.memory_space<semaphore_mem>>) src(%dma_wait3A_95 : memref<10000x128xf32, #tpu.memory_space<hbm>>) dst(%arg13 : memref<88x128xf32, #tpu.memory_space<vmem>>)
        %add3A_96 = arith.constant 3 : i32
        %add3A_97 = arith.addi %add3A_88, %add3A_96 : i32
        %sub3A = arith.constant 1 : i32
        %sub3A_98 = arith.subi %add3A_97, %sub3A : i32
        %lt3A = arith.constant 228 : i32
        %lt3A_99 = arith.cmpi slt, %sub3A_98, %lt3A : i32
        %convert_element_type3A_100 = arith.extui %lt3A_99 : i1 to i32
        %cond3A_101 = arith.constant 0 : i32
        %cond3A_102 = arith.cmpi ne, %convert_element_type3A_100, %cond3A_101 : i32
        scf.if %cond3A_102 {
          %add3A_442 = arith.constant 3 : i32
          %add3A_443 = arith.addi %add3A_88, %add3A_442 : i32
          %sub3A_444 = arith.constant 1 : i32
          %sub3A_445 = arith.subi %add3A_443, %sub3A_444 : i32
          %add3A_446 = arith.addi %mul3A_0, %sub3A_445 : i32
          %mul3A_447 = arith.constant 88 : i32
          %mul3A_448 = arith.muli %add3A_446, %mul3A_447 : i32
          %dma_wait3A_449 = arith.constant 0 : i32
          %dma_wait3A_450 = tpu.memref_slice %arg3[%dma_wait3A_449, %mul3A_448] : memref<2x321024xi32, #tpu.memory_space<hbm>> -> memref<2x88xi32, #tpu.memory_space<hbm>>
          %dma_wait3A_451 = arith.constant 0 : i32
          %dma_wait3A_452 = tpu.memref_slice %arg3[%dma_wait3A_451, %mul3A_448] : memref<2x321024xi32, #tpu.memory_space<hbm>> -> memref<2x88xi32, #tpu.memory_space<hbm>>
          tpu.wait_dma2 semaphore(%arg21 : memref<!tpu.dma_semaphore, #tpu.memory_space<semaphore_mem>>) src(%dma_wait3A_452 : memref<2x88xi32, #tpu.memory_space<hbm>>) dst(%arg7 : memref<2x88xi32, #tpu.memory_space<vmem>>)
          %dma_start3A_453 = arith.constant 0 : i32
          %dma_start3A_454 = arith.constant 0 : i32
          %dma_start3A_455 = tpu.memref_slice %arg7[%dma_start3A_453, %dma_start3A_454] : memref<2x88xi32, #tpu.memory_space<vmem>> -> memref<1x88xi32, #tpu.memory_space<vmem>>
          %dma_start3A_456 = tpu.memref_squeeze %dma_start3A_455 : memref<1x88xi32, #tpu.memory_space<vmem>> -> memref<88xi32, #tpu.memory_space<vmem>>
          %dma_start3A_457 = arith.constant 0 : i32
          %dma_start3A_458 = arith.constant 0 : i32
          %dma_start3A_459 = tpu.memref_slice %arg2[%dma_start3A_457, %dma_start3A_458] : memref<10000x128xf32, #tpu.memory_space<hbm>> -> memref<10000x128xf32, #tpu.memory_space<hbm>>
          tpu.enqueue_indirect_dma source(%dma_start3A_459 : memref<10000x128xf32, #tpu.memory_space<hbm>>) target(%arg15 : memref<88x128xf32, #tpu.memory_space<vmem>>) offsets(%dma_start3A_456 : memref<88xi32, #tpu.memory_space<vmem>>) semaphore(%arg25 : memref<!tpu.dma_semaphore, #tpu.memory_space<semaphore_mem>>)
        } else {
        }
        %add3A_103 = arith.constant 4 : i32
        %add3A_104 = arith.addi %add3A_88, %add3A_103 : i32
        %sub3A_105 = arith.constant 1 : i32
        %sub3A_106 = arith.subi %add3A_104, %sub3A_105 : i32
        %lt3A_107 = arith.constant 228 : i32
        %lt3A_108 = arith.cmpi slt, %sub3A_106, %lt3A_107 : i32
        %convert_element_type3A_109 = arith.extui %lt3A_108 : i1 to i32
        %cond3A_110 = arith.constant 0 : i32
        %cond3A_111 = arith.cmpi ne, %convert_element_type3A_109, %cond3A_110 : i32
        scf.if %cond3A_111 {
          %add3A_442 = arith.constant 4 : i32
          %add3A_443 = arith.addi %add3A_88, %add3A_442 : i32
          %sub3A_444 = arith.constant 1 : i32
          %sub3A_445 = arith.subi %add3A_443, %sub3A_444 : i32
          %add3A_446 = arith.addi %mul3A_0, %sub3A_445 : i32
          %mul3A_447 = arith.constant 88 : i32
          %mul3A_448 = arith.muli %add3A_446, %mul3A_447 : i32
          %dma_start3A_449 = arith.constant 0 : i32
          %dma_start3A_450 = tpu.memref_slice %arg3[%dma_start3A_449, %mul3A_448] : memref<2x321024xi32, #tpu.memory_space<hbm>> -> memref<2x88xi32, #tpu.memory_space<hbm>>
          %dma_start3A_451 = arith.constant 0 : i32
          %dma_start3A_452 = tpu.memref_slice %arg3[%dma_start3A_451, %mul3A_448] : memref<2x321024xi32, #tpu.memory_space<hbm>> -> memref<2x88xi32, #tpu.memory_space<hbm>>
          tpu.enqueue_dma source(%dma_start3A_452 : memref<2x88xi32, #tpu.memory_space<hbm>>) target(%arg8 : memref<2x88xi32, #tpu.memory_space<vmem>>) target_semaphore(%arg22 : memref<!tpu.dma_semaphore, #tpu.memory_space<semaphore_mem>>)
        } else {
        }
        %run_scoped3A = arith.constant 1 : i32
        "tpu.region"() ({
          %run_scoped3A_442 = tpu.sem_alloc : memref<!tpu.dma_semaphore, #tpu.memory_space<semaphore_mem>>
          %dma_start3A_443 = arith.constant 0 : i32
          %dma_start3A_444 = tpu.memref_slice %arg5[%run_scoped3A, %dma_start3A_443] : memref<2x88xi32, #tpu.memory_space<vmem>> -> memref<1x88xi32, #tpu.memory_space<vmem>>
          %dma_start3A_445 = tpu.memref_squeeze %dma_start3A_444 : memref<1x88xi32, #tpu.memory_space<vmem>> -> memref<88xi32, #tpu.memory_space<vmem>>
          %dma_start3A_446 = arith.constant 0 : i32
          %dma_start3A_447 = arith.constant 0 : i32
          %dma_start3A_448 = tpu.memref_slice %arg17[%dma_start3A_446, %dma_start3A_447] : memref<10240x128xf32, #tpu.memory_space<vmem_shared>> -> memref<10240x128xf32, #tpu.memory_space<vmem_shared>>
          tpu.enqueue_indirect_dma source(%arg13 : memref<88x128xf32, #tpu.memory_space<vmem>>) target(%dma_start3A_448 : memref<10240x128xf32, #tpu.memory_space<vmem_shared>>) offsets(%dma_start3A_445 : memref<88xi32, #tpu.memory_space<vmem>>) semaphore(%run_scoped3A_442 : memref<!tpu.dma_semaphore, #tpu.memory_space<semaphore_mem>>) {add = true}
          %dma_wait3A_449 = arith.constant 0 : i32
          %dma_wait3A_450 = tpu.memref_slice %arg5[%run_scoped3A, %dma_wait3A_449] : memref<2x88xi32, #tpu.memory_space<vmem>> -> memref<1x88xi32, #tpu.memory_space<vmem>>
          %dma_wait3A_451 = tpu.memref_squeeze %dma_wait3A_450 : memref<1x88xi32, #tpu.memory_space<vmem>> -> memref<88xi32, #tpu.memory_space<vmem>>
          %dma_wait3A_452 = arith.constant 0 : i32
          %dma_wait3A_453 = arith.constant 0 : i32
          %dma_wait3A_454 = tpu.memref_slice %arg17[%dma_wait3A_452, %dma_wait3A_453] : memref<10240x128xf32, #tpu.memory_space<vmem_shared>> -> memref<10240x128xf32, #tpu.memory_space<vmem_shared>>
          tpu.wait_indirect_dma semaphore(%run_scoped3A_442 : memref<!tpu.dma_semaphore, #tpu.memory_space<semaphore_mem>>) src(%arg13 : memref<88x128xf32, #tpu.memory_space<vmem>>) dst(%dma_wait3A_454 : memref<10240x128xf32, #tpu.memory_space<vmem_shared>>)
          tpu.yield
        }) : () -> ()
        %mul3A_112 = arith.constant 12 : i32
        %mul3A_113 = arith.muli %scan3A_84, %mul3A_112 : i32
        %add3A_114 = arith.constant 1 : i32
        %add3A_115 = arith.addi %mul3A_113, %add3A_114 : i32
        %dma_wait3A_116 = arith.constant 0 : i32
        %dma_wait3A_117 = arith.constant 0 : i32
        %dma_wait3A_118 = tpu.memref_slice %arg6[%dma_wait3A_116, %dma_wait3A_117] : memref<2x88xi32, #tpu.memory_space<vmem>> -> memref<1x88xi32, #tpu.memory_space<vmem>>
        %dma_wait3A_119 = tpu.memref_squeeze %dma_wait3A_118 : memref<1x88xi32, #tpu.memory_space<vmem>> -> memref<88xi32, #tpu.memory_space<vmem>>
        %dma_wait3A_120 = arith.constant 0 : i32
        %dma_wait3A_121 = arith.constant 0 : i32
        %dma_wait3A_122 = tpu.memref_slice %arg2[%dma_wait3A_120, %dma_wait3A_121] : memref<10000x128xf32, #tpu.memory_space<hbm>> -> memref<10000x128xf32, #tpu.memory_space<hbm>>
        tpu.wait_indirect_dma semaphore(%arg24 : memref<!tpu.dma_semaphore, #tpu.memory_space<semaphore_mem>>) src(%dma_wait3A_122 : memref<10000x128xf32, #tpu.memory_space<hbm>>) dst(%arg14 : memref<88x128xf32, #tpu.memory_space<vmem>>)
        %add3A_123 = arith.constant 3 : i32
        %add3A_124 = arith.addi %add3A_115, %add3A_123 : i32
        %sub3A_125 = arith.constant 1 : i32
        %sub3A_126 = arith.subi %add3A_124, %sub3A_125 : i32
        %lt3A_127 = arith.constant 228 : i32
        %lt3A_128 = arith.cmpi slt, %sub3A_126, %lt3A_127 : i32
        %convert_element_type3A_129 = arith.extui %lt3A_128 : i1 to i32
        %cond3A_130 = arith.constant 0 : i32
        %cond3A_131 = arith.cmpi ne, %convert_element_type3A_129, %cond3A_130 : i32
        scf.if %cond3A_131 {
          %add3A_442 = arith.constant 3 : i32
          %add3A_443 = arith.addi %add3A_115, %add3A_442 : i32
          %sub3A_444 = arith.constant 1 : i32
          %sub3A_445 = arith.subi %add3A_443, %sub3A_444 : i32
          %add3A_446 = arith.addi %mul3A_0, %sub3A_445 : i32
          %mul3A_447 = arith.constant 88 : i32
          %mul3A_448 = arith.muli %add3A_446, %mul3A_447 : i32
          %dma_wait3A_449 = arith.constant 0 : i32
          %dma_wait3A_450 = tpu.memref_slice %arg3[%dma_wait3A_449, %mul3A_448] : memref<2x321024xi32, #tpu.memory_space<hbm>> -> memref<2x88xi32, #tpu.memory_space<hbm>>
          %dma_wait3A_451 = arith.constant 0 : i32
          %dma_wait3A_452 = tpu.memref_slice %arg3[%dma_wait3A_451, %mul3A_448] : memref<2x321024xi32, #tpu.memory_space<hbm>> -> memref<2x88xi32, #tpu.memory_space<hbm>>
          tpu.wait_dma2 semaphore(%arg22 : memref<!tpu.dma_semaphore, #tpu.memory_space<semaphore_mem>>) src(%dma_wait3A_452 : memref<2x88xi32, #tpu.memory_space<hbm>>) dst(%arg8 : memref<2x88xi32, #tpu.memory_space<vmem>>)
          %dma_start3A_453 = arith.constant 0 : i32
          %dma_start3A_454 = arith.constant 0 : i32
          %dma_start3A_455 = tpu.memref_slice %arg8[%dma_start3A_453, %dma_start3A_454] : memref<2x88xi32, #tpu.memory_space<vmem>> -> memref<1x88xi32, #tpu.memory_space<vmem>>
          %dma_start3A_456 = tpu.memref_squeeze %dma_start3A_455 : memref<1x88xi32, #tpu.memory_space<vmem>> -> memref<88xi32, #tpu.memory_space<vmem>>
          %dma_start3A_457 = arith.constant 0 : i32
          %dma_start3A_458 = arith.constant 0 : i32
          %dma_start3A_459 = tpu.memref_slice %arg2[%dma_start3A_457, %dma_start3A_458] : memref<10000x128xf32, #tpu.memory_space<hbm>> -> memref<10000x128xf32, #tpu.memory_space<hbm>>
          tpu.enqueue_indirect_dma source(%dma_start3A_459 : memref<10000x128xf32, #tpu.memory_space<hbm>>) target(%arg13 : memref<88x128xf32, #tpu.memory_space<vmem>>) offsets(%dma_start3A_456 : memref<88xi32, #tpu.memory_space<vmem>>) semaphore(%arg23 : memref<!tpu.dma_semaphore, #tpu.memory_space<semaphore_mem>>)
        } else {
        }
        %add3A_132 = arith.constant 4 : i32
        %add3A_133 = arith.addi %add3A_115, %add3A_132 : i32
        %sub3A_134 = arith.constant 1 : i32
        %sub3A_135 = arith.subi %add3A_133, %sub3A_134 : i32
        %lt3A_136 = arith.constant 228 : i32
        %lt3A_137 = arith.cmpi slt, %sub3A_135, %lt3A_136 : i32
        %convert_element_type3A_138 = arith.extui %lt3A_137 : i1 to i32
        %cond3A_139 = arith.constant 0 : i32
        %cond3A_140 = arith.cmpi ne, %convert_element_type3A_138, %cond3A_139 : i32
        scf.if %cond3A_140 {
          %add3A_442 = arith.constant 4 : i32
          %add3A_443 = arith.addi %add3A_115, %add3A_442 : i32
          %sub3A_444 = arith.constant 1 : i32
          %sub3A_445 = arith.subi %add3A_443, %sub3A_444 : i32
          %add3A_446 = arith.addi %mul3A_0, %sub3A_445 : i32
          %mul3A_447 = arith.constant 88 : i32
          %mul3A_448 = arith.muli %add3A_446, %mul3A_447 : i32
          %dma_start3A_449 = arith.constant 0 : i32
          %dma_start3A_450 = tpu.memref_slice %arg3[%dma_start3A_449, %mul3A_448] : memref<2x321024xi32, #tpu.memory_space<hbm>> -> memref<2x88xi32, #tpu.memory_space<hbm>>
          %dma_start3A_451 = arith.constant 0 : i32
          %dma_start3A_452 = tpu.memref_slice %arg3[%dma_start3A_451, %mul3A_448] : memref<2x321024xi32, #tpu.memory_space<hbm>> -> memref<2x88xi32, #tpu.memory_space<hbm>>
          tpu.enqueue_dma source(%dma_start3A_452 : memref<2x88xi32, #tpu.memory_space<hbm>>) target(%arg5 : memref<2x88xi32, #tpu.memory_space<vmem>>) target_semaphore(%arg19 : memref<!tpu.dma_semaphore, #tpu.memory_space<semaphore_mem>>)
        } else {
        }
        %run_scoped3A_141 = arith.constant 1 : i32
        "tpu.region"() ({
          %run_scoped3A_442 = tpu.sem_alloc : memref<!tpu.dma_semaphore, #tpu.memory_space<semaphore_mem>>
          %dma_start3A_443 = arith.constant 0 : i32
          %dma_start3A_444 = tpu.memref_slice %arg6[%run_scoped3A_141, %dma_start3A_443] : memref<2x88xi32, #tpu.memory_space<vmem>> -> memref<1x88xi32, #tpu.memory_space<vmem>>
          %dma_start3A_445 = tpu.memref_squeeze %dma_start3A_444 : memref<1x88xi32, #tpu.memory_space<vmem>> -> memref<88xi32, #tpu.memory_space<vmem>>
          %dma_start3A_446 = arith.constant 0 : i32
          %dma_start3A_447 = arith.constant 0 : i32
          %dma_start3A_448 = tpu.memref_slice %arg17[%dma_start3A_446, %dma_start3A_447] : memref<10240x128xf32, #tpu.memory_space<vmem_shared>> -> memref<10240x128xf32, #tpu.memory_space<vmem_shared>>
          tpu.enqueue_indirect_dma source(%arg14 : memref<88x128xf32, #tpu.memory_space<vmem>>) target(%dma_start3A_448 : memref<10240x128xf32, #tpu.memory_space<vmem_shared>>) offsets(%dma_start3A_445 : memref<88xi32, #tpu.memory_space<vmem>>) semaphore(%run_scoped3A_442 : memref<!tpu.dma_semaphore, #tpu.memory_space<semaphore_mem>>) {add = true}
          %dma_wait3A_449 = arith.constant 0 : i32
          %dma_wait3A_450 = tpu.memref_slice %arg6[%run_scoped3A_141, %dma_wait3A_449] : memref<2x88xi32, #tpu.memory_space<vmem>> -> memref<1x88xi32, #tpu.memory_space<vmem>>
          %dma_wait3A_451 = tpu.memref_squeeze %dma_wait3A_450 : memref<1x88xi32, #tpu.memory_space<vmem>> -> memref<88xi32, #tpu.memory_space<vmem>>
          %dma_wait3A_452 = arith.constant 0 : i32
          %dma_wait3A_453 = arith.constant 0 : i32
          %dma_wait3A_454 = tpu.memref_slice %arg17[%dma_wait3A_452, %dma_wait3A_453] : memref<10240x128xf32, #tpu.memory_space<vmem_shared>> -> memref<10240x128xf32, #tpu.memory_space<vmem_shared>>
          tpu.wait_indirect_dma semaphore(%run_scoped3A_442 : memref<!tpu.dma_semaphore, #tpu.memory_space<semaphore_mem>>) src(%arg14 : memref<88x128xf32, #tpu.memory_space<vmem>>) dst(%dma_wait3A_454 : memref<10240x128xf32, #tpu.memory_space<vmem_shared>>)
          tpu.yield
        }) : () -> ()
        %mul3A_142 = arith.constant 12 : i32
        %mul3A_143 = arith.muli %scan3A_84, %mul3A_142 : i32
        %add3A_144 = arith.constant 2 : i32
        %add3A_145 = arith.addi %mul3A_143, %add3A_144 : i32
        %dma_wait3A_146 = arith.constant 0 : i32
        %dma_wait3A_147 = arith.constant 0 : i32
        %dma_wait3A_148 = tpu.memref_slice %arg7[%dma_wait3A_146, %dma_wait3A_147] : memref<2x88xi32, #tpu.memory_space<vmem>> -> memref<1x88xi32, #tpu.memory_space<vmem>>
        %dma_wait3A_149 = tpu.memref_squeeze %dma_wait3A_148 : memref<1x88xi32, #tpu.memory_space<vmem>> -> memref<88xi32, #tpu.memory_space<vmem>>
        %dma_wait3A_150 = arith.constant 0 : i32
        %dma_wait3A_151 = arith.constant 0 : i32
        %dma_wait3A_152 = tpu.memref_slice %arg2[%dma_wait3A_150, %dma_wait3A_151] : memref<10000x128xf32, #tpu.memory_space<hbm>> -> memref<10000x128xf32, #tpu.memory_space<hbm>>
        tpu.wait_indirect_dma semaphore(%arg25 : memref<!tpu.dma_semaphore, #tpu.memory_space<semaphore_mem>>) src(%dma_wait3A_152 : memref<10000x128xf32, #tpu.memory_space<hbm>>) dst(%arg15 : memref<88x128xf32, #tpu.memory_space<vmem>>)
        %add3A_153 = arith.constant 3 : i32
        %add3A_154 = arith.addi %add3A_145, %add3A_153 : i32
        %sub3A_155 = arith.constant 1 : i32
        %sub3A_156 = arith.subi %add3A_154, %sub3A_155 : i32
        %lt3A_157 = arith.constant 228 : i32
        %lt3A_158 = arith.cmpi slt, %sub3A_156, %lt3A_157 : i32
        %convert_element_type3A_159 = arith.extui %lt3A_158 : i1 to i32
        %cond3A_160 = arith.constant 0 : i32
        %cond3A_161 = arith.cmpi ne, %convert_element_type3A_159, %cond3A_160 : i32
        scf.if %cond3A_161 {
          %add3A_442 = arith.constant 3 : i32
          %add3A_443 = arith.addi %add3A_145, %add3A_442 : i32
          %sub3A_444 = arith.constant 1 : i32
          %sub3A_445 = arith.subi %add3A_443, %sub3A_444 : i32
          %add3A_446 = arith.addi %mul3A_0, %sub3A_445 : i32
          %mul3A_447 = arith.constant 88 : i32
          %mul3A_448 = arith.muli %add3A_446, %mul3A_447 : i32
          %dma_wait3A_449 = arith.constant 0 : i32
          %dma_wait3A_450 = tpu.memref_slice %arg3[%dma_wait3A_449, %mul3A_448] : memref<2x321024xi32, #tpu.memory_space<hbm>> -> memref<2x88xi32, #tpu.memory_space<hbm>>
          %dma_wait3A_451 = arith.constant 0 : i32
          %dma_wait3A_452 = tpu.memref_slice %arg3[%dma_wait3A_451, %mul3A_448] : memref<2x321024xi32, #tpu.memory_space<hbm>> -> memref<2x88xi32, #tpu.memory_space<hbm>>
          tpu.wait_dma2 semaphore(%arg19 : memref<!tpu.dma_semaphore, #tpu.memory_space<semaphore_mem>>) src(%dma_wait3A_452 : memref<2x88xi32, #tpu.memory_space<hbm>>) dst(%arg5 : memref<2x88xi32, #tpu.memory_space<vmem>>)
          %dma_start3A_453 = arith.constant 0 : i32
          %dma_start3A_454 = arith.constant 0 : i32
          %dma_start3A_455 = tpu.memref_slice %arg5[%dma_start3A_453, %dma_start3A_454] : memref<2x88xi32, #tpu.memory_space<vmem>> -> memref<1x88xi32, #tpu.memory_space<vmem>>
          %dma_start3A_456 = tpu.memref_squeeze %dma_start3A_455 : memref<1x88xi32, #tpu.memory_space<vmem>> -> memref<88xi32, #tpu.memory_space<vmem>>
          %dma_start3A_457 = arith.constant 0 : i32
          %dma_start3A_458 = arith.constant 0 : i32
          %dma_start3A_459 = tpu.memref_slice %arg2[%dma_start3A_457, %dma_start3A_458] : memref<10000x128xf32, #tpu.memory_space<hbm>> -> memref<10000x128xf32, #tpu.memory_space<hbm>>
          tpu.enqueue_indirect_dma source(%dma_start3A_459 : memref<10000x128xf32, #tpu.memory_space<hbm>>) target(%arg14 : memref<88x128xf32, #tpu.memory_space<vmem>>) offsets(%dma_start3A_456 : memref<88xi32, #tpu.memory_space<vmem>>) semaphore(%arg24 : memref<!tpu.dma_semaphore, #tpu.memory_space<semaphore_mem>>)
        } else {
        }
        %add3A_162 = arith.constant 4 : i32
        %add3A_163 = arith.addi %add3A_145, %add3A_162 : i32
        %sub3A_164 = arith.constant 1 : i32
        %sub3A_165 = arith.subi %add3A_163, %sub3A_164 : i32
        %lt3A_166 = arith.constant 228 : i32
        %lt3A_167 = arith.cmpi slt, %sub3A_165, %lt3A_166 : i32
        %convert_element_type3A_168 = arith.extui %lt3A_167 : i1 to i32
        %cond3A_169 = arith.constant 0 : i32
        %cond3A_170 = arith.cmpi ne, %convert_element_type3A_168, %cond3A_169 : i32
        scf.if %cond3A_170 {
          %add3A_442 = arith.constant 4 : i32
          %add3A_443 = arith.addi %add3A_145, %add3A_442 : i32
          %sub3A_444 = arith.constant 1 : i32
          %sub3A_445 = arith.subi %add3A_443, %sub3A_444 : i32
          %add3A_446 = arith.addi %mul3A_0, %sub3A_445 : i32
          %mul3A_447 = arith.constant 88 : i32
          %mul3A_448 = arith.muli %add3A_446, %mul3A_447 : i32
          %dma_start3A_449 = arith.constant 0 : i32
          %dma_start3A_450 = tpu.memref_slice %arg3[%dma_start3A_449, %mul3A_448] : memref<2x321024xi32, #tpu.memory_space<hbm>> -> memref<2x88xi32, #tpu.memory_space<hbm>>
          %dma_start3A_451 = arith.constant 0 : i32
          %dma_start3A_452 = tpu.memref_slice %arg3[%dma_start3A_451, %mul3A_448] : memref<2x321024xi32, #tpu.memory_space<hbm>> -> memref<2x88xi32, #tpu.memory_space<hbm>>
          tpu.enqueue_dma source(%dma_start3A_452 : memref<2x88xi32, #tpu.memory_space<hbm>>) target(%arg6 : memref<2x88xi32, #tpu.memory_space<vmem>>) target_semaphore(%arg20 : memref<!tpu.dma_semaphore, #tpu.memory_space<semaphore_mem>>)
        } else {
        }
        %run_scoped3A_171 = arith.constant 1 : i32
        "tpu.region"() ({
          %run_scoped3A_442 = tpu.sem_alloc : memref<!tpu.dma_semaphore, #tpu.memory_space<semaphore_mem>>
          %dma_start3A_443 = arith.constant 0 : i32
          %dma_start3A_444 = tpu.memref_slice %arg7[%run_scoped3A_171, %dma_start3A_443] : memref<2x88xi32, #tpu.memory_space<vmem>> -> memref<1x88xi32, #tpu.memory_space<vmem>>
          %dma_start3A_445 = tpu.memref_squeeze %dma_start3A_444 : memref<1x88xi32, #tpu.memory_space<vmem>> -> memref<88xi32, #tpu.memory_space<vmem>>
          %dma_start3A_446 = arith.constant 0 : i32
          %dma_start3A_447 = arith.constant 0 : i32
          %dma_start3A_448 = tpu.memref_slice %arg17[%dma_start3A_446, %dma_start3A_447] : memref<10240x128xf32, #tpu.memory_space<vmem_shared>> -> memref<10240x128xf32, #tpu.memory_space<vmem_shared>>
          tpu.enqueue_indirect_dma source(%arg15 : memref<88x128xf32, #tpu.memory_space<vmem>>) target(%dma_start3A_448 : memref<10240x128xf32, #tpu.memory_space<vmem_shared>>) offsets(%dma_start3A_445 : memref<88xi32, #tpu.memory_space<vmem>>) semaphore(%run_scoped3A_442 : memref<!tpu.dma_semaphore, #tpu.memory_space<semaphore_mem>>) {add = true}
          %dma_wait3A_449 = arith.constant 0 : i32
          %dma_wait3A_450 = tpu.memref_slice %arg7[%run_scoped3A_171, %dma_wait3A_449] : memref<2x88xi32, #tpu.memory_space<vmem>> -> memref<1x88xi32, #tpu.memory_space<vmem>>
          %dma_wait3A_451 = tpu.memref_squeeze %dma_wait3A_450 : memref<1x88xi32, #tpu.memory_space<vmem>> -> memref<88xi32, #tpu.memory_space<vmem>>
          %dma_wait3A_452 = arith.constant 0 : i32
          %dma_wait3A_453 = arith.constant 0 : i32
          %dma_wait3A_454 = tpu.memref_slice %arg17[%dma_wait3A_452, %dma_wait3A_453] : memref<10240x128xf32, #tpu.memory_space<vmem_shared>> -> memref<10240x128xf32, #tpu.memory_space<vmem_shared>>
          tpu.wait_indirect_dma semaphore(%run_scoped3A_442 : memref<!tpu.dma_semaphore, #tpu.memory_space<semaphore_mem>>) src(%arg15 : memref<88x128xf32, #tpu.memory_space<vmem>>) dst(%dma_wait3A_454 : memref<10240x128xf32, #tpu.memory_space<vmem_shared>>)
          tpu.yield
        }) : () -> ()
        %mul3A_172 = arith.constant 12 : i32
        %mul3A_173 = arith.muli %scan3A_84, %mul3A_172 : i32
        %add3A_174 = arith.constant 3 : i32
        %add3A_175 = arith.addi %mul3A_173, %add3A_174 : i32
        %dma_wait3A_176 = arith.constant 0 : i32
        %dma_wait3A_177 = arith.constant 0 : i32
        %dma_wait3A_178 = tpu.memref_slice %arg8[%dma_wait3A_176, %dma_wait3A_177] : memref<2x88xi32, #tpu.memory_space<vmem>> -> memref<1x88xi32, #tpu.memory_space<vmem>>
        %dma_wait3A_179 = tpu.memref_squeeze %dma_wait3A_178 : memref<1x88xi32, #tpu.memory_space<vmem>> -> memref<88xi32, #tpu.memory_space<vmem>>
        %dma_wait3A_180 = arith.constant 0 : i32
        %dma_wait3A_181 = arith.constant 0 : i32
        %dma_wait3A_182 = tpu.memref_slice %arg2[%dma_wait3A_180, %dma_wait3A_181] : memref<10000x128xf32, #tpu.memory_space<hbm>> -> memref<10000x128xf32, #tpu.memory_space<hbm>>
        tpu.wait_indirect_dma semaphore(%arg23 : memref<!tpu.dma_semaphore, #tpu.memory_space<semaphore_mem>>) src(%dma_wait3A_182 : memref<10000x128xf32, #tpu.memory_space<hbm>>) dst(%arg13 : memref<88x128xf32, #tpu.memory_space<vmem>>)
        %add3A_183 = arith.constant 3 : i32
        %add3A_184 = arith.addi %add3A_175, %add3A_183 : i32
        %sub3A_185 = arith.constant 1 : i32
        %sub3A_186 = arith.subi %add3A_184, %sub3A_185 : i32
        %lt3A_187 = arith.constant 228 : i32
        %lt3A_188 = arith.cmpi slt, %sub3A_186, %lt3A_187 : i32
        %convert_element_type3A_189 = arith.extui %lt3A_188 : i1 to i32
        %cond3A_190 = arith.constant 0 : i32
        %cond3A_191 = arith.cmpi ne, %convert_element_type3A_189, %cond3A_190 : i32
        scf.if %cond3A_191 {
          %add3A_442 = arith.constant 3 : i32
          %add3A_443 = arith.addi %add3A_175, %add3A_442 : i32
          %sub3A_444 = arith.constant 1 : i32
          %sub3A_445 = arith.subi %add3A_443, %sub3A_444 : i32
          %add3A_446 = arith.addi %mul3A_0, %sub3A_445 : i32
          %mul3A_447 = arith.constant 88 : i32
          %mul3A_448 = arith.muli %add3A_446, %mul3A_447 : i32
          %dma_wait3A_449 = arith.constant 0 : i32
          %dma_wait3A_450 = tpu.memref_slice %arg3[%dma_wait3A_449, %mul3A_448] : memref<2x321024xi32, #tpu.memory_space<hbm>> -> memref<2x88xi32, #tpu.memory_space<hbm>>
          %dma_wait3A_451 = arith.constant 0 : i32
          %dma_wait3A_452 = tpu.memref_slice %arg3[%dma_wait3A_451, %mul3A_448] : memref<2x321024xi32, #tpu.memory_space<hbm>> -> memref<2x88xi32, #tpu.memory_space<hbm>>
          tpu.wait_dma2 semaphore(%arg20 : memref<!tpu.dma_semaphore, #tpu.memory_space<semaphore_mem>>) src(%dma_wait3A_452 : memref<2x88xi32, #tpu.memory_space<hbm>>) dst(%arg6 : memref<2x88xi32, #tpu.memory_space<vmem>>)
          %dma_start3A_453 = arith.constant 0 : i32
          %dma_start3A_454 = arith.constant 0 : i32
          %dma_start3A_455 = tpu.memref_slice %arg6[%dma_start3A_453, %dma_start3A_454] : memref<2x88xi32, #tpu.memory_space<vmem>> -> memref<1x88xi32, #tpu.memory_space<vmem>>
          %dma_start3A_456 = tpu.memref_squeeze %dma_start3A_455 : memref<1x88xi32, #tpu.memory_space<vmem>> -> memref<88xi32, #tpu.memory_space<vmem>>
          %dma_start3A_457 = arith.constant 0 : i32
          %dma_start3A_458 = arith.constant 0 : i32
          %dma_start3A_459 = tpu.memref_slice %arg2[%dma_start3A_457, %dma_start3A_458] : memref<10000x128xf32, #tpu.memory_space<hbm>> -> memref<10000x128xf32, #tpu.memory_space<hbm>>
          tpu.enqueue_indirect_dma source(%dma_start3A_459 : memref<10000x128xf32, #tpu.memory_space<hbm>>) target(%arg15 : memref<88x128xf32, #tpu.memory_space<vmem>>) offsets(%dma_start3A_456 : memref<88xi32, #tpu.memory_space<vmem>>) semaphore(%arg25 : memref<!tpu.dma_semaphore, #tpu.memory_space<semaphore_mem>>)
        } else {
        }
        %add3A_192 = arith.constant 4 : i32
        %add3A_193 = arith.addi %add3A_175, %add3A_192 : i32
        %sub3A_194 = arith.constant 1 : i32
        %sub3A_195 = arith.subi %add3A_193, %sub3A_194 : i32
        %lt3A_196 = arith.constant 228 : i32
        %lt3A_197 = arith.cmpi slt, %sub3A_195, %lt3A_196 : i32
        %convert_element_type3A_198 = arith.extui %lt3A_197 : i1 to i32
        %cond3A_199 = arith.constant 0 : i32
        %cond3A_200 = arith.cmpi ne, %convert_element_type3A_198, %cond3A_199 : i32
        scf.if %cond3A_200 {
          %add3A_442 = arith.constant 4 : i32
          %add3A_443 = arith.addi %add3A_175, %add3A_442 : i32
          %sub3A_444 = arith.constant 1 : i32
          %sub3A_445 = arith.subi %add3A_443, %sub3A_444 : i32
          %add3A_446 = arith.addi %mul3A_0, %sub3A_445 : i32
          %mul3A_447 = arith.constant 88 : i32
          %mul3A_448 = arith.muli %add3A_446, %mul3A_447 : i32
          %dma_start3A_449 = arith.constant 0 : i32
          %dma_start3A_450 = tpu.memref_slice %arg3[%dma_start3A_449, %mul3A_448] : memref<2x321024xi32, #tpu.memory_space<hbm>> -> memref<2x88xi32, #tpu.memory_space<hbm>>
          %dma_start3A_451 = arith.constant 0 : i32
          %dma_start3A_452 = tpu.memref_slice %arg3[%dma_start3A_451, %mul3A_448] : memref<2x321024xi32, #tpu.memory_space<hbm>> -> memref<2x88xi32, #tpu.memory_space<hbm>>
          tpu.enqueue_dma source(%dma_start3A_452 : memref<2x88xi32, #tpu.memory_space<hbm>>) target(%arg7 : memref<2x88xi32, #tpu.memory_space<vmem>>) target_semaphore(%arg21 : memref<!tpu.dma_semaphore, #tpu.memory_space<semaphore_mem>>)
        } else {
        }
        %run_scoped3A_201 = arith.constant 1 : i32
        "tpu.region"() ({
          %run_scoped3A_442 = tpu.sem_alloc : memref<!tpu.dma_semaphore, #tpu.memory_space<semaphore_mem>>
          %dma_start3A_443 = arith.constant 0 : i32
          %dma_start3A_444 = tpu.memref_slice %arg8[%run_scoped3A_201, %dma_start3A_443] : memref<2x88xi32, #tpu.memory_space<vmem>> -> memref<1x88xi32, #tpu.memory_space<vmem>>
          %dma_start3A_445 = tpu.memref_squeeze %dma_start3A_444 : memref<1x88xi32, #tpu.memory_space<vmem>> -> memref<88xi32, #tpu.memory_space<vmem>>
          %dma_start3A_446 = arith.constant 0 : i32
          %dma_start3A_447 = arith.constant 0 : i32
          %dma_start3A_448 = tpu.memref_slice %arg17[%dma_start3A_446, %dma_start3A_447] : memref<10240x128xf32, #tpu.memory_space<vmem_shared>> -> memref<10240x128xf32, #tpu.memory_space<vmem_shared>>
          tpu.enqueue_indirect_dma source(%arg13 : memref<88x128xf32, #tpu.memory_space<vmem>>) target(%dma_start3A_448 : memref<10240x128xf32, #tpu.memory_space<vmem_shared>>) offsets(%dma_start3A_445 : memref<88xi32, #tpu.memory_space<vmem>>) semaphore(%run_scoped3A_442 : memref<!tpu.dma_semaphore, #tpu.memory_space<semaphore_mem>>) {add = true}
          %dma_wait3A_449 = arith.constant 0 : i32
          %dma_wait3A_450 = tpu.memref_slice %arg8[%run_scoped3A_201, %dma_wait3A_449] : memref<2x88xi32, #tpu.memory_space<vmem>> -> memref<1x88xi32, #tpu.memory_space<vmem>>
          %dma_wait3A_451 = tpu.memref_squeeze %dma_wait3A_450 : memref<1x88xi32, #tpu.memory_space<vmem>> -> memref<88xi32, #tpu.memory_space<vmem>>
          %dma_wait3A_452 = arith.constant 0 : i32
          %dma_wait3A_453 = arith.constant 0 : i32
          %dma_wait3A_454 = tpu.memref_slice %arg17[%dma_wait3A_452, %dma_wait3A_453] : memref<10240x128xf32, #tpu.memory_space<vmem_shared>> -> memref<10240x128xf32, #tpu.memory_space<vmem_shared>>
          tpu.wait_indirect_dma semaphore(%run_scoped3A_442 : memref<!tpu.dma_semaphore, #tpu.memory_space<semaphore_mem>>) src(%arg13 : memref<88x128xf32, #tpu.memory_space<vmem>>) dst(%dma_wait3A_454 : memref<10240x128xf32, #tpu.memory_space<vmem_shared>>)
          tpu.yield
        }) : () -> ()
        %mul3A_202 = arith.constant 12 : i32
        %mul3A_203 = arith.muli %scan3A_84, %mul3A_202 : i32
        %add3A_204 = arith.constant 4 : i32
        %add3A_205 = arith.addi %mul3A_203, %add3A_204 : i32
        %dma_wait3A_206 = arith.constant 0 : i32
        %dma_wait3A_207 = arith.constant 0 : i32
        %dma_wait3A_208 = tpu.memref_slice %arg5[%dma_wait3A_206, %dma_wait3A_207] : memref<2x88xi32, #tpu.memory_space<vmem>> -> memref<1x88xi32, #tpu.memory_space<vmem>>
        %dma_wait3A_209 = tpu.memref_squeeze %dma_wait3A_208 : memref<1x88xi32, #tpu.memory_space<vmem>> -> memref<88xi32, #tpu.memory_space<vmem>>
        %dma_wait3A_210 = arith.constant 0 : i32
        %dma_wait3A_211 = arith.constant 0 : i32
        %dma_wait3A_212 = tpu.memref_slice %arg2[%dma_wait3A_210, %dma_wait3A_211] : memref<10000x128xf32, #tpu.memory_space<hbm>> -> memref<10000x128xf32, #tpu.memory_space<hbm>>
        tpu.wait_indirect_dma semaphore(%arg24 : memref<!tpu.dma_semaphore, #tpu.memory_space<semaphore_mem>>) src(%dma_wait3A_212 : memref<10000x128xf32, #tpu.memory_space<hbm>>) dst(%arg14 : memref<88x128xf32, #tpu.memory_space<vmem>>)
        %add3A_213 = arith.constant 3 : i32
        %add3A_214 = arith.addi %add3A_205, %add3A_213 : i32
        %sub3A_215 = arith.constant 1 : i32
        %sub3A_216 = arith.subi %add3A_214, %sub3A_215 : i32
        %lt3A_217 = arith.constant 228 : i32
        %lt3A_218 = arith.cmpi slt, %sub3A_216, %lt3A_217 : i32
        %convert_element_type3A_219 = arith.extui %lt3A_218 : i1 to i32
        %cond3A_220 = arith.constant 0 : i32
        %cond3A_221 = arith.cmpi ne, %convert_element_type3A_219, %cond3A_220 : i32
        scf.if %cond3A_221 {
          %add3A_442 = arith.constant 3 : i32
          %add3A_443 = arith.addi %add3A_205, %add3A_442 : i32
          %sub3A_444 = arith.constant 1 : i32
          %sub3A_445 = arith.subi %add3A_443, %sub3A_444 : i32
          %add3A_446 = arith.addi %mul3A_0, %sub3A_445 : i32
          %mul3A_447 = arith.constant 88 : i32
          %mul3A_448 = arith.muli %add3A_446, %mul3A_447 : i32
          %dma_wait3A_449 = arith.constant 0 : i32
          %dma_wait3A_450 = tpu.memref_slice %arg3[%dma_wait3A_449, %mul3A_448] : memref<2x321024xi32, #tpu.memory_space<hbm>> -> memref<2x88xi32, #tpu.memory_space<hbm>>
          %dma_wait3A_451 = arith.constant 0 : i32
          %dma_wait3A_452 = tpu.memref_slice %arg3[%dma_wait3A_451, %mul3A_448] : memref<2x321024xi32, #tpu.memory_space<hbm>> -> memref<2x88xi32, #tpu.memory_space<hbm>>
          tpu.wait_dma2 semaphore(%arg21 : memref<!tpu.dma_semaphore, #tpu.memory_space<semaphore_mem>>) src(%dma_wait3A_452 : memref<2x88xi32, #tpu.memory_space<hbm>>) dst(%arg7 : memref<2x88xi32, #tpu.memory_space<vmem>>)
          %dma_start3A_453 = arith.constant 0 : i32
          %dma_start3A_454 = arith.constant 0 : i32
          %dma_start3A_455 = tpu.memref_slice %arg7[%dma_start3A_453, %dma_start3A_454] : memref<2x88xi32, #tpu.memory_space<vmem>> -> memref<1x88xi32, #tpu.memory_space<vmem>>
          %dma_start3A_456 = tpu.memref_squeeze %dma_start3A_455 : memref<1x88xi32, #tpu.memory_space<vmem>> -> memref<88xi32, #tpu.memory_space<vmem>>
          %dma_start3A_457 = arith.constant 0 : i32
          %dma_start3A_458 = arith.constant 0 : i32
          %dma_start3A_459 = tpu.memref_slice %arg2[%dma_start3A_457, %dma_start3A_458] : memref<10000x128xf32, #tpu.memory_space<hbm>> -> memref<10000x128xf32, #tpu.memory_space<hbm>>
          tpu.enqueue_indirect_dma source(%dma_start3A_459 : memref<10000x128xf32, #tpu.memory_space<hbm>>) target(%arg13 : memref<88x128xf32, #tpu.memory_space<vmem>>) offsets(%dma_start3A_456 : memref<88xi32, #tpu.memory_space<vmem>>) semaphore(%arg23 : memref<!tpu.dma_semaphore, #tpu.memory_space<semaphore_mem>>)
        } else {
        }
        %add3A_222 = arith.constant 4 : i32
        %add3A_223 = arith.addi %add3A_205, %add3A_222 : i32
        %sub3A_224 = arith.constant 1 : i32
        %sub3A_225 = arith.subi %add3A_223, %sub3A_224 : i32
        %lt3A_226 = arith.constant 228 : i32
        %lt3A_227 = arith.cmpi slt, %sub3A_225, %lt3A_226 : i32
        %convert_element_type3A_228 = arith.extui %lt3A_227 : i1 to i32
        %cond3A_229 = arith.constant 0 : i32
        %cond3A_230 = arith.cmpi ne, %convert_element_type3A_228, %cond3A_229 : i32
        scf.if %cond3A_230 {
          %add3A_442 = arith.constant 4 : i32
          %add3A_443 = arith.addi %add3A_205, %add3A_442 : i32
          %sub3A_444 = arith.constant 1 : i32
          %sub3A_445 = arith.subi %add3A_443, %sub3A_444 : i32
          %add3A_446 = arith.addi %mul3A_0, %sub3A_445 : i32
          %mul3A_447 = arith.constant 88 : i32
          %mul3A_448 = arith.muli %add3A_446, %mul3A_447 : i32
          %dma_start3A_449 = arith.constant 0 : i32
          %dma_start3A_450 = tpu.memref_slice %arg3[%dma_start3A_449, %mul3A_448] : memref<2x321024xi32, #tpu.memory_space<hbm>> -> memref<2x88xi32, #tpu.memory_space<hbm>>
          %dma_start3A_451 = arith.constant 0 : i32
          %dma_start3A_452 = tpu.memref_slice %arg3[%dma_start3A_451, %mul3A_448] : memref<2x321024xi32, #tpu.memory_space<hbm>> -> memref<2x88xi32, #tpu.memory_space<hbm>>
          tpu.enqueue_dma source(%dma_start3A_452 : memref<2x88xi32, #tpu.memory_space<hbm>>) target(%arg8 : memref<2x88xi32, #tpu.memory_space<vmem>>) target_semaphore(%arg22 : memref<!tpu.dma_semaphore, #tpu.memory_space<semaphore_mem>>)
        } else {
        }
        %run_scoped3A_231 = arith.constant 1 : i32
        "tpu.region"() ({
          %run_scoped3A_442 = tpu.sem_alloc : memref<!tpu.dma_semaphore, #tpu.memory_space<semaphore_mem>>
          %dma_start3A_443 = arith.constant 0 : i32
          %dma_start3A_444 = tpu.memref_slice %arg5[%run_scoped3A_231, %dma_start3A_443] : memref<2x88xi32, #tpu.memory_space<vmem>> -> memref<1x88xi32, #tpu.memory_space<vmem>>
          %dma_start3A_445 = tpu.memref_squeeze %dma_start3A_444 : memref<1x88xi32, #tpu.memory_space<vmem>> -> memref<88xi32, #tpu.memory_space<vmem>>
          %dma_start3A_446 = arith.constant 0 : i32
          %dma_start3A_447 = arith.constant 0 : i32
          %dma_start3A_448 = tpu.memref_slice %arg17[%dma_start3A_446, %dma_start3A_447] : memref<10240x128xf32, #tpu.memory_space<vmem_shared>> -> memref<10240x128xf32, #tpu.memory_space<vmem_shared>>
          tpu.enqueue_indirect_dma source(%arg14 : memref<88x128xf32, #tpu.memory_space<vmem>>) target(%dma_start3A_448 : memref<10240x128xf32, #tpu.memory_space<vmem_shared>>) offsets(%dma_start3A_445 : memref<88xi32, #tpu.memory_space<vmem>>) semaphore(%run_scoped3A_442 : memref<!tpu.dma_semaphore, #tpu.memory_space<semaphore_mem>>) {add = true}
          %dma_wait3A_449 = arith.constant 0 : i32
          %dma_wait3A_450 = tpu.memref_slice %arg5[%run_scoped3A_231, %dma_wait3A_449] : memref<2x88xi32, #tpu.memory_space<vmem>> -> memref<1x88xi32, #tpu.memory_space<vmem>>
          %dma_wait3A_451 = tpu.memref_squeeze %dma_wait3A_450 : memref<1x88xi32, #tpu.memory_space<vmem>> -> memref<88xi32, #tpu.memory_space<vmem>>
          %dma_wait3A_452 = arith.constant 0 : i32
          %dma_wait3A_453 = arith.constant 0 : i32
          %dma_wait3A_454 = tpu.memref_slice %arg17[%dma_wait3A_452, %dma_wait3A_453] : memref<10240x128xf32, #tpu.memory_space<vmem_shared>> -> memref<10240x128xf32, #tpu.memory_space<vmem_shared>>
          tpu.wait_indirect_dma semaphore(%run_scoped3A_442 : memref<!tpu.dma_semaphore, #tpu.memory_space<semaphore_mem>>) src(%arg14 : memref<88x128xf32, #tpu.memory_space<vmem>>) dst(%dma_wait3A_454 : memref<10240x128xf32, #tpu.memory_space<vmem_shared>>)
          tpu.yield
        }) : () -> ()
        %mul3A_232 = arith.constant 12 : i32
        %mul3A_233 = arith.muli %scan3A_84, %mul3A_232 : i32
        %add3A_234 = arith.constant 5 : i32
        %add3A_235 = arith.addi %mul3A_233, %add3A_234 : i32
        %dma_wait3A_236 = arith.constant 0 : i32
        %dma_wait3A_237 = arith.constant 0 : i32
        %dma_wait3A_238 = tpu.memref_slice %arg6[%dma_wait3A_236, %dma_wait3A_237] : memref<2x88xi32, #tpu.memory_space<vmem>> -> memref<1x88xi32, #tpu.memory_space<vmem>>
        %dma_wait3A_239 = tpu.memref_squeeze %dma_wait3A_238 : memref<1x88xi32, #tpu.memory_space<vmem>> -> memref<88xi32, #tpu.memory_space<vmem>>
        %dma_wait3A_240 = arith.constant 0 : i32
        %dma_wait3A_241 = arith.constant 0 : i32
        %dma_wait3A_242 = tpu.memref_slice %arg2[%dma_wait3A_240, %dma_wait3A_241] : memref<10000x128xf32, #tpu.memory_space<hbm>> -> memref<10000x128xf32, #tpu.memory_space<hbm>>
        tpu.wait_indirect_dma semaphore(%arg25 : memref<!tpu.dma_semaphore, #tpu.memory_space<semaphore_mem>>) src(%dma_wait3A_242 : memref<10000x128xf32, #tpu.memory_space<hbm>>) dst(%arg15 : memref<88x128xf32, #tpu.memory_space<vmem>>)
        %add3A_243 = arith.constant 3 : i32
        %add3A_244 = arith.addi %add3A_235, %add3A_243 : i32
        %sub3A_245 = arith.constant 1 : i32
        %sub3A_246 = arith.subi %add3A_244, %sub3A_245 : i32
        %lt3A_247 = arith.constant 228 : i32
        %lt3A_248 = arith.cmpi slt, %sub3A_246, %lt3A_247 : i32
        %convert_element_type3A_249 = arith.extui %lt3A_248 : i1 to i32
        %cond3A_250 = arith.constant 0 : i32
        %cond3A_251 = arith.cmpi ne, %convert_element_type3A_249, %cond3A_250 : i32
        scf.if %cond3A_251 {
          %add3A_442 = arith.constant 3 : i32
          %add3A_443 = arith.addi %add3A_235, %add3A_442 : i32
          %sub3A_444 = arith.constant 1 : i32
          %sub3A_445 = arith.subi %add3A_443, %sub3A_444 : i32
          %add3A_446 = arith.addi %mul3A_0, %sub3A_445 : i32
          %mul3A_447 = arith.constant 88 : i32
          %mul3A_448 = arith.muli %add3A_446, %mul3A_447 : i32
          %dma_wait3A_449 = arith.constant 0 : i32
          %dma_wait3A_450 = tpu.memref_slice %arg3[%dma_wait3A_449, %mul3A_448] : memref<2x321024xi32, #tpu.memory_space<hbm>> -> memref<2x88xi32, #tpu.memory_space<hbm>>
          %dma_wait3A_451 = arith.constant 0 : i32
          %dma_wait3A_452 = tpu.memref_slice %arg3[%dma_wait3A_451, %mul3A_448] : memref<2x321024xi32, #tpu.memory_space<hbm>> -> memref<2x88xi32, #tpu.memory_space<hbm>>
          tpu.wait_dma2 semaphore(%arg22 : memref<!tpu.dma_semaphore, #tpu.memory_space<semaphore_mem>>) src(%dma_wait3A_452 : memref<2x88xi32, #tpu.memory_space<hbm>>) dst(%arg8 : memref<2x88xi32, #tpu.memory_space<vmem>>)
          %dma_start3A_453 = arith.constant 0 : i32
          %dma_start3A_454 = arith.constant 0 : i32
          %dma_start3A_455 = tpu.memref_slice %arg8[%dma_start3A_453, %dma_start3A_454] : memref<2x88xi32, #tpu.memory_space<vmem>> -> memref<1x88xi32, #tpu.memory_space<vmem>>
          %dma_start3A_456 = tpu.memref_squeeze %dma_start3A_455 : memref<1x88xi32, #tpu.memory_space<vmem>> -> memref<88xi32, #tpu.memory_space<vmem>>
          %dma_start3A_457 = arith.constant 0 : i32
          %dma_start3A_458 = arith.constant 0 : i32
          %dma_start3A_459 = tpu.memref_slice %arg2[%dma_start3A_457, %dma_start3A_458] : memref<10000x128xf32, #tpu.memory_space<hbm>> -> memref<10000x128xf32, #tpu.memory_space<hbm>>
          tpu.enqueue_indirect_dma source(%dma_start3A_459 : memref<10000x128xf32, #tpu.memory_space<hbm>>) target(%arg14 : memref<88x128xf32, #tpu.memory_space<vmem>>) offsets(%dma_start3A_456 : memref<88xi32, #tpu.memory_space<vmem>>) semaphore(%arg24 : memref<!tpu.dma_semaphore, #tpu.memory_space<semaphore_mem>>)
        } else {
        }
        %add3A_252 = arith.constant 4 : i32
        %add3A_253 = arith.addi %add3A_235, %add3A_252 : i32
        %sub3A_254 = arith.constant 1 : i32
        %sub3A_255 = arith.subi %add3A_253, %sub3A_254 : i32
        %lt3A_256 = arith.constant 228 : i32
        %lt3A_257 = arith.cmpi slt, %sub3A_255, %lt3A_256 : i32
        %convert_element_type3A_258 = arith.extui %lt3A_257 : i1 to i32
        %cond3A_259 = arith.constant 0 : i32
        %cond3A_260 = arith.cmpi ne, %convert_element_type3A_258, %cond3A_259 : i32
        scf.if %cond3A_260 {
          %add3A_442 = arith.constant 4 : i32
          %add3A_443 = arith.addi %add3A_235, %add3A_442 : i32
          %sub3A_444 = arith.constant 1 : i32
          %sub3A_445 = arith.subi %add3A_443, %sub3A_444 : i32
          %add3A_446 = arith.addi %mul3A_0, %sub3A_445 : i32
          %mul3A_447 = arith.constant 88 : i32
          %mul3A_448 = arith.muli %add3A_446, %mul3A_447 : i32
          %dma_start3A_449 = arith.constant 0 : i32
          %dma_start3A_450 = tpu.memref_slice %arg3[%dma_start3A_449, %mul3A_448] : memref<2x321024xi32, #tpu.memory_space<hbm>> -> memref<2x88xi32, #tpu.memory_space<hbm>>
          %dma_start3A_451 = arith.constant 0 : i32
          %dma_start3A_452 = tpu.memref_slice %arg3[%dma_start3A_451, %mul3A_448] : memref<2x321024xi32, #tpu.memory_space<hbm>> -> memref<2x88xi32, #tpu.memory_space<hbm>>
          tpu.enqueue_dma source(%dma_start3A_452 : memref<2x88xi32, #tpu.memory_space<hbm>>) target(%arg5 : memref<2x88xi32, #tpu.memory_space<vmem>>) target_semaphore(%arg19 : memref<!tpu.dma_semaphore, #tpu.memory_space<semaphore_mem>>)
        } else {
        }
        %run_scoped3A_261 = arith.constant 1 : i32
        "tpu.region"() ({
          %run_scoped3A_442 = tpu.sem_alloc : memref<!tpu.dma_semaphore, #tpu.memory_space<semaphore_mem>>
          %dma_start3A_443 = arith.constant 0 : i32
          %dma_start3A_444 = tpu.memref_slice %arg6[%run_scoped3A_261, %dma_start3A_443] : memref<2x88xi32, #tpu.memory_space<vmem>> -> memref<1x88xi32, #tpu.memory_space<vmem>>
          %dma_start3A_445 = tpu.memref_squeeze %dma_start3A_444 : memref<1x88xi32, #tpu.memory_space<vmem>> -> memref<88xi32, #tpu.memory_space<vmem>>
          %dma_start3A_446 = arith.constant 0 : i32
          %dma_start3A_447 = arith.constant 0 : i32
          %dma_start3A_448 = tpu.memref_slice %arg17[%dma_start3A_446, %dma_start3A_447] : memref<10240x128xf32, #tpu.memory_space<vmem_shared>> -> memref<10240x128xf32, #tpu.memory_space<vmem_shared>>
          tpu.enqueue_indirect_dma source(%arg15 : memref<88x128xf32, #tpu.memory_space<vmem>>) target(%dma_start3A_448 : memref<10240x128xf32, #tpu.memory_space<vmem_shared>>) offsets(%dma_start3A_445 : memref<88xi32, #tpu.memory_space<vmem>>) semaphore(%run_scoped3A_442 : memref<!tpu.dma_semaphore, #tpu.memory_space<semaphore_mem>>) {add = true}
          %dma_wait3A_449 = arith.constant 0 : i32
          %dma_wait3A_450 = tpu.memref_slice %arg6[%run_scoped3A_261, %dma_wait3A_449] : memref<2x88xi32, #tpu.memory_space<vmem>> -> memref<1x88xi32, #tpu.memory_space<vmem>>
          %dma_wait3A_451 = tpu.memref_squeeze %dma_wait3A_450 : memref<1x88xi32, #tpu.memory_space<vmem>> -> memref<88xi32, #tpu.memory_space<vmem>>
          %dma_wait3A_452 = arith.constant 0 : i32
          %dma_wait3A_453 = arith.constant 0 : i32
          %dma_wait3A_454 = tpu.memref_slice %arg17[%dma_wait3A_452, %dma_wait3A_453] : memref<10240x128xf32, #tpu.memory_space<vmem_shared>> -> memref<10240x128xf32, #tpu.memory_space<vmem_shared>>
          tpu.wait_indirect_dma semaphore(%run_scoped3A_442 : memref<!tpu.dma_semaphore, #tpu.memory_space<semaphore_mem>>) src(%arg15 : memref<88x128xf32, #tpu.memory_space<vmem>>) dst(%dma_wait3A_454 : memref<10240x128xf32, #tpu.memory_space<vmem_shared>>)
          tpu.yield
        }) : () -> ()
        %mul3A_262 = arith.constant 12 : i32
        %mul3A_263 = arith.muli %scan3A_84, %mul3A_262 : i32
        %add3A_264 = arith.constant 6 : i32
        %add3A_265 = arith.addi %mul3A_263, %add3A_264 : i32
        %dma_wait3A_266 = arith.constant 0 : i32
        %dma_wait3A_267 = arith.constant 0 : i32
        %dma_wait3A_268 = tpu.memref_slice %arg7[%dma_wait3A_266, %dma_wait3A_267] : memref<2x88xi32, #tpu.memory_space<vmem>> -> memref<1x88xi32, #tpu.memory_space<vmem>>
        %dma_wait3A_269 = tpu.memref_squeeze %dma_wait3A_268 : memref<1x88xi32, #tpu.memory_space<vmem>> -> memref<88xi32, #tpu.memory_space<vmem>>
        %dma_wait3A_270 = arith.constant 0 : i32
        %dma_wait3A_271 = arith.constant 0 : i32
        %dma_wait3A_272 = tpu.memref_slice %arg2[%dma_wait3A_270, %dma_wait3A_271] : memref<10000x128xf32, #tpu.memory_space<hbm>> -> memref<10000x128xf32, #tpu.memory_space<hbm>>
        tpu.wait_indirect_dma semaphore(%arg23 : memref<!tpu.dma_semaphore, #tpu.memory_space<semaphore_mem>>) src(%dma_wait3A_272 : memref<10000x128xf32, #tpu.memory_space<hbm>>) dst(%arg13 : memref<88x128xf32, #tpu.memory_space<vmem>>)
        %add3A_273 = arith.constant 3 : i32
        %add3A_274 = arith.addi %add3A_265, %add3A_273 : i32
        %sub3A_275 = arith.constant 1 : i32
        %sub3A_276 = arith.subi %add3A_274, %sub3A_275 : i32
        %lt3A_277 = arith.constant 228 : i32
        %lt3A_278 = arith.cmpi slt, %sub3A_276, %lt3A_277 : i32
        %convert_element_type3A_279 = arith.extui %lt3A_278 : i1 to i32
        %cond3A_280 = arith.constant 0 : i32
        %cond3A_281 = arith.cmpi ne, %convert_element_type3A_279, %cond3A_280 : i32
        scf.if %cond3A_281 {
          %add3A_442 = arith.constant 3 : i32
          %add3A_443 = arith.addi %add3A_265, %add3A_442 : i32
          %sub3A_444 = arith.constant 1 : i32
          %sub3A_445 = arith.subi %add3A_443, %sub3A_444 : i32
          %add3A_446 = arith.addi %mul3A_0, %sub3A_445 : i32
          %mul3A_447 = arith.constant 88 : i32
          %mul3A_448 = arith.muli %add3A_446, %mul3A_447 : i32
          %dma_wait3A_449 = arith.constant 0 : i32
          %dma_wait3A_450 = tpu.memref_slice %arg3[%dma_wait3A_449, %mul3A_448] : memref<2x321024xi32, #tpu.memory_space<hbm>> -> memref<2x88xi32, #tpu.memory_space<hbm>>
          %dma_wait3A_451 = arith.constant 0 : i32
          %dma_wait3A_452 = tpu.memref_slice %arg3[%dma_wait3A_451, %mul3A_448] : memref<2x321024xi32, #tpu.memory_space<hbm>> -> memref<2x88xi32, #tpu.memory_space<hbm>>
          tpu.wait_dma2 semaphore(%arg19 : memref<!tpu.dma_semaphore, #tpu.memory_space<semaphore_mem>>) src(%dma_wait3A_452 : memref<2x88xi32, #tpu.memory_space<hbm>>) dst(%arg5 : memref<2x88xi32, #tpu.memory_space<vmem>>)
          %dma_start3A_453 = arith.constant 0 : i32
          %dma_start3A_454 = arith.constant 0 : i32
          %dma_start3A_455 = tpu.memref_slice %arg5[%dma_start3A_453, %dma_start3A_454] : memref<2x88xi32, #tpu.memory_space<vmem>> -> memref<1x88xi32, #tpu.memory_space<vmem>>
          %dma_start3A_456 = tpu.memref_squeeze %dma_start3A_455 : memref<1x88xi32, #tpu.memory_space<vmem>> -> memref<88xi32, #tpu.memory_space<vmem>>
          %dma_start3A_457 = arith.constant 0 : i32
          %dma_start3A_458 = arith.constant 0 : i32
          %dma_start3A_459 = tpu.memref_slice %arg2[%dma_start3A_457, %dma_start3A_458] : memref<10000x128xf32, #tpu.memory_space<hbm>> -> memref<10000x128xf32, #tpu.memory_space<hbm>>
          tpu.enqueue_indirect_dma source(%dma_start3A_459 : memref<10000x128xf32, #tpu.memory_space<hbm>>) target(%arg15 : memref<88x128xf32, #tpu.memory_space<vmem>>) offsets(%dma_start3A_456 : memref<88xi32, #tpu.memory_space<vmem>>) semaphore(%arg25 : memref<!tpu.dma_semaphore, #tpu.memory_space<semaphore_mem>>)
        } else {
        }
        %add3A_282 = arith.constant 4 : i32
        %add3A_283 = arith.addi %add3A_265, %add3A_282 : i32
        %sub3A_284 = arith.constant 1 : i32
        %sub3A_285 = arith.subi %add3A_283, %sub3A_284 : i32
        %lt3A_286 = arith.constant 228 : i32
        %lt3A_287 = arith.cmpi slt, %sub3A_285, %lt3A_286 : i32
        %convert_element_type3A_288 = arith.extui %lt3A_287 : i1 to i32
        %cond3A_289 = arith.constant 0 : i32
        %cond3A_290 = arith.cmpi ne, %convert_element_type3A_288, %cond3A_289 : i32
        scf.if %cond3A_290 {
          %add3A_442 = arith.constant 4 : i32
          %add3A_443 = arith.addi %add3A_265, %add3A_442 : i32
          %sub3A_444 = arith.constant 1 : i32
          %sub3A_445 = arith.subi %add3A_443, %sub3A_444 : i32
          %add3A_446 = arith.addi %mul3A_0, %sub3A_445 : i32
          %mul3A_447 = arith.constant 88 : i32
          %mul3A_448 = arith.muli %add3A_446, %mul3A_447 : i32
          %dma_start3A_449 = arith.constant 0 : i32
          %dma_start3A_450 = tpu.memref_slice %arg3[%dma_start3A_449, %mul3A_448] : memref<2x321024xi32, #tpu.memory_space<hbm>> -> memref<2x88xi32, #tpu.memory_space<hbm>>
          %dma_start3A_451 = arith.constant 0 : i32
          %dma_start3A_452 = tpu.memref_slice %arg3[%dma_start3A_451, %mul3A_448] : memref<2x321024xi32, #tpu.memory_space<hbm>> -> memref<2x88xi32, #tpu.memory_space<hbm>>
          tpu.enqueue_dma source(%dma_start3A_452 : memref<2x88xi32, #tpu.memory_space<hbm>>) target(%arg6 : memref<2x88xi32, #tpu.memory_space<vmem>>) target_semaphore(%arg20 : memref<!tpu.dma_semaphore, #tpu.memory_space<semaphore_mem>>)
        } else {
        }
        %run_scoped3A_291 = arith.constant 1 : i32
        "tpu.region"() ({
          %run_scoped3A_442 = tpu.sem_alloc : memref<!tpu.dma_semaphore, #tpu.memory_space<semaphore_mem>>
          %dma_start3A_443 = arith.constant 0 : i32
          %dma_start3A_444 = tpu.memref_slice %arg7[%run_scoped3A_291, %dma_start3A_443] : memref<2x88xi32, #tpu.memory_space<vmem>> -> memref<1x88xi32, #tpu.memory_space<vmem>>
          %dma_start3A_445 = tpu.memref_squeeze %dma_start3A_444 : memref<1x88xi32, #tpu.memory_space<vmem>> -> memref<88xi32, #tpu.memory_space<vmem>>
          %dma_start3A_446 = arith.constant 0 : i32
          %dma_start3A_447 = arith.constant 0 : i32
          %dma_start3A_448 = tpu.memref_slice %arg17[%dma_start3A_446, %dma_start3A_447] : memref<10240x128xf32, #tpu.memory_space<vmem_shared>> -> memref<10240x128xf32, #tpu.memory_space<vmem_shared>>
          tpu.enqueue_indirect_dma source(%arg13 : memref<88x128xf32, #tpu.memory_space<vmem>>) target(%dma_start3A_448 : memref<10240x128xf32, #tpu.memory_space<vmem_shared>>) offsets(%dma_start3A_445 : memref<88xi32, #tpu.memory_space<vmem>>) semaphore(%run_scoped3A_442 : memref<!tpu.dma_semaphore, #tpu.memory_space<semaphore_mem>>) {add = true}
          %dma_wait3A_449 = arith.constant 0 : i32
          %dma_wait3A_450 = tpu.memref_slice %arg7[%run_scoped3A_291, %dma_wait3A_449] : memref<2x88xi32, #tpu.memory_space<vmem>> -> memref<1x88xi32, #tpu.memory_space<vmem>>
          %dma_wait3A_451 = tpu.memref_squeeze %dma_wait3A_450 : memref<1x88xi32, #tpu.memory_space<vmem>> -> memref<88xi32, #tpu.memory_space<vmem>>
          %dma_wait3A_452 = arith.constant 0 : i32
          %dma_wait3A_453 = arith.constant 0 : i32
          %dma_wait3A_454 = tpu.memref_slice %arg17[%dma_wait3A_452, %dma_wait3A_453] : memref<10240x128xf32, #tpu.memory_space<vmem_shared>> -> memref<10240x128xf32, #tpu.memory_space<vmem_shared>>
          tpu.wait_indirect_dma semaphore(%run_scoped3A_442 : memref<!tpu.dma_semaphore, #tpu.memory_space<semaphore_mem>>) src(%arg13 : memref<88x128xf32, #tpu.memory_space<vmem>>) dst(%dma_wait3A_454 : memref<10240x128xf32, #tpu.memory_space<vmem_shared>>)
          tpu.yield
        }) : () -> ()
        %mul3A_292 = arith.constant 12 : i32
        %mul3A_293 = arith.muli %scan3A_84, %mul3A_292 : i32
        %add3A_294 = arith.constant 7 : i32
        %add3A_295 = arith.addi %mul3A_293, %add3A_294 : i32
        %dma_wait3A_296 = arith.constant 0 : i32
        %dma_wait3A_297 = arith.constant 0 : i32
        %dma_wait3A_298 = tpu.memref_slice %arg8[%dma_wait3A_296, %dma_wait3A_297] : memref<2x88xi32, #tpu.memory_space<vmem>> -> memref<1x88xi32, #tpu.memory_space<vmem>>
        %dma_wait3A_299 = tpu.memref_squeeze %dma_wait3A_298 : memref<1x88xi32, #tpu.memory_space<vmem>> -> memref<88xi32, #tpu.memory_space<vmem>>
        %dma_wait3A_300 = arith.constant 0 : i32
        %dma_wait3A_301 = arith.constant 0 : i32
        %dma_wait3A_302 = tpu.memref_slice %arg2[%dma_wait3A_300, %dma_wait3A_301] : memref<10000x128xf32, #tpu.memory_space<hbm>> -> memref<10000x128xf32, #tpu.memory_space<hbm>>
        tpu.wait_indirect_dma semaphore(%arg24 : memref<!tpu.dma_semaphore, #tpu.memory_space<semaphore_mem>>) src(%dma_wait3A_302 : memref<10000x128xf32, #tpu.memory_space<hbm>>) dst(%arg14 : memref<88x128xf32, #tpu.memory_space<vmem>>)
        %add3A_303 = arith.constant 3 : i32
        %add3A_304 = arith.addi %add3A_295, %add3A_303 : i32
        %sub3A_305 = arith.constant 1 : i32
        %sub3A_306 = arith.subi %add3A_304, %sub3A_305 : i32
        %lt3A_307 = arith.constant 228 : i32
        %lt3A_308 = arith.cmpi slt, %sub3A_306, %lt3A_307 : i32
        %convert_element_type3A_309 = arith.extui %lt3A_308 : i1 to i32
        %cond3A_310 = arith.constant 0 : i32
        %cond3A_311 = arith.cmpi ne, %convert_element_type3A_309, %cond3A_310 : i32
        scf.if %cond3A_311 {
          %add3A_442 = arith.constant 3 : i32
          %add3A_443 = arith.addi %add3A_295, %add3A_442 : i32
          %sub3A_444 = arith.constant 1 : i32
          %sub3A_445 = arith.subi %add3A_443, %sub3A_444 : i32
          %add3A_446 = arith.addi %mul3A_0, %sub3A_445 : i32
          %mul3A_447 = arith.constant 88 : i32
          %mul3A_448 = arith.muli %add3A_446, %mul3A_447 : i32
          %dma_wait3A_449 = arith.constant 0 : i32
          %dma_wait3A_450 = tpu.memref_slice %arg3[%dma_wait3A_449, %mul3A_448] : memref<2x321024xi32, #tpu.memory_space<hbm>> -> memref<2x88xi32, #tpu.memory_space<hbm>>
          %dma_wait3A_451 = arith.constant 0 : i32
          %dma_wait3A_452 = tpu.memref_slice %arg3[%dma_wait3A_451, %mul3A_448] : memref<2x321024xi32, #tpu.memory_space<hbm>> -> memref<2x88xi32, #tpu.memory_space<hbm>>
          tpu.wait_dma2 semaphore(%arg20 : memref<!tpu.dma_semaphore, #tpu.memory_space<semaphore_mem>>) src(%dma_wait3A_452 : memref<2x88xi32, #tpu.memory_space<hbm>>) dst(%arg6 : memref<2x88xi32, #tpu.memory_space<vmem>>)
          %dma_start3A_453 = arith.constant 0 : i32
          %dma_start3A_454 = arith.constant 0 : i32
          %dma_start3A_455 = tpu.memref_slice %arg6[%dma_start3A_453, %dma_start3A_454] : memref<2x88xi32, #tpu.memory_space<vmem>> -> memref<1x88xi32, #tpu.memory_space<vmem>>
          %dma_start3A_456 = tpu.memref_squeeze %dma_start3A_455 : memref<1x88xi32, #tpu.memory_space<vmem>> -> memref<88xi32, #tpu.memory_space<vmem>>
          %dma_start3A_457 = arith.constant 0 : i32
          %dma_start3A_458 = arith.constant 0 : i32
          %dma_start3A_459 = tpu.memref_slice %arg2[%dma_start3A_457, %dma_start3A_458] : memref<10000x128xf32, #tpu.memory_space<hbm>> -> memref<10000x128xf32, #tpu.memory_space<hbm>>
          tpu.enqueue_indirect_dma source(%dma_start3A_459 : memref<10000x128xf32, #tpu.memory_space<hbm>>) target(%arg13 : memref<88x128xf32, #tpu.memory_space<vmem>>) offsets(%dma_start3A_456 : memref<88xi32, #tpu.memory_space<vmem>>) semaphore(%arg23 : memref<!tpu.dma_semaphore, #tpu.memory_space<semaphore_mem>>)
        } else {
        }
        %add3A_312 = arith.constant 4 : i32
        %add3A_313 = arith.addi %add3A_295, %add3A_312 : i32
        %sub3A_314 = arith.constant 1 : i32
        %sub3A_315 = arith.subi %add3A_313, %sub3A_314 : i32
        %lt3A_316 = arith.constant 228 : i32
        %lt3A_317 = arith.cmpi slt, %sub3A_315, %lt3A_316 : i32
        %convert_element_type3A_318 = arith.extui %lt3A_317 : i1 to i32
        %cond3A_319 = arith.constant 0 : i32
        %cond3A_320 = arith.cmpi ne, %convert_element_type3A_318, %cond3A_319 : i32
        scf.if %cond3A_320 {
          %add3A_442 = arith.constant 4 : i32
          %add3A_443 = arith.addi %add3A_295, %add3A_442 : i32
          %sub3A_444 = arith.constant 1 : i32
          %sub3A_445 = arith.subi %add3A_443, %sub3A_444 : i32
          %add3A_446 = arith.addi %mul3A_0, %sub3A_445 : i32
          %mul3A_447 = arith.constant 88 : i32
          %mul3A_448 = arith.muli %add3A_446, %mul3A_447 : i32
          %dma_start3A_449 = arith.constant 0 : i32
          %dma_start3A_450 = tpu.memref_slice %arg3[%dma_start3A_449, %mul3A_448] : memref<2x321024xi32, #tpu.memory_space<hbm>> -> memref<2x88xi32, #tpu.memory_space<hbm>>
          %dma_start3A_451 = arith.constant 0 : i32
          %dma_start3A_452 = tpu.memref_slice %arg3[%dma_start3A_451, %mul3A_448] : memref<2x321024xi32, #tpu.memory_space<hbm>> -> memref<2x88xi32, #tpu.memory_space<hbm>>
          tpu.enqueue_dma source(%dma_start3A_452 : memref<2x88xi32, #tpu.memory_space<hbm>>) target(%arg7 : memref<2x88xi32, #tpu.memory_space<vmem>>) target_semaphore(%arg21 : memref<!tpu.dma_semaphore, #tpu.memory_space<semaphore_mem>>)
        } else {
        }
        %run_scoped3A_321 = arith.constant 1 : i32
        "tpu.region"() ({
          %run_scoped3A_442 = tpu.sem_alloc : memref<!tpu.dma_semaphore, #tpu.memory_space<semaphore_mem>>
          %dma_start3A_443 = arith.constant 0 : i32
          %dma_start3A_444 = tpu.memref_slice %arg8[%run_scoped3A_321, %dma_start3A_443] : memref<2x88xi32, #tpu.memory_space<vmem>> -> memref<1x88xi32, #tpu.memory_space<vmem>>
          %dma_start3A_445 = tpu.memref_squeeze %dma_start3A_444 : memref<1x88xi32, #tpu.memory_space<vmem>> -> memref<88xi32, #tpu.memory_space<vmem>>
          %dma_start3A_446 = arith.constant 0 : i32
          %dma_start3A_447 = arith.constant 0 : i32
          %dma_start3A_448 = tpu.memref_slice %arg17[%dma_start3A_446, %dma_start3A_447] : memref<10240x128xf32, #tpu.memory_space<vmem_shared>> -> memref<10240x128xf32, #tpu.memory_space<vmem_shared>>
          tpu.enqueue_indirect_dma source(%arg14 : memref<88x128xf32, #tpu.memory_space<vmem>>) target(%dma_start3A_448 : memref<10240x128xf32, #tpu.memory_space<vmem_shared>>) offsets(%dma_start3A_445 : memref<88xi32, #tpu.memory_space<vmem>>) semaphore(%run_scoped3A_442 : memref<!tpu.dma_semaphore, #tpu.memory_space<semaphore_mem>>) {add = true}
          %dma_wait3A_449 = arith.constant 0 : i32
          %dma_wait3A_450 = tpu.memref_slice %arg8[%run_scoped3A_321, %dma_wait3A_449] : memref<2x88xi32, #tpu.memory_space<vmem>> -> memref<1x88xi32, #tpu.memory_space<vmem>>
          %dma_wait3A_451 = tpu.memref_squeeze %dma_wait3A_450 : memref<1x88xi32, #tpu.memory_space<vmem>> -> memref<88xi32, #tpu.memory_space<vmem>>
          %dma_wait3A_452 = arith.constant 0 : i32
          %dma_wait3A_453 = arith.constant 0 : i32
          %dma_wait3A_454 = tpu.memref_slice %arg17[%dma_wait3A_452, %dma_wait3A_453] : memref<10240x128xf32, #tpu.memory_space<vmem_shared>> -> memref<10240x128xf32, #tpu.memory_space<vmem_shared>>
          tpu.wait_indirect_dma semaphore(%run_scoped3A_442 : memref<!tpu.dma_semaphore, #tpu.memory_space<semaphore_mem>>) src(%arg14 : memref<88x128xf32, #tpu.memory_space<vmem>>) dst(%dma_wait3A_454 : memref<10240x128xf32, #tpu.memory_space<vmem_shared>>)
          tpu.yield
        }) : () -> ()
        %mul3A_322 = arith.constant 12 : i32
        %mul3A_323 = arith.muli %scan3A_84, %mul3A_322 : i32
        %add3A_324 = arith.constant 8 : i32
        %add3A_325 = arith.addi %mul3A_323, %add3A_324 : i32
        %dma_wait3A_326 = arith.constant 0 : i32
        %dma_wait3A_327 = arith.constant 0 : i32
        %dma_wait3A_328 = tpu.memref_slice %arg5[%dma_wait3A_326, %dma_wait3A_327] : memref<2x88xi32, #tpu.memory_space<vmem>> -> memref<1x88xi32, #tpu.memory_space<vmem>>
        %dma_wait3A_329 = tpu.memref_squeeze %dma_wait3A_328 : memref<1x88xi32, #tpu.memory_space<vmem>> -> memref<88xi32, #tpu.memory_space<vmem>>
        %dma_wait3A_330 = arith.constant 0 : i32
        %dma_wait3A_331 = arith.constant 0 : i32
        %dma_wait3A_332 = tpu.memref_slice %arg2[%dma_wait3A_330, %dma_wait3A_331] : memref<10000x128xf32, #tpu.memory_space<hbm>> -> memref<10000x128xf32, #tpu.memory_space<hbm>>
        tpu.wait_indirect_dma semaphore(%arg25 : memref<!tpu.dma_semaphore, #tpu.memory_space<semaphore_mem>>) src(%dma_wait3A_332 : memref<10000x128xf32, #tpu.memory_space<hbm>>) dst(%arg15 : memref<88x128xf32, #tpu.memory_space<vmem>>)
        %add3A_333 = arith.constant 3 : i32
        %add3A_334 = arith.addi %add3A_325, %add3A_333 : i32
        %sub3A_335 = arith.constant 1 : i32
        %sub3A_336 = arith.subi %add3A_334, %sub3A_335 : i32
        %lt3A_337 = arith.constant 228 : i32
        %lt3A_338 = arith.cmpi slt, %sub3A_336, %lt3A_337 : i32
        %convert_element_type3A_339 = arith.extui %lt3A_338 : i1 to i32
        %cond3A_340 = arith.constant 0 : i32
        %cond3A_341 = arith.cmpi ne, %convert_element_type3A_339, %cond3A_340 : i32
        scf.if %cond3A_341 {
          %add3A_442 = arith.constant 3 : i32
          %add3A_443 = arith.addi %add3A_325, %add3A_442 : i32
          %sub3A_444 = arith.constant 1 : i32
          %sub3A_445 = arith.subi %add3A_443, %sub3A_444 : i32
          %add3A_446 = arith.addi %mul3A_0, %sub3A_445 : i32
          %mul3A_447 = arith.constant 88 : i32
          %mul3A_448 = arith.muli %add3A_446, %mul3A_447 : i32
          %dma_wait3A_449 = arith.constant 0 : i32
          %dma_wait3A_450 = tpu.memref_slice %arg3[%dma_wait3A_449, %mul3A_448] : memref<2x321024xi32, #tpu.memory_space<hbm>> -> memref<2x88xi32, #tpu.memory_space<hbm>>
          %dma_wait3A_451 = arith.constant 0 : i32
          %dma_wait3A_452 = tpu.memref_slice %arg3[%dma_wait3A_451, %mul3A_448] : memref<2x321024xi32, #tpu.memory_space<hbm>> -> memref<2x88xi32, #tpu.memory_space<hbm>>
          tpu.wait_dma2 semaphore(%arg21 : memref<!tpu.dma_semaphore, #tpu.memory_space<semaphore_mem>>) src(%dma_wait3A_452 : memref<2x88xi32, #tpu.memory_space<hbm>>) dst(%arg7 : memref<2x88xi32, #tpu.memory_space<vmem>>)
          %dma_start3A_453 = arith.constant 0 : i32
          %dma_start3A_454 = arith.constant 0 : i32
          %dma_start3A_455 = tpu.memref_slice %arg7[%dma_start3A_453, %dma_start3A_454] : memref<2x88xi32, #tpu.memory_space<vmem>> -> memref<1x88xi32, #tpu.memory_space<vmem>>
          %dma_start3A_456 = tpu.memref_squeeze %dma_start3A_455 : memref<1x88xi32, #tpu.memory_space<vmem>> -> memref<88xi32, #tpu.memory_space<vmem>>
          %dma_start3A_457 = arith.constant 0 : i32
          %dma_start3A_458 = arith.constant 0 : i32
          %dma_start3A_459 = tpu.memref_slice %arg2[%dma_start3A_457, %dma_start3A_458] : memref<10000x128xf32, #tpu.memory_space<hbm>> -> memref<10000x128xf32, #tpu.memory_space<hbm>>
          tpu.enqueue_indirect_dma source(%dma_start3A_459 : memref<10000x128xf32, #tpu.memory_space<hbm>>) target(%arg14 : memref<88x128xf32, #tpu.memory_space<vmem>>) offsets(%dma_start3A_456 : memref<88xi32, #tpu.memory_space<vmem>>) semaphore(%arg24 : memref<!tpu.dma_semaphore, #tpu.memory_space<semaphore_mem>>)
        } else {
        }
        %add3A_342 = arith.constant 4 : i32
        %add3A_343 = arith.addi %add3A_325, %add3A_342 : i32
        %sub3A_344 = arith.constant 1 : i32
        %sub3A_345 = arith.subi %add3A_343, %sub3A_344 : i32
        %lt3A_346 = arith.constant 228 : i32
        %lt3A_347 = arith.cmpi slt, %sub3A_345, %lt3A_346 : i32
        %convert_element_type3A_348 = arith.extui %lt3A_347 : i1 to i32
        %cond3A_349 = arith.constant 0 : i32
        %cond3A_350 = arith.cmpi ne, %convert_element_type3A_348, %cond3A_349 : i32
        scf.if %cond3A_350 {
          %add3A_442 = arith.constant 4 : i32
          %add3A_443 = arith.addi %add3A_325, %add3A_442 : i32
          %sub3A_444 = arith.constant 1 : i32
          %sub3A_445 = arith.subi %add3A_443, %sub3A_444 : i32
          %add3A_446 = arith.addi %mul3A_0, %sub3A_445 : i32
          %mul3A_447 = arith.constant 88 : i32
          %mul3A_448 = arith.muli %add3A_446, %mul3A_447 : i32
          %dma_start3A_449 = arith.constant 0 : i32
          %dma_start3A_450 = tpu.memref_slice %arg3[%dma_start3A_449, %mul3A_448] : memref<2x321024xi32, #tpu.memory_space<hbm>> -> memref<2x88xi32, #tpu.memory_space<hbm>>
          %dma_start3A_451 = arith.constant 0 : i32
          %dma_start3A_452 = tpu.memref_slice %arg3[%dma_start3A_451, %mul3A_448] : memref<2x321024xi32, #tpu.memory_space<hbm>> -> memref<2x88xi32, #tpu.memory_space<hbm>>
          tpu.enqueue_dma source(%dma_start3A_452 : memref<2x88xi32, #tpu.memory_space<hbm>>) target(%arg8 : memref<2x88xi32, #tpu.memory_space<vmem>>) target_semaphore(%arg22 : memref<!tpu.dma_semaphore, #tpu.memory_space<semaphore_mem>>)
        } else {
        }
        %run_scoped3A_351 = arith.constant 1 : i32
        "tpu.region"() ({
          %run_scoped3A_442 = tpu.sem_alloc : memref<!tpu.dma_semaphore, #tpu.memory_space<semaphore_mem>>
          %dma_start3A_443 = arith.constant 0 : i32
          %dma_start3A_444 = tpu.memref_slice %arg5[%run_scoped3A_351, %dma_start3A_443] : memref<2x88xi32, #tpu.memory_space<vmem>> -> memref<1x88xi32, #tpu.memory_space<vmem>>
          %dma_start3A_445 = tpu.memref_squeeze %dma_start3A_444 : memref<1x88xi32, #tpu.memory_space<vmem>> -> memref<88xi32, #tpu.memory_space<vmem>>
          %dma_start3A_446 = arith.constant 0 : i32
          %dma_start3A_447 = arith.constant 0 : i32
          %dma_start3A_448 = tpu.memref_slice %arg17[%dma_start3A_446, %dma_start3A_447] : memref<10240x128xf32, #tpu.memory_space<vmem_shared>> -> memref<10240x128xf32, #tpu.memory_space<vmem_shared>>
          tpu.enqueue_indirect_dma source(%arg15 : memref<88x128xf32, #tpu.memory_space<vmem>>) target(%dma_start3A_448 : memref<10240x128xf32, #tpu.memory_space<vmem_shared>>) offsets(%dma_start3A_445 : memref<88xi32, #tpu.memory_space<vmem>>) semaphore(%run_scoped3A_442 : memref<!tpu.dma_semaphore, #tpu.memory_space<semaphore_mem>>) {add = true}
          %dma_wait3A_449 = arith.constant 0 : i32
          %dma_wait3A_450 = tpu.memref_slice %arg5[%run_scoped3A_351, %dma_wait3A_449] : memref<2x88xi32, #tpu.memory_space<vmem>> -> memref<1x88xi32, #tpu.memory_space<vmem>>
          %dma_wait3A_451 = tpu.memref_squeeze %dma_wait3A_450 : memref<1x88xi32, #tpu.memory_space<vmem>> -> memref<88xi32, #tpu.memory_space<vmem>>
          %dma_wait3A_452 = arith.constant 0 : i32
          %dma_wait3A_453 = arith.constant 0 : i32
          %dma_wait3A_454 = tpu.memref_slice %arg17[%dma_wait3A_452, %dma_wait3A_453] : memref<10240x128xf32, #tpu.memory_space<vmem_shared>> -> memref<10240x128xf32, #tpu.memory_space<vmem_shared>>
          tpu.wait_indirect_dma semaphore(%run_scoped3A_442 : memref<!tpu.dma_semaphore, #tpu.memory_space<semaphore_mem>>) src(%arg15 : memref<88x128xf32, #tpu.memory_space<vmem>>) dst(%dma_wait3A_454 : memref<10240x128xf32, #tpu.memory_space<vmem_shared>>)
          tpu.yield
        }) : () -> ()
        %mul3A_352 = arith.constant 12 : i32
        %mul3A_353 = arith.muli %scan3A_84, %mul3A_352 : i32
        %add3A_354 = arith.constant 9 : i32
        %add3A_355 = arith.addi %mul3A_353, %add3A_354 : i32
        %dma_wait3A_356 = arith.constant 0 : i32
        %dma_wait3A_357 = arith.constant 0 : i32
        %dma_wait3A_358 = tpu.memref_slice %arg6[%dma_wait3A_356, %dma_wait3A_357] : memref<2x88xi32, #tpu.memory_space<vmem>> -> memref<1x88xi32, #tpu.memory_space<vmem>>
        %dma_wait3A_359 = tpu.memref_squeeze %dma_wait3A_358 : memref<1x88xi32, #tpu.memory_space<vmem>> -> memref<88xi32, #tpu.memory_space<vmem>>
        %dma_wait3A_360 = arith.constant 0 : i32
        %dma_wait3A_361 = arith.constant 0 : i32
        %dma_wait3A_362 = tpu.memref_slice %arg2[%dma_wait3A_360, %dma_wait3A_361] : memref<10000x128xf32, #tpu.memory_space<hbm>> -> memref<10000x128xf32, #tpu.memory_space<hbm>>
        tpu.wait_indirect_dma semaphore(%arg23 : memref<!tpu.dma_semaphore, #tpu.memory_space<semaphore_mem>>) src(%dma_wait3A_362 : memref<10000x128xf32, #tpu.memory_space<hbm>>) dst(%arg13 : memref<88x128xf32, #tpu.memory_space<vmem>>)
        %add3A_363 = arith.constant 3 : i32
        %add3A_364 = arith.addi %add3A_355, %add3A_363 : i32
        %sub3A_365 = arith.constant 1 : i32
        %sub3A_366 = arith.subi %add3A_364, %sub3A_365 : i32
        %lt3A_367 = arith.constant 228 : i32
        %lt3A_368 = arith.cmpi slt, %sub3A_366, %lt3A_367 : i32
        %convert_element_type3A_369 = arith.extui %lt3A_368 : i1 to i32
        %cond3A_370 = arith.constant 0 : i32
        %cond3A_371 = arith.cmpi ne, %convert_element_type3A_369, %cond3A_370 : i32
        scf.if %cond3A_371 {
          %add3A_442 = arith.constant 3 : i32
          %add3A_443 = arith.addi %add3A_355, %add3A_442 : i32
          %sub3A_444 = arith.constant 1 : i32
          %sub3A_445 = arith.subi %add3A_443, %sub3A_444 : i32
          %add3A_446 = arith.addi %mul3A_0, %sub3A_445 : i32
          %mul3A_447 = arith.constant 88 : i32
          %mul3A_448 = arith.muli %add3A_446, %mul3A_447 : i32
          %dma_wait3A_449 = arith.constant 0 : i32
          %dma_wait3A_450 = tpu.memref_slice %arg3[%dma_wait3A_449, %mul3A_448] : memref<2x321024xi32, #tpu.memory_space<hbm>> -> memref<2x88xi32, #tpu.memory_space<hbm>>
          %dma_wait3A_451 = arith.constant 0 : i32
          %dma_wait3A_452 = tpu.memref_slice %arg3[%dma_wait3A_451, %mul3A_448] : memref<2x321024xi32, #tpu.memory_space<hbm>> -> memref<2x88xi32, #tpu.memory_space<hbm>>
          tpu.wait_dma2 semaphore(%arg22 : memref<!tpu.dma_semaphore, #tpu.memory_space<semaphore_mem>>) src(%dma_wait3A_452 : memref<2x88xi32, #tpu.memory_space<hbm>>) dst(%arg8 : memref<2x88xi32, #tpu.memory_space<vmem>>)
          %dma_start3A_453 = arith.constant 0 : i32
          %dma_start3A_454 = arith.constant 0 : i32
          %dma_start3A_455 = tpu.memref_slice %arg8[%dma_start3A_453, %dma_start3A_454] : memref<2x88xi32, #tpu.memory_space<vmem>> -> memref<1x88xi32, #tpu.memory_space<vmem>>
          %dma_start3A_456 = tpu.memref_squeeze %dma_start3A_455 : memref<1x88xi32, #tpu.memory_space<vmem>> -> memref<88xi32, #tpu.memory_space<vmem>>
          %dma_start3A_457 = arith.constant 0 : i32
          %dma_start3A_458 = arith.constant 0 : i32
          %dma_start3A_459 = tpu.memref_slice %arg2[%dma_start3A_457, %dma_start3A_458] : memref<10000x128xf32, #tpu.memory_space<hbm>> -> memref<10000x128xf32, #tpu.memory_space<hbm>>
          tpu.enqueue_indirect_dma source(%dma_start3A_459 : memref<10000x128xf32, #tpu.memory_space<hbm>>) target(%arg15 : memref<88x128xf32, #tpu.memory_space<vmem>>) offsets(%dma_start3A_456 : memref<88xi32, #tpu.memory_space<vmem>>) semaphore(%arg25 : memref<!tpu.dma_semaphore, #tpu.memory_space<semaphore_mem>>)
        } else {
        }
        %add3A_372 = arith.constant 4 : i32
        %add3A_373 = arith.addi %add3A_355, %add3A_372 : i32
        %sub3A_374 = arith.constant 1 : i32
        %sub3A_375 = arith.subi %add3A_373, %sub3A_374 : i32
        %lt3A_376 = arith.constant 228 : i32
        %lt3A_377 = arith.cmpi slt, %sub3A_375, %lt3A_376 : i32
        %convert_element_type3A_378 = arith.extui %lt3A_377 : i1 to i32
        %cond3A_379 = arith.constant 0 : i32
        %cond3A_380 = arith.cmpi ne, %convert_element_type3A_378, %cond3A_379 : i32
        scf.if %cond3A_380 {
          %add3A_442 = arith.constant 4 : i32
          %add3A_443 = arith.addi %add3A_355, %add3A_442 : i32
          %sub3A_444 = arith.constant 1 : i32
          %sub3A_445 = arith.subi %add3A_443, %sub3A_444 : i32
          %add3A_446 = arith.addi %mul3A_0, %sub3A_445 : i32
          %mul3A_447 = arith.constant 88 : i32
          %mul3A_448 = arith.muli %add3A_446, %mul3A_447 : i32
          %dma_start3A_449 = arith.constant 0 : i32
          %dma_start3A_450 = tpu.memref_slice %arg3[%dma_start3A_449, %mul3A_448] : memref<2x321024xi32, #tpu.memory_space<hbm>> -> memref<2x88xi32, #tpu.memory_space<hbm>>
          %dma_start3A_451 = arith.constant 0 : i32
          %dma_start3A_452 = tpu.memref_slice %arg3[%dma_start3A_451, %mul3A_448] : memref<2x321024xi32, #tpu.memory_space<hbm>> -> memref<2x88xi32, #tpu.memory_space<hbm>>
          tpu.enqueue_dma source(%dma_start3A_452 : memref<2x88xi32, #tpu.memory_space<hbm>>) target(%arg5 : memref<2x88xi32, #tpu.memory_space<vmem>>) target_semaphore(%arg19 : memref<!tpu.dma_semaphore, #tpu.memory_space<semaphore_mem>>)
        } else {
        }
        %run_scoped3A_381 = arith.constant 1 : i32
        "tpu.region"() ({
          %run_scoped3A_442 = tpu.sem_alloc : memref<!tpu.dma_semaphore, #tpu.memory_space<semaphore_mem>>
          %dma_start3A_443 = arith.constant 0 : i32
          %dma_start3A_444 = tpu.memref_slice %arg6[%run_scoped3A_381, %dma_start3A_443] : memref<2x88xi32, #tpu.memory_space<vmem>> -> memref<1x88xi32, #tpu.memory_space<vmem>>
          %dma_start3A_445 = tpu.memref_squeeze %dma_start3A_444 : memref<1x88xi32, #tpu.memory_space<vmem>> -> memref<88xi32, #tpu.memory_space<vmem>>
          %dma_start3A_446 = arith.constant 0 : i32
          %dma_start3A_447 = arith.constant 0 : i32
          %dma_start3A_448 = tpu.memref_slice %arg17[%dma_start3A_446, %dma_start3A_447] : memref<10240x128xf32, #tpu.memory_space<vmem_shared>> -> memref<10240x128xf32, #tpu.memory_space<vmem_shared>>
          tpu.enqueue_indirect_dma source(%arg13 : memref<88x128xf32, #tpu.memory_space<vmem>>) target(%dma_start3A_448 : memref<10240x128xf32, #tpu.memory_space<vmem_shared>>) offsets(%dma_start3A_445 : memref<88xi32, #tpu.memory_space<vmem>>) semaphore(%run_scoped3A_442 : memref<!tpu.dma_semaphore, #tpu.memory_space<semaphore_mem>>) {add = true}
          %dma_wait3A_449 = arith.constant 0 : i32
          %dma_wait3A_450 = tpu.memref_slice %arg6[%run_scoped3A_381, %dma_wait3A_449] : memref<2x88xi32, #tpu.memory_space<vmem>> -> memref<1x88xi32, #tpu.memory_space<vmem>>
          %dma_wait3A_451 = tpu.memref_squeeze %dma_wait3A_450 : memref<1x88xi32, #tpu.memory_space<vmem>> -> memref<88xi32, #tpu.memory_space<vmem>>
          %dma_wait3A_452 = arith.constant 0 : i32
          %dma_wait3A_453 = arith.constant 0 : i32
          %dma_wait3A_454 = tpu.memref_slice %arg17[%dma_wait3A_452, %dma_wait3A_453] : memref<10240x128xf32, #tpu.memory_space<vmem_shared>> -> memref<10240x128xf32, #tpu.memory_space<vmem_shared>>
          tpu.wait_indirect_dma semaphore(%run_scoped3A_442 : memref<!tpu.dma_semaphore, #tpu.memory_space<semaphore_mem>>) src(%arg13 : memref<88x128xf32, #tpu.memory_space<vmem>>) dst(%dma_wait3A_454 : memref<10240x128xf32, #tpu.memory_space<vmem_shared>>)
          tpu.yield
        }) : () -> ()
        %mul3A_382 = arith.constant 12 : i32
        %mul3A_383 = arith.muli %scan3A_84, %mul3A_382 : i32
        %add3A_384 = arith.constant 10 : i32
        %add3A_385 = arith.addi %mul3A_383, %add3A_384 : i32
        %dma_wait3A_386 = arith.constant 0 : i32
        %dma_wait3A_387 = arith.constant 0 : i32
        %dma_wait3A_388 = tpu.memref_slice %arg7[%dma_wait3A_386, %dma_wait3A_387] : memref<2x88xi32, #tpu.memory_space<vmem>> -> memref<1x88xi32, #tpu.memory_space<vmem>>
        %dma_wait3A_389 = tpu.memref_squeeze %dma_wait3A_388 : memref<1x88xi32, #tpu.memory_space<vmem>> -> memref<88xi32, #tpu.memory_space<vmem>>
        %dma_wait3A_390 = arith.constant 0 : i32
        %dma_wait3A_391 = arith.constant 0 : i32
        %dma_wait3A_392 = tpu.memref_slice %arg2[%dma_wait3A_390, %dma_wait3A_391] : memref<10000x128xf32, #tpu.memory_space<hbm>> -> memref<10000x128xf32, #tpu.memory_space<hbm>>
        tpu.wait_indirect_dma semaphore(%arg24 : memref<!tpu.dma_semaphore, #tpu.memory_space<semaphore_mem>>) src(%dma_wait3A_392 : memref<10000x128xf32, #tpu.memory_space<hbm>>) dst(%arg14 : memref<88x128xf32, #tpu.memory_space<vmem>>)
        %add3A_393 = arith.constant 3 : i32
        %add3A_394 = arith.addi %add3A_385, %add3A_393 : i32
        %sub3A_395 = arith.constant 1 : i32
        %sub3A_396 = arith.subi %add3A_394, %sub3A_395 : i32
        %lt3A_397 = arith.constant 228 : i32
        %lt3A_398 = arith.cmpi slt, %sub3A_396, %lt3A_397 : i32
        %convert_element_type3A_399 = arith.extui %lt3A_398 : i1 to i32
        %cond3A_400 = arith.constant 0 : i32
        %cond3A_401 = arith.cmpi ne, %convert_element_type3A_399, %cond3A_400 : i32
        scf.if %cond3A_401 {
          %add3A_442 = arith.constant 3 : i32
          %add3A_443 = arith.addi %add3A_385, %add3A_442 : i32
          %sub3A_444 = arith.constant 1 : i32
          %sub3A_445 = arith.subi %add3A_443, %sub3A_444 : i32
          %add3A_446 = arith.addi %mul3A_0, %sub3A_445 : i32
          %mul3A_447 = arith.constant 88 : i32
          %mul3A_448 = arith.muli %add3A_446, %mul3A_447 : i32
          %dma_wait3A_449 = arith.constant 0 : i32
          %dma_wait3A_450 = tpu.memref_slice %arg3[%dma_wait3A_449, %mul3A_448] : memref<2x321024xi32, #tpu.memory_space<hbm>> -> memref<2x88xi32, #tpu.memory_space<hbm>>
          %dma_wait3A_451 = arith.constant 0 : i32
          %dma_wait3A_452 = tpu.memref_slice %arg3[%dma_wait3A_451, %mul3A_448] : memref<2x321024xi32, #tpu.memory_space<hbm>> -> memref<2x88xi32, #tpu.memory_space<hbm>>
          tpu.wait_dma2 semaphore(%arg19 : memref<!tpu.dma_semaphore, #tpu.memory_space<semaphore_mem>>) src(%dma_wait3A_452 : memref<2x88xi32, #tpu.memory_space<hbm>>) dst(%arg5 : memref<2x88xi32, #tpu.memory_space<vmem>>)
          %dma_start3A_453 = arith.constant 0 : i32
          %dma_start3A_454 = arith.constant 0 : i32
          %dma_start3A_455 = tpu.memref_slice %arg5[%dma_start3A_453, %dma_start3A_454] : memref<2x88xi32, #tpu.memory_space<vmem>> -> memref<1x88xi32, #tpu.memory_space<vmem>>
          %dma_start3A_456 = tpu.memref_squeeze %dma_start3A_455 : memref<1x88xi32, #tpu.memory_space<vmem>> -> memref<88xi32, #tpu.memory_space<vmem>>
          %dma_start3A_457 = arith.constant 0 : i32
          %dma_start3A_458 = arith.constant 0 : i32
          %dma_start3A_459 = tpu.memref_slice %arg2[%dma_start3A_457, %dma_start3A_458] : memref<10000x128xf32, #tpu.memory_space<hbm>> -> memref<10000x128xf32, #tpu.memory_space<hbm>>
          tpu.enqueue_indirect_dma source(%dma_start3A_459 : memref<10000x128xf32, #tpu.memory_space<hbm>>) target(%arg13 : memref<88x128xf32, #tpu.memory_space<vmem>>) offsets(%dma_start3A_456 : memref<88xi32, #tpu.memory_space<vmem>>) semaphore(%arg23 : memref<!tpu.dma_semaphore, #tpu.memory_space<semaphore_mem>>)
        } else {
        }
        %add3A_402 = arith.constant 4 : i32
        %add3A_403 = arith.addi %add3A_385, %add3A_402 : i32
        %sub3A_404 = arith.constant 1 : i32
        %sub3A_405 = arith.subi %add3A_403, %sub3A_404 : i32
        %lt3A_406 = arith.constant 228 : i32
        %lt3A_407 = arith.cmpi slt, %sub3A_405, %lt3A_406 : i32
        %convert_element_type3A_408 = arith.extui %lt3A_407 : i1 to i32
        %cond3A_409 = arith.constant 0 : i32
        %cond3A_410 = arith.cmpi ne, %convert_element_type3A_408, %cond3A_409 : i32
        scf.if %cond3A_410 {
          %add3A_442 = arith.constant 4 : i32
          %add3A_443 = arith.addi %add3A_385, %add3A_442 : i32
          %sub3A_444 = arith.constant 1 : i32
          %sub3A_445 = arith.subi %add3A_443, %sub3A_444 : i32
          %add3A_446 = arith.addi %mul3A_0, %sub3A_445 : i32
          %mul3A_447 = arith.constant 88 : i32
          %mul3A_448 = arith.muli %add3A_446, %mul3A_447 : i32
          %dma_start3A_449 = arith.constant 0 : i32
          %dma_start3A_450 = tpu.memref_slice %arg3[%dma_start3A_449, %mul3A_448] : memref<2x321024xi32, #tpu.memory_space<hbm>> -> memref<2x88xi32, #tpu.memory_space<hbm>>
          %dma_start3A_451 = arith.constant 0 : i32
          %dma_start3A_452 = tpu.memref_slice %arg3[%dma_start3A_451, %mul3A_448] : memref<2x321024xi32, #tpu.memory_space<hbm>> -> memref<2x88xi32, #tpu.memory_space<hbm>>
          tpu.enqueue_dma source(%dma_start3A_452 : memref<2x88xi32, #tpu.memory_space<hbm>>) target(%arg6 : memref<2x88xi32, #tpu.memory_space<vmem>>) target_semaphore(%arg20 : memref<!tpu.dma_semaphore, #tpu.memory_space<semaphore_mem>>)
        } else {
        }
        %run_scoped3A_411 = arith.constant 1 : i32
        "tpu.region"() ({
          %run_scoped3A_442 = tpu.sem_alloc : memref<!tpu.dma_semaphore, #tpu.memory_space<semaphore_mem>>
          %dma_start3A_443 = arith.constant 0 : i32
          %dma_start3A_444 = tpu.memref_slice %arg7[%run_scoped3A_411, %dma_start3A_443] : memref<2x88xi32, #tpu.memory_space<vmem>> -> memref<1x88xi32, #tpu.memory_space<vmem>>
          %dma_start3A_445 = tpu.memref_squeeze %dma_start3A_444 : memref<1x88xi32, #tpu.memory_space<vmem>> -> memref<88xi32, #tpu.memory_space<vmem>>
          %dma_start3A_446 = arith.constant 0 : i32
          %dma_start3A_447 = arith.constant 0 : i32
          %dma_start3A_448 = tpu.memref_slice %arg17[%dma_start3A_446, %dma_start3A_447] : memref<10240x128xf32, #tpu.memory_space<vmem_shared>> -> memref<10240x128xf32, #tpu.memory_space<vmem_shared>>
          tpu.enqueue_indirect_dma source(%arg14 : memref<88x128xf32, #tpu.memory_space<vmem>>) target(%dma_start3A_448 : memref<10240x128xf32, #tpu.memory_space<vmem_shared>>) offsets(%dma_start3A_445 : memref<88xi32, #tpu.memory_space<vmem>>) semaphore(%run_scoped3A_442 : memref<!tpu.dma_semaphore, #tpu.memory_space<semaphore_mem>>) {add = true}
          %dma_wait3A_449 = arith.constant 0 : i32
          %dma_wait3A_450 = tpu.memref_slice %arg7[%run_scoped3A_411, %dma_wait3A_449] : memref<2x88xi32, #tpu.memory_space<vmem>> -> memref<1x88xi32, #tpu.memory_space<vmem>>
          %dma_wait3A_451 = tpu.memref_squeeze %dma_wait3A_450 : memref<1x88xi32, #tpu.memory_space<vmem>> -> memref<88xi32, #tpu.memory_space<vmem>>
          %dma_wait3A_452 = arith.constant 0 : i32
          %dma_wait3A_453 = arith.constant 0 : i32
          %dma_wait3A_454 = tpu.memref_slice %arg17[%dma_wait3A_452, %dma_wait3A_453] : memref<10240x128xf32, #tpu.memory_space<vmem_shared>> -> memref<10240x128xf32, #tpu.memory_space<vmem_shared>>
          tpu.wait_indirect_dma semaphore(%run_scoped3A_442 : memref<!tpu.dma_semaphore, #tpu.memory_space<semaphore_mem>>) src(%arg14 : memref<88x128xf32, #tpu.memory_space<vmem>>) dst(%dma_wait3A_454 : memref<10240x128xf32, #tpu.memory_space<vmem_shared>>)
          tpu.yield
        }) : () -> ()
        %mul3A_412 = arith.constant 12 : i32
        %mul3A_413 = arith.muli %scan3A_84, %mul3A_412 : i32
        %add3A_414 = arith.constant 11 : i32
        %add3A_415 = arith.addi %mul3A_413, %add3A_414 : i32
        %dma_wait3A_416 = arith.constant 0 : i32
        %dma_wait3A_417 = arith.constant 0 : i32
        %dma_wait3A_418 = tpu.memref_slice %arg8[%dma_wait3A_416, %dma_wait3A_417] : memref<2x88xi32, #tpu.memory_space<vmem>> -> memref<1x88xi32, #tpu.memory_space<vmem>>
        %dma_wait3A_419 = tpu.memref_squeeze %dma_wait3A_418 : memref<1x88xi32, #tpu.memory_space<vmem>> -> memref<88xi32, #tpu.memory_space<vmem>>
        %dma_wait3A_420 = arith.constant 0 : i32
        %dma_wait3A_421 = arith.constant 0 : i32
        %dma_wait3A_422 = tpu.memref_slice %arg2[%dma_wait3A_420, %dma_wait3A_421] : memref<10000x128xf32, #tpu.memory_space<hbm>> -> memref<10000x128xf32, #tpu.memory_space<hbm>>
        tpu.wait_indirect_dma semaphore(%arg25 : memref<!tpu.dma_semaphore, #tpu.memory_space<semaphore_mem>>) src(%dma_wait3A_422 : memref<10000x128xf32, #tpu.memory_space<hbm>>) dst(%arg15 : memref<88x128xf32, #tpu.memory_space<vmem>>)
        %add3A_423 = arith.constant 3 : i32
        %add3A_424 = arith.addi %add3A_415, %add3A_423 : i32
        %sub3A_425 = arith.constant 1 : i32
        %sub3A_426 = arith.subi %add3A_424, %sub3A_425 : i32
        %lt3A_427 = arith.constant 228 : i32
        %lt3A_428 = arith.cmpi slt, %sub3A_426, %lt3A_427 : i32
        %convert_element_type3A_429 = arith.extui %lt3A_428 : i1 to i32
        %cond3A_430 = arith.constant 0 : i32
        %cond3A_431 = arith.cmpi ne, %convert_element_type3A_429, %cond3A_430 : i32
        scf.if %cond3A_431 {
          %add3A_442 = arith.constant 3 : i32
          %add3A_443 = arith.addi %add3A_415, %add3A_442 : i32
          %sub3A_444 = arith.constant 1 : i32
          %sub3A_445 = arith.subi %add3A_443, %sub3A_444 : i32
          %add3A_446 = arith.addi %mul3A_0, %sub3A_445 : i32
          %mul3A_447 = arith.constant 88 : i32
          %mul3A_448 = arith.muli %add3A_446, %mul3A_447 : i32
          %dma_wait3A_449 = arith.constant 0 : i32
          %dma_wait3A_450 = tpu.memref_slice %arg3[%dma_wait3A_449, %mul3A_448] : memref<2x321024xi32, #tpu.memory_space<hbm>> -> memref<2x88xi32, #tpu.memory_space<hbm>>
          %dma_wait3A_451 = arith.constant 0 : i32
          %dma_wait3A_452 = tpu.memref_slice %arg3[%dma_wait3A_451, %mul3A_448] : memref<2x321024xi32, #tpu.memory_space<hbm>> -> memref<2x88xi32, #tpu.memory_space<hbm>>
          tpu.wait_dma2 semaphore(%arg20 : memref<!tpu.dma_semaphore, #tpu.memory_space<semaphore_mem>>) src(%dma_wait3A_452 : memref<2x88xi32, #tpu.memory_space<hbm>>) dst(%arg6 : memref<2x88xi32, #tpu.memory_space<vmem>>)
          %dma_start3A_453 = arith.constant 0 : i32
          %dma_start3A_454 = arith.constant 0 : i32
          %dma_start3A_455 = tpu.memref_slice %arg6[%dma_start3A_453, %dma_start3A_454] : memref<2x88xi32, #tpu.memory_space<vmem>> -> memref<1x88xi32, #tpu.memory_space<vmem>>
          %dma_start3A_456 = tpu.memref_squeeze %dma_start3A_455 : memref<1x88xi32, #tpu.memory_space<vmem>> -> memref<88xi32, #tpu.memory_space<vmem>>
          %dma_start3A_457 = arith.constant 0 : i32
          %dma_start3A_458 = arith.constant 0 : i32
          %dma_start3A_459 = tpu.memref_slice %arg2[%dma_start3A_457, %dma_start3A_458] : memref<10000x128xf32, #tpu.memory_space<hbm>> -> memref<10000x128xf32, #tpu.memory_space<hbm>>
          tpu.enqueue_indirect_dma source(%dma_start3A_459 : memref<10000x128xf32, #tpu.memory_space<hbm>>) target(%arg14 : memref<88x128xf32, #tpu.memory_space<vmem>>) offsets(%dma_start3A_456 : memref<88xi32, #tpu.memory_space<vmem>>) semaphore(%arg24 : memref<!tpu.dma_semaphore, #tpu.memory_space<semaphore_mem>>)
        } else {
        }
        %add3A_432 = arith.constant 4 : i32
        %add3A_433 = arith.addi %add3A_415, %add3A_432 : i32
        %sub3A_434 = arith.constant 1 : i32
        %sub3A_435 = arith.subi %add3A_433, %sub3A_434 : i32
        %lt3A_436 = arith.constant 228 : i32
        %lt3A_437 = arith.cmpi slt, %sub3A_435, %lt3A_436 : i32
        %convert_element_type3A_438 = arith.extui %lt3A_437 : i1 to i32
        %cond3A_439 = arith.constant 0 : i32
        %cond3A_440 = arith.cmpi ne, %convert_element_type3A_438, %cond3A_439 : i32
        scf.if %cond3A_440 {
          %add3A_442 = arith.constant 4 : i32
          %add3A_443 = arith.addi %add3A_415, %add3A_442 : i32
          %sub3A_444 = arith.constant 1 : i32
          %sub3A_445 = arith.subi %add3A_443, %sub3A_444 : i32
          %add3A_446 = arith.addi %mul3A_0, %sub3A_445 : i32
          %mul3A_447 = arith.constant 88 : i32
          %mul3A_448 = arith.muli %add3A_446, %mul3A_447 : i32
          %dma_start3A_449 = arith.constant 0 : i32
          %dma_start3A_450 = tpu.memref_slice %arg3[%dma_start3A_449, %mul3A_448] : memref<2x321024xi32, #tpu.memory_space<hbm>> -> memref<2x88xi32, #tpu.memory_space<hbm>>
          %dma_start3A_451 = arith.constant 0 : i32
          %dma_start3A_452 = tpu.memref_slice %arg3[%dma_start3A_451, %mul3A_448] : memref<2x321024xi32, #tpu.memory_space<hbm>> -> memref<2x88xi32, #tpu.memory_space<hbm>>
          tpu.enqueue_dma source(%dma_start3A_452 : memref<2x88xi32, #tpu.memory_space<hbm>>) target(%arg7 : memref<2x88xi32, #tpu.memory_space<vmem>>) target_semaphore(%arg21 : memref<!tpu.dma_semaphore, #tpu.memory_space<semaphore_mem>>)
        } else {
        }
        %run_scoped3A_441 = arith.constant 1 : i32
        "tpu.region"() ({
          %run_scoped3A_442 = tpu.sem_alloc : memref<!tpu.dma_semaphore, #tpu.memory_space<semaphore_mem>>
          %dma_start3A_443 = arith.constant 0 : i32
          %dma_start3A_444 = tpu.memref_slice %arg8[%run_scoped3A_441, %dma_start3A_443] : memref<2x88xi32, #tpu.memory_space<vmem>> -> memref<1x88xi32, #tpu.memory_space<vmem>>
          %dma_start3A_445 = tpu.memref_squeeze %dma_start3A_444 : memref<1x88xi32, #tpu.memory_space<vmem>> -> memref<88xi32, #tpu.memory_space<vmem>>
          %dma_start3A_446 = arith.constant 0 : i32
          %dma_start3A_447 = arith.constant 0 : i32
          %dma_start3A_448 = tpu.memref_slice %arg17[%dma_start3A_446, %dma_start3A_447] : memref<10240x128xf32, #tpu.memory_space<vmem_shared>> -> memref<10240x128xf32, #tpu.memory_space<vmem_shared>>
          tpu.enqueue_indirect_dma source(%arg15 : memref<88x128xf32, #tpu.memory_space<vmem>>) target(%dma_start3A_448 : memref<10240x128xf32, #tpu.memory_space<vmem_shared>>) offsets(%dma_start3A_445 : memref<88xi32, #tpu.memory_space<vmem>>) semaphore(%run_scoped3A_442 : memref<!tpu.dma_semaphore, #tpu.memory_space<semaphore_mem>>) {add = true}
          %dma_wait3A_449 = arith.constant 0 : i32
          %dma_wait3A_450 = tpu.memref_slice %arg8[%run_scoped3A_441, %dma_wait3A_449] : memref<2x88xi32, #tpu.memory_space<vmem>> -> memref<1x88xi32, #tpu.memory_space<vmem>>
          %dma_wait3A_451 = tpu.memref_squeeze %dma_wait3A_450 : memref<1x88xi32, #tpu.memory_space<vmem>> -> memref<88xi32, #tpu.memory_space<vmem>>
          %dma_wait3A_452 = arith.constant 0 : i32
          %dma_wait3A_453 = arith.constant 0 : i32
          %dma_wait3A_454 = tpu.memref_slice %arg17[%dma_wait3A_452, %dma_wait3A_453] : memref<10240x128xf32, #tpu.memory_space<vmem_shared>> -> memref<10240x128xf32, #tpu.memory_space<vmem_shared>>
          tpu.wait_indirect_dma semaphore(%run_scoped3A_442 : memref<!tpu.dma_semaphore, #tpu.memory_space<semaphore_mem>>) src(%arg15 : memref<88x128xf32, #tpu.memory_space<vmem>>) dst(%dma_wait3A_454 : memref<10240x128xf32, #tpu.memory_space<vmem_shared>>)
          tpu.yield
        }) : () -> ()
      }
      %scan3A_82 = arith.constant 19 : i32
      %barrier3A_83 = arith.constant 0 : index
      tpu.barrier barrier_id(%barrier3A_83)
      "tpu.region"() ({
        %run_scoped3A = tpu.sem_alloc : memref<!tpu.dma_semaphore, #tpu.memory_space<semaphore_mem>>
        %dma_start3A_84 = arith.constant 0 : i32
        %dma_start3A_85 = tpu.memref_slice %arg4[%mul3A_2, %dma_start3A_84] : memref<10240x128xf32, #tpu.memory_space<hbm>> -> memref<640x128xf32, #tpu.memory_space<hbm>>
        %dma_start3A_86 = arith.constant 0 : i32
        %dma_start3A_87 = tpu.memref_slice %arg17[%mul3A_2, %dma_start3A_86] : memref<10240x128xf32, #tpu.memory_space<vmem_shared>> -> memref<640x128xf32, #tpu.memory_space<vmem_shared>>
        tpu.enqueue_dma source(%dma_start3A_87 : memref<640x128xf32, #tpu.memory_space<vmem_shared>>) target(%dma_start3A_85 : memref<640x128xf32, #tpu.memory_space<hbm>>) target_semaphore(%run_scoped3A : memref<!tpu.dma_semaphore, #tpu.memory_space<semaphore_mem>>)
        %dma_wait3A_88 = arith.constant 0 : i32
        %dma_wait3A_89 = tpu.memref_slice %arg4[%mul3A_2, %dma_wait3A_88] : memref<10240x128xf32, #tpu.memory_space<hbm>> -> memref<640x128xf32, #tpu.memory_space<hbm>>
        %dma_wait3A_90 = arith.constant 0 : i32
        %dma_wait3A_91 = tpu.memref_slice %arg17[%mul3A_2, %dma_wait3A_90] : memref<10240x128xf32, #tpu.memory_space<vmem_shared>> -> memref<640x128xf32, #tpu.memory_space<vmem_shared>>
        tpu.wait_dma2 semaphore(%run_scoped3A : memref<!tpu.dma_semaphore, #tpu.memory_space<semaphore_mem>>) src(%dma_wait3A_91 : memref<640x128xf32, #tpu.memory_space<vmem_shared>>) dst(%dma_wait3A_89 : memref<640x128xf32, #tpu.memory_space<hbm>>)
        tpu.yield
      }) : () -> ()
    } else {
    }
    return
  }
}

#map = affine_map<(d0, d1) -> (0, 0)>
module attributes {stable_mosaic.version = 14 : i64} {
  func.func @body(%arg0: i32, %arg1: i32, %arg2: memref<10000x128xf32, #tpu.memory_space<hbm>>, %arg3: memref<2x321024xi32, #tpu.memory_space<hbm>>, %arg4: memref<10240x128xf32, #tpu.memory_space<hbm>>, %arg5: memref<10240x16xf32, #tpu.memory_space<hbm>>, %arg6: memref<2x88xi32, #tpu.memory_space<vmem>>, %arg7: memref<2x88xi32, #tpu.memory_space<vmem>>, %arg8: memref<2x88xi32, #tpu.memory_space<vmem>>, %arg9: memref<2x88xi32, #tpu.memory_space<vmem>>, %arg10: memref<1x88xi32, #tpu.memory_space<vmem>>, %arg11: memref<1x88xi32, #tpu.memory_space<vmem>>, %arg12: memref<1x88xi32, #tpu.memory_space<vmem>>, %arg13: memref<1x88xi32, #tpu.memory_space<vmem>>, %arg14: memref<88x128xf32, #tpu.memory_space<vmem>>, %arg15: memref<88x128xf32, #tpu.memory_space<vmem>>, %arg16: memref<88x128xf32, #tpu.memory_space<vmem>>, %arg17: memref<88x16xf32, #tpu.memory_space<vmem>>, %arg18: memref<10240x128xf32, #tpu.memory_space<vmem_shared>>, %arg19: memref<10240x16xf32, #tpu.memory_space<vmem_shared>>, %arg20: memref<!tpu.dma_semaphore, #tpu.memory_space<semaphore_mem>>, %arg21: memref<!tpu.dma_semaphore, #tpu.memory_space<semaphore_mem>>, %arg22: memref<!tpu.dma_semaphore, #tpu.memory_space<semaphore_mem>>, %arg23: memref<!tpu.dma_semaphore, #tpu.memory_space<semaphore_mem>>, %arg24: memref<!tpu.dma_semaphore, #tpu.memory_space<semaphore_mem>>, %arg25: memref<!tpu.dma_semaphore, #tpu.memory_space<semaphore_mem>>, %arg26: memref<!tpu.dma_semaphore, #tpu.memory_space<semaphore_mem>>) attributes {dimension_semantics = [#tpu.dimension_semantics<core_parallel>, #tpu.dimension_semantics<subcore_parallel>], iteration_bounds = array<i64: 2, 16>, scalar_prefetch = 0 : i64, scratch_operands = 21 : i64, tpu.core_type = #tpu.core_type<sc_vector_subcore>, window_params = [{transform_indices = #map}, {transform_indices = #map}, {transform_indices = #map}, {transform_indices = #map}]} {
    %mul3A = arith.constant 228 : i32
    %mul3A_0 = arith.muli %arg1, %mul3A : i32
    %mul3A_1 = arith.constant 640 : i32
    %mul3A_2 = arith.muli %arg1, %mul3A_1 : i32
    %eq3A = arith.constant 0 : i32
    %eq3A_3 = arith.cmpi eq, %arg0, %eq3A : i32
    %convert_element_type3A = arith.extui %eq3A_3 : i1 to i32
    %cond3A = arith.constant 0 : i32
    %cond3A_4 = arith.cmpi ne, %convert_element_type3A, %cond3A : i32
    scf.if %cond3A_4 {
      %scan3A = arith.constant 0 : i32
      %scan3A_10 = arith.constant 0 : i32
      %scan3A_11 = arith.constant 88 : i32
      %scan3A_12 = arith.addi %scan3A_10, %scan3A_11 : i32
      %scan3A_13 = arith.constant 1 : i32
      scf.for %scan3A_89 = %scan3A_10 to %scan3A_12 step %scan3A_13  : i32 {
        %broadcast_in_dim3A = arith.constant 0.000000e+00 : f32
        %broadcast_in_dim3A_90 = vector.broadcast %broadcast_in_dim3A : f32 to vector<16xf32>
        %swap3A = arith.index_cast %scan3A_89 : i32 to index
        %swap3A_91 = arith.constant 0 : index
        %swap3A_92 = tpu.vector_load %arg14[%swap3A, %swap3A_91] {strides = array<i32>} : memref<88x128xf32, #tpu.memory_space<vmem>>, vector<1x16xf32>,
        %swap3A_93 = vector.shape_cast %swap3A_92 : vector<1x16xf32> to vector<16xf32>
        %swap3A_94 = vector.shape_cast %broadcast_in_dim3A_90 : vector<16xf32> to vector<1x16xf32>
        tpu.vector_store %arg14[%swap3A, %swap3A_91], %swap3A_94 {strides = array<i32>} : memref<88x128xf32, #tpu.memory_space<vmem>>, vector<1x16xf32>,
        %broadcast_in_dim3A_95 = arith.constant 0.000000e+00 : f32
        %broadcast_in_dim3A_96 = vector.broadcast %broadcast_in_dim3A_95 : f32 to vector<16xf32>
        %swap3A_97 = arith.index_cast %scan3A_89 : i32 to index
        %swap3A_98 = arith.constant 16 : index
        %swap3A_99 = tpu.vector_load %arg14[%swap3A_97, %swap3A_98] {strides = array<i32>} : memref<88x128xf32, #tpu.memory_space<vmem>>, vector<1x16xf32>,
        %swap3A_100 = vector.shape_cast %swap3A_99 : vector<1x16xf32> to vector<16xf32>
        %swap3A_101 = vector.shape_cast %broadcast_in_dim3A_96 : vector<16xf32> to vector<1x16xf32>
        tpu.vector_store %arg14[%swap3A_97, %swap3A_98], %swap3A_101 {strides = array<i32>} : memref<88x128xf32, #tpu.memory_space<vmem>>, vector<1x16xf32>,
        %broadcast_in_dim3A_102 = arith.constant 0.000000e+00 : f32
        %broadcast_in_dim3A_103 = vector.broadcast %broadcast_in_dim3A_102 : f32 to vector<16xf32>
        %swap3A_104 = arith.index_cast %scan3A_89 : i32 to index
        %swap3A_105 = arith.constant 32 : index
        %swap3A_106 = tpu.vector_load %arg14[%swap3A_104, %swap3A_105] {strides = array<i32>} : memref<88x128xf32, #tpu.memory_space<vmem>>, vector<1x16xf32>,
        %swap3A_107 = vector.shape_cast %swap3A_106 : vector<1x16xf32> to vector<16xf32>
        %swap3A_108 = vector.shape_cast %broadcast_in_dim3A_103 : vector<16xf32> to vector<1x16xf32>
        tpu.vector_store %arg14[%swap3A_104, %swap3A_105], %swap3A_108 {strides = array<i32>} : memref<88x128xf32, #tpu.memory_space<vmem>>, vector<1x16xf32>,
        %broadcast_in_dim3A_109 = arith.constant 0.000000e+00 : f32
        %broadcast_in_dim3A_110 = vector.broadcast %broadcast_in_dim3A_109 : f32 to vector<16xf32>
        %swap3A_111 = arith.index_cast %scan3A_89 : i32 to index
        %swap3A_112 = arith.constant 48 : index
        %swap3A_113 = tpu.vector_load %arg14[%swap3A_111, %swap3A_112] {strides = array<i32>} : memref<88x128xf32, #tpu.memory_space<vmem>>, vector<1x16xf32>,
        %swap3A_114 = vector.shape_cast %swap3A_113 : vector<1x16xf32> to vector<16xf32>
        %swap3A_115 = vector.shape_cast %broadcast_in_dim3A_110 : vector<16xf32> to vector<1x16xf32>
        tpu.vector_store %arg14[%swap3A_111, %swap3A_112], %swap3A_115 {strides = array<i32>} : memref<88x128xf32, #tpu.memory_space<vmem>>, vector<1x16xf32>,
        %broadcast_in_dim3A_116 = arith.constant 0.000000e+00 : f32
        %broadcast_in_dim3A_117 = vector.broadcast %broadcast_in_dim3A_116 : f32 to vector<16xf32>
        %swap3A_118 = arith.index_cast %scan3A_89 : i32 to index
        %swap3A_119 = arith.constant 64 : index
        %swap3A_120 = tpu.vector_load %arg14[%swap3A_118, %swap3A_119] {strides = array<i32>} : memref<88x128xf32, #tpu.memory_space<vmem>>, vector<1x16xf32>,
        %swap3A_121 = vector.shape_cast %swap3A_120 : vector<1x16xf32> to vector<16xf32>
        %swap3A_122 = vector.shape_cast %broadcast_in_dim3A_117 : vector<16xf32> to vector<1x16xf32>
        tpu.vector_store %arg14[%swap3A_118, %swap3A_119], %swap3A_122 {strides = array<i32>} : memref<88x128xf32, #tpu.memory_space<vmem>>, vector<1x16xf32>,
        %broadcast_in_dim3A_123 = arith.constant 0.000000e+00 : f32
        %broadcast_in_dim3A_124 = vector.broadcast %broadcast_in_dim3A_123 : f32 to vector<16xf32>
        %swap3A_125 = arith.index_cast %scan3A_89 : i32 to index
        %swap3A_126 = arith.constant 80 : index
        %swap3A_127 = tpu.vector_load %arg14[%swap3A_125, %swap3A_126] {strides = array<i32>} : memref<88x128xf32, #tpu.memory_space<vmem>>, vector<1x16xf32>,
        %swap3A_128 = vector.shape_cast %swap3A_127 : vector<1x16xf32> to vector<16xf32>
        %swap3A_129 = vector.shape_cast %broadcast_in_dim3A_124 : vector<16xf32> to vector<1x16xf32>
        tpu.vector_store %arg14[%swap3A_125, %swap3A_126], %swap3A_129 {strides = array<i32>} : memref<88x128xf32, #tpu.memory_space<vmem>>, vector<1x16xf32>,
        %broadcast_in_dim3A_130 = arith.constant 0.000000e+00 : f32
        %broadcast_in_dim3A_131 = vector.broadcast %broadcast_in_dim3A_130 : f32 to vector<16xf32>
        %swap3A_132 = arith.index_cast %scan3A_89 : i32 to index
        %swap3A_133 = arith.constant 96 : index
        %swap3A_134 = tpu.vector_load %arg14[%swap3A_132, %swap3A_133] {strides = array<i32>} : memref<88x128xf32, #tpu.memory_space<vmem>>, vector<1x16xf32>,
        %swap3A_135 = vector.shape_cast %swap3A_134 : vector<1x16xf32> to vector<16xf32>
        %swap3A_136 = vector.shape_cast %broadcast_in_dim3A_131 : vector<16xf32> to vector<1x16xf32>
        tpu.vector_store %arg14[%swap3A_132, %swap3A_133], %swap3A_136 {strides = array<i32>} : memref<88x128xf32, #tpu.memory_space<vmem>>, vector<1x16xf32>,
        %broadcast_in_dim3A_137 = arith.constant 0.000000e+00 : f32
        %broadcast_in_dim3A_138 = vector.broadcast %broadcast_in_dim3A_137 : f32 to vector<16xf32>
        %swap3A_139 = arith.index_cast %scan3A_89 : i32 to index
        %swap3A_140 = arith.constant 112 : index
        %swap3A_141 = tpu.vector_load %arg14[%swap3A_139, %swap3A_140] {strides = array<i32>} : memref<88x128xf32, #tpu.memory_space<vmem>>, vector<1x16xf32>,
        %swap3A_142 = vector.shape_cast %swap3A_141 : vector<1x16xf32> to vector<16xf32>
        %swap3A_143 = vector.shape_cast %broadcast_in_dim3A_138 : vector<16xf32> to vector<1x16xf32>
        tpu.vector_store %arg14[%swap3A_139, %swap3A_140], %swap3A_143 {strides = array<i32>} : memref<88x128xf32, #tpu.memory_space<vmem>>, vector<1x16xf32>,
      }
      %scan3A_14 = arith.constant 88 : i32
      %add3A = arith.constant 0 : i32
      %add3A_15 = arith.addi %mul3A_2, %add3A : i32
      "tpu.region"() ({
        %run_scoped3A = tpu.sem_alloc : memref<!tpu.dma_semaphore, #tpu.memory_space<semaphore_mem>>
        %dma_start3A_89 = arith.constant 0 : i32
        %dma_start3A_90 = tpu.memref_slice %arg18[%add3A_15, %dma_start3A_89] : memref<10240x128xf32, #tpu.memory_space<vmem_shared>> -> memref<88x128xf32, #tpu.memory_space<vmem_shared>>
        %dma_start3A_91 = arith.constant 0 : i32
        %dma_start3A_92 = tpu.memref_slice %arg18[%add3A_15, %dma_start3A_91] : memref<10240x128xf32, #tpu.memory_space<vmem_shared>> -> memref<88x128xf32, #tpu.memory_space<vmem_shared>>
        tpu.enqueue_dma source(%arg14 : memref<88x128xf32, #tpu.memory_space<vmem>>) target(%dma_start3A_92 : memref<88x128xf32, #tpu.memory_space<vmem_shared>>) target_semaphore(%run_scoped3A : memref<!tpu.dma_semaphore, #tpu.memory_space<semaphore_mem>>)
        %dma_wait3A_93 = arith.constant 0 : i32
        %dma_wait3A_94 = tpu.memref_slice %arg18[%add3A_15, %dma_wait3A_93] : memref<10240x128xf32, #tpu.memory_space<vmem_shared>> -> memref<88x128xf32, #tpu.memory_space<vmem_shared>>
        %dma_wait3A_95 = arith.constant 0 : i32
        %dma_wait3A_96 = tpu.memref_slice %arg18[%add3A_15, %dma_wait3A_95] : memref<10240x128xf32, #tpu.memory_space<vmem_shared>> -> memref<88x128xf32, #tpu.memory_space<vmem_shared>>
        tpu.wait_dma2 semaphore(%run_scoped3A : memref<!tpu.dma_semaphore, #tpu.memory_space<semaphore_mem>>) src(%arg14 : memref<88x128xf32, #tpu.memory_space<vmem>>) dst(%dma_wait3A_96 : memref<88x128xf32, #tpu.memory_space<vmem_shared>>)
        tpu.yield
      }) : () -> ()
      %add3A_16 = arith.constant 88 : i32
      %add3A_17 = arith.addi %mul3A_2, %add3A_16 : i32
      "tpu.region"() ({
        %run_scoped3A = tpu.sem_alloc : memref<!tpu.dma_semaphore, #tpu.memory_space<semaphore_mem>>
        %dma_start3A_89 = arith.constant 0 : i32
        %dma_start3A_90 = tpu.memref_slice %arg18[%add3A_17, %dma_start3A_89] : memref<10240x128xf32, #tpu.memory_space<vmem_shared>> -> memref<88x128xf32, #tpu.memory_space<vmem_shared>>
        %dma_start3A_91 = arith.constant 0 : i32
        %dma_start3A_92 = tpu.memref_slice %arg18[%add3A_17, %dma_start3A_91] : memref<10240x128xf32, #tpu.memory_space<vmem_shared>> -> memref<88x128xf32, #tpu.memory_space<vmem_shared>>
        tpu.enqueue_dma source(%arg14 : memref<88x128xf32, #tpu.memory_space<vmem>>) target(%dma_start3A_92 : memref<88x128xf32, #tpu.memory_space<vmem_shared>>) target_semaphore(%run_scoped3A : memref<!tpu.dma_semaphore, #tpu.memory_space<semaphore_mem>>)
        %dma_wait3A_93 = arith.constant 0 : i32
        %dma_wait3A_94 = tpu.memref_slice %arg18[%add3A_17, %dma_wait3A_93] : memref<10240x128xf32, #tpu.memory_space<vmem_shared>> -> memref<88x128xf32, #tpu.memory_space<vmem_shared>>
        %dma_wait3A_95 = arith.constant 0 : i32
        %dma_wait3A_96 = tpu.memref_slice %arg18[%add3A_17, %dma_wait3A_95] : memref<10240x128xf32, #tpu.memory_space<vmem_shared>> -> memref<88x128xf32, #tpu.memory_space<vmem_shared>>
        tpu.wait_dma2 semaphore(%run_scoped3A : memref<!tpu.dma_semaphore, #tpu.memory_space<semaphore_mem>>) src(%arg14 : memref<88x128xf32, #tpu.memory_space<vmem>>) dst(%dma_wait3A_96 : memref<88x128xf32, #tpu.memory_space<vmem_shared>>)
        tpu.yield
      }) : () -> ()
      %add3A_18 = arith.constant 176 : i32
      %add3A_19 = arith.addi %mul3A_2, %add3A_18 : i32
      "tpu.region"() ({
        %run_scoped3A = tpu.sem_alloc : memref<!tpu.dma_semaphore, #tpu.memory_space<semaphore_mem>>
        %dma_start3A_89 = arith.constant 0 : i32
        %dma_start3A_90 = tpu.memref_slice %arg18[%add3A_19, %dma_start3A_89] : memref<10240x128xf32, #tpu.memory_space<vmem_shared>> -> memref<88x128xf32, #tpu.memory_space<vmem_shared>>
        %dma_start3A_91 = arith.constant 0 : i32
        %dma_start3A_92 = tpu.memref_slice %arg18[%add3A_19, %dma_start3A_91] : memref<10240x128xf32, #tpu.memory_space<vmem_shared>> -> memref<88x128xf32, #tpu.memory_space<vmem_shared>>
        tpu.enqueue_dma source(%arg14 : memref<88x128xf32, #tpu.memory_space<vmem>>) target(%dma_start3A_92 : memref<88x128xf32, #tpu.memory_space<vmem_shared>>) target_semaphore(%run_scoped3A : memref<!tpu.dma_semaphore, #tpu.memory_space<semaphore_mem>>)
        %dma_wait3A_93 = arith.constant 0 : i32
        %dma_wait3A_94 = tpu.memref_slice %arg18[%add3A_19, %dma_wait3A_93] : memref<10240x128xf32, #tpu.memory_space<vmem_shared>> -> memref<88x128xf32, #tpu.memory_space<vmem_shared>>
        %dma_wait3A_95 = arith.constant 0 : i32
        %dma_wait3A_96 = tpu.memref_slice %arg18[%add3A_19, %dma_wait3A_95] : memref<10240x128xf32, #tpu.memory_space<vmem_shared>> -> memref<88x128xf32, #tpu.memory_space<vmem_shared>>
        tpu.wait_dma2 semaphore(%run_scoped3A : memref<!tpu.dma_semaphore, #tpu.memory_space<semaphore_mem>>) src(%arg14 : memref<88x128xf32, #tpu.memory_space<vmem>>) dst(%dma_wait3A_96 : memref<88x128xf32, #tpu.memory_space<vmem_shared>>)
        tpu.yield
      }) : () -> ()
      %add3A_20 = arith.constant 264 : i32
      %add3A_21 = arith.addi %mul3A_2, %add3A_20 : i32
      "tpu.region"() ({
        %run_scoped3A = tpu.sem_alloc : memref<!tpu.dma_semaphore, #tpu.memory_space<semaphore_mem>>
        %dma_start3A_89 = arith.constant 0 : i32
        %dma_start3A_90 = tpu.memref_slice %arg18[%add3A_21, %dma_start3A_89] : memref<10240x128xf32, #tpu.memory_space<vmem_shared>> -> memref<88x128xf32, #tpu.memory_space<vmem_shared>>
        %dma_start3A_91 = arith.constant 0 : i32
        %dma_start3A_92 = tpu.memref_slice %arg18[%add3A_21, %dma_start3A_91] : memref<10240x128xf32, #tpu.memory_space<vmem_shared>> -> memref<88x128xf32, #tpu.memory_space<vmem_shared>>
        tpu.enqueue_dma source(%arg14 : memref<88x128xf32, #tpu.memory_space<vmem>>) target(%dma_start3A_92 : memref<88x128xf32, #tpu.memory_space<vmem_shared>>) target_semaphore(%run_scoped3A : memref<!tpu.dma_semaphore, #tpu.memory_space<semaphore_mem>>)
        %dma_wait3A_93 = arith.constant 0 : i32
        %dma_wait3A_94 = tpu.memref_slice %arg18[%add3A_21, %dma_wait3A_93] : memref<10240x128xf32, #tpu.memory_space<vmem_shared>> -> memref<88x128xf32, #tpu.memory_space<vmem_shared>>
        %dma_wait3A_95 = arith.constant 0 : i32
        %dma_wait3A_96 = tpu.memref_slice %arg18[%add3A_21, %dma_wait3A_95] : memref<10240x128xf32, #tpu.memory_space<vmem_shared>> -> memref<88x128xf32, #tpu.memory_space<vmem_shared>>
        tpu.wait_dma2 semaphore(%run_scoped3A : memref<!tpu.dma_semaphore, #tpu.memory_space<semaphore_mem>>) src(%arg14 : memref<88x128xf32, #tpu.memory_space<vmem>>) dst(%dma_wait3A_96 : memref<88x128xf32, #tpu.memory_space<vmem_shared>>)
        tpu.yield
      }) : () -> ()
      %add3A_22 = arith.constant 352 : i32
      %add3A_23 = arith.addi %mul3A_2, %add3A_22 : i32
      "tpu.region"() ({
        %run_scoped3A = tpu.sem_alloc : memref<!tpu.dma_semaphore, #tpu.memory_space<semaphore_mem>>
        %dma_start3A_89 = arith.constant 0 : i32
        %dma_start3A_90 = tpu.memref_slice %arg18[%add3A_23, %dma_start3A_89] : memref<10240x128xf32, #tpu.memory_space<vmem_shared>> -> memref<88x128xf32, #tpu.memory_space<vmem_shared>>
        %dma_start3A_91 = arith.constant 0 : i32
        %dma_start3A_92 = tpu.memref_slice %arg18[%add3A_23, %dma_start3A_91] : memref<10240x128xf32, #tpu.memory_space<vmem_shared>> -> memref<88x128xf32, #tpu.memory_space<vmem_shared>>
        tpu.enqueue_dma source(%arg14 : memref<88x128xf32, #tpu.memory_space<vmem>>) target(%dma_start3A_92 : memref<88x128xf32, #tpu.memory_space<vmem_shared>>) target_semaphore(%run_scoped3A : memref<!tpu.dma_semaphore, #tpu.memory_space<semaphore_mem>>)
        %dma_wait3A_93 = arith.constant 0 : i32
        %dma_wait3A_94 = tpu.memref_slice %arg18[%add3A_23, %dma_wait3A_93] : memref<10240x128xf32, #tpu.memory_space<vmem_shared>> -> memref<88x128xf32, #tpu.memory_space<vmem_shared>>
        %dma_wait3A_95 = arith.constant 0 : i32
        %dma_wait3A_96 = tpu.memref_slice %arg18[%add3A_23, %dma_wait3A_95] : memref<10240x128xf32, #tpu.memory_space<vmem_shared>> -> memref<88x128xf32, #tpu.memory_space<vmem_shared>>
        tpu.wait_dma2 semaphore(%run_scoped3A : memref<!tpu.dma_semaphore, #tpu.memory_space<semaphore_mem>>) src(%arg14 : memref<88x128xf32, #tpu.memory_space<vmem>>) dst(%dma_wait3A_96 : memref<88x128xf32, #tpu.memory_space<vmem_shared>>)
        tpu.yield
      }) : () -> ()
      %add3A_24 = arith.constant 440 : i32
      %add3A_25 = arith.addi %mul3A_2, %add3A_24 : i32
      "tpu.region"() ({
        %run_scoped3A = tpu.sem_alloc : memref<!tpu.dma_semaphore, #tpu.memory_space<semaphore_mem>>
        %dma_start3A_89 = arith.constant 0 : i32
        %dma_start3A_90 = tpu.memref_slice %arg18[%add3A_25, %dma_start3A_89] : memref<10240x128xf32, #tpu.memory_space<vmem_shared>> -> memref<88x128xf32, #tpu.memory_space<vmem_shared>>
        %dma_start3A_91 = arith.constant 0 : i32
        %dma_start3A_92 = tpu.memref_slice %arg18[%add3A_25, %dma_start3A_91] : memref<10240x128xf32, #tpu.memory_space<vmem_shared>> -> memref<88x128xf32, #tpu.memory_space<vmem_shared>>
        tpu.enqueue_dma source(%arg14 : memref<88x128xf32, #tpu.memory_space<vmem>>) target(%dma_start3A_92 : memref<88x128xf32, #tpu.memory_space<vmem_shared>>) target_semaphore(%run_scoped3A : memref<!tpu.dma_semaphore, #tpu.memory_space<semaphore_mem>>)
        %dma_wait3A_93 = arith.constant 0 : i32
        %dma_wait3A_94 = tpu.memref_slice %arg18[%add3A_25, %dma_wait3A_93] : memref<10240x128xf32, #tpu.memory_space<vmem_shared>> -> memref<88x128xf32, #tpu.memory_space<vmem_shared>>
        %dma_wait3A_95 = arith.constant 0 : i32
        %dma_wait3A_96 = tpu.memref_slice %arg18[%add3A_25, %dma_wait3A_95] : memref<10240x128xf32, #tpu.memory_space<vmem_shared>> -> memref<88x128xf32, #tpu.memory_space<vmem_shared>>
        tpu.wait_dma2 semaphore(%run_scoped3A : memref<!tpu.dma_semaphore, #tpu.memory_space<semaphore_mem>>) src(%arg14 : memref<88x128xf32, #tpu.memory_space<vmem>>) dst(%dma_wait3A_96 : memref<88x128xf32, #tpu.memory_space<vmem_shared>>)
        tpu.yield
      }) : () -> ()
      %add3A_26 = arith.constant 528 : i32
      %add3A_27 = arith.addi %mul3A_2, %add3A_26 : i32
      "tpu.region"() ({
        %run_scoped3A = tpu.sem_alloc : memref<!tpu.dma_semaphore, #tpu.memory_space<semaphore_mem>>
        %dma_start3A_89 = arith.constant 0 : i32
        %dma_start3A_90 = tpu.memref_slice %arg18[%add3A_27, %dma_start3A_89] : memref<10240x128xf32, #tpu.memory_space<vmem_shared>> -> memref<88x128xf32, #tpu.memory_space<vmem_shared>>
        %dma_start3A_91 = arith.constant 0 : i32
        %dma_start3A_92 = tpu.memref_slice %arg18[%add3A_27, %dma_start3A_91] : memref<10240x128xf32, #tpu.memory_space<vmem_shared>> -> memref<88x128xf32, #tpu.memory_space<vmem_shared>>
        tpu.enqueue_dma source(%arg14 : memref<88x128xf32, #tpu.memory_space<vmem>>) target(%dma_start3A_92 : memref<88x128xf32, #tpu.memory_space<vmem_shared>>) target_semaphore(%run_scoped3A : memref<!tpu.dma_semaphore, #tpu.memory_space<semaphore_mem>>)
        %dma_wait3A_93 = arith.constant 0 : i32
        %dma_wait3A_94 = tpu.memref_slice %arg18[%add3A_27, %dma_wait3A_93] : memref<10240x128xf32, #tpu.memory_space<vmem_shared>> -> memref<88x128xf32, #tpu.memory_space<vmem_shared>>
        %dma_wait3A_95 = arith.constant 0 : i32
        %dma_wait3A_96 = tpu.memref_slice %arg18[%add3A_27, %dma_wait3A_95] : memref<10240x128xf32, #tpu.memory_space<vmem_shared>> -> memref<88x128xf32, #tpu.memory_space<vmem_shared>>
        tpu.wait_dma2 semaphore(%run_scoped3A : memref<!tpu.dma_semaphore, #tpu.memory_space<semaphore_mem>>) src(%arg14 : memref<88x128xf32, #tpu.memory_space<vmem>>) dst(%dma_wait3A_96 : memref<88x128xf32, #tpu.memory_space<vmem_shared>>)
        tpu.yield
      }) : () -> ()
      %add3A_28 = arith.constant 616 : i32
      %add3A_29 = arith.addi %mul3A_2, %add3A_28 : i32
      "tpu.region"() ({
        %run_scoped3A = tpu.sem_alloc : memref<!tpu.dma_semaphore, #tpu.memory_space<semaphore_mem>>
        %dma_start3A_89 = arith.constant 0 : i32
        %dma_start3A_90 = arith.constant 0 : i32
        %dma_start3A_91 = tpu.memref_slice %arg14[%dma_start3A_89, %dma_start3A_90] : memref<88x128xf32, #tpu.memory_space<vmem>> -> memref<24x128xf32, #tpu.memory_space<vmem>>
        %dma_start3A_92 = arith.constant 0 : i32
        %dma_start3A_93 = tpu.memref_slice %arg18[%add3A_29, %dma_start3A_92] : memref<10240x128xf32, #tpu.memory_space<vmem_shared>> -> memref<24x128xf32, #tpu.memory_space<vmem_shared>>
        %dma_start3A_94 = arith.constant 0 : i32
        %dma_start3A_95 = tpu.memref_slice %arg18[%add3A_29, %dma_start3A_94] : memref<10240x128xf32, #tpu.memory_space<vmem_shared>> -> memref<24x128xf32, #tpu.memory_space<vmem_shared>>
        %dma_start3A_96 = arith.constant 0 : i32
        %dma_start3A_97 = arith.constant 0 : i32
        %dma_start3A_98 = tpu.memref_slice %arg14[%dma_start3A_96, %dma_start3A_97] : memref<88x128xf32, #tpu.memory_space<vmem>> -> memref<24x128xf32, #tpu.memory_space<vmem>>
        tpu.enqueue_dma source(%dma_start3A_98 : memref<24x128xf32, #tpu.memory_space<vmem>>) target(%dma_start3A_95 : memref<24x128xf32, #tpu.memory_space<vmem_shared>>) target_semaphore(%run_scoped3A : memref<!tpu.dma_semaphore, #tpu.memory_space<semaphore_mem>>)
        %dma_wait3A_99 = arith.constant 0 : i32
        %dma_wait3A_100 = arith.constant 0 : i32
        %dma_wait3A_101 = tpu.memref_slice %arg14[%dma_wait3A_99, %dma_wait3A_100] : memref<88x128xf32, #tpu.memory_space<vmem>> -> memref<24x128xf32, #tpu.memory_space<vmem>>
        %dma_wait3A_102 = arith.constant 0 : i32
        %dma_wait3A_103 = tpu.memref_slice %arg18[%add3A_29, %dma_wait3A_102] : memref<10240x128xf32, #tpu.memory_space<vmem_shared>> -> memref<24x128xf32, #tpu.memory_space<vmem_shared>>
        %dma_wait3A_104 = arith.constant 0 : i32
        %dma_wait3A_105 = tpu.memref_slice %arg18[%add3A_29, %dma_wait3A_104] : memref<10240x128xf32, #tpu.memory_space<vmem_shared>> -> memref<24x128xf32, #tpu.memory_space<vmem_shared>>
        %dma_wait3A_106 = arith.constant 0 : i32
        %dma_wait3A_107 = arith.constant 0 : i32
        %dma_wait3A_108 = tpu.memref_slice %arg14[%dma_wait3A_106, %dma_wait3A_107] : memref<88x128xf32, #tpu.memory_space<vmem>> -> memref<24x128xf32, #tpu.memory_space<vmem>>
        tpu.wait_dma2 semaphore(%run_scoped3A : memref<!tpu.dma_semaphore, #tpu.memory_space<semaphore_mem>>) src(%dma_wait3A_108 : memref<24x128xf32, #tpu.memory_space<vmem>>) dst(%dma_wait3A_105 : memref<24x128xf32, #tpu.memory_space<vmem_shared>>)
        tpu.yield
      }) : () -> ()
      %barrier3A = arith.constant 0 : index
      tpu.barrier barrier_id(%barrier3A)
      %add3A_30 = arith.constant 0 : i32
      %add3A_31 = arith.addi %mul3A_0, %add3A_30 : i32
      %mul3A_32 = arith.constant 88 : i32
      %mul3A_33 = arith.muli %add3A_31, %mul3A_32 : i32
      %dma_start3A = arith.constant 0 : i32
      %dma_start3A_34 = tpu.memref_slice %arg3[%dma_start3A, %mul3A_33] : memref<2x321024xi32, #tpu.memory_space<hbm>> -> memref<2x88xi32, #tpu.memory_space<hbm>>
      %dma_start3A_35 = arith.constant 0 : i32
      %dma_start3A_36 = tpu.memref_slice %arg3[%dma_start3A_35, %mul3A_33] : memref<2x321024xi32, #tpu.memory_space<hbm>> -> memref<2x88xi32, #tpu.memory_space<hbm>>
      tpu.enqueue_dma source(%dma_start3A_36 : memref<2x88xi32, #tpu.memory_space<hbm>>) target(%arg6 : memref<2x88xi32, #tpu.memory_space<vmem>>) target_semaphore(%arg20 : memref<!tpu.dma_semaphore, #tpu.memory_space<semaphore_mem>>)
      %add3A_37 = arith.constant 1 : i32
      %add3A_38 = arith.addi %mul3A_0, %add3A_37 : i32
      %mul3A_39 = arith.constant 88 : i32
      %mul3A_40 = arith.muli %add3A_38, %mul3A_39 : i32
      %dma_start3A_41 = arith.constant 0 : i32
      %dma_start3A_42 = tpu.memref_slice %arg3[%dma_start3A_41, %mul3A_40] : memref<2x321024xi32, #tpu.memory_space<hbm>> -> memref<2x88xi32, #tpu.memory_space<hbm>>
      %dma_start3A_43 = arith.constant 0 : i32
      %dma_start3A_44 = tpu.memref_slice %arg3[%dma_start3A_43, %mul3A_40] : memref<2x321024xi32, #tpu.memory_space<hbm>> -> memref<2x88xi32, #tpu.memory_space<hbm>>
      tpu.enqueue_dma source(%dma_start3A_44 : memref<2x88xi32, #tpu.memory_space<hbm>>) target(%arg7 : memref<2x88xi32, #tpu.memory_space<vmem>>) target_semaphore(%arg21 : memref<!tpu.dma_semaphore, #tpu.memory_space<semaphore_mem>>)
      %add3A_45 = arith.constant 2 : i32
      %add3A_46 = arith.addi %mul3A_0, %add3A_45 : i32
      %mul3A_47 = arith.constant 88 : i32
      %mul3A_48 = arith.muli %add3A_46, %mul3A_47 : i32
      %dma_start3A_49 = arith.constant 0 : i32
      %dma_start3A_50 = tpu.memref_slice %arg3[%dma_start3A_49, %mul3A_48] : memref<2x321024xi32, #tpu.memory_space<hbm>> -> memref<2x88xi32, #tpu.memory_space<hbm>>
      %dma_start3A_51 = arith.constant 0 : i32
      %dma_start3A_52 = tpu.memref_slice %arg3[%dma_start3A_51, %mul3A_48] : memref<2x321024xi32, #tpu.memory_space<hbm>> -> memref<2x88xi32, #tpu.memory_space<hbm>>
      tpu.enqueue_dma source(%dma_start3A_52 : memref<2x88xi32, #tpu.memory_space<hbm>>) target(%arg8 : memref<2x88xi32, #tpu.memory_space<vmem>>) target_semaphore(%arg22 : memref<!tpu.dma_semaphore, #tpu.memory_space<semaphore_mem>>)
      %add3A_53 = arith.constant 0 : i32
      %add3A_54 = arith.addi %mul3A_0, %add3A_53 : i32
      %mul3A_55 = arith.constant 88 : i32
      %mul3A_56 = arith.muli %add3A_54, %mul3A_55 : i32
      %dma_wait3A = arith.constant 0 : i32
      %dma_wait3A_57 = tpu.memref_slice %arg3[%dma_wait3A, %mul3A_56] : memref<2x321024xi32, #tpu.memory_space<hbm>> -> memref<2x88xi32, #tpu.memory_space<hbm>>
      %dma_wait3A_58 = arith.constant 0 : i32
      %dma_wait3A_59 = tpu.memref_slice %arg3[%dma_wait3A_58, %mul3A_56] : memref<2x321024xi32, #tpu.memory_space<hbm>> -> memref<2x88xi32, #tpu.memory_space<hbm>>
      tpu.wait_dma2 semaphore(%arg20 : memref<!tpu.dma_semaphore, #tpu.memory_space<semaphore_mem>>) src(%dma_wait3A_59 : memref<2x88xi32, #tpu.memory_space<hbm>>) dst(%arg6 : memref<2x88xi32, #tpu.memory_space<vmem>>)
      %dma_start3A_60 = arith.constant 0 : i32
      %dma_start3A_61 = arith.constant 0 : i32
      %dma_start3A_62 = tpu.memref_slice %arg6[%dma_start3A_60, %dma_start3A_61] : memref<2x88xi32, #tpu.memory_space<vmem>> -> memref<1x88xi32, #tpu.memory_space<vmem>>
      %dma_start3A_63 = tpu.memref_squeeze %dma_start3A_62 : memref<1x88xi32, #tpu.memory_space<vmem>> -> memref<88xi32, #tpu.memory_space<vmem>>
      %dma_start3A_64 = arith.constant 0 : i32
      %dma_start3A_65 = arith.constant 0 : i32
      %dma_start3A_66 = tpu.memref_slice %arg2[%dma_start3A_64, %dma_start3A_65] : memref<10000x128xf32, #tpu.memory_space<hbm>> -> memref<10000x128xf32, #tpu.memory_space<hbm>>
      tpu.enqueue_indirect_dma source(%dma_start3A_66 : memref<10000x128xf32, #tpu.memory_space<hbm>>) target(%arg14 : memref<88x128xf32, #tpu.memory_space<vmem>>) offsets(%dma_start3A_63 : memref<88xi32, #tpu.memory_space<vmem>>) semaphore(%arg24 : memref<!tpu.dma_semaphore, #tpu.memory_space<semaphore_mem>>)
      %add3A_67 = arith.constant 1 : i32
      %add3A_68 = arith.addi %mul3A_0, %add3A_67 : i32
      %mul3A_69 = arith.constant 88 : i32
      %mul3A_70 = arith.muli %add3A_68, %mul3A_69 : i32
      %dma_wait3A_71 = arith.constant 0 : i32
      %dma_wait3A_72 = tpu.memref_slice %arg3[%dma_wait3A_71, %mul3A_70] : memref<2x321024xi32, #tpu.memory_space<hbm>> -> memref<2x88xi32, #tpu.memory_space<hbm>>
      %dma_wait3A_73 = arith.constant 0 : i32
      %dma_wait3A_74 = tpu.memref_slice %arg3[%dma_wait3A_73, %mul3A_70] : memref<2x321024xi32, #tpu.memory_space<hbm>> -> memref<2x88xi32, #tpu.memory_space<hbm>>
      tpu.wait_dma2 semaphore(%arg21 : memref<!tpu.dma_semaphore, #tpu.memory_space<semaphore_mem>>) src(%dma_wait3A_74 : memref<2x88xi32, #tpu.memory_space<hbm>>) dst(%arg7 : memref<2x88xi32, #tpu.memory_space<vmem>>)
      %dma_start3A_75 = arith.constant 0 : i32
      %dma_start3A_76 = arith.constant 0 : i32
      %dma_start3A_77 = tpu.memref_slice %arg7[%dma_start3A_75, %dma_start3A_76] : memref<2x88xi32, #tpu.memory_space<vmem>> -> memref<1x88xi32, #tpu.memory_space<vmem>>
      %dma_start3A_78 = tpu.memref_squeeze %dma_start3A_77 : memref<1x88xi32, #tpu.memory_space<vmem>> -> memref<88xi32, #tpu.memory_space<vmem>>
      %dma_start3A_79 = arith.constant 0 : i32
      %dma_start3A_80 = arith.constant 0 : i32
      %dma_start3A_81 = tpu.memref_slice %arg2[%dma_start3A_79, %dma_start3A_80] : memref<10000x128xf32, #tpu.memory_space<hbm>> -> memref<10000x128xf32, #tpu.memory_space<hbm>>
      tpu.enqueue_indirect_dma source(%dma_start3A_81 : memref<10000x128xf32, #tpu.memory_space<hbm>>) target(%arg15 : memref<88x128xf32, #tpu.memory_space<vmem>>) offsets(%dma_start3A_78 : memref<88xi32, #tpu.memory_space<vmem>>) semaphore(%arg25 : memref<!tpu.dma_semaphore, #tpu.memory_space<semaphore_mem>>)
      %scan3A_82 = arith.constant 0 : i32
      %scan3A_83 = arith.constant 0 : i32
      %scan3A_84 = arith.constant 19 : i32
      %scan3A_85 = arith.addi %scan3A_83, %scan3A_84 : i32
      %scan3A_86 = arith.constant 1 : i32
      scf.for %scan3A_89 = %scan3A_83 to %scan3A_85 step %scan3A_86  : i32 {
        %mul3A_90 = arith.constant 12 : i32
        %mul3A_91 = arith.muli %scan3A_89, %mul3A_90 : i32
        %add3A_92 = arith.constant 0 : i32
        %add3A_93 = arith.addi %mul3A_91, %add3A_92 : i32
        %dma_wait3A_94 = arith.constant 0 : i32
        %dma_wait3A_95 = arith.constant 0 : i32
        %dma_wait3A_96 = tpu.memref_slice %arg6[%dma_wait3A_94, %dma_wait3A_95] : memref<2x88xi32, #tpu.memory_space<vmem>> -> memref<1x88xi32, #tpu.memory_space<vmem>>
        %dma_wait3A_97 = tpu.memref_squeeze %dma_wait3A_96 : memref<1x88xi32, #tpu.memory_space<vmem>> -> memref<88xi32, #tpu.memory_space<vmem>>
        %dma_wait3A_98 = arith.constant 0 : i32
        %dma_wait3A_99 = arith.constant 0 : i32
        %dma_wait3A_100 = tpu.memref_slice %arg2[%dma_wait3A_98, %dma_wait3A_99] : memref<10000x128xf32, #tpu.memory_space<hbm>> -> memref<10000x128xf32, #tpu.memory_space<hbm>>
        tpu.wait_indirect_dma semaphore(%arg24 : memref<!tpu.dma_semaphore, #tpu.memory_space<semaphore_mem>>) src(%dma_wait3A_100 : memref<10000x128xf32, #tpu.memory_space<hbm>>) dst(%arg14 : memref<88x128xf32, #tpu.memory_space<vmem>>)
        %add3A_101 = arith.constant 3 : i32
        %add3A_102 = arith.addi %add3A_93, %add3A_101 : i32
        %sub3A = arith.constant 1 : i32
        %sub3A_103 = arith.subi %add3A_102, %sub3A : i32
        %lt3A = arith.constant 228 : i32
        %lt3A_104 = arith.cmpi slt, %sub3A_103, %lt3A : i32
        %convert_element_type3A_105 = arith.extui %lt3A_104 : i1 to i32
        %cond3A_106 = arith.constant 0 : i32
        %cond3A_107 = arith.cmpi ne, %convert_element_type3A_105, %cond3A_106 : i32
        scf.if %cond3A_107 {
          %add3A_447 = arith.constant 3 : i32
          %add3A_448 = arith.addi %add3A_93, %add3A_447 : i32
          %sub3A_449 = arith.constant 1 : i32
          %sub3A_450 = arith.subi %add3A_448, %sub3A_449 : i32
          %add3A_451 = arith.addi %mul3A_0, %sub3A_450 : i32
          %mul3A_452 = arith.constant 88 : i32
          %mul3A_453 = arith.muli %add3A_451, %mul3A_452 : i32
          %dma_wait3A_454 = arith.constant 0 : i32
          %dma_wait3A_455 = tpu.memref_slice %arg3[%dma_wait3A_454, %mul3A_453] : memref<2x321024xi32, #tpu.memory_space<hbm>> -> memref<2x88xi32, #tpu.memory_space<hbm>>
          %dma_wait3A_456 = arith.constant 0 : i32
          %dma_wait3A_457 = tpu.memref_slice %arg3[%dma_wait3A_456, %mul3A_453] : memref<2x321024xi32, #tpu.memory_space<hbm>> -> memref<2x88xi32, #tpu.memory_space<hbm>>
          tpu.wait_dma2 semaphore(%arg22 : memref<!tpu.dma_semaphore, #tpu.memory_space<semaphore_mem>>) src(%dma_wait3A_457 : memref<2x88xi32, #tpu.memory_space<hbm>>) dst(%arg8 : memref<2x88xi32, #tpu.memory_space<vmem>>)
          %dma_start3A_458 = arith.constant 0 : i32
          %dma_start3A_459 = arith.constant 0 : i32
          %dma_start3A_460 = tpu.memref_slice %arg8[%dma_start3A_458, %dma_start3A_459] : memref<2x88xi32, #tpu.memory_space<vmem>> -> memref<1x88xi32, #tpu.memory_space<vmem>>
          %dma_start3A_461 = tpu.memref_squeeze %dma_start3A_460 : memref<1x88xi32, #tpu.memory_space<vmem>> -> memref<88xi32, #tpu.memory_space<vmem>>
          %dma_start3A_462 = arith.constant 0 : i32
          %dma_start3A_463 = arith.constant 0 : i32
          %dma_start3A_464 = tpu.memref_slice %arg2[%dma_start3A_462, %dma_start3A_463] : memref<10000x128xf32, #tpu.memory_space<hbm>> -> memref<10000x128xf32, #tpu.memory_space<hbm>>
          tpu.enqueue_indirect_dma source(%dma_start3A_464 : memref<10000x128xf32, #tpu.memory_space<hbm>>) target(%arg16 : memref<88x128xf32, #tpu.memory_space<vmem>>) offsets(%dma_start3A_461 : memref<88xi32, #tpu.memory_space<vmem>>) semaphore(%arg26 : memref<!tpu.dma_semaphore, #tpu.memory_space<semaphore_mem>>)
        } else {
        }
        %add3A_108 = arith.constant 4 : i32
        %add3A_109 = arith.addi %add3A_93, %add3A_108 : i32
        %sub3A_110 = arith.constant 1 : i32
        %sub3A_111 = arith.subi %add3A_109, %sub3A_110 : i32
        %lt3A_112 = arith.constant 228 : i32
        %lt3A_113 = arith.cmpi slt, %sub3A_111, %lt3A_112 : i32
        %convert_element_type3A_114 = arith.extui %lt3A_113 : i1 to i32
        %cond3A_115 = arith.constant 0 : i32
        %cond3A_116 = arith.cmpi ne, %convert_element_type3A_114, %cond3A_115 : i32
        scf.if %cond3A_116 {
          %add3A_447 = arith.constant 4 : i32
          %add3A_448 = arith.addi %add3A_93, %add3A_447 : i32
          %sub3A_449 = arith.constant 1 : i32
          %sub3A_450 = arith.subi %add3A_448, %sub3A_449 : i32
          %add3A_451 = arith.addi %mul3A_0, %sub3A_450 : i32
          %mul3A_452 = arith.constant 88 : i32
          %mul3A_453 = arith.muli %add3A_451, %mul3A_452 : i32
          %dma_start3A_454 = arith.constant 0 : i32
          %dma_start3A_455 = tpu.memref_slice %arg3[%dma_start3A_454, %mul3A_453] : memref<2x321024xi32, #tpu.memory_space<hbm>> -> memref<2x88xi32, #tpu.memory_space<hbm>>
          %dma_start3A_456 = arith.constant 0 : i32
          %dma_start3A_457 = tpu.memref_slice %arg3[%dma_start3A_456, %mul3A_453] : memref<2x321024xi32, #tpu.memory_space<hbm>> -> memref<2x88xi32, #tpu.memory_space<hbm>>
          tpu.enqueue_dma source(%dma_start3A_457 : memref<2x88xi32, #tpu.memory_space<hbm>>) target(%arg9 : memref<2x88xi32, #tpu.memory_space<vmem>>) target_semaphore(%arg23 : memref<!tpu.dma_semaphore, #tpu.memory_space<semaphore_mem>>)
        } else {
        }
        %run_scoped3A = arith.constant 1 : i32
        "tpu.region"() ({
          %run_scoped3A_447 = tpu.sem_alloc : memref<!tpu.dma_semaphore, #tpu.memory_space<semaphore_mem>>
          %dma_start3A_448 = arith.constant 0 : i32
          %dma_start3A_449 = tpu.memref_slice %arg6[%run_scoped3A, %dma_start3A_448] : memref<2x88xi32, #tpu.memory_space<vmem>> -> memref<1x88xi32, #tpu.memory_space<vmem>>
          %dma_start3A_450 = tpu.memref_squeeze %dma_start3A_449 : memref<1x88xi32, #tpu.memory_space<vmem>> -> memref<88xi32, #tpu.memory_space<vmem>>
          %dma_start3A_451 = arith.constant 0 : i32
          %dma_start3A_452 = arith.constant 0 : i32
          %dma_start3A_453 = tpu.memref_slice %arg18[%dma_start3A_451, %dma_start3A_452] : memref<10240x128xf32, #tpu.memory_space<vmem_shared>> -> memref<10240x128xf32, #tpu.memory_space<vmem_shared>>
          tpu.enqueue_indirect_dma source(%arg14 : memref<88x128xf32, #tpu.memory_space<vmem>>) target(%dma_start3A_453 : memref<10240x128xf32, #tpu.memory_space<vmem_shared>>) offsets(%dma_start3A_450 : memref<88xi32, #tpu.memory_space<vmem>>) semaphore(%run_scoped3A_447 : memref<!tpu.dma_semaphore, #tpu.memory_space<semaphore_mem>>) {add = true}
          %dma_wait3A_454 = arith.constant 0 : i32
          %dma_wait3A_455 = tpu.memref_slice %arg6[%run_scoped3A, %dma_wait3A_454] : memref<2x88xi32, #tpu.memory_space<vmem>> -> memref<1x88xi32, #tpu.memory_space<vmem>>
          %dma_wait3A_456 = tpu.memref_squeeze %dma_wait3A_455 : memref<1x88xi32, #tpu.memory_space<vmem>> -> memref<88xi32, #tpu.memory_space<vmem>>
          %dma_wait3A_457 = arith.constant 0 : i32
          %dma_wait3A_458 = arith.constant 0 : i32
          %dma_wait3A_459 = tpu.memref_slice %arg18[%dma_wait3A_457, %dma_wait3A_458] : memref<10240x128xf32, #tpu.memory_space<vmem_shared>> -> memref<10240x128xf32, #tpu.memory_space<vmem_shared>>
          tpu.wait_indirect_dma semaphore(%run_scoped3A_447 : memref<!tpu.dma_semaphore, #tpu.memory_space<semaphore_mem>>) src(%arg14 : memref<88x128xf32, #tpu.memory_space<vmem>>) dst(%dma_wait3A_459 : memref<10240x128xf32, #tpu.memory_space<vmem_shared>>)
          tpu.yield
        }) : () -> ()
        %mul3A_117 = arith.constant 12 : i32
        %mul3A_118 = arith.muli %scan3A_89, %mul3A_117 : i32
        %add3A_119 = arith.constant 1 : i32
        %add3A_120 = arith.addi %mul3A_118, %add3A_119 : i32
        %dma_wait3A_121 = arith.constant 0 : i32
        %dma_wait3A_122 = arith.constant 0 : i32
        %dma_wait3A_123 = tpu.memref_slice %arg7[%dma_wait3A_121, %dma_wait3A_122] : memref<2x88xi32, #tpu.memory_space<vmem>> -> memref<1x88xi32, #tpu.memory_space<vmem>>
        %dma_wait3A_124 = tpu.memref_squeeze %dma_wait3A_123 : memref<1x88xi32, #tpu.memory_space<vmem>> -> memref<88xi32, #tpu.memory_space<vmem>>
        %dma_wait3A_125 = arith.constant 0 : i32
        %dma_wait3A_126 = arith.constant 0 : i32
        %dma_wait3A_127 = tpu.memref_slice %arg2[%dma_wait3A_125, %dma_wait3A_126] : memref<10000x128xf32, #tpu.memory_space<hbm>> -> memref<10000x128xf32, #tpu.memory_space<hbm>>
        tpu.wait_indirect_dma semaphore(%arg25 : memref<!tpu.dma_semaphore, #tpu.memory_space<semaphore_mem>>) src(%dma_wait3A_127 : memref<10000x128xf32, #tpu.memory_space<hbm>>) dst(%arg15 : memref<88x128xf32, #tpu.memory_space<vmem>>)
        %add3A_128 = arith.constant 3 : i32
        %add3A_129 = arith.addi %add3A_120, %add3A_128 : i32
        %sub3A_130 = arith.constant 1 : i32
        %sub3A_131 = arith.subi %add3A_129, %sub3A_130 : i32
        %lt3A_132 = arith.constant 228 : i32
        %lt3A_133 = arith.cmpi slt, %sub3A_131, %lt3A_132 : i32
        %convert_element_type3A_134 = arith.extui %lt3A_133 : i1 to i32
        %cond3A_135 = arith.constant 0 : i32
        %cond3A_136 = arith.cmpi ne, %convert_element_type3A_134, %cond3A_135 : i32
        scf.if %cond3A_136 {
          %add3A_447 = arith.constant 3 : i32
          %add3A_448 = arith.addi %add3A_120, %add3A_447 : i32
          %sub3A_449 = arith.constant 1 : i32
          %sub3A_450 = arith.subi %add3A_448, %sub3A_449 : i32
          %add3A_451 = arith.addi %mul3A_0, %sub3A_450 : i32
          %mul3A_452 = arith.constant 88 : i32
          %mul3A_453 = arith.muli %add3A_451, %mul3A_452 : i32
          %dma_wait3A_454 = arith.constant 0 : i32
          %dma_wait3A_455 = tpu.memref_slice %arg3[%dma_wait3A_454, %mul3A_453] : memref<2x321024xi32, #tpu.memory_space<hbm>> -> memref<2x88xi32, #tpu.memory_space<hbm>>
          %dma_wait3A_456 = arith.constant 0 : i32
          %dma_wait3A_457 = tpu.memref_slice %arg3[%dma_wait3A_456, %mul3A_453] : memref<2x321024xi32, #tpu.memory_space<hbm>> -> memref<2x88xi32, #tpu.memory_space<hbm>>
          tpu.wait_dma2 semaphore(%arg23 : memref<!tpu.dma_semaphore, #tpu.memory_space<semaphore_mem>>) src(%dma_wait3A_457 : memref<2x88xi32, #tpu.memory_space<hbm>>) dst(%arg9 : memref<2x88xi32, #tpu.memory_space<vmem>>)
          %dma_start3A_458 = arith.constant 0 : i32
          %dma_start3A_459 = arith.constant 0 : i32
          %dma_start3A_460 = tpu.memref_slice %arg9[%dma_start3A_458, %dma_start3A_459] : memref<2x88xi32, #tpu.memory_space<vmem>> -> memref<1x88xi32, #tpu.memory_space<vmem>>
          %dma_start3A_461 = tpu.memref_squeeze %dma_start3A_460 : memref<1x88xi32, #tpu.memory_space<vmem>> -> memref<88xi32, #tpu.memory_space<vmem>>
          %dma_start3A_462 = arith.constant 0 : i32
          %dma_start3A_463 = arith.constant 0 : i32
          %dma_start3A_464 = tpu.memref_slice %arg2[%dma_start3A_462, %dma_start3A_463] : memref<10000x128xf32, #tpu.memory_space<hbm>> -> memref<10000x128xf32, #tpu.memory_space<hbm>>
          tpu.enqueue_indirect_dma source(%dma_start3A_464 : memref<10000x128xf32, #tpu.memory_space<hbm>>) target(%arg14 : memref<88x128xf32, #tpu.memory_space<vmem>>) offsets(%dma_start3A_461 : memref<88xi32, #tpu.memory_space<vmem>>) semaphore(%arg24 : memref<!tpu.dma_semaphore, #tpu.memory_space<semaphore_mem>>)
        } else {
        }
        %add3A_137 = arith.constant 4 : i32
        %add3A_138 = arith.addi %add3A_120, %add3A_137 : i32
        %sub3A_139 = arith.constant 1 : i32
        %sub3A_140 = arith.subi %add3A_138, %sub3A_139 : i32
        %lt3A_141 = arith.constant 228 : i32
        %lt3A_142 = arith.cmpi slt, %sub3A_140, %lt3A_141 : i32
        %convert_element_type3A_143 = arith.extui %lt3A_142 : i1 to i32
        %cond3A_144 = arith.constant 0 : i32
        %cond3A_145 = arith.cmpi ne, %convert_element_type3A_143, %cond3A_144 : i32
        scf.if %cond3A_145 {
          %add3A_447 = arith.constant 4 : i32
          %add3A_448 = arith.addi %add3A_120, %add3A_447 : i32
          %sub3A_449 = arith.constant 1 : i32
          %sub3A_450 = arith.subi %add3A_448, %sub3A_449 : i32
          %add3A_451 = arith.addi %mul3A_0, %sub3A_450 : i32
          %mul3A_452 = arith.constant 88 : i32
          %mul3A_453 = arith.muli %add3A_451, %mul3A_452 : i32
          %dma_start3A_454 = arith.constant 0 : i32
          %dma_start3A_455 = tpu.memref_slice %arg3[%dma_start3A_454, %mul3A_453] : memref<2x321024xi32, #tpu.memory_space<hbm>> -> memref<2x88xi32, #tpu.memory_space<hbm>>
          %dma_start3A_456 = arith.constant 0 : i32
          %dma_start3A_457 = tpu.memref_slice %arg3[%dma_start3A_456, %mul3A_453] : memref<2x321024xi32, #tpu.memory_space<hbm>> -> memref<2x88xi32, #tpu.memory_space<hbm>>
          tpu.enqueue_dma source(%dma_start3A_457 : memref<2x88xi32, #tpu.memory_space<hbm>>) target(%arg6 : memref<2x88xi32, #tpu.memory_space<vmem>>) target_semaphore(%arg20 : memref<!tpu.dma_semaphore, #tpu.memory_space<semaphore_mem>>)
        } else {
        }
        %run_scoped3A_146 = arith.constant 1 : i32
        "tpu.region"() ({
          %run_scoped3A_447 = tpu.sem_alloc : memref<!tpu.dma_semaphore, #tpu.memory_space<semaphore_mem>>
          %dma_start3A_448 = arith.constant 0 : i32
          %dma_start3A_449 = tpu.memref_slice %arg7[%run_scoped3A_146, %dma_start3A_448] : memref<2x88xi32, #tpu.memory_space<vmem>> -> memref<1x88xi32, #tpu.memory_space<vmem>>
          %dma_start3A_450 = tpu.memref_squeeze %dma_start3A_449 : memref<1x88xi32, #tpu.memory_space<vmem>> -> memref<88xi32, #tpu.memory_space<vmem>>
          %dma_start3A_451 = arith.constant 0 : i32
          %dma_start3A_452 = arith.constant 0 : i32
          %dma_start3A_453 = tpu.memref_slice %arg18[%dma_start3A_451, %dma_start3A_452] : memref<10240x128xf32, #tpu.memory_space<vmem_shared>> -> memref<10240x128xf32, #tpu.memory_space<vmem_shared>>
          tpu.enqueue_indirect_dma source(%arg15 : memref<88x128xf32, #tpu.memory_space<vmem>>) target(%dma_start3A_453 : memref<10240x128xf32, #tpu.memory_space<vmem_shared>>) offsets(%dma_start3A_450 : memref<88xi32, #tpu.memory_space<vmem>>) semaphore(%run_scoped3A_447 : memref<!tpu.dma_semaphore, #tpu.memory_space<semaphore_mem>>) {add = true}
          %dma_wait3A_454 = arith.constant 0 : i32
          %dma_wait3A_455 = tpu.memref_slice %arg7[%run_scoped3A_146, %dma_wait3A_454] : memref<2x88xi32, #tpu.memory_space<vmem>> -> memref<1x88xi32, #tpu.memory_space<vmem>>
          %dma_wait3A_456 = tpu.memref_squeeze %dma_wait3A_455 : memref<1x88xi32, #tpu.memory_space<vmem>> -> memref<88xi32, #tpu.memory_space<vmem>>
          %dma_wait3A_457 = arith.constant 0 : i32
          %dma_wait3A_458 = arith.constant 0 : i32
          %dma_wait3A_459 = tpu.memref_slice %arg18[%dma_wait3A_457, %dma_wait3A_458] : memref<10240x128xf32, #tpu.memory_space<vmem_shared>> -> memref<10240x128xf32, #tpu.memory_space<vmem_shared>>
          tpu.wait_indirect_dma semaphore(%run_scoped3A_447 : memref<!tpu.dma_semaphore, #tpu.memory_space<semaphore_mem>>) src(%arg15 : memref<88x128xf32, #tpu.memory_space<vmem>>) dst(%dma_wait3A_459 : memref<10240x128xf32, #tpu.memory_space<vmem_shared>>)
          tpu.yield
        }) : () -> ()
        %mul3A_147 = arith.constant 12 : i32
        %mul3A_148 = arith.muli %scan3A_89, %mul3A_147 : i32
        %add3A_149 = arith.constant 2 : i32
        %add3A_150 = arith.addi %mul3A_148, %add3A_149 : i32
        %dma_wait3A_151 = arith.constant 0 : i32
        %dma_wait3A_152 = arith.constant 0 : i32
        %dma_wait3A_153 = tpu.memref_slice %arg8[%dma_wait3A_151, %dma_wait3A_152] : memref<2x88xi32, #tpu.memory_space<vmem>> -> memref<1x88xi32, #tpu.memory_space<vmem>>
        %dma_wait3A_154 = tpu.memref_squeeze %dma_wait3A_153 : memref<1x88xi32, #tpu.memory_space<vmem>> -> memref<88xi32, #tpu.memory_space<vmem>>
        %dma_wait3A_155 = arith.constant 0 : i32
        %dma_wait3A_156 = arith.constant 0 : i32
        %dma_wait3A_157 = tpu.memref_slice %arg2[%dma_wait3A_155, %dma_wait3A_156] : memref<10000x128xf32, #tpu.memory_space<hbm>> -> memref<10000x128xf32, #tpu.memory_space<hbm>>
        tpu.wait_indirect_dma semaphore(%arg26 : memref<!tpu.dma_semaphore, #tpu.memory_space<semaphore_mem>>) src(%dma_wait3A_157 : memref<10000x128xf32, #tpu.memory_space<hbm>>) dst(%arg16 : memref<88x128xf32, #tpu.memory_space<vmem>>)
        %add3A_158 = arith.constant 3 : i32
        %add3A_159 = arith.addi %add3A_150, %add3A_158 : i32
        %sub3A_160 = arith.constant 1 : i32
        %sub3A_161 = arith.subi %add3A_159, %sub3A_160 : i32
        %lt3A_162 = arith.constant 228 : i32
        %lt3A_163 = arith.cmpi slt, %sub3A_161, %lt3A_162 : i32
        %convert_element_type3A_164 = arith.extui %lt3A_163 : i1 to i32
        %cond3A_165 = arith.constant 0 : i32
        %cond3A_166 = arith.cmpi ne, %convert_element_type3A_164, %cond3A_165 : i32
        scf.if %cond3A_166 {
          %add3A_447 = arith.constant 3 : i32
          %add3A_448 = arith.addi %add3A_150, %add3A_447 : i32
          %sub3A_449 = arith.constant 1 : i32
          %sub3A_450 = arith.subi %add3A_448, %sub3A_449 : i32
          %add3A_451 = arith.addi %mul3A_0, %sub3A_450 : i32
          %mul3A_452 = arith.constant 88 : i32
          %mul3A_453 = arith.muli %add3A_451, %mul3A_452 : i32
          %dma_wait3A_454 = arith.constant 0 : i32
          %dma_wait3A_455 = tpu.memref_slice %arg3[%dma_wait3A_454, %mul3A_453] : memref<2x321024xi32, #tpu.memory_space<hbm>> -> memref<2x88xi32, #tpu.memory_space<hbm>>
          %dma_wait3A_456 = arith.constant 0 : i32
          %dma_wait3A_457 = tpu.memref_slice %arg3[%dma_wait3A_456, %mul3A_453] : memref<2x321024xi32, #tpu.memory_space<hbm>> -> memref<2x88xi32, #tpu.memory_space<hbm>>
          tpu.wait_dma2 semaphore(%arg20 : memref<!tpu.dma_semaphore, #tpu.memory_space<semaphore_mem>>) src(%dma_wait3A_457 : memref<2x88xi32, #tpu.memory_space<hbm>>) dst(%arg6 : memref<2x88xi32, #tpu.memory_space<vmem>>)
          %dma_start3A_458 = arith.constant 0 : i32
          %dma_start3A_459 = arith.constant 0 : i32
          %dma_start3A_460 = tpu.memref_slice %arg6[%dma_start3A_458, %dma_start3A_459] : memref<2x88xi32, #tpu.memory_space<vmem>> -> memref<1x88xi32, #tpu.memory_space<vmem>>
          %dma_start3A_461 = tpu.memref_squeeze %dma_start3A_460 : memref<1x88xi32, #tpu.memory_space<vmem>> -> memref<88xi32, #tpu.memory_space<vmem>>
          %dma_start3A_462 = arith.constant 0 : i32
          %dma_start3A_463 = arith.constant 0 : i32
          %dma_start3A_464 = tpu.memref_slice %arg2[%dma_start3A_462, %dma_start3A_463] : memref<10000x128xf32, #tpu.memory_space<hbm>> -> memref<10000x128xf32, #tpu.memory_space<hbm>>
          tpu.enqueue_indirect_dma source(%dma_start3A_464 : memref<10000x128xf32, #tpu.memory_space<hbm>>) target(%arg15 : memref<88x128xf32, #tpu.memory_space<vmem>>) offsets(%dma_start3A_461 : memref<88xi32, #tpu.memory_space<vmem>>) semaphore(%arg25 : memref<!tpu.dma_semaphore, #tpu.memory_space<semaphore_mem>>)
        } else {
        }
        %add3A_167 = arith.constant 4 : i32
        %add3A_168 = arith.addi %add3A_150, %add3A_167 : i32
        %sub3A_169 = arith.constant 1 : i32
        %sub3A_170 = arith.subi %add3A_168, %sub3A_169 : i32
        %lt3A_171 = arith.constant 228 : i32
        %lt3A_172 = arith.cmpi slt, %sub3A_170, %lt3A_171 : i32
        %convert_element_type3A_173 = arith.extui %lt3A_172 : i1 to i32
        %cond3A_174 = arith.constant 0 : i32
        %cond3A_175 = arith.cmpi ne, %convert_element_type3A_173, %cond3A_174 : i32
        scf.if %cond3A_175 {
          %add3A_447 = arith.constant 4 : i32
          %add3A_448 = arith.addi %add3A_150, %add3A_447 : i32
          %sub3A_449 = arith.constant 1 : i32
          %sub3A_450 = arith.subi %add3A_448, %sub3A_449 : i32
          %add3A_451 = arith.addi %mul3A_0, %sub3A_450 : i32
          %mul3A_452 = arith.constant 88 : i32
          %mul3A_453 = arith.muli %add3A_451, %mul3A_452 : i32
          %dma_start3A_454 = arith.constant 0 : i32
          %dma_start3A_455 = tpu.memref_slice %arg3[%dma_start3A_454, %mul3A_453] : memref<2x321024xi32, #tpu.memory_space<hbm>> -> memref<2x88xi32, #tpu.memory_space<hbm>>
          %dma_start3A_456 = arith.constant 0 : i32
          %dma_start3A_457 = tpu.memref_slice %arg3[%dma_start3A_456, %mul3A_453] : memref<2x321024xi32, #tpu.memory_space<hbm>> -> memref<2x88xi32, #tpu.memory_space<hbm>>
          tpu.enqueue_dma source(%dma_start3A_457 : memref<2x88xi32, #tpu.memory_space<hbm>>) target(%arg7 : memref<2x88xi32, #tpu.memory_space<vmem>>) target_semaphore(%arg21 : memref<!tpu.dma_semaphore, #tpu.memory_space<semaphore_mem>>)
        } else {
        }
        %run_scoped3A_176 = arith.constant 1 : i32
        "tpu.region"() ({
          %run_scoped3A_447 = tpu.sem_alloc : memref<!tpu.dma_semaphore, #tpu.memory_space<semaphore_mem>>
          %dma_start3A_448 = arith.constant 0 : i32
          %dma_start3A_449 = tpu.memref_slice %arg8[%run_scoped3A_176, %dma_start3A_448] : memref<2x88xi32, #tpu.memory_space<vmem>> -> memref<1x88xi32, #tpu.memory_space<vmem>>
          %dma_start3A_450 = tpu.memref_squeeze %dma_start3A_449 : memref<1x88xi32, #tpu.memory_space<vmem>> -> memref<88xi32, #tpu.memory_space<vmem>>
          %dma_start3A_451 = arith.constant 0 : i32
          %dma_start3A_452 = arith.constant 0 : i32
          %dma_start3A_453 = tpu.memref_slice %arg18[%dma_start3A_451, %dma_start3A_452] : memref<10240x128xf32, #tpu.memory_space<vmem_shared>> -> memref<10240x128xf32, #tpu.memory_space<vmem_shared>>
          tpu.enqueue_indirect_dma source(%arg16 : memref<88x128xf32, #tpu.memory_space<vmem>>) target(%dma_start3A_453 : memref<10240x128xf32, #tpu.memory_space<vmem_shared>>) offsets(%dma_start3A_450 : memref<88xi32, #tpu.memory_space<vmem>>) semaphore(%run_scoped3A_447 : memref<!tpu.dma_semaphore, #tpu.memory_space<semaphore_mem>>) {add = true}
          %dma_wait3A_454 = arith.constant 0 : i32
          %dma_wait3A_455 = tpu.memref_slice %arg8[%run_scoped3A_176, %dma_wait3A_454] : memref<2x88xi32, #tpu.memory_space<vmem>> -> memref<1x88xi32, #tpu.memory_space<vmem>>
          %dma_wait3A_456 = tpu.memref_squeeze %dma_wait3A_455 : memref<1x88xi32, #tpu.memory_space<vmem>> -> memref<88xi32, #tpu.memory_space<vmem>>
          %dma_wait3A_457 = arith.constant 0 : i32
          %dma_wait3A_458 = arith.constant 0 : i32
          %dma_wait3A_459 = tpu.memref_slice %arg18[%dma_wait3A_457, %dma_wait3A_458] : memref<10240x128xf32, #tpu.memory_space<vmem_shared>> -> memref<10240x128xf32, #tpu.memory_space<vmem_shared>>
          tpu.wait_indirect_dma semaphore(%run_scoped3A_447 : memref<!tpu.dma_semaphore, #tpu.memory_space<semaphore_mem>>) src(%arg16 : memref<88x128xf32, #tpu.memory_space<vmem>>) dst(%dma_wait3A_459 : memref<10240x128xf32, #tpu.memory_space<vmem_shared>>)
          tpu.yield
        }) : () -> ()
        %mul3A_177 = arith.constant 12 : i32
        %mul3A_178 = arith.muli %scan3A_89, %mul3A_177 : i32
        %add3A_179 = arith.constant 3 : i32
        %add3A_180 = arith.addi %mul3A_178, %add3A_179 : i32
        %dma_wait3A_181 = arith.constant 0 : i32
        %dma_wait3A_182 = arith.constant 0 : i32
        %dma_wait3A_183 = tpu.memref_slice %arg9[%dma_wait3A_181, %dma_wait3A_182] : memref<2x88xi32, #tpu.memory_space<vmem>> -> memref<1x88xi32, #tpu.memory_space<vmem>>
        %dma_wait3A_184 = tpu.memref_squeeze %dma_wait3A_183 : memref<1x88xi32, #tpu.memory_space<vmem>> -> memref<88xi32, #tpu.memory_space<vmem>>
        %dma_wait3A_185 = arith.constant 0 : i32
        %dma_wait3A_186 = arith.constant 0 : i32
        %dma_wait3A_187 = tpu.memref_slice %arg2[%dma_wait3A_185, %dma_wait3A_186] : memref<10000x128xf32, #tpu.memory_space<hbm>> -> memref<10000x128xf32, #tpu.memory_space<hbm>>
        tpu.wait_indirect_dma semaphore(%arg24 : memref<!tpu.dma_semaphore, #tpu.memory_space<semaphore_mem>>) src(%dma_wait3A_187 : memref<10000x128xf32, #tpu.memory_space<hbm>>) dst(%arg14 : memref<88x128xf32, #tpu.memory_space<vmem>>)
        %add3A_188 = arith.constant 3 : i32
        %add3A_189 = arith.addi %add3A_180, %add3A_188 : i32
        %sub3A_190 = arith.constant 1 : i32
        %sub3A_191 = arith.subi %add3A_189, %sub3A_190 : i32
        %lt3A_192 = arith.constant 228 : i32
        %lt3A_193 = arith.cmpi slt, %sub3A_191, %lt3A_192 : i32
        %convert_element_type3A_194 = arith.extui %lt3A_193 : i1 to i32
        %cond3A_195 = arith.constant 0 : i32
        %cond3A_196 = arith.cmpi ne, %convert_element_type3A_194, %cond3A_195 : i32
        scf.if %cond3A_196 {
          %add3A_447 = arith.constant 3 : i32
          %add3A_448 = arith.addi %add3A_180, %add3A_447 : i32
          %sub3A_449 = arith.constant 1 : i32
          %sub3A_450 = arith.subi %add3A_448, %sub3A_449 : i32
          %add3A_451 = arith.addi %mul3A_0, %sub3A_450 : i32
          %mul3A_452 = arith.constant 88 : i32
          %mul3A_453 = arith.muli %add3A_451, %mul3A_452 : i32
          %dma_wait3A_454 = arith.constant 0 : i32
          %dma_wait3A_455 = tpu.memref_slice %arg3[%dma_wait3A_454, %mul3A_453] : memref<2x321024xi32, #tpu.memory_space<hbm>> -> memref<2x88xi32, #tpu.memory_space<hbm>>
          %dma_wait3A_456 = arith.constant 0 : i32
          %dma_wait3A_457 = tpu.memref_slice %arg3[%dma_wait3A_456, %mul3A_453] : memref<2x321024xi32, #tpu.memory_space<hbm>> -> memref<2x88xi32, #tpu.memory_space<hbm>>
          tpu.wait_dma2 semaphore(%arg21 : memref<!tpu.dma_semaphore, #tpu.memory_space<semaphore_mem>>) src(%dma_wait3A_457 : memref<2x88xi32, #tpu.memory_space<hbm>>) dst(%arg7 : memref<2x88xi32, #tpu.memory_space<vmem>>)
          %dma_start3A_458 = arith.constant 0 : i32
          %dma_start3A_459 = arith.constant 0 : i32
          %dma_start3A_460 = tpu.memref_slice %arg7[%dma_start3A_458, %dma_start3A_459] : memref<2x88xi32, #tpu.memory_space<vmem>> -> memref<1x88xi32, #tpu.memory_space<vmem>>
          %dma_start3A_461 = tpu.memref_squeeze %dma_start3A_460 : memref<1x88xi32, #tpu.memory_space<vmem>> -> memref<88xi32, #tpu.memory_space<vmem>>
          %dma_start3A_462 = arith.constant 0 : i32
          %dma_start3A_463 = arith.constant 0 : i32
          %dma_start3A_464 = tpu.memref_slice %arg2[%dma_start3A_462, %dma_start3A_463] : memref<10000x128xf32, #tpu.memory_space<hbm>> -> memref<10000x128xf32, #tpu.memory_space<hbm>>
          tpu.enqueue_indirect_dma source(%dma_start3A_464 : memref<10000x128xf32, #tpu.memory_space<hbm>>) target(%arg16 : memref<88x128xf32, #tpu.memory_space<vmem>>) offsets(%dma_start3A_461 : memref<88xi32, #tpu.memory_space<vmem>>) semaphore(%arg26 : memref<!tpu.dma_semaphore, #tpu.memory_space<semaphore_mem>>)
        } else {
        }
        %add3A_197 = arith.constant 4 : i32
        %add3A_198 = arith.addi %add3A_180, %add3A_197 : i32
        %sub3A_199 = arith.constant 1 : i32
        %sub3A_200 = arith.subi %add3A_198, %sub3A_199 : i32
        %lt3A_201 = arith.constant 228 : i32
        %lt3A_202 = arith.cmpi slt, %sub3A_200, %lt3A_201 : i32
        %convert_element_type3A_203 = arith.extui %lt3A_202 : i1 to i32
        %cond3A_204 = arith.constant 0 : i32
        %cond3A_205 = arith.cmpi ne, %convert_element_type3A_203, %cond3A_204 : i32
        scf.if %cond3A_205 {
          %add3A_447 = arith.constant 4 : i32
          %add3A_448 = arith.addi %add3A_180, %add3A_447 : i32
          %sub3A_449 = arith.constant 1 : i32
          %sub3A_450 = arith.subi %add3A_448, %sub3A_449 : i32
          %add3A_451 = arith.addi %mul3A_0, %sub3A_450 : i32
          %mul3A_452 = arith.constant 88 : i32
          %mul3A_453 = arith.muli %add3A_451, %mul3A_452 : i32
          %dma_start3A_454 = arith.constant 0 : i32
          %dma_start3A_455 = tpu.memref_slice %arg3[%dma_start3A_454, %mul3A_453] : memref<2x321024xi32, #tpu.memory_space<hbm>> -> memref<2x88xi32, #tpu.memory_space<hbm>>
          %dma_start3A_456 = arith.constant 0 : i32
          %dma_start3A_457 = tpu.memref_slice %arg3[%dma_start3A_456, %mul3A_453] : memref<2x321024xi32, #tpu.memory_space<hbm>> -> memref<2x88xi32, #tpu.memory_space<hbm>>
          tpu.enqueue_dma source(%dma_start3A_457 : memref<2x88xi32, #tpu.memory_space<hbm>>) target(%arg8 : memref<2x88xi32, #tpu.memory_space<vmem>>) target_semaphore(%arg22 : memref<!tpu.dma_semaphore, #tpu.memory_space<semaphore_mem>>)
        } else {
        }
        %run_scoped3A_206 = arith.constant 1 : i32
        "tpu.region"() ({
          %run_scoped3A_447 = tpu.sem_alloc : memref<!tpu.dma_semaphore, #tpu.memory_space<semaphore_mem>>
          %dma_start3A_448 = arith.constant 0 : i32
          %dma_start3A_449 = tpu.memref_slice %arg9[%run_scoped3A_206, %dma_start3A_448] : memref<2x88xi32, #tpu.memory_space<vmem>> -> memref<1x88xi32, #tpu.memory_space<vmem>>
          %dma_start3A_450 = tpu.memref_squeeze %dma_start3A_449 : memref<1x88xi32, #tpu.memory_space<vmem>> -> memref<88xi32, #tpu.memory_space<vmem>>
          %dma_start3A_451 = arith.constant 0 : i32
          %dma_start3A_452 = arith.constant 0 : i32
          %dma_start3A_453 = tpu.memref_slice %arg18[%dma_start3A_451, %dma_start3A_452] : memref<10240x128xf32, #tpu.memory_space<vmem_shared>> -> memref<10240x128xf32, #tpu.memory_space<vmem_shared>>
          tpu.enqueue_indirect_dma source(%arg14 : memref<88x128xf32, #tpu.memory_space<vmem>>) target(%dma_start3A_453 : memref<10240x128xf32, #tpu.memory_space<vmem_shared>>) offsets(%dma_start3A_450 : memref<88xi32, #tpu.memory_space<vmem>>) semaphore(%run_scoped3A_447 : memref<!tpu.dma_semaphore, #tpu.memory_space<semaphore_mem>>) {add = true}
          %dma_wait3A_454 = arith.constant 0 : i32
          %dma_wait3A_455 = tpu.memref_slice %arg9[%run_scoped3A_206, %dma_wait3A_454] : memref<2x88xi32, #tpu.memory_space<vmem>> -> memref<1x88xi32, #tpu.memory_space<vmem>>
          %dma_wait3A_456 = tpu.memref_squeeze %dma_wait3A_455 : memref<1x88xi32, #tpu.memory_space<vmem>> -> memref<88xi32, #tpu.memory_space<vmem>>
          %dma_wait3A_457 = arith.constant 0 : i32
          %dma_wait3A_458 = arith.constant 0 : i32
          %dma_wait3A_459 = tpu.memref_slice %arg18[%dma_wait3A_457, %dma_wait3A_458] : memref<10240x128xf32, #tpu.memory_space<vmem_shared>> -> memref<10240x128xf32, #tpu.memory_space<vmem_shared>>
          tpu.wait_indirect_dma semaphore(%run_scoped3A_447 : memref<!tpu.dma_semaphore, #tpu.memory_space<semaphore_mem>>) src(%arg14 : memref<88x128xf32, #tpu.memory_space<vmem>>) dst(%dma_wait3A_459 : memref<10240x128xf32, #tpu.memory_space<vmem_shared>>)
          tpu.yield
        }) : () -> ()
        %mul3A_207 = arith.constant 12 : i32
        %mul3A_208 = arith.muli %scan3A_89, %mul3A_207 : i32
        %add3A_209 = arith.constant 4 : i32
        %add3A_210 = arith.addi %mul3A_208, %add3A_209 : i32
        %dma_wait3A_211 = arith.constant 0 : i32
        %dma_wait3A_212 = arith.constant 0 : i32
        %dma_wait3A_213 = tpu.memref_slice %arg6[%dma_wait3A_211, %dma_wait3A_212] : memref<2x88xi32, #tpu.memory_space<vmem>> -> memref<1x88xi32, #tpu.memory_space<vmem>>
        %dma_wait3A_214 = tpu.memref_squeeze %dma_wait3A_213 : memref<1x88xi32, #tpu.memory_space<vmem>> -> memref<88xi32, #tpu.memory_space<vmem>>
        %dma_wait3A_215 = arith.constant 0 : i32
        %dma_wait3A_216 = arith.constant 0 : i32
        %dma_wait3A_217 = tpu.memref_slice %arg2[%dma_wait3A_215, %dma_wait3A_216] : memref<10000x128xf32, #tpu.memory_space<hbm>> -> memref<10000x128xf32, #tpu.memory_space<hbm>>
        tpu.wait_indirect_dma semaphore(%arg25 : memref<!tpu.dma_semaphore, #tpu.memory_space<semaphore_mem>>) src(%dma_wait3A_217 : memref<10000x128xf32, #tpu.memory_space<hbm>>) dst(%arg15 : memref<88x128xf32, #tpu.memory_space<vmem>>)
        %add3A_218 = arith.constant 3 : i32
        %add3A_219 = arith.addi %add3A_210, %add3A_218 : i32
        %sub3A_220 = arith.constant 1 : i32
        %sub3A_221 = arith.subi %add3A_219, %sub3A_220 : i32
        %lt3A_222 = arith.constant 228 : i32
        %lt3A_223 = arith.cmpi slt, %sub3A_221, %lt3A_222 : i32
        %convert_element_type3A_224 = arith.extui %lt3A_223 : i1 to i32
        %cond3A_225 = arith.constant 0 : i32
        %cond3A_226 = arith.cmpi ne, %convert_element_type3A_224, %cond3A_225 : i32
        scf.if %cond3A_226 {
          %add3A_447 = arith.constant 3 : i32
          %add3A_448 = arith.addi %add3A_210, %add3A_447 : i32
          %sub3A_449 = arith.constant 1 : i32
          %sub3A_450 = arith.subi %add3A_448, %sub3A_449 : i32
          %add3A_451 = arith.addi %mul3A_0, %sub3A_450 : i32
          %mul3A_452 = arith.constant 88 : i32
          %mul3A_453 = arith.muli %add3A_451, %mul3A_452 : i32
          %dma_wait3A_454 = arith.constant 0 : i32
          %dma_wait3A_455 = tpu.memref_slice %arg3[%dma_wait3A_454, %mul3A_453] : memref<2x321024xi32, #tpu.memory_space<hbm>> -> memref<2x88xi32, #tpu.memory_space<hbm>>
          %dma_wait3A_456 = arith.constant 0 : i32
          %dma_wait3A_457 = tpu.memref_slice %arg3[%dma_wait3A_456, %mul3A_453] : memref<2x321024xi32, #tpu.memory_space<hbm>> -> memref<2x88xi32, #tpu.memory_space<hbm>>
          tpu.wait_dma2 semaphore(%arg22 : memref<!tpu.dma_semaphore, #tpu.memory_space<semaphore_mem>>) src(%dma_wait3A_457 : memref<2x88xi32, #tpu.memory_space<hbm>>) dst(%arg8 : memref<2x88xi32, #tpu.memory_space<vmem>>)
          %dma_start3A_458 = arith.constant 0 : i32
          %dma_start3A_459 = arith.constant 0 : i32
          %dma_start3A_460 = tpu.memref_slice %arg8[%dma_start3A_458, %dma_start3A_459] : memref<2x88xi32, #tpu.memory_space<vmem>> -> memref<1x88xi32, #tpu.memory_space<vmem>>
          %dma_start3A_461 = tpu.memref_squeeze %dma_start3A_460 : memref<1x88xi32, #tpu.memory_space<vmem>> -> memref<88xi32, #tpu.memory_space<vmem>>
          %dma_start3A_462 = arith.constant 0 : i32
          %dma_start3A_463 = arith.constant 0 : i32
          %dma_start3A_464 = tpu.memref_slice %arg2[%dma_start3A_462, %dma_start3A_463] : memref<10000x128xf32, #tpu.memory_space<hbm>> -> memref<10000x128xf32, #tpu.memory_space<hbm>>
          tpu.enqueue_indirect_dma source(%dma_start3A_464 : memref<10000x128xf32, #tpu.memory_space<hbm>>) target(%arg14 : memref<88x128xf32, #tpu.memory_space<vmem>>) offsets(%dma_start3A_461 : memref<88xi32, #tpu.memory_space<vmem>>) semaphore(%arg24 : memref<!tpu.dma_semaphore, #tpu.memory_space<semaphore_mem>>)
        } else {
        }
        %add3A_227 = arith.constant 4 : i32
        %add3A_228 = arith.addi %add3A_210, %add3A_227 : i32
        %sub3A_229 = arith.constant 1 : i32
        %sub3A_230 = arith.subi %add3A_228, %sub3A_229 : i32
        %lt3A_231 = arith.constant 228 : i32
        %lt3A_232 = arith.cmpi slt, %sub3A_230, %lt3A_231 : i32
        %convert_element_type3A_233 = arith.extui %lt3A_232 : i1 to i32
        %cond3A_234 = arith.constant 0 : i32
        %cond3A_235 = arith.cmpi ne, %convert_element_type3A_233, %cond3A_234 : i32
        scf.if %cond3A_235 {
          %add3A_447 = arith.constant 4 : i32
          %add3A_448 = arith.addi %add3A_210, %add3A_447 : i32
          %sub3A_449 = arith.constant 1 : i32
          %sub3A_450 = arith.subi %add3A_448, %sub3A_449 : i32
          %add3A_451 = arith.addi %mul3A_0, %sub3A_450 : i32
          %mul3A_452 = arith.constant 88 : i32
          %mul3A_453 = arith.muli %add3A_451, %mul3A_452 : i32
          %dma_start3A_454 = arith.constant 0 : i32
          %dma_start3A_455 = tpu.memref_slice %arg3[%dma_start3A_454, %mul3A_453] : memref<2x321024xi32, #tpu.memory_space<hbm>> -> memref<2x88xi32, #tpu.memory_space<hbm>>
          %dma_start3A_456 = arith.constant 0 : i32
          %dma_start3A_457 = tpu.memref_slice %arg3[%dma_start3A_456, %mul3A_453] : memref<2x321024xi32, #tpu.memory_space<hbm>> -> memref<2x88xi32, #tpu.memory_space<hbm>>
          tpu.enqueue_dma source(%dma_start3A_457 : memref<2x88xi32, #tpu.memory_space<hbm>>) target(%arg9 : memref<2x88xi32, #tpu.memory_space<vmem>>) target_semaphore(%arg23 : memref<!tpu.dma_semaphore, #tpu.memory_space<semaphore_mem>>)
        } else {
        }
        %run_scoped3A_236 = arith.constant 1 : i32
        "tpu.region"() ({
          %run_scoped3A_447 = tpu.sem_alloc : memref<!tpu.dma_semaphore, #tpu.memory_space<semaphore_mem>>
          %dma_start3A_448 = arith.constant 0 : i32
          %dma_start3A_449 = tpu.memref_slice %arg6[%run_scoped3A_236, %dma_start3A_448] : memref<2x88xi32, #tpu.memory_space<vmem>> -> memref<1x88xi32, #tpu.memory_space<vmem>>
          %dma_start3A_450 = tpu.memref_squeeze %dma_start3A_449 : memref<1x88xi32, #tpu.memory_space<vmem>> -> memref<88xi32, #tpu.memory_space<vmem>>
          %dma_start3A_451 = arith.constant 0 : i32
          %dma_start3A_452 = arith.constant 0 : i32
          %dma_start3A_453 = tpu.memref_slice %arg18[%dma_start3A_451, %dma_start3A_452] : memref<10240x128xf32, #tpu.memory_space<vmem_shared>> -> memref<10240x128xf32, #tpu.memory_space<vmem_shared>>
          tpu.enqueue_indirect_dma source(%arg15 : memref<88x128xf32, #tpu.memory_space<vmem>>) target(%dma_start3A_453 : memref<10240x128xf32, #tpu.memory_space<vmem_shared>>) offsets(%dma_start3A_450 : memref<88xi32, #tpu.memory_space<vmem>>) semaphore(%run_scoped3A_447 : memref<!tpu.dma_semaphore, #tpu.memory_space<semaphore_mem>>) {add = true}
          %dma_wait3A_454 = arith.constant 0 : i32
          %dma_wait3A_455 = tpu.memref_slice %arg6[%run_scoped3A_236, %dma_wait3A_454] : memref<2x88xi32, #tpu.memory_space<vmem>> -> memref<1x88xi32, #tpu.memory_space<vmem>>
          %dma_wait3A_456 = tpu.memref_squeeze %dma_wait3A_455 : memref<1x88xi32, #tpu.memory_space<vmem>> -> memref<88xi32, #tpu.memory_space<vmem>>
          %dma_wait3A_457 = arith.constant 0 : i32
          %dma_wait3A_458 = arith.constant 0 : i32
          %dma_wait3A_459 = tpu.memref_slice %arg18[%dma_wait3A_457, %dma_wait3A_458] : memref<10240x128xf32, #tpu.memory_space<vmem_shared>> -> memref<10240x128xf32, #tpu.memory_space<vmem_shared>>
          tpu.wait_indirect_dma semaphore(%run_scoped3A_447 : memref<!tpu.dma_semaphore, #tpu.memory_space<semaphore_mem>>) src(%arg15 : memref<88x128xf32, #tpu.memory_space<vmem>>) dst(%dma_wait3A_459 : memref<10240x128xf32, #tpu.memory_space<vmem_shared>>)
          tpu.yield
        }) : () -> ()
        %mul3A_237 = arith.constant 12 : i32
        %mul3A_238 = arith.muli %scan3A_89, %mul3A_237 : i32
        %add3A_239 = arith.constant 5 : i32
        %add3A_240 = arith.addi %mul3A_238, %add3A_239 : i32
        %dma_wait3A_241 = arith.constant 0 : i32
        %dma_wait3A_242 = arith.constant 0 : i32
        %dma_wait3A_243 = tpu.memref_slice %arg7[%dma_wait3A_241, %dma_wait3A_242] : memref<2x88xi32, #tpu.memory_space<vmem>> -> memref<1x88xi32, #tpu.memory_space<vmem>>
        %dma_wait3A_244 = tpu.memref_squeeze %dma_wait3A_243 : memref<1x88xi32, #tpu.memory_space<vmem>> -> memref<88xi32, #tpu.memory_space<vmem>>
        %dma_wait3A_245 = arith.constant 0 : i32
        %dma_wait3A_246 = arith.constant 0 : i32
        %dma_wait3A_247 = tpu.memref_slice %arg2[%dma_wait3A_245, %dma_wait3A_246] : memref<10000x128xf32, #tpu.memory_space<hbm>> -> memref<10000x128xf32, #tpu.memory_space<hbm>>
        tpu.wait_indirect_dma semaphore(%arg26 : memref<!tpu.dma_semaphore, #tpu.memory_space<semaphore_mem>>) src(%dma_wait3A_247 : memref<10000x128xf32, #tpu.memory_space<hbm>>) dst(%arg16 : memref<88x128xf32, #tpu.memory_space<vmem>>)
        %add3A_248 = arith.constant 3 : i32
        %add3A_249 = arith.addi %add3A_240, %add3A_248 : i32
        %sub3A_250 = arith.constant 1 : i32
        %sub3A_251 = arith.subi %add3A_249, %sub3A_250 : i32
        %lt3A_252 = arith.constant 228 : i32
        %lt3A_253 = arith.cmpi slt, %sub3A_251, %lt3A_252 : i32
        %convert_element_type3A_254 = arith.extui %lt3A_253 : i1 to i32
        %cond3A_255 = arith.constant 0 : i32
        %cond3A_256 = arith.cmpi ne, %convert_element_type3A_254, %cond3A_255 : i32
        scf.if %cond3A_256 {
          %add3A_447 = arith.constant 3 : i32
          %add3A_448 = arith.addi %add3A_240, %add3A_447 : i32
          %sub3A_449 = arith.constant 1 : i32
          %sub3A_450 = arith.subi %add3A_448, %sub3A_449 : i32
          %add3A_451 = arith.addi %mul3A_0, %sub3A_450 : i32
          %mul3A_452 = arith.constant 88 : i32
          %mul3A_453 = arith.muli %add3A_451, %mul3A_452 : i32
          %dma_wait3A_454 = arith.constant 0 : i32
          %dma_wait3A_455 = tpu.memref_slice %arg3[%dma_wait3A_454, %mul3A_453] : memref<2x321024xi32, #tpu.memory_space<hbm>> -> memref<2x88xi32, #tpu.memory_space<hbm>>
          %dma_wait3A_456 = arith.constant 0 : i32
          %dma_wait3A_457 = tpu.memref_slice %arg3[%dma_wait3A_456, %mul3A_453] : memref<2x321024xi32, #tpu.memory_space<hbm>> -> memref<2x88xi32, #tpu.memory_space<hbm>>
          tpu.wait_dma2 semaphore(%arg23 : memref<!tpu.dma_semaphore, #tpu.memory_space<semaphore_mem>>) src(%dma_wait3A_457 : memref<2x88xi32, #tpu.memory_space<hbm>>) dst(%arg9 : memref<2x88xi32, #tpu.memory_space<vmem>>)
          %dma_start3A_458 = arith.constant 0 : i32
          %dma_start3A_459 = arith.constant 0 : i32
          %dma_start3A_460 = tpu.memref_slice %arg9[%dma_start3A_458, %dma_start3A_459] : memref<2x88xi32, #tpu.memory_space<vmem>> -> memref<1x88xi32, #tpu.memory_space<vmem>>
          %dma_start3A_461 = tpu.memref_squeeze %dma_start3A_460 : memref<1x88xi32, #tpu.memory_space<vmem>> -> memref<88xi32, #tpu.memory_space<vmem>>
          %dma_start3A_462 = arith.constant 0 : i32
          %dma_start3A_463 = arith.constant 0 : i32
          %dma_start3A_464 = tpu.memref_slice %arg2[%dma_start3A_462, %dma_start3A_463] : memref<10000x128xf32, #tpu.memory_space<hbm>> -> memref<10000x128xf32, #tpu.memory_space<hbm>>
          tpu.enqueue_indirect_dma source(%dma_start3A_464 : memref<10000x128xf32, #tpu.memory_space<hbm>>) target(%arg15 : memref<88x128xf32, #tpu.memory_space<vmem>>) offsets(%dma_start3A_461 : memref<88xi32, #tpu.memory_space<vmem>>) semaphore(%arg25 : memref<!tpu.dma_semaphore, #tpu.memory_space<semaphore_mem>>)
        } else {
        }
        %add3A_257 = arith.constant 4 : i32
        %add3A_258 = arith.addi %add3A_240, %add3A_257 : i32
        %sub3A_259 = arith.constant 1 : i32
        %sub3A_260 = arith.subi %add3A_258, %sub3A_259 : i32
        %lt3A_261 = arith.constant 228 : i32
        %lt3A_262 = arith.cmpi slt, %sub3A_260, %lt3A_261 : i32
        %convert_element_type3A_263 = arith.extui %lt3A_262 : i1 to i32
        %cond3A_264 = arith.constant 0 : i32
        %cond3A_265 = arith.cmpi ne, %convert_element_type3A_263, %cond3A_264 : i32
        scf.if %cond3A_265 {
          %add3A_447 = arith.constant 4 : i32
          %add3A_448 = arith.addi %add3A_240, %add3A_447 : i32
          %sub3A_449 = arith.constant 1 : i32
          %sub3A_450 = arith.subi %add3A_448, %sub3A_449 : i32
          %add3A_451 = arith.addi %mul3A_0, %sub3A_450 : i32
          %mul3A_452 = arith.constant 88 : i32
          %mul3A_453 = arith.muli %add3A_451, %mul3A_452 : i32
          %dma_start3A_454 = arith.constant 0 : i32
          %dma_start3A_455 = tpu.memref_slice %arg3[%dma_start3A_454, %mul3A_453] : memref<2x321024xi32, #tpu.memory_space<hbm>> -> memref<2x88xi32, #tpu.memory_space<hbm>>
          %dma_start3A_456 = arith.constant 0 : i32
          %dma_start3A_457 = tpu.memref_slice %arg3[%dma_start3A_456, %mul3A_453] : memref<2x321024xi32, #tpu.memory_space<hbm>> -> memref<2x88xi32, #tpu.memory_space<hbm>>
          tpu.enqueue_dma source(%dma_start3A_457 : memref<2x88xi32, #tpu.memory_space<hbm>>) target(%arg6 : memref<2x88xi32, #tpu.memory_space<vmem>>) target_semaphore(%arg20 : memref<!tpu.dma_semaphore, #tpu.memory_space<semaphore_mem>>)
        } else {
        }
        %run_scoped3A_266 = arith.constant 1 : i32
        "tpu.region"() ({
          %run_scoped3A_447 = tpu.sem_alloc : memref<!tpu.dma_semaphore, #tpu.memory_space<semaphore_mem>>
          %dma_start3A_448 = arith.constant 0 : i32
          %dma_start3A_449 = tpu.memref_slice %arg7[%run_scoped3A_266, %dma_start3A_448] : memref<2x88xi32, #tpu.memory_space<vmem>> -> memref<1x88xi32, #tpu.memory_space<vmem>>
          %dma_start3A_450 = tpu.memref_squeeze %dma_start3A_449 : memref<1x88xi32, #tpu.memory_space<vmem>> -> memref<88xi32, #tpu.memory_space<vmem>>
          %dma_start3A_451 = arith.constant 0 : i32
          %dma_start3A_452 = arith.constant 0 : i32
          %dma_start3A_453 = tpu.memref_slice %arg18[%dma_start3A_451, %dma_start3A_452] : memref<10240x128xf32, #tpu.memory_space<vmem_shared>> -> memref<10240x128xf32, #tpu.memory_space<vmem_shared>>
          tpu.enqueue_indirect_dma source(%arg16 : memref<88x128xf32, #tpu.memory_space<vmem>>) target(%dma_start3A_453 : memref<10240x128xf32, #tpu.memory_space<vmem_shared>>) offsets(%dma_start3A_450 : memref<88xi32, #tpu.memory_space<vmem>>) semaphore(%run_scoped3A_447 : memref<!tpu.dma_semaphore, #tpu.memory_space<semaphore_mem>>) {add = true}
          %dma_wait3A_454 = arith.constant 0 : i32
          %dma_wait3A_455 = tpu.memref_slice %arg7[%run_scoped3A_266, %dma_wait3A_454] : memref<2x88xi32, #tpu.memory_space<vmem>> -> memref<1x88xi32, #tpu.memory_space<vmem>>
          %dma_wait3A_456 = tpu.memref_squeeze %dma_wait3A_455 : memref<1x88xi32, #tpu.memory_space<vmem>> -> memref<88xi32, #tpu.memory_space<vmem>>
          %dma_wait3A_457 = arith.constant 0 : i32
          %dma_wait3A_458 = arith.constant 0 : i32
          %dma_wait3A_459 = tpu.memref_slice %arg18[%dma_wait3A_457, %dma_wait3A_458] : memref<10240x128xf32, #tpu.memory_space<vmem_shared>> -> memref<10240x128xf32, #tpu.memory_space<vmem_shared>>
          tpu.wait_indirect_dma semaphore(%run_scoped3A_447 : memref<!tpu.dma_semaphore, #tpu.memory_space<semaphore_mem>>) src(%arg16 : memref<88x128xf32, #tpu.memory_space<vmem>>) dst(%dma_wait3A_459 : memref<10240x128xf32, #tpu.memory_space<vmem_shared>>)
          tpu.yield
        }) : () -> ()
        %mul3A_267 = arith.constant 12 : i32
        %mul3A_268 = arith.muli %scan3A_89, %mul3A_267 : i32
        %add3A_269 = arith.constant 6 : i32
        %add3A_270 = arith.addi %mul3A_268, %add3A_269 : i32
        %dma_wait3A_271 = arith.constant 0 : i32
        %dma_wait3A_272 = arith.constant 0 : i32
        %dma_wait3A_273 = tpu.memref_slice %arg8[%dma_wait3A_271, %dma_wait3A_272] : memref<2x88xi32, #tpu.memory_space<vmem>> -> memref<1x88xi32, #tpu.memory_space<vmem>>
        %dma_wait3A_274 = tpu.memref_squeeze %dma_wait3A_273 : memref<1x88xi32, #tpu.memory_space<vmem>> -> memref<88xi32, #tpu.memory_space<vmem>>
        %dma_wait3A_275 = arith.constant 0 : i32
        %dma_wait3A_276 = arith.constant 0 : i32
        %dma_wait3A_277 = tpu.memref_slice %arg2[%dma_wait3A_275, %dma_wait3A_276] : memref<10000x128xf32, #tpu.memory_space<hbm>> -> memref<10000x128xf32, #tpu.memory_space<hbm>>
        tpu.wait_indirect_dma semaphore(%arg24 : memref<!tpu.dma_semaphore, #tpu.memory_space<semaphore_mem>>) src(%dma_wait3A_277 : memref<10000x128xf32, #tpu.memory_space<hbm>>) dst(%arg14 : memref<88x128xf32, #tpu.memory_space<vmem>>)
        %add3A_278 = arith.constant 3 : i32
        %add3A_279 = arith.addi %add3A_270, %add3A_278 : i32
        %sub3A_280 = arith.constant 1 : i32
        %sub3A_281 = arith.subi %add3A_279, %sub3A_280 : i32
        %lt3A_282 = arith.constant 228 : i32
        %lt3A_283 = arith.cmpi slt, %sub3A_281, %lt3A_282 : i32
        %convert_element_type3A_284 = arith.extui %lt3A_283 : i1 to i32
        %cond3A_285 = arith.constant 0 : i32
        %cond3A_286 = arith.cmpi ne, %convert_element_type3A_284, %cond3A_285 : i32
        scf.if %cond3A_286 {
          %add3A_447 = arith.constant 3 : i32
          %add3A_448 = arith.addi %add3A_270, %add3A_447 : i32
          %sub3A_449 = arith.constant 1 : i32
          %sub3A_450 = arith.subi %add3A_448, %sub3A_449 : i32
          %add3A_451 = arith.addi %mul3A_0, %sub3A_450 : i32
          %mul3A_452 = arith.constant 88 : i32
          %mul3A_453 = arith.muli %add3A_451, %mul3A_452 : i32
          %dma_wait3A_454 = arith.constant 0 : i32
          %dma_wait3A_455 = tpu.memref_slice %arg3[%dma_wait3A_454, %mul3A_453] : memref<2x321024xi32, #tpu.memory_space<hbm>> -> memref<2x88xi32, #tpu.memory_space<hbm>>
          %dma_wait3A_456 = arith.constant 0 : i32
          %dma_wait3A_457 = tpu.memref_slice %arg3[%dma_wait3A_456, %mul3A_453] : memref<2x321024xi32, #tpu.memory_space<hbm>> -> memref<2x88xi32, #tpu.memory_space<hbm>>
          tpu.wait_dma2 semaphore(%arg20 : memref<!tpu.dma_semaphore, #tpu.memory_space<semaphore_mem>>) src(%dma_wait3A_457 : memref<2x88xi32, #tpu.memory_space<hbm>>) dst(%arg6 : memref<2x88xi32, #tpu.memory_space<vmem>>)
          %dma_start3A_458 = arith.constant 0 : i32
          %dma_start3A_459 = arith.constant 0 : i32
          %dma_start3A_460 = tpu.memref_slice %arg6[%dma_start3A_458, %dma_start3A_459] : memref<2x88xi32, #tpu.memory_space<vmem>> -> memref<1x88xi32, #tpu.memory_space<vmem>>
          %dma_start3A_461 = tpu.memref_squeeze %dma_start3A_460 : memref<1x88xi32, #tpu.memory_space<vmem>> -> memref<88xi32, #tpu.memory_space<vmem>>
          %dma_start3A_462 = arith.constant 0 : i32
          %dma_start3A_463 = arith.constant 0 : i32
          %dma_start3A_464 = tpu.memref_slice %arg2[%dma_start3A_462, %dma_start3A_463] : memref<10000x128xf32, #tpu.memory_space<hbm>> -> memref<10000x128xf32, #tpu.memory_space<hbm>>
          tpu.enqueue_indirect_dma source(%dma_start3A_464 : memref<10000x128xf32, #tpu.memory_space<hbm>>) target(%arg16 : memref<88x128xf32, #tpu.memory_space<vmem>>) offsets(%dma_start3A_461 : memref<88xi32, #tpu.memory_space<vmem>>) semaphore(%arg26 : memref<!tpu.dma_semaphore, #tpu.memory_space<semaphore_mem>>)
        } else {
        }
        %add3A_287 = arith.constant 4 : i32
        %add3A_288 = arith.addi %add3A_270, %add3A_287 : i32
        %sub3A_289 = arith.constant 1 : i32
        %sub3A_290 = arith.subi %add3A_288, %sub3A_289 : i32
        %lt3A_291 = arith.constant 228 : i32
        %lt3A_292 = arith.cmpi slt, %sub3A_290, %lt3A_291 : i32
        %convert_element_type3A_293 = arith.extui %lt3A_292 : i1 to i32
        %cond3A_294 = arith.constant 0 : i32
        %cond3A_295 = arith.cmpi ne, %convert_element_type3A_293, %cond3A_294 : i32
        scf.if %cond3A_295 {
          %add3A_447 = arith.constant 4 : i32
          %add3A_448 = arith.addi %add3A_270, %add3A_447 : i32
          %sub3A_449 = arith.constant 1 : i32
          %sub3A_450 = arith.subi %add3A_448, %sub3A_449 : i32
          %add3A_451 = arith.addi %mul3A_0, %sub3A_450 : i32
          %mul3A_452 = arith.constant 88 : i32
          %mul3A_453 = arith.muli %add3A_451, %mul3A_452 : i32
          %dma_start3A_454 = arith.constant 0 : i32
          %dma_start3A_455 = tpu.memref_slice %arg3[%dma_start3A_454, %mul3A_453] : memref<2x321024xi32, #tpu.memory_space<hbm>> -> memref<2x88xi32, #tpu.memory_space<hbm>>
          %dma_start3A_456 = arith.constant 0 : i32
          %dma_start3A_457 = tpu.memref_slice %arg3[%dma_start3A_456, %mul3A_453] : memref<2x321024xi32, #tpu.memory_space<hbm>> -> memref<2x88xi32, #tpu.memory_space<hbm>>
          tpu.enqueue_dma source(%dma_start3A_457 : memref<2x88xi32, #tpu.memory_space<hbm>>) target(%arg7 : memref<2x88xi32, #tpu.memory_space<vmem>>) target_semaphore(%arg21 : memref<!tpu.dma_semaphore, #tpu.memory_space<semaphore_mem>>)
        } else {
        }
        %run_scoped3A_296 = arith.constant 1 : i32
        "tpu.region"() ({
          %run_scoped3A_447 = tpu.sem_alloc : memref<!tpu.dma_semaphore, #tpu.memory_space<semaphore_mem>>
          %dma_start3A_448 = arith.constant 0 : i32
          %dma_start3A_449 = tpu.memref_slice %arg8[%run_scoped3A_296, %dma_start3A_448] : memref<2x88xi32, #tpu.memory_space<vmem>> -> memref<1x88xi32, #tpu.memory_space<vmem>>
          %dma_start3A_450 = tpu.memref_squeeze %dma_start3A_449 : memref<1x88xi32, #tpu.memory_space<vmem>> -> memref<88xi32, #tpu.memory_space<vmem>>
          %dma_start3A_451 = arith.constant 0 : i32
          %dma_start3A_452 = arith.constant 0 : i32
          %dma_start3A_453 = tpu.memref_slice %arg18[%dma_start3A_451, %dma_start3A_452] : memref<10240x128xf32, #tpu.memory_space<vmem_shared>> -> memref<10240x128xf32, #tpu.memory_space<vmem_shared>>
          tpu.enqueue_indirect_dma source(%arg14 : memref<88x128xf32, #tpu.memory_space<vmem>>) target(%dma_start3A_453 : memref<10240x128xf32, #tpu.memory_space<vmem_shared>>) offsets(%dma_start3A_450 : memref<88xi32, #tpu.memory_space<vmem>>) semaphore(%run_scoped3A_447 : memref<!tpu.dma_semaphore, #tpu.memory_space<semaphore_mem>>) {add = true}
          %dma_wait3A_454 = arith.constant 0 : i32
          %dma_wait3A_455 = tpu.memref_slice %arg8[%run_scoped3A_296, %dma_wait3A_454] : memref<2x88xi32, #tpu.memory_space<vmem>> -> memref<1x88xi32, #tpu.memory_space<vmem>>
          %dma_wait3A_456 = tpu.memref_squeeze %dma_wait3A_455 : memref<1x88xi32, #tpu.memory_space<vmem>> -> memref<88xi32, #tpu.memory_space<vmem>>
          %dma_wait3A_457 = arith.constant 0 : i32
          %dma_wait3A_458 = arith.constant 0 : i32
          %dma_wait3A_459 = tpu.memref_slice %arg18[%dma_wait3A_457, %dma_wait3A_458] : memref<10240x128xf32, #tpu.memory_space<vmem_shared>> -> memref<10240x128xf32, #tpu.memory_space<vmem_shared>>
          tpu.wait_indirect_dma semaphore(%run_scoped3A_447 : memref<!tpu.dma_semaphore, #tpu.memory_space<semaphore_mem>>) src(%arg14 : memref<88x128xf32, #tpu.memory_space<vmem>>) dst(%dma_wait3A_459 : memref<10240x128xf32, #tpu.memory_space<vmem_shared>>)
          tpu.yield
        }) : () -> ()
        %mul3A_297 = arith.constant 12 : i32
        %mul3A_298 = arith.muli %scan3A_89, %mul3A_297 : i32
        %add3A_299 = arith.constant 7 : i32
        %add3A_300 = arith.addi %mul3A_298, %add3A_299 : i32
        %dma_wait3A_301 = arith.constant 0 : i32
        %dma_wait3A_302 = arith.constant 0 : i32
        %dma_wait3A_303 = tpu.memref_slice %arg9[%dma_wait3A_301, %dma_wait3A_302] : memref<2x88xi32, #tpu.memory_space<vmem>> -> memref<1x88xi32, #tpu.memory_space<vmem>>
        %dma_wait3A_304 = tpu.memref_squeeze %dma_wait3A_303 : memref<1x88xi32, #tpu.memory_space<vmem>> -> memref<88xi32, #tpu.memory_space<vmem>>
        %dma_wait3A_305 = arith.constant 0 : i32
        %dma_wait3A_306 = arith.constant 0 : i32
        %dma_wait3A_307 = tpu.memref_slice %arg2[%dma_wait3A_305, %dma_wait3A_306] : memref<10000x128xf32, #tpu.memory_space<hbm>> -> memref<10000x128xf32, #tpu.memory_space<hbm>>
        tpu.wait_indirect_dma semaphore(%arg25 : memref<!tpu.dma_semaphore, #tpu.memory_space<semaphore_mem>>) src(%dma_wait3A_307 : memref<10000x128xf32, #tpu.memory_space<hbm>>) dst(%arg15 : memref<88x128xf32, #tpu.memory_space<vmem>>)
        %add3A_308 = arith.constant 3 : i32
        %add3A_309 = arith.addi %add3A_300, %add3A_308 : i32
        %sub3A_310 = arith.constant 1 : i32
        %sub3A_311 = arith.subi %add3A_309, %sub3A_310 : i32
        %lt3A_312 = arith.constant 228 : i32
        %lt3A_313 = arith.cmpi slt, %sub3A_311, %lt3A_312 : i32
        %convert_element_type3A_314 = arith.extui %lt3A_313 : i1 to i32
        %cond3A_315 = arith.constant 0 : i32
        %cond3A_316 = arith.cmpi ne, %convert_element_type3A_314, %cond3A_315 : i32
        scf.if %cond3A_316 {
          %add3A_447 = arith.constant 3 : i32
          %add3A_448 = arith.addi %add3A_300, %add3A_447 : i32
          %sub3A_449 = arith.constant 1 : i32
          %sub3A_450 = arith.subi %add3A_448, %sub3A_449 : i32
          %add3A_451 = arith.addi %mul3A_0, %sub3A_450 : i32
          %mul3A_452 = arith.constant 88 : i32
          %mul3A_453 = arith.muli %add3A_451, %mul3A_452 : i32
          %dma_wait3A_454 = arith.constant 0 : i32
          %dma_wait3A_455 = tpu.memref_slice %arg3[%dma_wait3A_454, %mul3A_453] : memref<2x321024xi32, #tpu.memory_space<hbm>> -> memref<2x88xi32, #tpu.memory_space<hbm>>
          %dma_wait3A_456 = arith.constant 0 : i32
          %dma_wait3A_457 = tpu.memref_slice %arg3[%dma_wait3A_456, %mul3A_453] : memref<2x321024xi32, #tpu.memory_space<hbm>> -> memref<2x88xi32, #tpu.memory_space<hbm>>
          tpu.wait_dma2 semaphore(%arg21 : memref<!tpu.dma_semaphore, #tpu.memory_space<semaphore_mem>>) src(%dma_wait3A_457 : memref<2x88xi32, #tpu.memory_space<hbm>>) dst(%arg7 : memref<2x88xi32, #tpu.memory_space<vmem>>)
          %dma_start3A_458 = arith.constant 0 : i32
          %dma_start3A_459 = arith.constant 0 : i32
          %dma_start3A_460 = tpu.memref_slice %arg7[%dma_start3A_458, %dma_start3A_459] : memref<2x88xi32, #tpu.memory_space<vmem>> -> memref<1x88xi32, #tpu.memory_space<vmem>>
          %dma_start3A_461 = tpu.memref_squeeze %dma_start3A_460 : memref<1x88xi32, #tpu.memory_space<vmem>> -> memref<88xi32, #tpu.memory_space<vmem>>
          %dma_start3A_462 = arith.constant 0 : i32
          %dma_start3A_463 = arith.constant 0 : i32
          %dma_start3A_464 = tpu.memref_slice %arg2[%dma_start3A_462, %dma_start3A_463] : memref<10000x128xf32, #tpu.memory_space<hbm>> -> memref<10000x128xf32, #tpu.memory_space<hbm>>
          tpu.enqueue_indirect_dma source(%dma_start3A_464 : memref<10000x128xf32, #tpu.memory_space<hbm>>) target(%arg14 : memref<88x128xf32, #tpu.memory_space<vmem>>) offsets(%dma_start3A_461 : memref<88xi32, #tpu.memory_space<vmem>>) semaphore(%arg24 : memref<!tpu.dma_semaphore, #tpu.memory_space<semaphore_mem>>)
        } else {
        }
        %add3A_317 = arith.constant 4 : i32
        %add3A_318 = arith.addi %add3A_300, %add3A_317 : i32
        %sub3A_319 = arith.constant 1 : i32
        %sub3A_320 = arith.subi %add3A_318, %sub3A_319 : i32
        %lt3A_321 = arith.constant 228 : i32
        %lt3A_322 = arith.cmpi slt, %sub3A_320, %lt3A_321 : i32
        %convert_element_type3A_323 = arith.extui %lt3A_322 : i1 to i32
        %cond3A_324 = arith.constant 0 : i32
        %cond3A_325 = arith.cmpi ne, %convert_element_type3A_323, %cond3A_324 : i32
        scf.if %cond3A_325 {
          %add3A_447 = arith.constant 4 : i32
          %add3A_448 = arith.addi %add3A_300, %add3A_447 : i32
          %sub3A_449 = arith.constant 1 : i32
          %sub3A_450 = arith.subi %add3A_448, %sub3A_449 : i32
          %add3A_451 = arith.addi %mul3A_0, %sub3A_450 : i32
          %mul3A_452 = arith.constant 88 : i32
          %mul3A_453 = arith.muli %add3A_451, %mul3A_452 : i32
          %dma_start3A_454 = arith.constant 0 : i32
          %dma_start3A_455 = tpu.memref_slice %arg3[%dma_start3A_454, %mul3A_453] : memref<2x321024xi32, #tpu.memory_space<hbm>> -> memref<2x88xi32, #tpu.memory_space<hbm>>
          %dma_start3A_456 = arith.constant 0 : i32
          %dma_start3A_457 = tpu.memref_slice %arg3[%dma_start3A_456, %mul3A_453] : memref<2x321024xi32, #tpu.memory_space<hbm>> -> memref<2x88xi32, #tpu.memory_space<hbm>>
          tpu.enqueue_dma source(%dma_start3A_457 : memref<2x88xi32, #tpu.memory_space<hbm>>) target(%arg8 : memref<2x88xi32, #tpu.memory_space<vmem>>) target_semaphore(%arg22 : memref<!tpu.dma_semaphore, #tpu.memory_space<semaphore_mem>>)
        } else {
        }
        %run_scoped3A_326 = arith.constant 1 : i32
        "tpu.region"() ({
          %run_scoped3A_447 = tpu.sem_alloc : memref<!tpu.dma_semaphore, #tpu.memory_space<semaphore_mem>>
          %dma_start3A_448 = arith.constant 0 : i32
          %dma_start3A_449 = tpu.memref_slice %arg9[%run_scoped3A_326, %dma_start3A_448] : memref<2x88xi32, #tpu.memory_space<vmem>> -> memref<1x88xi32, #tpu.memory_space<vmem>>
          %dma_start3A_450 = tpu.memref_squeeze %dma_start3A_449 : memref<1x88xi32, #tpu.memory_space<vmem>> -> memref<88xi32, #tpu.memory_space<vmem>>
          %dma_start3A_451 = arith.constant 0 : i32
          %dma_start3A_452 = arith.constant 0 : i32
          %dma_start3A_453 = tpu.memref_slice %arg18[%dma_start3A_451, %dma_start3A_452] : memref<10240x128xf32, #tpu.memory_space<vmem_shared>> -> memref<10240x128xf32, #tpu.memory_space<vmem_shared>>
          tpu.enqueue_indirect_dma source(%arg15 : memref<88x128xf32, #tpu.memory_space<vmem>>) target(%dma_start3A_453 : memref<10240x128xf32, #tpu.memory_space<vmem_shared>>) offsets(%dma_start3A_450 : memref<88xi32, #tpu.memory_space<vmem>>) semaphore(%run_scoped3A_447 : memref<!tpu.dma_semaphore, #tpu.memory_space<semaphore_mem>>) {add = true}
          %dma_wait3A_454 = arith.constant 0 : i32
          %dma_wait3A_455 = tpu.memref_slice %arg9[%run_scoped3A_326, %dma_wait3A_454] : memref<2x88xi32, #tpu.memory_space<vmem>> -> memref<1x88xi32, #tpu.memory_space<vmem>>
          %dma_wait3A_456 = tpu.memref_squeeze %dma_wait3A_455 : memref<1x88xi32, #tpu.memory_space<vmem>> -> memref<88xi32, #tpu.memory_space<vmem>>
          %dma_wait3A_457 = arith.constant 0 : i32
          %dma_wait3A_458 = arith.constant 0 : i32
          %dma_wait3A_459 = tpu.memref_slice %arg18[%dma_wait3A_457, %dma_wait3A_458] : memref<10240x128xf32, #tpu.memory_space<vmem_shared>> -> memref<10240x128xf32, #tpu.memory_space<vmem_shared>>
          tpu.wait_indirect_dma semaphore(%run_scoped3A_447 : memref<!tpu.dma_semaphore, #tpu.memory_space<semaphore_mem>>) src(%arg15 : memref<88x128xf32, #tpu.memory_space<vmem>>) dst(%dma_wait3A_459 : memref<10240x128xf32, #tpu.memory_space<vmem_shared>>)
          tpu.yield
        }) : () -> ()
        %mul3A_327 = arith.constant 12 : i32
        %mul3A_328 = arith.muli %scan3A_89, %mul3A_327 : i32
        %add3A_329 = arith.constant 8 : i32
        %add3A_330 = arith.addi %mul3A_328, %add3A_329 : i32
        %dma_wait3A_331 = arith.constant 0 : i32
        %dma_wait3A_332 = arith.constant 0 : i32
        %dma_wait3A_333 = tpu.memref_slice %arg6[%dma_wait3A_331, %dma_wait3A_332] : memref<2x88xi32, #tpu.memory_space<vmem>> -> memref<1x88xi32, #tpu.memory_space<vmem>>
        %dma_wait3A_334 = tpu.memref_squeeze %dma_wait3A_333 : memref<1x88xi32, #tpu.memory_space<vmem>> -> memref<88xi32, #tpu.memory_space<vmem>>
        %dma_wait3A_335 = arith.constant 0 : i32
        %dma_wait3A_336 = arith.constant 0 : i32
        %dma_wait3A_337 = tpu.memref_slice %arg2[%dma_wait3A_335, %dma_wait3A_336] : memref<10000x128xf32, #tpu.memory_space<hbm>> -> memref<10000x128xf32, #tpu.memory_space<hbm>>
        tpu.wait_indirect_dma semaphore(%arg26 : memref<!tpu.dma_semaphore, #tpu.memory_space<semaphore_mem>>) src(%dma_wait3A_337 : memref<10000x128xf32, #tpu.memory_space<hbm>>) dst(%arg16 : memref<88x128xf32, #tpu.memory_space<vmem>>)
        %add3A_338 = arith.constant 3 : i32
        %add3A_339 = arith.addi %add3A_330, %add3A_338 : i32
        %sub3A_340 = arith.constant 1 : i32
        %sub3A_341 = arith.subi %add3A_339, %sub3A_340 : i32
        %lt3A_342 = arith.constant 228 : i32
        %lt3A_343 = arith.cmpi slt, %sub3A_341, %lt3A_342 : i32
        %convert_element_type3A_344 = arith.extui %lt3A_343 : i1 to i32
        %cond3A_345 = arith.constant 0 : i32
        %cond3A_346 = arith.cmpi ne, %convert_element_type3A_344, %cond3A_345 : i32
        scf.if %cond3A_346 {
          %add3A_447 = arith.constant 3 : i32
          %add3A_448 = arith.addi %add3A_330, %add3A_447 : i32
          %sub3A_449 = arith.constant 1 : i32
          %sub3A_450 = arith.subi %add3A_448, %sub3A_449 : i32
          %add3A_451 = arith.addi %mul3A_0, %sub3A_450 : i32
          %mul3A_452 = arith.constant 88 : i32
          %mul3A_453 = arith.muli %add3A_451, %mul3A_452 : i32
          %dma_wait3A_454 = arith.constant 0 : i32
          %dma_wait3A_455 = tpu.memref_slice %arg3[%dma_wait3A_454, %mul3A_453] : memref<2x321024xi32, #tpu.memory_space<hbm>> -> memref<2x88xi32, #tpu.memory_space<hbm>>
          %dma_wait3A_456 = arith.constant 0 : i32
          %dma_wait3A_457 = tpu.memref_slice %arg3[%dma_wait3A_456, %mul3A_453] : memref<2x321024xi32, #tpu.memory_space<hbm>> -> memref<2x88xi32, #tpu.memory_space<hbm>>
          tpu.wait_dma2 semaphore(%arg22 : memref<!tpu.dma_semaphore, #tpu.memory_space<semaphore_mem>>) src(%dma_wait3A_457 : memref<2x88xi32, #tpu.memory_space<hbm>>) dst(%arg8 : memref<2x88xi32, #tpu.memory_space<vmem>>)
          %dma_start3A_458 = arith.constant 0 : i32
          %dma_start3A_459 = arith.constant 0 : i32
          %dma_start3A_460 = tpu.memref_slice %arg8[%dma_start3A_458, %dma_start3A_459] : memref<2x88xi32, #tpu.memory_space<vmem>> -> memref<1x88xi32, #tpu.memory_space<vmem>>
          %dma_start3A_461 = tpu.memref_squeeze %dma_start3A_460 : memref<1x88xi32, #tpu.memory_space<vmem>> -> memref<88xi32, #tpu.memory_space<vmem>>
          %dma_start3A_462 = arith.constant 0 : i32
          %dma_start3A_463 = arith.constant 0 : i32
          %dma_start3A_464 = tpu.memref_slice %arg2[%dma_start3A_462, %dma_start3A_463] : memref<10000x128xf32, #tpu.memory_space<hbm>> -> memref<10000x128xf32, #tpu.memory_space<hbm>>
          tpu.enqueue_indirect_dma source(%dma_start3A_464 : memref<10000x128xf32, #tpu.memory_space<hbm>>) target(%arg15 : memref<88x128xf32, #tpu.memory_space<vmem>>) offsets(%dma_start3A_461 : memref<88xi32, #tpu.memory_space<vmem>>) semaphore(%arg25 : memref<!tpu.dma_semaphore, #tpu.memory_space<semaphore_mem>>)
        } else {
        }
        %add3A_347 = arith.constant 4 : i32
        %add3A_348 = arith.addi %add3A_330, %add3A_347 : i32
        %sub3A_349 = arith.constant 1 : i32
        %sub3A_350 = arith.subi %add3A_348, %sub3A_349 : i32
        %lt3A_351 = arith.constant 228 : i32
        %lt3A_352 = arith.cmpi slt, %sub3A_350, %lt3A_351 : i32
        %convert_element_type3A_353 = arith.extui %lt3A_352 : i1 to i32
        %cond3A_354 = arith.constant 0 : i32
        %cond3A_355 = arith.cmpi ne, %convert_element_type3A_353, %cond3A_354 : i32
        scf.if %cond3A_355 {
          %add3A_447 = arith.constant 4 : i32
          %add3A_448 = arith.addi %add3A_330, %add3A_447 : i32
          %sub3A_449 = arith.constant 1 : i32
          %sub3A_450 = arith.subi %add3A_448, %sub3A_449 : i32
          %add3A_451 = arith.addi %mul3A_0, %sub3A_450 : i32
          %mul3A_452 = arith.constant 88 : i32
          %mul3A_453 = arith.muli %add3A_451, %mul3A_452 : i32
          %dma_start3A_454 = arith.constant 0 : i32
          %dma_start3A_455 = tpu.memref_slice %arg3[%dma_start3A_454, %mul3A_453] : memref<2x321024xi32, #tpu.memory_space<hbm>> -> memref<2x88xi32, #tpu.memory_space<hbm>>
          %dma_start3A_456 = arith.constant 0 : i32
          %dma_start3A_457 = tpu.memref_slice %arg3[%dma_start3A_456, %mul3A_453] : memref<2x321024xi32, #tpu.memory_space<hbm>> -> memref<2x88xi32, #tpu.memory_space<hbm>>
          tpu.enqueue_dma source(%dma_start3A_457 : memref<2x88xi32, #tpu.memory_space<hbm>>) target(%arg9 : memref<2x88xi32, #tpu.memory_space<vmem>>) target_semaphore(%arg23 : memref<!tpu.dma_semaphore, #tpu.memory_space<semaphore_mem>>)
        } else {
        }
        %run_scoped3A_356 = arith.constant 1 : i32
        "tpu.region"() ({
          %run_scoped3A_447 = tpu.sem_alloc : memref<!tpu.dma_semaphore, #tpu.memory_space<semaphore_mem>>
          %dma_start3A_448 = arith.constant 0 : i32
          %dma_start3A_449 = tpu.memref_slice %arg6[%run_scoped3A_356, %dma_start3A_448] : memref<2x88xi32, #tpu.memory_space<vmem>> -> memref<1x88xi32, #tpu.memory_space<vmem>>
          %dma_start3A_450 = tpu.memref_squeeze %dma_start3A_449 : memref<1x88xi32, #tpu.memory_space<vmem>> -> memref<88xi32, #tpu.memory_space<vmem>>
          %dma_start3A_451 = arith.constant 0 : i32
          %dma_start3A_452 = arith.constant 0 : i32
          %dma_start3A_453 = tpu.memref_slice %arg18[%dma_start3A_451, %dma_start3A_452] : memref<10240x128xf32, #tpu.memory_space<vmem_shared>> -> memref<10240x128xf32, #tpu.memory_space<vmem_shared>>
          tpu.enqueue_indirect_dma source(%arg16 : memref<88x128xf32, #tpu.memory_space<vmem>>) target(%dma_start3A_453 : memref<10240x128xf32, #tpu.memory_space<vmem_shared>>) offsets(%dma_start3A_450 : memref<88xi32, #tpu.memory_space<vmem>>) semaphore(%run_scoped3A_447 : memref<!tpu.dma_semaphore, #tpu.memory_space<semaphore_mem>>) {add = true}
          %dma_wait3A_454 = arith.constant 0 : i32
          %dma_wait3A_455 = tpu.memref_slice %arg6[%run_scoped3A_356, %dma_wait3A_454] : memref<2x88xi32, #tpu.memory_space<vmem>> -> memref<1x88xi32, #tpu.memory_space<vmem>>
          %dma_wait3A_456 = tpu.memref_squeeze %dma_wait3A_455 : memref<1x88xi32, #tpu.memory_space<vmem>> -> memref<88xi32, #tpu.memory_space<vmem>>
          %dma_wait3A_457 = arith.constant 0 : i32
          %dma_wait3A_458 = arith.constant 0 : i32
          %dma_wait3A_459 = tpu.memref_slice %arg18[%dma_wait3A_457, %dma_wait3A_458] : memref<10240x128xf32, #tpu.memory_space<vmem_shared>> -> memref<10240x128xf32, #tpu.memory_space<vmem_shared>>
          tpu.wait_indirect_dma semaphore(%run_scoped3A_447 : memref<!tpu.dma_semaphore, #tpu.memory_space<semaphore_mem>>) src(%arg16 : memref<88x128xf32, #tpu.memory_space<vmem>>) dst(%dma_wait3A_459 : memref<10240x128xf32, #tpu.memory_space<vmem_shared>>)
          tpu.yield
        }) : () -> ()
        %mul3A_357 = arith.constant 12 : i32
        %mul3A_358 = arith.muli %scan3A_89, %mul3A_357 : i32
        %add3A_359 = arith.constant 9 : i32
        %add3A_360 = arith.addi %mul3A_358, %add3A_359 : i32
        %dma_wait3A_361 = arith.constant 0 : i32
        %dma_wait3A_362 = arith.constant 0 : i32
        %dma_wait3A_363 = tpu.memref_slice %arg7[%dma_wait3A_361, %dma_wait3A_362] : memref<2x88xi32, #tpu.memory_space<vmem>> -> memref<1x88xi32, #tpu.memory_space<vmem>>
        %dma_wait3A_364 = tpu.memref_squeeze %dma_wait3A_363 : memref<1x88xi32, #tpu.memory_space<vmem>> -> memref<88xi32, #tpu.memory_space<vmem>>
        %dma_wait3A_365 = arith.constant 0 : i32
        %dma_wait3A_366 = arith.constant 0 : i32
        %dma_wait3A_367 = tpu.memref_slice %arg2[%dma_wait3A_365, %dma_wait3A_366] : memref<10000x128xf32, #tpu.memory_space<hbm>> -> memref<10000x128xf32, #tpu.memory_space<hbm>>
        tpu.wait_indirect_dma semaphore(%arg24 : memref<!tpu.dma_semaphore, #tpu.memory_space<semaphore_mem>>) src(%dma_wait3A_367 : memref<10000x128xf32, #tpu.memory_space<hbm>>) dst(%arg14 : memref<88x128xf32, #tpu.memory_space<vmem>>)
        %add3A_368 = arith.constant 3 : i32
        %add3A_369 = arith.addi %add3A_360, %add3A_368 : i32
        %sub3A_370 = arith.constant 1 : i32
        %sub3A_371 = arith.subi %add3A_369, %sub3A_370 : i32
        %lt3A_372 = arith.constant 228 : i32
        %lt3A_373 = arith.cmpi slt, %sub3A_371, %lt3A_372 : i32
        %convert_element_type3A_374 = arith.extui %lt3A_373 : i1 to i32
        %cond3A_375 = arith.constant 0 : i32
        %cond3A_376 = arith.cmpi ne, %convert_element_type3A_374, %cond3A_375 : i32
        scf.if %cond3A_376 {
          %add3A_447 = arith.constant 3 : i32
          %add3A_448 = arith.addi %add3A_360, %add3A_447 : i32
          %sub3A_449 = arith.constant 1 : i32
          %sub3A_450 = arith.subi %add3A_448, %sub3A_449 : i32
          %add3A_451 = arith.addi %mul3A_0, %sub3A_450 : i32
          %mul3A_452 = arith.constant 88 : i32
          %mul3A_453 = arith.muli %add3A_451, %mul3A_452 : i32
          %dma_wait3A_454 = arith.constant 0 : i32
          %dma_wait3A_455 = tpu.memref_slice %arg3[%dma_wait3A_454, %mul3A_453] : memref<2x321024xi32, #tpu.memory_space<hbm>> -> memref<2x88xi32, #tpu.memory_space<hbm>>
          %dma_wait3A_456 = arith.constant 0 : i32
          %dma_wait3A_457 = tpu.memref_slice %arg3[%dma_wait3A_456, %mul3A_453] : memref<2x321024xi32, #tpu.memory_space<hbm>> -> memref<2x88xi32, #tpu.memory_space<hbm>>
          tpu.wait_dma2 semaphore(%arg23 : memref<!tpu.dma_semaphore, #tpu.memory_space<semaphore_mem>>) src(%dma_wait3A_457 : memref<2x88xi32, #tpu.memory_space<hbm>>) dst(%arg9 : memref<2x88xi32, #tpu.memory_space<vmem>>)
          %dma_start3A_458 = arith.constant 0 : i32
          %dma_start3A_459 = arith.constant 0 : i32
          %dma_start3A_460 = tpu.memref_slice %arg9[%dma_start3A_458, %dma_start3A_459] : memref<2x88xi32, #tpu.memory_space<vmem>> -> memref<1x88xi32, #tpu.memory_space<vmem>>
          %dma_start3A_461 = tpu.memref_squeeze %dma_start3A_460 : memref<1x88xi32, #tpu.memory_space<vmem>> -> memref<88xi32, #tpu.memory_space<vmem>>
          %dma_start3A_462 = arith.constant 0 : i32
          %dma_start3A_463 = arith.constant 0 : i32
          %dma_start3A_464 = tpu.memref_slice %arg2[%dma_start3A_462, %dma_start3A_463] : memref<10000x128xf32, #tpu.memory_space<hbm>> -> memref<10000x128xf32, #tpu.memory_space<hbm>>
          tpu.enqueue_indirect_dma source(%dma_start3A_464 : memref<10000x128xf32, #tpu.memory_space<hbm>>) target(%arg16 : memref<88x128xf32, #tpu.memory_space<vmem>>) offsets(%dma_start3A_461 : memref<88xi32, #tpu.memory_space<vmem>>) semaphore(%arg26 : memref<!tpu.dma_semaphore, #tpu.memory_space<semaphore_mem>>)
        } else {
        }
        %add3A_377 = arith.constant 4 : i32
        %add3A_378 = arith.addi %add3A_360, %add3A_377 : i32
        %sub3A_379 = arith.constant 1 : i32
        %sub3A_380 = arith.subi %add3A_378, %sub3A_379 : i32
        %lt3A_381 = arith.constant 228 : i32
        %lt3A_382 = arith.cmpi slt, %sub3A_380, %lt3A_381 : i32
        %convert_element_type3A_383 = arith.extui %lt3A_382 : i1 to i32
        %cond3A_384 = arith.constant 0 : i32
        %cond3A_385 = arith.cmpi ne, %convert_element_type3A_383, %cond3A_384 : i32
        scf.if %cond3A_385 {
          %add3A_447 = arith.constant 4 : i32
          %add3A_448 = arith.addi %add3A_360, %add3A_447 : i32
          %sub3A_449 = arith.constant 1 : i32
          %sub3A_450 = arith.subi %add3A_448, %sub3A_449 : i32
          %add3A_451 = arith.addi %mul3A_0, %sub3A_450 : i32
          %mul3A_452 = arith.constant 88 : i32
          %mul3A_453 = arith.muli %add3A_451, %mul3A_452 : i32
          %dma_start3A_454 = arith.constant 0 : i32
          %dma_start3A_455 = tpu.memref_slice %arg3[%dma_start3A_454, %mul3A_453] : memref<2x321024xi32, #tpu.memory_space<hbm>> -> memref<2x88xi32, #tpu.memory_space<hbm>>
          %dma_start3A_456 = arith.constant 0 : i32
          %dma_start3A_457 = tpu.memref_slice %arg3[%dma_start3A_456, %mul3A_453] : memref<2x321024xi32, #tpu.memory_space<hbm>> -> memref<2x88xi32, #tpu.memory_space<hbm>>
          tpu.enqueue_dma source(%dma_start3A_457 : memref<2x88xi32, #tpu.memory_space<hbm>>) target(%arg6 : memref<2x88xi32, #tpu.memory_space<vmem>>) target_semaphore(%arg20 : memref<!tpu.dma_semaphore, #tpu.memory_space<semaphore_mem>>)
        } else {
        }
        %run_scoped3A_386 = arith.constant 1 : i32
        "tpu.region"() ({
          %run_scoped3A_447 = tpu.sem_alloc : memref<!tpu.dma_semaphore, #tpu.memory_space<semaphore_mem>>
          %dma_start3A_448 = arith.constant 0 : i32
          %dma_start3A_449 = tpu.memref_slice %arg7[%run_scoped3A_386, %dma_start3A_448] : memref<2x88xi32, #tpu.memory_space<vmem>> -> memref<1x88xi32, #tpu.memory_space<vmem>>
          %dma_start3A_450 = tpu.memref_squeeze %dma_start3A_449 : memref<1x88xi32, #tpu.memory_space<vmem>> -> memref<88xi32, #tpu.memory_space<vmem>>
          %dma_start3A_451 = arith.constant 0 : i32
          %dma_start3A_452 = arith.constant 0 : i32
          %dma_start3A_453 = tpu.memref_slice %arg18[%dma_start3A_451, %dma_start3A_452] : memref<10240x128xf32, #tpu.memory_space<vmem_shared>> -> memref<10240x128xf32, #tpu.memory_space<vmem_shared>>
          tpu.enqueue_indirect_dma source(%arg14 : memref<88x128xf32, #tpu.memory_space<vmem>>) target(%dma_start3A_453 : memref<10240x128xf32, #tpu.memory_space<vmem_shared>>) offsets(%dma_start3A_450 : memref<88xi32, #tpu.memory_space<vmem>>) semaphore(%run_scoped3A_447 : memref<!tpu.dma_semaphore, #tpu.memory_space<semaphore_mem>>) {add = true}
          %dma_wait3A_454 = arith.constant 0 : i32
          %dma_wait3A_455 = tpu.memref_slice %arg7[%run_scoped3A_386, %dma_wait3A_454] : memref<2x88xi32, #tpu.memory_space<vmem>> -> memref<1x88xi32, #tpu.memory_space<vmem>>
          %dma_wait3A_456 = tpu.memref_squeeze %dma_wait3A_455 : memref<1x88xi32, #tpu.memory_space<vmem>> -> memref<88xi32, #tpu.memory_space<vmem>>
          %dma_wait3A_457 = arith.constant 0 : i32
          %dma_wait3A_458 = arith.constant 0 : i32
          %dma_wait3A_459 = tpu.memref_slice %arg18[%dma_wait3A_457, %dma_wait3A_458] : memref<10240x128xf32, #tpu.memory_space<vmem_shared>> -> memref<10240x128xf32, #tpu.memory_space<vmem_shared>>
          tpu.wait_indirect_dma semaphore(%run_scoped3A_447 : memref<!tpu.dma_semaphore, #tpu.memory_space<semaphore_mem>>) src(%arg14 : memref<88x128xf32, #tpu.memory_space<vmem>>) dst(%dma_wait3A_459 : memref<10240x128xf32, #tpu.memory_space<vmem_shared>>)
          tpu.yield
        }) : () -> ()
        %mul3A_387 = arith.constant 12 : i32
        %mul3A_388 = arith.muli %scan3A_89, %mul3A_387 : i32
        %add3A_389 = arith.constant 10 : i32
        %add3A_390 = arith.addi %mul3A_388, %add3A_389 : i32
        %dma_wait3A_391 = arith.constant 0 : i32
        %dma_wait3A_392 = arith.constant 0 : i32
        %dma_wait3A_393 = tpu.memref_slice %arg8[%dma_wait3A_391, %dma_wait3A_392] : memref<2x88xi32, #tpu.memory_space<vmem>> -> memref<1x88xi32, #tpu.memory_space<vmem>>
        %dma_wait3A_394 = tpu.memref_squeeze %dma_wait3A_393 : memref<1x88xi32, #tpu.memory_space<vmem>> -> memref<88xi32, #tpu.memory_space<vmem>>
        %dma_wait3A_395 = arith.constant 0 : i32
        %dma_wait3A_396 = arith.constant 0 : i32
        %dma_wait3A_397 = tpu.memref_slice %arg2[%dma_wait3A_395, %dma_wait3A_396] : memref<10000x128xf32, #tpu.memory_space<hbm>> -> memref<10000x128xf32, #tpu.memory_space<hbm>>
        tpu.wait_indirect_dma semaphore(%arg25 : memref<!tpu.dma_semaphore, #tpu.memory_space<semaphore_mem>>) src(%dma_wait3A_397 : memref<10000x128xf32, #tpu.memory_space<hbm>>) dst(%arg15 : memref<88x128xf32, #tpu.memory_space<vmem>>)
        %add3A_398 = arith.constant 3 : i32
        %add3A_399 = arith.addi %add3A_390, %add3A_398 : i32
        %sub3A_400 = arith.constant 1 : i32
        %sub3A_401 = arith.subi %add3A_399, %sub3A_400 : i32
        %lt3A_402 = arith.constant 228 : i32
        %lt3A_403 = arith.cmpi slt, %sub3A_401, %lt3A_402 : i32
        %convert_element_type3A_404 = arith.extui %lt3A_403 : i1 to i32
        %cond3A_405 = arith.constant 0 : i32
        %cond3A_406 = arith.cmpi ne, %convert_element_type3A_404, %cond3A_405 : i32
        scf.if %cond3A_406 {
          %add3A_447 = arith.constant 3 : i32
          %add3A_448 = arith.addi %add3A_390, %add3A_447 : i32
          %sub3A_449 = arith.constant 1 : i32
          %sub3A_450 = arith.subi %add3A_448, %sub3A_449 : i32
          %add3A_451 = arith.addi %mul3A_0, %sub3A_450 : i32
          %mul3A_452 = arith.constant 88 : i32
          %mul3A_453 = arith.muli %add3A_451, %mul3A_452 : i32
          %dma_wait3A_454 = arith.constant 0 : i32
          %dma_wait3A_455 = tpu.memref_slice %arg3[%dma_wait3A_454, %mul3A_453] : memref<2x321024xi32, #tpu.memory_space<hbm>> -> memref<2x88xi32, #tpu.memory_space<hbm>>
          %dma_wait3A_456 = arith.constant 0 : i32
          %dma_wait3A_457 = tpu.memref_slice %arg3[%dma_wait3A_456, %mul3A_453] : memref<2x321024xi32, #tpu.memory_space<hbm>> -> memref<2x88xi32, #tpu.memory_space<hbm>>
          tpu.wait_dma2 semaphore(%arg20 : memref<!tpu.dma_semaphore, #tpu.memory_space<semaphore_mem>>) src(%dma_wait3A_457 : memref<2x88xi32, #tpu.memory_space<hbm>>) dst(%arg6 : memref<2x88xi32, #tpu.memory_space<vmem>>)
          %dma_start3A_458 = arith.constant 0 : i32
          %dma_start3A_459 = arith.constant 0 : i32
          %dma_start3A_460 = tpu.memref_slice %arg6[%dma_start3A_458, %dma_start3A_459] : memref<2x88xi32, #tpu.memory_space<vmem>> -> memref<1x88xi32, #tpu.memory_space<vmem>>
          %dma_start3A_461 = tpu.memref_squeeze %dma_start3A_460 : memref<1x88xi32, #tpu.memory_space<vmem>> -> memref<88xi32, #tpu.memory_space<vmem>>
          %dma_start3A_462 = arith.constant 0 : i32
          %dma_start3A_463 = arith.constant 0 : i32
          %dma_start3A_464 = tpu.memref_slice %arg2[%dma_start3A_462, %dma_start3A_463] : memref<10000x128xf32, #tpu.memory_space<hbm>> -> memref<10000x128xf32, #tpu.memory_space<hbm>>
          tpu.enqueue_indirect_dma source(%dma_start3A_464 : memref<10000x128xf32, #tpu.memory_space<hbm>>) target(%arg14 : memref<88x128xf32, #tpu.memory_space<vmem>>) offsets(%dma_start3A_461 : memref<88xi32, #tpu.memory_space<vmem>>) semaphore(%arg24 : memref<!tpu.dma_semaphore, #tpu.memory_space<semaphore_mem>>)
        } else {
        }
        %add3A_407 = arith.constant 4 : i32
        %add3A_408 = arith.addi %add3A_390, %add3A_407 : i32
        %sub3A_409 = arith.constant 1 : i32
        %sub3A_410 = arith.subi %add3A_408, %sub3A_409 : i32
        %lt3A_411 = arith.constant 228 : i32
        %lt3A_412 = arith.cmpi slt, %sub3A_410, %lt3A_411 : i32
        %convert_element_type3A_413 = arith.extui %lt3A_412 : i1 to i32
        %cond3A_414 = arith.constant 0 : i32
        %cond3A_415 = arith.cmpi ne, %convert_element_type3A_413, %cond3A_414 : i32
        scf.if %cond3A_415 {
          %add3A_447 = arith.constant 4 : i32
          %add3A_448 = arith.addi %add3A_390, %add3A_447 : i32
          %sub3A_449 = arith.constant 1 : i32
          %sub3A_450 = arith.subi %add3A_448, %sub3A_449 : i32
          %add3A_451 = arith.addi %mul3A_0, %sub3A_450 : i32
          %mul3A_452 = arith.constant 88 : i32
          %mul3A_453 = arith.muli %add3A_451, %mul3A_452 : i32
          %dma_start3A_454 = arith.constant 0 : i32
          %dma_start3A_455 = tpu.memref_slice %arg3[%dma_start3A_454, %mul3A_453] : memref<2x321024xi32, #tpu.memory_space<hbm>> -> memref<2x88xi32, #tpu.memory_space<hbm>>
          %dma_start3A_456 = arith.constant 0 : i32
          %dma_start3A_457 = tpu.memref_slice %arg3[%dma_start3A_456, %mul3A_453] : memref<2x321024xi32, #tpu.memory_space<hbm>> -> memref<2x88xi32, #tpu.memory_space<hbm>>
          tpu.enqueue_dma source(%dma_start3A_457 : memref<2x88xi32, #tpu.memory_space<hbm>>) target(%arg7 : memref<2x88xi32, #tpu.memory_space<vmem>>) target_semaphore(%arg21 : memref<!tpu.dma_semaphore, #tpu.memory_space<semaphore_mem>>)
        } else {
        }
        %run_scoped3A_416 = arith.constant 1 : i32
        "tpu.region"() ({
          %run_scoped3A_447 = tpu.sem_alloc : memref<!tpu.dma_semaphore, #tpu.memory_space<semaphore_mem>>
          %dma_start3A_448 = arith.constant 0 : i32
          %dma_start3A_449 = tpu.memref_slice %arg8[%run_scoped3A_416, %dma_start3A_448] : memref<2x88xi32, #tpu.memory_space<vmem>> -> memref<1x88xi32, #tpu.memory_space<vmem>>
          %dma_start3A_450 = tpu.memref_squeeze %dma_start3A_449 : memref<1x88xi32, #tpu.memory_space<vmem>> -> memref<88xi32, #tpu.memory_space<vmem>>
          %dma_start3A_451 = arith.constant 0 : i32
          %dma_start3A_452 = arith.constant 0 : i32
          %dma_start3A_453 = tpu.memref_slice %arg18[%dma_start3A_451, %dma_start3A_452] : memref<10240x128xf32, #tpu.memory_space<vmem_shared>> -> memref<10240x128xf32, #tpu.memory_space<vmem_shared>>
          tpu.enqueue_indirect_dma source(%arg15 : memref<88x128xf32, #tpu.memory_space<vmem>>) target(%dma_start3A_453 : memref<10240x128xf32, #tpu.memory_space<vmem_shared>>) offsets(%dma_start3A_450 : memref<88xi32, #tpu.memory_space<vmem>>) semaphore(%run_scoped3A_447 : memref<!tpu.dma_semaphore, #tpu.memory_space<semaphore_mem>>) {add = true}
          %dma_wait3A_454 = arith.constant 0 : i32
          %dma_wait3A_455 = tpu.memref_slice %arg8[%run_scoped3A_416, %dma_wait3A_454] : memref<2x88xi32, #tpu.memory_space<vmem>> -> memref<1x88xi32, #tpu.memory_space<vmem>>
          %dma_wait3A_456 = tpu.memref_squeeze %dma_wait3A_455 : memref<1x88xi32, #tpu.memory_space<vmem>> -> memref<88xi32, #tpu.memory_space<vmem>>
          %dma_wait3A_457 = arith.constant 0 : i32
          %dma_wait3A_458 = arith.constant 0 : i32
          %dma_wait3A_459 = tpu.memref_slice %arg18[%dma_wait3A_457, %dma_wait3A_458] : memref<10240x128xf32, #tpu.memory_space<vmem_shared>> -> memref<10240x128xf32, #tpu.memory_space<vmem_shared>>
          tpu.wait_indirect_dma semaphore(%run_scoped3A_447 : memref<!tpu.dma_semaphore, #tpu.memory_space<semaphore_mem>>) src(%arg15 : memref<88x128xf32, #tpu.memory_space<vmem>>) dst(%dma_wait3A_459 : memref<10240x128xf32, #tpu.memory_space<vmem_shared>>)
          tpu.yield
        }) : () -> ()
        %mul3A_417 = arith.constant 12 : i32
        %mul3A_418 = arith.muli %scan3A_89, %mul3A_417 : i32
        %add3A_419 = arith.constant 11 : i32
        %add3A_420 = arith.addi %mul3A_418, %add3A_419 : i32
        %dma_wait3A_421 = arith.constant 0 : i32
        %dma_wait3A_422 = arith.constant 0 : i32
        %dma_wait3A_423 = tpu.memref_slice %arg9[%dma_wait3A_421, %dma_wait3A_422] : memref<2x88xi32, #tpu.memory_space<vmem>> -> memref<1x88xi32, #tpu.memory_space<vmem>>
        %dma_wait3A_424 = tpu.memref_squeeze %dma_wait3A_423 : memref<1x88xi32, #tpu.memory_space<vmem>> -> memref<88xi32, #tpu.memory_space<vmem>>
        %dma_wait3A_425 = arith.constant 0 : i32
        %dma_wait3A_426 = arith.constant 0 : i32
        %dma_wait3A_427 = tpu.memref_slice %arg2[%dma_wait3A_425, %dma_wait3A_426] : memref<10000x128xf32, #tpu.memory_space<hbm>> -> memref<10000x128xf32, #tpu.memory_space<hbm>>
        tpu.wait_indirect_dma semaphore(%arg26 : memref<!tpu.dma_semaphore, #tpu.memory_space<semaphore_mem>>) src(%dma_wait3A_427 : memref<10000x128xf32, #tpu.memory_space<hbm>>) dst(%arg16 : memref<88x128xf32, #tpu.memory_space<vmem>>)
        %add3A_428 = arith.constant 3 : i32
        %add3A_429 = arith.addi %add3A_420, %add3A_428 : i32
        %sub3A_430 = arith.constant 1 : i32
        %sub3A_431 = arith.subi %add3A_429, %sub3A_430 : i32
        %lt3A_432 = arith.constant 228 : i32
        %lt3A_433 = arith.cmpi slt, %sub3A_431, %lt3A_432 : i32
        %convert_element_type3A_434 = arith.extui %lt3A_433 : i1 to i32
        %cond3A_435 = arith.constant 0 : i32
        %cond3A_436 = arith.cmpi ne, %convert_element_type3A_434, %cond3A_435 : i32
        scf.if %cond3A_436 {
          %add3A_447 = arith.constant 3 : i32
          %add3A_448 = arith.addi %add3A_420, %add3A_447 : i32
          %sub3A_449 = arith.constant 1 : i32
          %sub3A_450 = arith.subi %add3A_448, %sub3A_449 : i32
          %add3A_451 = arith.addi %mul3A_0, %sub3A_450 : i32
          %mul3A_452 = arith.constant 88 : i32
          %mul3A_453 = arith.muli %add3A_451, %mul3A_452 : i32
          %dma_wait3A_454 = arith.constant 0 : i32
          %dma_wait3A_455 = tpu.memref_slice %arg3[%dma_wait3A_454, %mul3A_453] : memref<2x321024xi32, #tpu.memory_space<hbm>> -> memref<2x88xi32, #tpu.memory_space<hbm>>
          %dma_wait3A_456 = arith.constant 0 : i32
          %dma_wait3A_457 = tpu.memref_slice %arg3[%dma_wait3A_456, %mul3A_453] : memref<2x321024xi32, #tpu.memory_space<hbm>> -> memref<2x88xi32, #tpu.memory_space<hbm>>
          tpu.wait_dma2 semaphore(%arg21 : memref<!tpu.dma_semaphore, #tpu.memory_space<semaphore_mem>>) src(%dma_wait3A_457 : memref<2x88xi32, #tpu.memory_space<hbm>>) dst(%arg7 : memref<2x88xi32, #tpu.memory_space<vmem>>)
          %dma_start3A_458 = arith.constant 0 : i32
          %dma_start3A_459 = arith.constant 0 : i32
          %dma_start3A_460 = tpu.memref_slice %arg7[%dma_start3A_458, %dma_start3A_459] : memref<2x88xi32, #tpu.memory_space<vmem>> -> memref<1x88xi32, #tpu.memory_space<vmem>>
          %dma_start3A_461 = tpu.memref_squeeze %dma_start3A_460 : memref<1x88xi32, #tpu.memory_space<vmem>> -> memref<88xi32, #tpu.memory_space<vmem>>
          %dma_start3A_462 = arith.constant 0 : i32
          %dma_start3A_463 = arith.constant 0 : i32
          %dma_start3A_464 = tpu.memref_slice %arg2[%dma_start3A_462, %dma_start3A_463] : memref<10000x128xf32, #tpu.memory_space<hbm>> -> memref<10000x128xf32, #tpu.memory_space<hbm>>
          tpu.enqueue_indirect_dma source(%dma_start3A_464 : memref<10000x128xf32, #tpu.memory_space<hbm>>) target(%arg15 : memref<88x128xf32, #tpu.memory_space<vmem>>) offsets(%dma_start3A_461 : memref<88xi32, #tpu.memory_space<vmem>>) semaphore(%arg25 : memref<!tpu.dma_semaphore, #tpu.memory_space<semaphore_mem>>)
        } else {
        }
        %add3A_437 = arith.constant 4 : i32
        %add3A_438 = arith.addi %add3A_420, %add3A_437 : i32
        %sub3A_439 = arith.constant 1 : i32
        %sub3A_440 = arith.subi %add3A_438, %sub3A_439 : i32
        %lt3A_441 = arith.constant 228 : i32
        %lt3A_442 = arith.cmpi slt, %sub3A_440, %lt3A_441 : i32
        %convert_element_type3A_443 = arith.extui %lt3A_442 : i1 to i32
        %cond3A_444 = arith.constant 0 : i32
        %cond3A_445 = arith.cmpi ne, %convert_element_type3A_443, %cond3A_444 : i32
        scf.if %cond3A_445 {
          %add3A_447 = arith.constant 4 : i32
          %add3A_448 = arith.addi %add3A_420, %add3A_447 : i32
          %sub3A_449 = arith.constant 1 : i32
          %sub3A_450 = arith.subi %add3A_448, %sub3A_449 : i32
          %add3A_451 = arith.addi %mul3A_0, %sub3A_450 : i32
          %mul3A_452 = arith.constant 88 : i32
          %mul3A_453 = arith.muli %add3A_451, %mul3A_452 : i32
          %dma_start3A_454 = arith.constant 0 : i32
          %dma_start3A_455 = tpu.memref_slice %arg3[%dma_start3A_454, %mul3A_453] : memref<2x321024xi32, #tpu.memory_space<hbm>> -> memref<2x88xi32, #tpu.memory_space<hbm>>
          %dma_start3A_456 = arith.constant 0 : i32
          %dma_start3A_457 = tpu.memref_slice %arg3[%dma_start3A_456, %mul3A_453] : memref<2x321024xi32, #tpu.memory_space<hbm>> -> memref<2x88xi32, #tpu.memory_space<hbm>>
          tpu.enqueue_dma source(%dma_start3A_457 : memref<2x88xi32, #tpu.memory_space<hbm>>) target(%arg8 : memref<2x88xi32, #tpu.memory_space<vmem>>) target_semaphore(%arg22 : memref<!tpu.dma_semaphore, #tpu.memory_space<semaphore_mem>>)
        } else {
        }
        %run_scoped3A_446 = arith.constant 1 : i32
        "tpu.region"() ({
          %run_scoped3A_447 = tpu.sem_alloc : memref<!tpu.dma_semaphore, #tpu.memory_space<semaphore_mem>>
          %dma_start3A_448 = arith.constant 0 : i32
          %dma_start3A_449 = tpu.memref_slice %arg9[%run_scoped3A_446, %dma_start3A_448] : memref<2x88xi32, #tpu.memory_space<vmem>> -> memref<1x88xi32, #tpu.memory_space<vmem>>
          %dma_start3A_450 = tpu.memref_squeeze %dma_start3A_449 : memref<1x88xi32, #tpu.memory_space<vmem>> -> memref<88xi32, #tpu.memory_space<vmem>>
          %dma_start3A_451 = arith.constant 0 : i32
          %dma_start3A_452 = arith.constant 0 : i32
          %dma_start3A_453 = tpu.memref_slice %arg18[%dma_start3A_451, %dma_start3A_452] : memref<10240x128xf32, #tpu.memory_space<vmem_shared>> -> memref<10240x128xf32, #tpu.memory_space<vmem_shared>>
          tpu.enqueue_indirect_dma source(%arg16 : memref<88x128xf32, #tpu.memory_space<vmem>>) target(%dma_start3A_453 : memref<10240x128xf32, #tpu.memory_space<vmem_shared>>) offsets(%dma_start3A_450 : memref<88xi32, #tpu.memory_space<vmem>>) semaphore(%run_scoped3A_447 : memref<!tpu.dma_semaphore, #tpu.memory_space<semaphore_mem>>) {add = true}
          %dma_wait3A_454 = arith.constant 0 : i32
          %dma_wait3A_455 = tpu.memref_slice %arg9[%run_scoped3A_446, %dma_wait3A_454] : memref<2x88xi32, #tpu.memory_space<vmem>> -> memref<1x88xi32, #tpu.memory_space<vmem>>
          %dma_wait3A_456 = tpu.memref_squeeze %dma_wait3A_455 : memref<1x88xi32, #tpu.memory_space<vmem>> -> memref<88xi32, #tpu.memory_space<vmem>>
          %dma_wait3A_457 = arith.constant 0 : i32
          %dma_wait3A_458 = arith.constant 0 : i32
          %dma_wait3A_459 = tpu.memref_slice %arg18[%dma_wait3A_457, %dma_wait3A_458] : memref<10240x128xf32, #tpu.memory_space<vmem_shared>> -> memref<10240x128xf32, #tpu.memory_space<vmem_shared>>
          tpu.wait_indirect_dma semaphore(%run_scoped3A_447 : memref<!tpu.dma_semaphore, #tpu.memory_space<semaphore_mem>>) src(%arg16 : memref<88x128xf32, #tpu.memory_space<vmem>>) dst(%dma_wait3A_459 : memref<10240x128xf32, #tpu.memory_space<vmem_shared>>)
          tpu.yield
        }) : () -> ()
      }
      %scan3A_87 = arith.constant 19 : i32
      %barrier3A_88 = arith.constant 0 : index
      tpu.barrier barrier_id(%barrier3A_88)
      "tpu.region"() ({
        %run_scoped3A = tpu.sem_alloc : memref<!tpu.dma_semaphore, #tpu.memory_space<semaphore_mem>>
        %dma_start3A_89 = arith.constant 0 : i32
        %dma_start3A_90 = tpu.memref_slice %arg4[%mul3A_2, %dma_start3A_89] : memref<10240x128xf32, #tpu.memory_space<hbm>> -> memref<640x128xf32, #tpu.memory_space<hbm>>
        %dma_start3A_91 = arith.constant 0 : i32
        %dma_start3A_92 = tpu.memref_slice %arg18[%mul3A_2, %dma_start3A_91] : memref<10240x128xf32, #tpu.memory_space<vmem_shared>> -> memref<640x128xf32, #tpu.memory_space<vmem_shared>>
        tpu.enqueue_dma source(%dma_start3A_92 : memref<640x128xf32, #tpu.memory_space<vmem_shared>>) target(%dma_start3A_90 : memref<640x128xf32, #tpu.memory_space<hbm>>) target_semaphore(%run_scoped3A : memref<!tpu.dma_semaphore, #tpu.memory_space<semaphore_mem>>)
        %dma_wait3A_93 = arith.constant 0 : i32
        %dma_wait3A_94 = tpu.memref_slice %arg4[%mul3A_2, %dma_wait3A_93] : memref<10240x128xf32, #tpu.memory_space<hbm>> -> memref<640x128xf32, #tpu.memory_space<hbm>>
        %dma_wait3A_95 = arith.constant 0 : i32
        %dma_wait3A_96 = tpu.memref_slice %arg18[%mul3A_2, %dma_wait3A_95] : memref<10240x128xf32, #tpu.memory_space<vmem_shared>> -> memref<640x128xf32, #tpu.memory_space<vmem_shared>>
        tpu.wait_dma2 semaphore(%run_scoped3A : memref<!tpu.dma_semaphore, #tpu.memory_space<semaphore_mem>>) src(%dma_wait3A_96 : memref<640x128xf32, #tpu.memory_space<vmem_shared>>) dst(%dma_wait3A_94 : memref<640x128xf32, #tpu.memory_space<hbm>>)
        tpu.yield
      }) : () -> ()
    } else {
    }
    %eq3A_5 = arith.constant 1 : i32
    %eq3A_6 = arith.cmpi eq, %arg0, %eq3A_5 : i32
    %convert_element_type3A_7 = arith.extui %eq3A_6 : i1 to i32
    %cond3A_8 = arith.constant 0 : i32
    %cond3A_9 = arith.cmpi ne, %convert_element_type3A_7, %cond3A_8 : i32
    scf.if %cond3A_9 {
      %scan3A = arith.constant 0 : i32
      %scan3A_10 = arith.constant 0 : i32
      %scan3A_11 = arith.constant 88 : i32
      %scan3A_12 = arith.addi %scan3A_10, %scan3A_11 : i32
      %scan3A_13 = arith.constant 1 : i32
      scf.for %scan3A_66 = %scan3A_10 to %scan3A_12 step %scan3A_13  : i32 {
        %broadcast_in_dim3A = arith.constant 0.000000e+00 : f32
        %broadcast_in_dim3A_67 = vector.broadcast %broadcast_in_dim3A : f32 to vector<16xf32>
        %swap3A = arith.index_cast %scan3A_66 : i32 to index
        %swap3A_68 = arith.constant 0 : index
        %swap3A_69 = tpu.vector_load %arg17[%swap3A, %swap3A_68] {strides = array<i32>} : memref<88x16xf32, #tpu.memory_space<vmem>>, vector<1x16xf32>,
        %swap3A_70 = vector.shape_cast %swap3A_69 : vector<1x16xf32> to vector<16xf32>
        %swap3A_71 = vector.shape_cast %broadcast_in_dim3A_67 : vector<16xf32> to vector<1x16xf32>
        tpu.vector_store %arg17[%swap3A, %swap3A_68], %swap3A_71 {strides = array<i32>} : memref<88x16xf32, #tpu.memory_space<vmem>>, vector<1x16xf32>,
      }
      %scan3A_14 = arith.constant 88 : i32
      %add3A = arith.constant 0 : i32
      %add3A_15 = arith.addi %mul3A_2, %add3A : i32
      "tpu.region"() ({
        %run_scoped3A = tpu.sem_alloc : memref<!tpu.dma_semaphore, #tpu.memory_space<semaphore_mem>>
        %dma_start3A_66 = arith.constant 0 : i32
        %dma_start3A_67 = tpu.memref_slice %arg19[%add3A_15, %dma_start3A_66] : memref<10240x16xf32, #tpu.memory_space<vmem_shared>> -> memref<88x16xf32, #tpu.memory_space<vmem_shared>>
        %dma_start3A_68 = arith.constant 0 : i32
        %dma_start3A_69 = tpu.memref_slice %arg19[%add3A_15, %dma_start3A_68] : memref<10240x16xf32, #tpu.memory_space<vmem_shared>> -> memref<88x16xf32, #tpu.memory_space<vmem_shared>>
        tpu.enqueue_dma source(%arg17 : memref<88x16xf32, #tpu.memory_space<vmem>>) target(%dma_start3A_69 : memref<88x16xf32, #tpu.memory_space<vmem_shared>>) target_semaphore(%run_scoped3A : memref<!tpu.dma_semaphore, #tpu.memory_space<semaphore_mem>>)
        %dma_wait3A = arith.constant 0 : i32
        %dma_wait3A_70 = tpu.memref_slice %arg19[%add3A_15, %dma_wait3A] : memref<10240x16xf32, #tpu.memory_space<vmem_shared>> -> memref<88x16xf32, #tpu.memory_space<vmem_shared>>
        %dma_wait3A_71 = arith.constant 0 : i32
        %dma_wait3A_72 = tpu.memref_slice %arg19[%add3A_15, %dma_wait3A_71] : memref<10240x16xf32, #tpu.memory_space<vmem_shared>> -> memref<88x16xf32, #tpu.memory_space<vmem_shared>>
        tpu.wait_dma2 semaphore(%run_scoped3A : memref<!tpu.dma_semaphore, #tpu.memory_space<semaphore_mem>>) src(%arg17 : memref<88x16xf32, #tpu.memory_space<vmem>>) dst(%dma_wait3A_72 : memref<88x16xf32, #tpu.memory_space<vmem_shared>>)
        tpu.yield
      }) : () -> ()
      %add3A_16 = arith.constant 88 : i32
      %add3A_17 = arith.addi %mul3A_2, %add3A_16 : i32
      "tpu.region"() ({
        %run_scoped3A = tpu.sem_alloc : memref<!tpu.dma_semaphore, #tpu.memory_space<semaphore_mem>>
        %dma_start3A_66 = arith.constant 0 : i32
        %dma_start3A_67 = tpu.memref_slice %arg19[%add3A_17, %dma_start3A_66] : memref<10240x16xf32, #tpu.memory_space<vmem_shared>> -> memref<88x16xf32, #tpu.memory_space<vmem_shared>>
        %dma_start3A_68 = arith.constant 0 : i32
        %dma_start3A_69 = tpu.memref_slice %arg19[%add3A_17, %dma_start3A_68] : memref<10240x16xf32, #tpu.memory_space<vmem_shared>> -> memref<88x16xf32, #tpu.memory_space<vmem_shared>>
        tpu.enqueue_dma source(%arg17 : memref<88x16xf32, #tpu.memory_space<vmem>>) target(%dma_start3A_69 : memref<88x16xf32, #tpu.memory_space<vmem_shared>>) target_semaphore(%run_scoped3A : memref<!tpu.dma_semaphore, #tpu.memory_space<semaphore_mem>>)
        %dma_wait3A = arith.constant 0 : i32
        %dma_wait3A_70 = tpu.memref_slice %arg19[%add3A_17, %dma_wait3A] : memref<10240x16xf32, #tpu.memory_space<vmem_shared>> -> memref<88x16xf32, #tpu.memory_space<vmem_shared>>
        %dma_wait3A_71 = arith.constant 0 : i32
        %dma_wait3A_72 = tpu.memref_slice %arg19[%add3A_17, %dma_wait3A_71] : memref<10240x16xf32, #tpu.memory_space<vmem_shared>> -> memref<88x16xf32, #tpu.memory_space<vmem_shared>>
        tpu.wait_dma2 semaphore(%run_scoped3A : memref<!tpu.dma_semaphore, #tpu.memory_space<semaphore_mem>>) src(%arg17 : memref<88x16xf32, #tpu.memory_space<vmem>>) dst(%dma_wait3A_72 : memref<88x16xf32, #tpu.memory_space<vmem_shared>>)
        tpu.yield
      }) : () -> ()
      %add3A_18 = arith.constant 176 : i32
      %add3A_19 = arith.addi %mul3A_2, %add3A_18 : i32
      "tpu.region"() ({
        %run_scoped3A = tpu.sem_alloc : memref<!tpu.dma_semaphore, #tpu.memory_space<semaphore_mem>>
        %dma_start3A_66 = arith.constant 0 : i32
        %dma_start3A_67 = tpu.memref_slice %arg19[%add3A_19, %dma_start3A_66] : memref<10240x16xf32, #tpu.memory_space<vmem_shared>> -> memref<88x16xf32, #tpu.memory_space<vmem_shared>>
        %dma_start3A_68 = arith.constant 0 : i32
        %dma_start3A_69 = tpu.memref_slice %arg19[%add3A_19, %dma_start3A_68] : memref<10240x16xf32, #tpu.memory_space<vmem_shared>> -> memref<88x16xf32, #tpu.memory_space<vmem_shared>>
        tpu.enqueue_dma source(%arg17 : memref<88x16xf32, #tpu.memory_space<vmem>>) target(%dma_start3A_69 : memref<88x16xf32, #tpu.memory_space<vmem_shared>>) target_semaphore(%run_scoped3A : memref<!tpu.dma_semaphore, #tpu.memory_space<semaphore_mem>>)
        %dma_wait3A = arith.constant 0 : i32
        %dma_wait3A_70 = tpu.memref_slice %arg19[%add3A_19, %dma_wait3A] : memref<10240x16xf32, #tpu.memory_space<vmem_shared>> -> memref<88x16xf32, #tpu.memory_space<vmem_shared>>
        %dma_wait3A_71 = arith.constant 0 : i32
        %dma_wait3A_72 = tpu.memref_slice %arg19[%add3A_19, %dma_wait3A_71] : memref<10240x16xf32, #tpu.memory_space<vmem_shared>> -> memref<88x16xf32, #tpu.memory_space<vmem_shared>>
        tpu.wait_dma2 semaphore(%run_scoped3A : memref<!tpu.dma_semaphore, #tpu.memory_space<semaphore_mem>>) src(%arg17 : memref<88x16xf32, #tpu.memory_space<vmem>>) dst(%dma_wait3A_72 : memref<88x16xf32, #tpu.memory_space<vmem_shared>>)
        tpu.yield
      }) : () -> ()
      %add3A_20 = arith.constant 264 : i32
      %add3A_21 = arith.addi %mul3A_2, %add3A_20 : i32
      "tpu.region"() ({
        %run_scoped3A = tpu.sem_alloc : memref<!tpu.dma_semaphore, #tpu.memory_space<semaphore_mem>>
        %dma_start3A_66 = arith.constant 0 : i32
        %dma_start3A_67 = tpu.memref_slice %arg19[%add3A_21, %dma_start3A_66] : memref<10240x16xf32, #tpu.memory_space<vmem_shared>> -> memref<88x16xf32, #tpu.memory_space<vmem_shared>>
        %dma_start3A_68 = arith.constant 0 : i32
        %dma_start3A_69 = tpu.memref_slice %arg19[%add3A_21, %dma_start3A_68] : memref<10240x16xf32, #tpu.memory_space<vmem_shared>> -> memref<88x16xf32, #tpu.memory_space<vmem_shared>>
        tpu.enqueue_dma source(%arg17 : memref<88x16xf32, #tpu.memory_space<vmem>>) target(%dma_start3A_69 : memref<88x16xf32, #tpu.memory_space<vmem_shared>>) target_semaphore(%run_scoped3A : memref<!tpu.dma_semaphore, #tpu.memory_space<semaphore_mem>>)
        %dma_wait3A = arith.constant 0 : i32
        %dma_wait3A_70 = tpu.memref_slice %arg19[%add3A_21, %dma_wait3A] : memref<10240x16xf32, #tpu.memory_space<vmem_shared>> -> memref<88x16xf32, #tpu.memory_space<vmem_shared>>
        %dma_wait3A_71 = arith.constant 0 : i32
        %dma_wait3A_72 = tpu.memref_slice %arg19[%add3A_21, %dma_wait3A_71] : memref<10240x16xf32, #tpu.memory_space<vmem_shared>> -> memref<88x16xf32, #tpu.memory_space<vmem_shared>>
        tpu.wait_dma2 semaphore(%run_scoped3A : memref<!tpu.dma_semaphore, #tpu.memory_space<semaphore_mem>>) src(%arg17 : memref<88x16xf32, #tpu.memory_space<vmem>>) dst(%dma_wait3A_72 : memref<88x16xf32, #tpu.memory_space<vmem_shared>>)
        tpu.yield
      }) : () -> ()
      %add3A_22 = arith.constant 352 : i32
      %add3A_23 = arith.addi %mul3A_2, %add3A_22 : i32
      "tpu.region"() ({
        %run_scoped3A = tpu.sem_alloc : memref<!tpu.dma_semaphore, #tpu.memory_space<semaphore_mem>>
        %dma_start3A_66 = arith.constant 0 : i32
        %dma_start3A_67 = tpu.memref_slice %arg19[%add3A_23, %dma_start3A_66] : memref<10240x16xf32, #tpu.memory_space<vmem_shared>> -> memref<88x16xf32, #tpu.memory_space<vmem_shared>>
        %dma_start3A_68 = arith.constant 0 : i32
        %dma_start3A_69 = tpu.memref_slice %arg19[%add3A_23, %dma_start3A_68] : memref<10240x16xf32, #tpu.memory_space<vmem_shared>> -> memref<88x16xf32, #tpu.memory_space<vmem_shared>>
        tpu.enqueue_dma source(%arg17 : memref<88x16xf32, #tpu.memory_space<vmem>>) target(%dma_start3A_69 : memref<88x16xf32, #tpu.memory_space<vmem_shared>>) target_semaphore(%run_scoped3A : memref<!tpu.dma_semaphore, #tpu.memory_space<semaphore_mem>>)
        %dma_wait3A = arith.constant 0 : i32
        %dma_wait3A_70 = tpu.memref_slice %arg19[%add3A_23, %dma_wait3A] : memref<10240x16xf32, #tpu.memory_space<vmem_shared>> -> memref<88x16xf32, #tpu.memory_space<vmem_shared>>
        %dma_wait3A_71 = arith.constant 0 : i32
        %dma_wait3A_72 = tpu.memref_slice %arg19[%add3A_23, %dma_wait3A_71] : memref<10240x16xf32, #tpu.memory_space<vmem_shared>> -> memref<88x16xf32, #tpu.memory_space<vmem_shared>>
        tpu.wait_dma2 semaphore(%run_scoped3A : memref<!tpu.dma_semaphore, #tpu.memory_space<semaphore_mem>>) src(%arg17 : memref<88x16xf32, #tpu.memory_space<vmem>>) dst(%dma_wait3A_72 : memref<88x16xf32, #tpu.memory_space<vmem_shared>>)
        tpu.yield
      }) : () -> ()
      %add3A_24 = arith.constant 440 : i32
      %add3A_25 = arith.addi %mul3A_2, %add3A_24 : i32
      "tpu.region"() ({
        %run_scoped3A = tpu.sem_alloc : memref<!tpu.dma_semaphore, #tpu.memory_space<semaphore_mem>>
        %dma_start3A_66 = arith.constant 0 : i32
        %dma_start3A_67 = tpu.memref_slice %arg19[%add3A_25, %dma_start3A_66] : memref<10240x16xf32, #tpu.memory_space<vmem_shared>> -> memref<88x16xf32, #tpu.memory_space<vmem_shared>>
        %dma_start3A_68 = arith.constant 0 : i32
        %dma_start3A_69 = tpu.memref_slice %arg19[%add3A_25, %dma_start3A_68] : memref<10240x16xf32, #tpu.memory_space<vmem_shared>> -> memref<88x16xf32, #tpu.memory_space<vmem_shared>>
        tpu.enqueue_dma source(%arg17 : memref<88x16xf32, #tpu.memory_space<vmem>>) target(%dma_start3A_69 : memref<88x16xf32, #tpu.memory_space<vmem_shared>>) target_semaphore(%run_scoped3A : memref<!tpu.dma_semaphore, #tpu.memory_space<semaphore_mem>>)
        %dma_wait3A = arith.constant 0 : i32
        %dma_wait3A_70 = tpu.memref_slice %arg19[%add3A_25, %dma_wait3A] : memref<10240x16xf32, #tpu.memory_space<vmem_shared>> -> memref<88x16xf32, #tpu.memory_space<vmem_shared>>
        %dma_wait3A_71 = arith.constant 0 : i32
        %dma_wait3A_72 = tpu.memref_slice %arg19[%add3A_25, %dma_wait3A_71] : memref<10240x16xf32, #tpu.memory_space<vmem_shared>> -> memref<88x16xf32, #tpu.memory_space<vmem_shared>>
        tpu.wait_dma2 semaphore(%run_scoped3A : memref<!tpu.dma_semaphore, #tpu.memory_space<semaphore_mem>>) src(%arg17 : memref<88x16xf32, #tpu.memory_space<vmem>>) dst(%dma_wait3A_72 : memref<88x16xf32, #tpu.memory_space<vmem_shared>>)
        tpu.yield
      }) : () -> ()
      %add3A_26 = arith.constant 528 : i32
      %add3A_27 = arith.addi %mul3A_2, %add3A_26 : i32
      "tpu.region"() ({
        %run_scoped3A = tpu.sem_alloc : memref<!tpu.dma_semaphore, #tpu.memory_space<semaphore_mem>>
        %dma_start3A_66 = arith.constant 0 : i32
        %dma_start3A_67 = tpu.memref_slice %arg19[%add3A_27, %dma_start3A_66] : memref<10240x16xf32, #tpu.memory_space<vmem_shared>> -> memref<88x16xf32, #tpu.memory_space<vmem_shared>>
        %dma_start3A_68 = arith.constant 0 : i32
        %dma_start3A_69 = tpu.memref_slice %arg19[%add3A_27, %dma_start3A_68] : memref<10240x16xf32, #tpu.memory_space<vmem_shared>> -> memref<88x16xf32, #tpu.memory_space<vmem_shared>>
        tpu.enqueue_dma source(%arg17 : memref<88x16xf32, #tpu.memory_space<vmem>>) target(%dma_start3A_69 : memref<88x16xf32, #tpu.memory_space<vmem_shared>>) target_semaphore(%run_scoped3A : memref<!tpu.dma_semaphore, #tpu.memory_space<semaphore_mem>>)
        %dma_wait3A = arith.constant 0 : i32
        %dma_wait3A_70 = tpu.memref_slice %arg19[%add3A_27, %dma_wait3A] : memref<10240x16xf32, #tpu.memory_space<vmem_shared>> -> memref<88x16xf32, #tpu.memory_space<vmem_shared>>
        %dma_wait3A_71 = arith.constant 0 : i32
        %dma_wait3A_72 = tpu.memref_slice %arg19[%add3A_27, %dma_wait3A_71] : memref<10240x16xf32, #tpu.memory_space<vmem_shared>> -> memref<88x16xf32, #tpu.memory_space<vmem_shared>>
        tpu.wait_dma2 semaphore(%run_scoped3A : memref<!tpu.dma_semaphore, #tpu.memory_space<semaphore_mem>>) src(%arg17 : memref<88x16xf32, #tpu.memory_space<vmem>>) dst(%dma_wait3A_72 : memref<88x16xf32, #tpu.memory_space<vmem_shared>>)
        tpu.yield
      }) : () -> ()
      %add3A_28 = arith.constant 616 : i32
      %add3A_29 = arith.addi %mul3A_2, %add3A_28 : i32
      "tpu.region"() ({
        %run_scoped3A = tpu.sem_alloc : memref<!tpu.dma_semaphore, #tpu.memory_space<semaphore_mem>>
        %dma_start3A_66 = arith.constant 0 : i32
        %dma_start3A_67 = arith.constant 0 : i32
        %dma_start3A_68 = tpu.memref_slice %arg17[%dma_start3A_66, %dma_start3A_67] : memref<88x16xf32, #tpu.memory_space<vmem>> -> memref<24x16xf32, #tpu.memory_space<vmem>>
        %dma_start3A_69 = arith.constant 0 : i32
        %dma_start3A_70 = tpu.memref_slice %arg19[%add3A_29, %dma_start3A_69] : memref<10240x16xf32, #tpu.memory_space<vmem_shared>> -> memref<24x16xf32, #tpu.memory_space<vmem_shared>>
        %dma_start3A_71 = arith.constant 0 : i32
        %dma_start3A_72 = tpu.memref_slice %arg19[%add3A_29, %dma_start3A_71] : memref<10240x16xf32, #tpu.memory_space<vmem_shared>> -> memref<24x16xf32, #tpu.memory_space<vmem_shared>>
        %dma_start3A_73 = arith.constant 0 : i32
        %dma_start3A_74 = arith.constant 0 : i32
        %dma_start3A_75 = tpu.memref_slice %arg17[%dma_start3A_73, %dma_start3A_74] : memref<88x16xf32, #tpu.memory_space<vmem>> -> memref<24x16xf32, #tpu.memory_space<vmem>>
        tpu.enqueue_dma source(%dma_start3A_75 : memref<24x16xf32, #tpu.memory_space<vmem>>) target(%dma_start3A_72 : memref<24x16xf32, #tpu.memory_space<vmem_shared>>) target_semaphore(%run_scoped3A : memref<!tpu.dma_semaphore, #tpu.memory_space<semaphore_mem>>)
        %dma_wait3A = arith.constant 0 : i32
        %dma_wait3A_76 = arith.constant 0 : i32
        %dma_wait3A_77 = tpu.memref_slice %arg17[%dma_wait3A, %dma_wait3A_76] : memref<88x16xf32, #tpu.memory_space<vmem>> -> memref<24x16xf32, #tpu.memory_space<vmem>>
        %dma_wait3A_78 = arith.constant 0 : i32
        %dma_wait3A_79 = tpu.memref_slice %arg19[%add3A_29, %dma_wait3A_78] : memref<10240x16xf32, #tpu.memory_space<vmem_shared>> -> memref<24x16xf32, #tpu.memory_space<vmem_shared>>
        %dma_wait3A_80 = arith.constant 0 : i32
        %dma_wait3A_81 = tpu.memref_slice %arg19[%add3A_29, %dma_wait3A_80] : memref<10240x16xf32, #tpu.memory_space<vmem_shared>> -> memref<24x16xf32, #tpu.memory_space<vmem_shared>>
        %dma_wait3A_82 = arith.constant 0 : i32
        %dma_wait3A_83 = arith.constant 0 : i32
        %dma_wait3A_84 = tpu.memref_slice %arg17[%dma_wait3A_82, %dma_wait3A_83] : memref<88x16xf32, #tpu.memory_space<vmem>> -> memref<24x16xf32, #tpu.memory_space<vmem>>
        tpu.wait_dma2 semaphore(%run_scoped3A : memref<!tpu.dma_semaphore, #tpu.memory_space<semaphore_mem>>) src(%dma_wait3A_84 : memref<24x16xf32, #tpu.memory_space<vmem>>) dst(%dma_wait3A_81 : memref<24x16xf32, #tpu.memory_space<vmem_shared>>)
        tpu.yield
      }) : () -> ()
      %scan3A_30 = arith.constant 0 : i32
      %scan3A_31 = arith.constant 0 : i32
      %scan3A_32 = arith.constant 88 : i32
      %scan3A_33 = arith.addi %scan3A_31, %scan3A_32 : i32
      %scan3A_34 = arith.constant 1 : i32
      scf.for %scan3A_66 = %scan3A_31 to %scan3A_33 step %scan3A_34  : i32 {
        %broadcast_in_dim3A = arith.constant 1.000000e+00 : f32
        %broadcast_in_dim3A_67 = vector.broadcast %broadcast_in_dim3A : f32 to vector<16xf32>
        %swap3A = arith.index_cast %scan3A_66 : i32 to index
        %swap3A_68 = arith.constant 0 : index
        %swap3A_69 = tpu.vector_load %arg17[%swap3A, %swap3A_68] {strides = array<i32>} : memref<88x16xf32, #tpu.memory_space<vmem>>, vector<1x16xf32>,
        %swap3A_70 = vector.shape_cast %swap3A_69 : vector<1x16xf32> to vector<16xf32>
        %swap3A_71 = vector.shape_cast %broadcast_in_dim3A_67 : vector<16xf32> to vector<1x16xf32>
        tpu.vector_store %arg17[%swap3A, %swap3A_68], %swap3A_71 {strides = array<i32>} : memref<88x16xf32, #tpu.memory_space<vmem>>, vector<1x16xf32>,
      }
      %scan3A_35 = arith.constant 88 : i32
      %barrier3A = arith.constant 0 : index
      tpu.barrier barrier_id(%barrier3A)
      %add3A_36 = arith.constant 0 : i32
      %add3A_37 = arith.addi %mul3A_0, %add3A_36 : i32
      %mul3A_38 = arith.constant 88 : i32
      %mul3A_39 = arith.muli %add3A_37, %mul3A_38 : i32
      %dma_start3A = arith.constant 1 : i32
      %dma_start3A_40 = tpu.memref_slice %arg3[%dma_start3A, %mul3A_39] : memref<2x321024xi32, #tpu.memory_space<hbm>> -> memref<1x88xi32, #tpu.memory_space<hbm>>
      %dma_start3A_41 = arith.constant 1 : i32
      %dma_start3A_42 = tpu.memref_slice %arg3[%dma_start3A_41, %mul3A_39] : memref<2x321024xi32, #tpu.memory_space<hbm>> -> memref<1x88xi32, #tpu.memory_space<hbm>>
      tpu.enqueue_dma source(%dma_start3A_42 : memref<1x88xi32, #tpu.memory_space<hbm>>) target(%arg10 : memref<1x88xi32, #tpu.memory_space<vmem>>) target_semaphore(%arg20 : memref<!tpu.dma_semaphore, #tpu.memory_space<semaphore_mem>>)
      %add3A_43 = arith.constant 1 : i32
      %add3A_44 = arith.addi %mul3A_0, %add3A_43 : i32
      %mul3A_45 = arith.constant 88 : i32
      %mul3A_46 = arith.muli %add3A_44, %mul3A_45 : i32
      %dma_start3A_47 = arith.constant 1 : i32
      %dma_start3A_48 = tpu.memref_slice %arg3[%dma_start3A_47, %mul3A_46] : memref<2x321024xi32, #tpu.memory_space<hbm>> -> memref<1x88xi32, #tpu.memory_space<hbm>>
      %dma_start3A_49 = arith.constant 1 : i32
      %dma_start3A_50 = tpu.memref_slice %arg3[%dma_start3A_49, %mul3A_46] : memref<2x321024xi32, #tpu.memory_space<hbm>> -> memref<1x88xi32, #tpu.memory_space<hbm>>
      tpu.enqueue_dma source(%dma_start3A_50 : memref<1x88xi32, #tpu.memory_space<hbm>>) target(%arg11 : memref<1x88xi32, #tpu.memory_space<vmem>>) target_semaphore(%arg21 : memref<!tpu.dma_semaphore, #tpu.memory_space<semaphore_mem>>)
      %add3A_51 = arith.constant 2 : i32
      %add3A_52 = arith.addi %mul3A_0, %add3A_51 : i32
      %mul3A_53 = arith.constant 88 : i32
      %mul3A_54 = arith.muli %add3A_52, %mul3A_53 : i32
      %dma_start3A_55 = arith.constant 1 : i32
      %dma_start3A_56 = tpu.memref_slice %arg3[%dma_start3A_55, %mul3A_54] : memref<2x321024xi32, #tpu.memory_space<hbm>> -> memref<1x88xi32, #tpu.memory_space<hbm>>
      %dma_start3A_57 = arith.constant 1 : i32
      %dma_start3A_58 = tpu.memref_slice %arg3[%dma_start3A_57, %mul3A_54] : memref<2x321024xi32, #tpu.memory_space<hbm>> -> memref<1x88xi32, #tpu.memory_space<hbm>>
      tpu.enqueue_dma source(%dma_start3A_58 : memref<1x88xi32, #tpu.memory_space<hbm>>) target(%arg12 : memref<1x88xi32, #tpu.memory_space<vmem>>) target_semaphore(%arg22 : memref<!tpu.dma_semaphore, #tpu.memory_space<semaphore_mem>>)
      %scan3A_59 = arith.constant 0 : i32
      %scan3A_60 = arith.constant 0 : i32
      %scan3A_61 = arith.constant 57 : i32
      %scan3A_62 = arith.addi %scan3A_60, %scan3A_61 : i32
      %scan3A_63 = arith.constant 1 : i32
      scf.for %scan3A_66 = %scan3A_60 to %scan3A_62 step %scan3A_63  : i32 {
        %mul3A_67 = arith.constant 4 : i32
        %mul3A_68 = arith.muli %scan3A_66, %mul3A_67 : i32
        %add3A_69 = arith.constant 0 : i32
        %add3A_70 = arith.addi %mul3A_68, %add3A_69 : i32
        %add3A_71 = arith.addi %mul3A_0, %add3A_70 : i32
        %mul3A_72 = arith.constant 88 : i32
        %mul3A_73 = arith.muli %add3A_71, %mul3A_72 : i32
        %dma_wait3A = arith.constant 1 : i32
        %dma_wait3A_74 = tpu.memref_slice %arg3[%dma_wait3A, %mul3A_73] : memref<2x321024xi32, #tpu.memory_space<hbm>> -> memref<1x88xi32, #tpu.memory_space<hbm>>
        %dma_wait3A_75 = arith.constant 1 : i32
        %dma_wait3A_76 = tpu.memref_slice %arg3[%dma_wait3A_75, %mul3A_73] : memref<2x321024xi32, #tpu.memory_space<hbm>> -> memref<1x88xi32, #tpu.memory_space<hbm>>
        tpu.wait_dma2 semaphore(%arg20 : memref<!tpu.dma_semaphore, #tpu.memory_space<semaphore_mem>>) src(%dma_wait3A_76 : memref<1x88xi32, #tpu.memory_space<hbm>>) dst(%arg10 : memref<1x88xi32, #tpu.memory_space<vmem>>)
        %add3A_77 = arith.constant 4 : i32
        %add3A_78 = arith.addi %add3A_70, %add3A_77 : i32
        %sub3A = arith.constant 1 : i32
        %sub3A_79 = arith.subi %add3A_78, %sub3A : i32
        %lt3A = arith.constant 228 : i32
        %lt3A_80 = arith.cmpi slt, %sub3A_79, %lt3A : i32
        %convert_element_type3A_81 = arith.extui %lt3A_80 : i1 to i32
        %cond3A_82 = arith.constant 0 : i32
        %cond3A_83 = arith.cmpi ne, %convert_element_type3A_81, %cond3A_82 : i32
        scf.if %cond3A_83 {
          %add3A_147 = arith.constant 4 : i32
          %add3A_148 = arith.addi %add3A_70, %add3A_147 : i32
          %sub3A_149 = arith.constant 1 : i32
          %sub3A_150 = arith.subi %add3A_148, %sub3A_149 : i32
          %add3A_151 = arith.addi %mul3A_0, %sub3A_150 : i32
          %mul3A_152 = arith.constant 88 : i32
          %mul3A_153 = arith.muli %add3A_151, %mul3A_152 : i32
          %dma_start3A_154 = arith.constant 1 : i32
          %dma_start3A_155 = tpu.memref_slice %arg3[%dma_start3A_154, %mul3A_153] : memref<2x321024xi32, #tpu.memory_space<hbm>> -> memref<1x88xi32, #tpu.memory_space<hbm>>
          %dma_start3A_156 = arith.constant 1 : i32
          %dma_start3A_157 = tpu.memref_slice %arg3[%dma_start3A_156, %mul3A_153] : memref<2x321024xi32, #tpu.memory_space<hbm>> -> memref<1x88xi32, #tpu.memory_space<hbm>>
          tpu.enqueue_dma source(%dma_start3A_157 : memref<1x88xi32, #tpu.memory_space<hbm>>) target(%arg13 : memref<1x88xi32, #tpu.memory_space<vmem>>) target_semaphore(%arg23 : memref<!tpu.dma_semaphore, #tpu.memory_space<semaphore_mem>>)
        } else {
        }
        %run_scoped3A = arith.constant 0 : i32
        "tpu.region"() ({
          %run_scoped3A_147 = tpu.sem_alloc : memref<!tpu.dma_semaphore, #tpu.memory_space<semaphore_mem>>
          %dma_start3A_148 = arith.constant 0 : i32
          %dma_start3A_149 = tpu.memref_slice %arg10[%run_scoped3A, %dma_start3A_148] : memref<1x88xi32, #tpu.memory_space<vmem>> -> memref<1x88xi32, #tpu.memory_space<vmem>>
          %dma_start3A_150 = tpu.memref_squeeze %dma_start3A_149 : memref<1x88xi32, #tpu.memory_space<vmem>> -> memref<88xi32, #tpu.memory_space<vmem>>
          %dma_start3A_151 = arith.constant 0 : i32
          %dma_start3A_152 = arith.constant 0 : i32
          %dma_start3A_153 = tpu.memref_slice %arg19[%dma_start3A_151, %dma_start3A_152] : memref<10240x16xf32, #tpu.memory_space<vmem_shared>> -> memref<10240x16xf32, #tpu.memory_space<vmem_shared>>
          tpu.enqueue_indirect_dma source(%arg17 : memref<88x16xf32, #tpu.memory_space<vmem>>) target(%dma_start3A_153 : memref<10240x16xf32, #tpu.memory_space<vmem_shared>>) offsets(%dma_start3A_150 : memref<88xi32, #tpu.memory_space<vmem>>) semaphore(%run_scoped3A_147 : memref<!tpu.dma_semaphore, #tpu.memory_space<semaphore_mem>>) {add = true}
          %dma_wait3A_154 = arith.constant 0 : i32
          %dma_wait3A_155 = tpu.memref_slice %arg10[%run_scoped3A, %dma_wait3A_154] : memref<1x88xi32, #tpu.memory_space<vmem>> -> memref<1x88xi32, #tpu.memory_space<vmem>>
          %dma_wait3A_156 = tpu.memref_squeeze %dma_wait3A_155 : memref<1x88xi32, #tpu.memory_space<vmem>> -> memref<88xi32, #tpu.memory_space<vmem>>
          %dma_wait3A_157 = arith.constant 0 : i32
          %dma_wait3A_158 = arith.constant 0 : i32
          %dma_wait3A_159 = tpu.memref_slice %arg19[%dma_wait3A_157, %dma_wait3A_158] : memref<10240x16xf32, #tpu.memory_space<vmem_shared>> -> memref<10240x16xf32, #tpu.memory_space<vmem_shared>>
          tpu.wait_indirect_dma semaphore(%run_scoped3A_147 : memref<!tpu.dma_semaphore, #tpu.memory_space<semaphore_mem>>) src(%arg17 : memref<88x16xf32, #tpu.memory_space<vmem>>) dst(%dma_wait3A_159 : memref<10240x16xf32, #tpu.memory_space<vmem_shared>>)
          tpu.yield
        }) : () -> ()
        %mul3A_84 = arith.constant 4 : i32
        %mul3A_85 = arith.muli %scan3A_66, %mul3A_84 : i32
        %add3A_86 = arith.constant 1 : i32
        %add3A_87 = arith.addi %mul3A_85, %add3A_86 : i32
        %add3A_88 = arith.addi %mul3A_0, %add3A_87 : i32
        %mul3A_89 = arith.constant 88 : i32
        %mul3A_90 = arith.muli %add3A_88, %mul3A_89 : i32
        %dma_wait3A_91 = arith.constant 1 : i32
        %dma_wait3A_92 = tpu.memref_slice %arg3[%dma_wait3A_91, %mul3A_90] : memref<2x321024xi32, #tpu.memory_space<hbm>> -> memref<1x88xi32, #tpu.memory_space<hbm>>
        %dma_wait3A_93 = arith.constant 1 : i32
        %dma_wait3A_94 = tpu.memref_slice %arg3[%dma_wait3A_93, %mul3A_90] : memref<2x321024xi32, #tpu.memory_space<hbm>> -> memref<1x88xi32, #tpu.memory_space<hbm>>
        tpu.wait_dma2 semaphore(%arg21 : memref<!tpu.dma_semaphore, #tpu.memory_space<semaphore_mem>>) src(%dma_wait3A_94 : memref<1x88xi32, #tpu.memory_space<hbm>>) dst(%arg11 : memref<1x88xi32, #tpu.memory_space<vmem>>)
        %add3A_95 = arith.constant 4 : i32
        %add3A_96 = arith.addi %add3A_87, %add3A_95 : i32
        %sub3A_97 = arith.constant 1 : i32
        %sub3A_98 = arith.subi %add3A_96, %sub3A_97 : i32
        %lt3A_99 = arith.constant 228 : i32
        %lt3A_100 = arith.cmpi slt, %sub3A_98, %lt3A_99 : i32
        %convert_element_type3A_101 = arith.extui %lt3A_100 : i1 to i32
        %cond3A_102 = arith.constant 0 : i32
        %cond3A_103 = arith.cmpi ne, %convert_element_type3A_101, %cond3A_102 : i32
        scf.if %cond3A_103 {
          %add3A_147 = arith.constant 4 : i32
          %add3A_148 = arith.addi %add3A_87, %add3A_147 : i32
          %sub3A_149 = arith.constant 1 : i32
          %sub3A_150 = arith.subi %add3A_148, %sub3A_149 : i32
          %add3A_151 = arith.addi %mul3A_0, %sub3A_150 : i32
          %mul3A_152 = arith.constant 88 : i32
          %mul3A_153 = arith.muli %add3A_151, %mul3A_152 : i32
          %dma_start3A_154 = arith.constant 1 : i32
          %dma_start3A_155 = tpu.memref_slice %arg3[%dma_start3A_154, %mul3A_153] : memref<2x321024xi32, #tpu.memory_space<hbm>> -> memref<1x88xi32, #tpu.memory_space<hbm>>
          %dma_start3A_156 = arith.constant 1 : i32
          %dma_start3A_157 = tpu.memref_slice %arg3[%dma_start3A_156, %mul3A_153] : memref<2x321024xi32, #tpu.memory_space<hbm>> -> memref<1x88xi32, #tpu.memory_space<hbm>>
          tpu.enqueue_dma source(%dma_start3A_157 : memref<1x88xi32, #tpu.memory_space<hbm>>) target(%arg10 : memref<1x88xi32, #tpu.memory_space<vmem>>) target_semaphore(%arg20 : memref<!tpu.dma_semaphore, #tpu.memory_space<semaphore_mem>>)
        } else {
        }
        %run_scoped3A_104 = arith.constant 0 : i32
        "tpu.region"() ({
          %run_scoped3A_147 = tpu.sem_alloc : memref<!tpu.dma_semaphore, #tpu.memory_space<semaphore_mem>>
          %dma_start3A_148 = arith.constant 0 : i32
          %dma_start3A_149 = tpu.memref_slice %arg11[%run_scoped3A_104, %dma_start3A_148] : memref<1x88xi32, #tpu.memory_space<vmem>> -> memref<1x88xi32, #tpu.memory_space<vmem>>
          %dma_start3A_150 = tpu.memref_squeeze %dma_start3A_149 : memref<1x88xi32, #tpu.memory_space<vmem>> -> memref<88xi32, #tpu.memory_space<vmem>>
          %dma_start3A_151 = arith.constant 0 : i32
          %dma_start3A_152 = arith.constant 0 : i32
          %dma_start3A_153 = tpu.memref_slice %arg19[%dma_start3A_151, %dma_start3A_152] : memref<10240x16xf32, #tpu.memory_space<vmem_shared>> -> memref<10240x16xf32, #tpu.memory_space<vmem_shared>>
          tpu.enqueue_indirect_dma source(%arg17 : memref<88x16xf32, #tpu.memory_space<vmem>>) target(%dma_start3A_153 : memref<10240x16xf32, #tpu.memory_space<vmem_shared>>) offsets(%dma_start3A_150 : memref<88xi32, #tpu.memory_space<vmem>>) semaphore(%run_scoped3A_147 : memref<!tpu.dma_semaphore, #tpu.memory_space<semaphore_mem>>) {add = true}
          %dma_wait3A_154 = arith.constant 0 : i32
          %dma_wait3A_155 = tpu.memref_slice %arg11[%run_scoped3A_104, %dma_wait3A_154] : memref<1x88xi32, #tpu.memory_space<vmem>> -> memref<1x88xi32, #tpu.memory_space<vmem>>
          %dma_wait3A_156 = tpu.memref_squeeze %dma_wait3A_155 : memref<1x88xi32, #tpu.memory_space<vmem>> -> memref<88xi32, #tpu.memory_space<vmem>>
          %dma_wait3A_157 = arith.constant 0 : i32
          %dma_wait3A_158 = arith.constant 0 : i32
          %dma_wait3A_159 = tpu.memref_slice %arg19[%dma_wait3A_157, %dma_wait3A_158] : memref<10240x16xf32, #tpu.memory_space<vmem_shared>> -> memref<10240x16xf32, #tpu.memory_space<vmem_shared>>
          tpu.wait_indirect_dma semaphore(%run_scoped3A_147 : memref<!tpu.dma_semaphore, #tpu.memory_space<semaphore_mem>>) src(%arg17 : memref<88x16xf32, #tpu.memory_space<vmem>>) dst(%dma_wait3A_159 : memref<10240x16xf32, #tpu.memory_space<vmem_shared>>)
          tpu.yield
        }) : () -> ()
        %mul3A_105 = arith.constant 4 : i32
        %mul3A_106 = arith.muli %scan3A_66, %mul3A_105 : i32
        %add3A_107 = arith.constant 2 : i32
        %add3A_108 = arith.addi %mul3A_106, %add3A_107 : i32
        %add3A_109 = arith.addi %mul3A_0, %add3A_108 : i32
        %mul3A_110 = arith.constant 88 : i32
        %mul3A_111 = arith.muli %add3A_109, %mul3A_110 : i32
        %dma_wait3A_112 = arith.constant 1 : i32
        %dma_wait3A_113 = tpu.memref_slice %arg3[%dma_wait3A_112, %mul3A_111] : memref<2x321024xi32, #tpu.memory_space<hbm>> -> memref<1x88xi32, #tpu.memory_space<hbm>>
        %dma_wait3A_114 = arith.constant 1 : i32
        %dma_wait3A_115 = tpu.memref_slice %arg3[%dma_wait3A_114, %mul3A_111] : memref<2x321024xi32, #tpu.memory_space<hbm>> -> memref<1x88xi32, #tpu.memory_space<hbm>>
        tpu.wait_dma2 semaphore(%arg22 : memref<!tpu.dma_semaphore, #tpu.memory_space<semaphore_mem>>) src(%dma_wait3A_115 : memref<1x88xi32, #tpu.memory_space<hbm>>) dst(%arg12 : memref<1x88xi32, #tpu.memory_space<vmem>>)
        %add3A_116 = arith.constant 4 : i32
        %add3A_117 = arith.addi %add3A_108, %add3A_116 : i32
        %sub3A_118 = arith.constant 1 : i32
        %sub3A_119 = arith.subi %add3A_117, %sub3A_118 : i32
        %lt3A_120 = arith.constant 228 : i32
        %lt3A_121 = arith.cmpi slt, %sub3A_119, %lt3A_120 : i32
        %convert_element_type3A_122 = arith.extui %lt3A_121 : i1 to i32
        %cond3A_123 = arith.constant 0 : i32
        %cond3A_124 = arith.cmpi ne, %convert_element_type3A_122, %cond3A_123 : i32
        scf.if %cond3A_124 {
          %add3A_147 = arith.constant 4 : i32
          %add3A_148 = arith.addi %add3A_108, %add3A_147 : i32
          %sub3A_149 = arith.constant 1 : i32
          %sub3A_150 = arith.subi %add3A_148, %sub3A_149 : i32
          %add3A_151 = arith.addi %mul3A_0, %sub3A_150 : i32
          %mul3A_152 = arith.constant 88 : i32
          %mul3A_153 = arith.muli %add3A_151, %mul3A_152 : i32
          %dma_start3A_154 = arith.constant 1 : i32
          %dma_start3A_155 = tpu.memref_slice %arg3[%dma_start3A_154, %mul3A_153] : memref<2x321024xi32, #tpu.memory_space<hbm>> -> memref<1x88xi32, #tpu.memory_space<hbm>>
          %dma_start3A_156 = arith.constant 1 : i32
          %dma_start3A_157 = tpu.memref_slice %arg3[%dma_start3A_156, %mul3A_153] : memref<2x321024xi32, #tpu.memory_space<hbm>> -> memref<1x88xi32, #tpu.memory_space<hbm>>
          tpu.enqueue_dma source(%dma_start3A_157 : memref<1x88xi32, #tpu.memory_space<hbm>>) target(%arg11 : memref<1x88xi32, #tpu.memory_space<vmem>>) target_semaphore(%arg21 : memref<!tpu.dma_semaphore, #tpu.memory_space<semaphore_mem>>)
        } else {
        }
        %run_scoped3A_125 = arith.constant 0 : i32
        "tpu.region"() ({
          %run_scoped3A_147 = tpu.sem_alloc : memref<!tpu.dma_semaphore, #tpu.memory_space<semaphore_mem>>
          %dma_start3A_148 = arith.constant 0 : i32
          %dma_start3A_149 = tpu.memref_slice %arg12[%run_scoped3A_125, %dma_start3A_148] : memref<1x88xi32, #tpu.memory_space<vmem>> -> memref<1x88xi32, #tpu.memory_space<vmem>>
          %dma_start3A_150 = tpu.memref_squeeze %dma_start3A_149 : memref<1x88xi32, #tpu.memory_space<vmem>> -> memref<88xi32, #tpu.memory_space<vmem>>
          %dma_start3A_151 = arith.constant 0 : i32
          %dma_start3A_152 = arith.constant 0 : i32
          %dma_start3A_153 = tpu.memref_slice %arg19[%dma_start3A_151, %dma_start3A_152] : memref<10240x16xf32, #tpu.memory_space<vmem_shared>> -> memref<10240x16xf32, #tpu.memory_space<vmem_shared>>
          tpu.enqueue_indirect_dma source(%arg17 : memref<88x16xf32, #tpu.memory_space<vmem>>) target(%dma_start3A_153 : memref<10240x16xf32, #tpu.memory_space<vmem_shared>>) offsets(%dma_start3A_150 : memref<88xi32, #tpu.memory_space<vmem>>) semaphore(%run_scoped3A_147 : memref<!tpu.dma_semaphore, #tpu.memory_space<semaphore_mem>>) {add = true}
          %dma_wait3A_154 = arith.constant 0 : i32
          %dma_wait3A_155 = tpu.memref_slice %arg12[%run_scoped3A_125, %dma_wait3A_154] : memref<1x88xi32, #tpu.memory_space<vmem>> -> memref<1x88xi32, #tpu.memory_space<vmem>>
          %dma_wait3A_156 = tpu.memref_squeeze %dma_wait3A_155 : memref<1x88xi32, #tpu.memory_space<vmem>> -> memref<88xi32, #tpu.memory_space<vmem>>
          %dma_wait3A_157 = arith.constant 0 : i32
          %dma_wait3A_158 = arith.constant 0 : i32
          %dma_wait3A_159 = tpu.memref_slice %arg19[%dma_wait3A_157, %dma_wait3A_158] : memref<10240x16xf32, #tpu.memory_space<vmem_shared>> -> memref<10240x16xf32, #tpu.memory_space<vmem_shared>>
          tpu.wait_indirect_dma semaphore(%run_scoped3A_147 : memref<!tpu.dma_semaphore, #tpu.memory_space<semaphore_mem>>) src(%arg17 : memref<88x16xf32, #tpu.memory_space<vmem>>) dst(%dma_wait3A_159 : memref<10240x16xf32, #tpu.memory_space<vmem_shared>>)
          tpu.yield
        }) : () -> ()
        %mul3A_126 = arith.constant 4 : i32
        %mul3A_127 = arith.muli %scan3A_66, %mul3A_126 : i32
        %add3A_128 = arith.constant 3 : i32
        %add3A_129 = arith.addi %mul3A_127, %add3A_128 : i32
        %add3A_130 = arith.addi %mul3A_0, %add3A_129 : i32
        %mul3A_131 = arith.constant 88 : i32
        %mul3A_132 = arith.muli %add3A_130, %mul3A_131 : i32
        %dma_wait3A_133 = arith.constant 1 : i32
        %dma_wait3A_134 = tpu.memref_slice %arg3[%dma_wait3A_133, %mul3A_132] : memref<2x321024xi32, #tpu.memory_space<hbm>> -> memref<1x88xi32, #tpu.memory_space<hbm>>
        %dma_wait3A_135 = arith.constant 1 : i32
        %dma_wait3A_136 = tpu.memref_slice %arg3[%dma_wait3A_135, %mul3A_132] : memref<2x321024xi32, #tpu.memory_space<hbm>> -> memref<1x88xi32, #tpu.memory_space<hbm>>
        tpu.wait_dma2 semaphore(%arg23 : memref<!tpu.dma_semaphore, #tpu.memory_space<semaphore_mem>>) src(%dma_wait3A_136 : memref<1x88xi32, #tpu.memory_space<hbm>>) dst(%arg13 : memref<1x88xi32, #tpu.memory_space<vmem>>)
        %add3A_137 = arith.constant 4 : i32
        %add3A_138 = arith.addi %add3A_129, %add3A_137 : i32
        %sub3A_139 = arith.constant 1 : i32
        %sub3A_140 = arith.subi %add3A_138, %sub3A_139 : i32
        %lt3A_141 = arith.constant 228 : i32
        %lt3A_142 = arith.cmpi slt, %sub3A_140, %lt3A_141 : i32
        %convert_element_type3A_143 = arith.extui %lt3A_142 : i1 to i32
        %cond3A_144 = arith.constant 0 : i32
        %cond3A_145 = arith.cmpi ne, %convert_element_type3A_143, %cond3A_144 : i32
        scf.if %cond3A_145 {
          %add3A_147 = arith.constant 4 : i32
          %add3A_148 = arith.addi %add3A_129, %add3A_147 : i32
          %sub3A_149 = arith.constant 1 : i32
          %sub3A_150 = arith.subi %add3A_148, %sub3A_149 : i32
          %add3A_151 = arith.addi %mul3A_0, %sub3A_150 : i32
          %mul3A_152 = arith.constant 88 : i32
          %mul3A_153 = arith.muli %add3A_151, %mul3A_152 : i32
          %dma_start3A_154 = arith.constant 1 : i32
          %dma_start3A_155 = tpu.memref_slice %arg3[%dma_start3A_154, %mul3A_153] : memref<2x321024xi32, #tpu.memory_space<hbm>> -> memref<1x88xi32, #tpu.memory_space<hbm>>
          %dma_start3A_156 = arith.constant 1 : i32
          %dma_start3A_157 = tpu.memref_slice %arg3[%dma_start3A_156, %mul3A_153] : memref<2x321024xi32, #tpu.memory_space<hbm>> -> memref<1x88xi32, #tpu.memory_space<hbm>>
          tpu.enqueue_dma source(%dma_start3A_157 : memref<1x88xi32, #tpu.memory_space<hbm>>) target(%arg12 : memref<1x88xi32, #tpu.memory_space<vmem>>) target_semaphore(%arg22 : memref<!tpu.dma_semaphore, #tpu.memory_space<semaphore_mem>>)
        } else {
        }
        %run_scoped3A_146 = arith.constant 0 : i32
        "tpu.region"() ({
          %run_scoped3A_147 = tpu.sem_alloc : memref<!tpu.dma_semaphore, #tpu.memory_space<semaphore_mem>>
          %dma_start3A_148 = arith.constant 0 : i32
          %dma_start3A_149 = tpu.memref_slice %arg13[%run_scoped3A_146, %dma_start3A_148] : memref<1x88xi32, #tpu.memory_space<vmem>> -> memref<1x88xi32, #tpu.memory_space<vmem>>
          %dma_start3A_150 = tpu.memref_squeeze %dma_start3A_149 : memref<1x88xi32, #tpu.memory_space<vmem>> -> memref<88xi32, #tpu.memory_space<vmem>>
          %dma_start3A_151 = arith.constant 0 : i32
          %dma_start3A_152 = arith.constant 0 : i32
          %dma_start3A_153 = tpu.memref_slice %arg19[%dma_start3A_151, %dma_start3A_152] : memref<10240x16xf32, #tpu.memory_space<vmem_shared>> -> memref<10240x16xf32, #tpu.memory_space<vmem_shared>>
          tpu.enqueue_indirect_dma source(%arg17 : memref<88x16xf32, #tpu.memory_space<vmem>>) target(%dma_start3A_153 : memref<10240x16xf32, #tpu.memory_space<vmem_shared>>) offsets(%dma_start3A_150 : memref<88xi32, #tpu.memory_space<vmem>>) semaphore(%run_scoped3A_147 : memref<!tpu.dma_semaphore, #tpu.memory_space<semaphore_mem>>) {add = true}
          %dma_wait3A_154 = arith.constant 0 : i32
          %dma_wait3A_155 = tpu.memref_slice %arg13[%run_scoped3A_146, %dma_wait3A_154] : memref<1x88xi32, #tpu.memory_space<vmem>> -> memref<1x88xi32, #tpu.memory_space<vmem>>
          %dma_wait3A_156 = tpu.memref_squeeze %dma_wait3A_155 : memref<1x88xi32, #tpu.memory_space<vmem>> -> memref<88xi32, #tpu.memory_space<vmem>>
          %dma_wait3A_157 = arith.constant 0 : i32
          %dma_wait3A_158 = arith.constant 0 : i32
          %dma_wait3A_159 = tpu.memref_slice %arg19[%dma_wait3A_157, %dma_wait3A_158] : memref<10240x16xf32, #tpu.memory_space<vmem_shared>> -> memref<10240x16xf32, #tpu.memory_space<vmem_shared>>
          tpu.wait_indirect_dma semaphore(%run_scoped3A_147 : memref<!tpu.dma_semaphore, #tpu.memory_space<semaphore_mem>>) src(%arg17 : memref<88x16xf32, #tpu.memory_space<vmem>>) dst(%dma_wait3A_159 : memref<10240x16xf32, #tpu.memory_space<vmem_shared>>)
          tpu.yield
        }) : () -> ()
      }
      %scan3A_64 = arith.constant 57 : i32
      %barrier3A_65 = arith.constant 0 : index
      tpu.barrier barrier_id(%barrier3A_65)
      "tpu.region"() ({
        %run_scoped3A = tpu.sem_alloc : memref<!tpu.dma_semaphore, #tpu.memory_space<semaphore_mem>>
        %dma_start3A_66 = arith.constant 0 : i32
        %dma_start3A_67 = tpu.memref_slice %arg5[%mul3A_2, %dma_start3A_66] : memref<10240x16xf32, #tpu.memory_space<hbm>> -> memref<640x16xf32, #tpu.memory_space<hbm>>
        %dma_start3A_68 = arith.constant 0 : i32
        %dma_start3A_69 = tpu.memref_slice %arg19[%mul3A_2, %dma_start3A_68] : memref<10240x16xf32, #tpu.memory_space<vmem_shared>> -> memref<640x16xf32, #tpu.memory_space<vmem_shared>>
        tpu.enqueue_dma source(%dma_start3A_69 : memref<640x16xf32, #tpu.memory_space<vmem_shared>>) target(%dma_start3A_67 : memref<640x16xf32, #tpu.memory_space<hbm>>) target_semaphore(%run_scoped3A : memref<!tpu.dma_semaphore, #tpu.memory_space<semaphore_mem>>)
        %dma_wait3A = arith.constant 0 : i32
        %dma_wait3A_70 = tpu.memref_slice %arg5[%mul3A_2, %dma_wait3A] : memref<10240x16xf32, #tpu.memory_space<hbm>> -> memref<640x16xf32, #tpu.memory_space<hbm>>
        %dma_wait3A_71 = arith.constant 0 : i32
        %dma_wait3A_72 = tpu.memref_slice %arg19[%mul3A_2, %dma_wait3A_71] : memref<10240x16xf32, #tpu.memory_space<vmem_shared>> -> memref<640x16xf32, #tpu.memory_space<vmem_shared>>
        tpu.wait_dma2 semaphore(%run_scoped3A : memref<!tpu.dma_semaphore, #tpu.memory_space<semaphore_mem>>) src(%dma_wait3A_72 : memref<640x16xf32, #tpu.memory_space<vmem_shared>>) dst(%dma_wait3A_70 : memref<640x16xf32, #tpu.memory_space<hbm>>)
        tpu.yield
      }) : () -> ()
    } else {
    }
    return
  }
}

module attributes {stable_mosaic.version = 14 : i64} {
  func.func @_l1_body(%arg0: i32, %arg1: memref<2000x128xf32, #tpu.memory_space<vmem>>, %arg2: memref<2000x16xf32, #tpu.memory_space<vmem>>, %arg3: memref<2000x128xf32, #tpu.memory_space<vmem>>, %arg4: memref<128x128xf32, #tpu.memory_space<vmem>>, %arg5: memref<128x128xf32, #tpu.memory_space<vmem>>, %arg6: memref<1x128xf32, #tpu.memory_space<vmem>>, %arg7: memref<1x128xf32, #tpu.memory_space<vmem>>, %arg8: memref<1x128xf32, #tpu.memory_space<vmem>>, %arg9: memref<2000x128xf32, #tpu.memory_space<vmem>>) attributes {dimension_semantics = [#tpu.dimension_semantics<arbitrary>], iteration_bounds = array<i64: 5>, scalar_prefetch = 0 : i64, scratch_operands = 0 : i64, tpu.core_type = #tpu.core_type<tc>, window_params = [{transform_indices = @transform_0, window_bounds = array<i64: 2000, 128>}, {transform_indices = @transform_1, window_bounds = array<i64: 2000, 16>}, {transform_indices = @transform_2, window_bounds = array<i64: 2000, 128>}, {pipeline_mode = #tpu.pipeline_mode<synchronous>, transform_indices = @transform_3, window_bounds = array<i64: 128, 128>}, {pipeline_mode = #tpu.pipeline_mode<synchronous>, transform_indices = @transform_4, window_bounds = array<i64: 128, 128>}, {pipeline_mode = #tpu.pipeline_mode<synchronous>, transform_indices = @transform_5, window_bounds = array<i64: 1, 128>}, {pipeline_mode = #tpu.pipeline_mode<synchronous>, transform_indices = @transform_6, window_bounds = array<i64: 1, 128>}, {pipeline_mode = #tpu.pipeline_mode<synchronous>, transform_indices = @transform_7, window_bounds = array<i64: 1, 128>}, {transform_indices = @transform_8, window_bounds = array<i64: 2000, 128>}]} {
    %get3A = arith.constant 0 : index
    %get3A_0 = arith.constant 0 : index
    %get3A_1 = vector.load %arg2[%get3A, %get3A_0] : memref<2000x16xf32, #tpu.memory_space<vmem>>, vector<2000x1xf32>
    %max3A = arith.constant 1.000000e+00 : f32
    %max3A_2 = vector.broadcast %max3A : f32 to vector<2000x1xf32>
    %max3A_3 = arith.maximumf %get3A_1, %max3A_2 : vector<2000x1xf32>
    %div3A = arith.constant 1.000000e+00 : f32
    %div3A_4 = vector.broadcast %div3A : f32 to vector<2000x1xf32>
    %div3A_5 = arith.divf %div3A_4, %max3A_3 : vector<2000x1xf32>
    %get3A_6 = arith.constant 0 : index
    %get3A_7 = arith.constant 0 : index
    %get3A_8 = vector.load %arg1[%get3A_6, %get3A_7] : memref<2000x128xf32, #tpu.memory_space<vmem>>, vector<2000x128xf32>
    %mul3A = vector.broadcast %div3A_5 : vector<2000x1xf32> to vector<2000x128xf32>
    %mul3A_9 = arith.mulf %get3A_8, %mul3A : vector<2000x128xf32>
    %get3A_10 = arith.constant 0 : index
    %get3A_11 = arith.constant 0 : index
    %get3A_12 = vector.load %arg4[%get3A_10, %get3A_11] : memref<128x128xf32, #tpu.memory_space<vmem>>, vector<128x128xf32>
    %dot_general3A = arith.constant dense<0.000000e+00> : vector<2000x128xf32>
    %dot_general3A_13 = tpu.matmul %mul3A_9, %get3A_12, %dot_general3A {dimension_numbers = #tpu.dot_dimension_numbers<[1], [0], [0], [1], [0, 0, 1, 1], [], []>, transpose_lhs_hint = false} : vector<2000x128xf32>, vector<128x128xf32>, vector<2000x128xf32> -> vector<2000x128xf32>
    %get3A_14 = arith.constant 0 : index
    %get3A_15 = arith.constant 0 : index
    %get3A_16 = vector.load %arg3[%get3A_14, %get3A_15] : memref<2000x128xf32, #tpu.memory_space<vmem>>, vector<2000x128xf32>
    %get3A_17 = arith.constant 0 : index
    %get3A_18 = arith.constant 0 : index
    %get3A_19 = vector.load %arg5[%get3A_17, %get3A_18] : memref<128x128xf32, #tpu.memory_space<vmem>>, vector<128x128xf32>
    %dot_general3A_20 = arith.constant dense<0.000000e+00> : vector<2000x128xf32>
    %dot_general3A_21 = tpu.matmul %get3A_16, %get3A_19, %dot_general3A_20 {dimension_numbers = #tpu.dot_dimension_numbers<[1], [0], [0], [1], [0, 0, 1, 1], [], []>, transpose_lhs_hint = false} : vector<2000x128xf32>, vector<128x128xf32>, vector<2000x128xf32> -> vector<2000x128xf32>
    %add3A = arith.addf %dot_general3A_13, %dot_general3A_21 : vector<2000x128xf32>
    %get3A_22 = arith.constant 0 : index
    %get3A_23 = arith.constant 0 : index
    %get3A_24 = vector.load %arg6[%get3A_22, %get3A_23] : memref<1x128xf32, #tpu.memory_space<vmem>>, vector<1x128xf32>
    %add3A_25 = vector.broadcast %get3A_24 : vector<1x128xf32> to vector<2000x128xf32>
    %add3A_26 = arith.addf %add3A, %add3A_25 : vector<2000x128xf32>
    %get3A_27 = arith.constant 0 : index
    %get3A_28 = arith.constant 0 : index
    %get3A_29 = vector.load %arg7[%get3A_27, %get3A_28] : memref<1x128xf32, #tpu.memory_space<vmem>>, vector<1x128xf32>
    %mul3A_30 = arith.constant 0.999994993 : f32
    %mul3A_31 = vector.broadcast %mul3A_30 : f32 to vector<1x128xf32>
    %mul3A_32 = arith.mulf %mul3A_31, %get3A_29 : vector<1x128xf32>
    %mul3A_33 = vector.broadcast %mul3A_32 : vector<1x128xf32> to vector<2000x128xf32>
    %mul3A_34 = arith.mulf %add3A_26, %mul3A_33 : vector<2000x128xf32>
    %get3A_35 = arith.constant 0 : index
    %get3A_36 = arith.constant 0 : index
    %get3A_37 = vector.load %arg8[%get3A_35, %get3A_36] : memref<1x128xf32, #tpu.memory_space<vmem>>, vector<1x128xf32>
    %add3A_38 = vector.broadcast %get3A_37 : vector<1x128xf32> to vector<2000x128xf32>
    %add3A_39 = arith.addf %mul3A_34, %add3A_38 : vector<2000x128xf32>
    %max3A_40 = arith.constant 0.000000e+00 : f32
    %max3A_41 = vector.broadcast %max3A_40 : f32 to vector<2000x128xf32>
    %max3A_42 = arith.maximumf %add3A_39, %max3A_41 : vector<2000x128xf32>
    %swap3A = arith.constant 0 : index
    %swap3A_43 = arith.constant 0 : index
    %swap3A_44 = vector.load %arg9[%swap3A, %swap3A_43] : memref<2000x128xf32, #tpu.memory_space<vmem>>, vector<2000x128xf32>
    tpu.vector_store %arg9[%swap3A, %swap3A_43], %max3A_42 {strides = array<i32>} : memref<2000x128xf32, #tpu.memory_space<vmem>>, vector<2000x128xf32>,
    return
  }
  func.func @transform_0(%arg0: i32) -> (i32, i32) {
    %c0_i32 = arith.constant 0 : i32
    %c0_i32_0 = arith.constant 0 : i32
    return %arg0, %c0_i32 : i32, i32
  }
  func.func @transform_1(%arg0: i32) -> (i32, i32) {
    %c0_i32 = arith.constant 0 : i32
    %c0_i32_0 = arith.constant 0 : i32
    return %arg0, %c0_i32 : i32, i32
  }
  func.func @transform_2(%arg0: i32) -> (i32, i32) {
    %c0_i32 = arith.constant 0 : i32
    %c0_i32_0 = arith.constant 0 : i32
    return %arg0, %c0_i32 : i32, i32
  }
  func.func @transform_3(%arg0: i32) -> (i32, i32) {
    %c0_i32 = arith.constant 0 : i32
    %c0_i32_0 = arith.constant 0 : i32
    %c0_i32_1 = arith.constant 0 : i32
    return %c0_i32, %c0_i32_0 : i32, i32
  }
  func.func @transform_4(%arg0: i32) -> (i32, i32) {
    %c0_i32 = arith.constant 0 : i32
    %c0_i32_0 = arith.constant 0 : i32
    %c0_i32_1 = arith.constant 0 : i32
    return %c0_i32, %c0_i32_0 : i32, i32
  }
  func.func @transform_5(%arg0: i32) -> (i32, i32) {
    %c0_i32 = arith.constant 0 : i32
    %c0_i32_0 = arith.constant 0 : i32
    %c0_i32_1 = arith.constant 0 : i32
    return %c0_i32, %c0_i32_0 : i32, i32
  }
  func.func @transform_6(%arg0: i32) -> (i32, i32) {
    %c0_i32 = arith.constant 0 : i32
    %c0_i32_0 = arith.constant 0 : i32
    %c0_i32_1 = arith.constant 0 : i32
    return %c0_i32, %c0_i32_0 : i32, i32
  }
  func.func @transform_7(%arg0: i32) -> (i32, i32) {
    %c0_i32 = arith.constant 0 : i32
    %c0_i32_0 = arith.constant 0 : i32
    %c0_i32_1 = arith.constant 0 : i32
    return %c0_i32, %c0_i32_0 : i32, i32
  }
  func.func @transform_8(%arg0: i32) -> (i32, i32) {
    %c0_i32 = arith.constant 0 : i32
    %c0_i32_0 = arith.constant 0 : i32
    return %arg0, %c0_i32 : i32, i32
  }
}

module attributes {stable_mosaic.version = 14 : i64} {
  func.func @_l2_body(%arg0: i32, %arg1: memref<2000x128xf32, #tpu.memory_space<vmem>>, %arg2: memref<2000x128xf32, #tpu.memory_space<vmem>>, %arg3: memref<2000x16xf32, #tpu.memory_space<vmem>>, %arg4: memref<128x128xf32, #tpu.memory_space<vmem>>, %arg5: memref<128x128xf32, #tpu.memory_space<vmem>>, %arg6: memref<1x128xf32, #tpu.memory_space<vmem>>, %arg7: memref<2000x128xf32, #tpu.memory_space<vmem>>) attributes {dimension_semantics = [#tpu.dimension_semantics<arbitrary>], iteration_bounds = array<i64: 5>, scalar_prefetch = 0 : i64, scratch_operands = 0 : i64, tpu.core_type = #tpu.core_type<tc>, window_params = [{transform_indices = @transform_0, window_bounds = array<i64: 2000, 128>}, {transform_indices = @transform_1, window_bounds = array<i64: 2000, 128>}, {transform_indices = @transform_2, window_bounds = array<i64: 2000, 16>}, {pipeline_mode = #tpu.pipeline_mode<synchronous>, transform_indices = @transform_3, window_bounds = array<i64: 128, 128>}, {pipeline_mode = #tpu.pipeline_mode<synchronous>, transform_indices = @transform_4, window_bounds = array<i64: 128, 128>}, {pipeline_mode = #tpu.pipeline_mode<synchronous>, transform_indices = @transform_5, window_bounds = array<i64: 1, 128>}, {transform_indices = @transform_6, window_bounds = array<i64: 2000, 128>}]} {
    %get3A = arith.constant 0 : index
    %get3A_0 = arith.constant 0 : index
    %get3A_1 = vector.load %arg3[%get3A, %get3A_0] : memref<2000x16xf32, #tpu.memory_space<vmem>>, vector<2000x1xf32>
    %max3A = arith.constant 1.000000e+00 : f32
    %max3A_2 = vector.broadcast %max3A : f32 to vector<2000x1xf32>
    %max3A_3 = arith.maximumf %get3A_1, %max3A_2 : vector<2000x1xf32>
    %div3A = arith.constant 1.000000e+00 : f32
    %div3A_4 = vector.broadcast %div3A : f32 to vector<2000x1xf32>
    %div3A_5 = arith.divf %div3A_4, %max3A_3 : vector<2000x1xf32>
    %get3A_6 = arith.constant 0 : index
    %get3A_7 = arith.constant 0 : index
    %get3A_8 = vector.load %arg1[%get3A_6, %get3A_7] : memref<2000x128xf32, #tpu.memory_space<vmem>>, vector<2000x128xf32>
    %mul3A = vector.broadcast %div3A_5 : vector<2000x1xf32> to vector<2000x128xf32>
    %mul3A_9 = arith.mulf %get3A_8, %mul3A : vector<2000x128xf32>
    %get3A_10 = arith.constant 0 : index
    %get3A_11 = arith.constant 0 : index
    %get3A_12 = vector.load %arg4[%get3A_10, %get3A_11] : memref<128x128xf32, #tpu.memory_space<vmem>>, vector<128x128xf32>
    %dot_general3A = arith.constant dense<0.000000e+00> : vector<2000x128xf32>
    %dot_general3A_13 = tpu.matmul %mul3A_9, %get3A_12, %dot_general3A {dimension_numbers = #tpu.dot_dimension_numbers<[1], [0], [0], [1], [0, 0, 1, 1], [], []>, transpose_lhs_hint = false} : vector<2000x128xf32>, vector<128x128xf32>, vector<2000x128xf32> -> vector<2000x128xf32>
    %get3A_14 = arith.constant 0 : index
    %get3A_15 = arith.constant 0 : index
    %get3A_16 = vector.load %arg2[%get3A_14, %get3A_15] : memref<2000x128xf32, #tpu.memory_space<vmem>>, vector<2000x128xf32>
    %get3A_17 = arith.constant 0 : index
    %get3A_18 = arith.constant 0 : index
    %get3A_19 = vector.load %arg5[%get3A_17, %get3A_18] : memref<128x128xf32, #tpu.memory_space<vmem>>, vector<128x128xf32>
    %dot_general3A_20 = arith.constant dense<0.000000e+00> : vector<2000x128xf32>
    %dot_general3A_21 = tpu.matmul %get3A_16, %get3A_19, %dot_general3A_20 {dimension_numbers = #tpu.dot_dimension_numbers<[1], [0], [0], [1], [0, 0, 1, 1], [], []>, transpose_lhs_hint = false} : vector<2000x128xf32>, vector<128x128xf32>, vector<2000x128xf32> -> vector<2000x128xf32>
    %add3A = arith.addf %dot_general3A_13, %dot_general3A_21 : vector<2000x128xf32>
    %get3A_22 = arith.constant 0 : index
    %get3A_23 = arith.constant 0 : index
    %get3A_24 = vector.load %arg6[%get3A_22, %get3A_23] : memref<1x128xf32, #tpu.memory_space<vmem>>, vector<1x128xf32>
    %add3A_25 = vector.broadcast %get3A_24 : vector<1x128xf32> to vector<2000x128xf32>
    %add3A_26 = arith.addf %add3A, %add3A_25 : vector<2000x128xf32>
    %reduce_max3A = arith.constant dense<0xFF800000> : vector<2000xf32>
    %reduce_max3A_27 = vector.multi_reduction <maximumf>, %add3A_26, %reduce_max3A [1] : vector<2000x128xf32> to vector<2000xf32>
    %broadcast_in_dim3A = vector.shape_cast %reduce_max3A_27 : vector<2000xf32> to vector<2000x1xf32>
    %sub3A = vector.broadcast %broadcast_in_dim3A : vector<2000x1xf32> to vector<2000x128xf32>
    %sub3A_28 = arith.subf %add3A_26, %sub3A : vector<2000x128xf32>
    %exp3A = math.exp %sub3A_28 : vector<2000x128xf32>
    %reduce_sum3A = arith.constant dense<0.000000e+00> : vector<2000xf32>
    %reduce_sum3A_29 = vector.multi_reduction <add>, %exp3A, %reduce_sum3A [1] : vector<2000x128xf32> to vector<2000xf32>
    %broadcast_in_dim3A_30 = vector.shape_cast %reduce_sum3A_29 : vector<2000xf32> to vector<2000x1xf32>
    %sub3A_31 = vector.broadcast %broadcast_in_dim3A : vector<2000x1xf32> to vector<2000x128xf32>
    %sub3A_32 = arith.subf %add3A_26, %sub3A_31 : vector<2000x128xf32>
    %log3A = math.log %broadcast_in_dim3A_30 : vector<2000x1xf32>
    %sub3A_33 = vector.broadcast %log3A : vector<2000x1xf32> to vector<2000x128xf32>
    %sub3A_34 = arith.subf %sub3A_32, %sub3A_33 : vector<2000x128xf32>
    %swap3A = arith.constant 0 : index
    %swap3A_35 = arith.constant 0 : index
    %swap3A_36 = vector.load %arg7[%swap3A, %swap3A_35] : memref<2000x128xf32, #tpu.memory_space<vmem>>, vector<2000x128xf32>
    tpu.vector_store %arg7[%swap3A, %swap3A_35], %sub3A_34 {strides = array<i32>} : memref<2000x128xf32, #tpu.memory_space<vmem>>, vector<2000x128xf32>,
    return
  }
  func.func @transform_0(%arg0: i32) -> (i32, i32) {
    %c0_i32 = arith.constant 0 : i32
    %c0_i32_0 = arith.constant 0 : i32
    return %arg0, %c0_i32 : i32, i32
  }
  func.func @transform_1(%arg0: i32) -> (i32, i32) {
    %c0_i32 = arith.constant 0 : i32
    %c0_i32_0 = arith.constant 0 : i32
    return %arg0, %c0_i32 : i32, i32
  }
  func.func @transform_2(%arg0: i32) -> (i32, i32) {
    %c0_i32 = arith.constant 0 : i32
    %c0_i32_0 = arith.constant 0 : i32
    return %arg0, %c0_i32 : i32, i32
  }
  func.func @transform_3(%arg0: i32) -> (i32, i32) {
    %c0_i32 = arith.constant 0 : i32
    %c0_i32_0 = arith.constant 0 : i32
    %c0_i32_1 = arith.constant 0 : i32
    return %c0_i32, %c0_i32_0 : i32, i32
  }
  func.func @transform_4(%arg0: i32) -> (i32, i32) {
    %c0_i32 = arith.constant 0 : i32
    %c0_i32_0 = arith.constant 0 : i32
    %c0_i32_1 = arith.constant 0 : i32
    return %c0_i32, %c0_i32_0 : i32, i32
  }
  func.func @transform_5(%arg0: i32) -> (i32, i32) {
    %c0_i32 = arith.constant 0 : i32
    %c0_i32_0 = arith.constant 0 : i32
    %c0_i32_1 = arith.constant 0 : i32
    return %c0_i32, %c0_i32_0 : i32, i32
  }
  func.func @transform_6(%arg0: i32) -> (i32, i32) {
    %c0_i32 = arith.constant 0 : i32
    %c0_i32_0 = arith.constant 0 : i32
    return %arg0, %c0_i32 : i32, i32
  }
}

</mosaic_0001>

<sc_bundles>
// kernel: kernel.6.cloned.1.call-start
scs
__scs_entry_jumppad:
0x0: {  	(pc) =	sbr.rel $0x88, $3  }
0x1: {  	(tag) =	ssettag $0x0;
	lr =	simm.s32 $0x1  }
0x2: {  	[smem:$0x3F97] =	sst lr;
	_ =	strace $0xD0000000  }
0x3: {  	_ = 	snop  }
0x4: {  	_ = 	snop  }
0x5: {  	_ = 	snop  }
0x6: {  	_ = 	snop  }
0x7: {  	_ = 	snop  }
__scs_overlays_trampoline_lowered:
0x8: {  	[smem:$0x3FA6] =	sst s0  }
0x9: {  	[smem:$0x3FA7] =	sst s1  }
0xa: {  	[smem:$0x3FA8] =	sst s2  }
0xb: {  	[smem:$0x3FA9] =	sst s3  }
0xc: {  	[smem:$0x3FAA] =	sst s4  }
0xd: {  	[smem:$0x3FAB] =	sst s5  }
0xe: {  	[smem:$0x3FAC] =	sst s6  }
0xf: {  	[smem:$0x3FAD] =	sst s7  }
0x10: {  	[smem:$0x3FAE] =	sst s8  }
0x11: {  	[smem:$0x3FAF] =	sst s9;
	s0 =	simm.s32 @!p0 $0x0  }
0x12: {  	s1 =	sld [smem:$0x3F95];
	s0 =	simm.s32 @p0 $0x1  }
0x13: {  	[smem:$0x3FB0] =	sst s0;
	s0 =	simm.s32 @!p1 $0x0  }
0x14: {  	s2 =	sld [smem:$0x3F94];
	s0 =	simm.s32 @p1 $0x1  }
0x15: {  	[smem:$0x3FB1] =	sst s0;
	s0 =	simm.s32 @!p2 $0x0  }
0x16: {  	s3 =	sld [smem:$0x3FDB];
	s0 =	simm.s32 @p2 $0x1  }
0x17: {  	s4 =	simm.s32 $0x1BF5;
	[smem:$0x3FB3] =	sst s0  }
0x18: {  	s0 =	sld [smem:$0x3F96];
	_ =	swait.ge [sflag:s4], $0x0  }
0x19: {  	s7 =	sld [smem:$0x3F97]  }
0x1a: {  	s8 =	sadd.s32 $0xFFFFE003, lr  }
0x1b: {  	s9 =	sadd.s32 $0xFFFFFEF7, lr;
	s5 =	simm.s32 $0xFFFFFFFF;
	p2 =	slt.u32 s8, $0xFFFFF086  }
0x1c: {  	p1 =	slt.u32 s9, $0xF7A;
	s5 =	simm.s32 @!p2 $0x0  }
0x1d: {  	s5 =	simm.s32 @p1 $0x1;
	p0 =	seq.s32 s7, s2  }
0x1e: {  	s7 =	smul.u32 @!p0 $0xF7A, s2;
	p2 =	seq.s32 @!p0 s5, $0x0  }
0x1f: {  	s9 =	smul.u32 $0xF7A, s1;
	s8 =	simm.s32 @!p0 $0x1BF5;
	p2 =	por !p2, p0  }
0x20: {  	[sflag:s8] =	ssyncset.s32 @!p0 $0xFFFFF086;
	s6 =	sadd.s32 @!p0 s3, s7;
	s7 =	simm.s32 @!p0 $0x108  }
0x21: {  	s3 =	sadd.s32 s3, s9;
	s6 =	sadd.s32 @!p0 $0x88, s6;
	s7 =	simm.s32 @p2 $0x1082  }
0x22: {  	[simem:s7], [sflag:s8] =	dma.local @!p0 [hbm:s6], $0xF7A  }
0x23: {  	s9 =	sor.u32 $0xD0000000, s2;
	s6 =	simm.s32 $0x108;
	_ =	swait.ge @!p0 [sflag:s8], $0x0  }
0x24: {  	s3 =	sadd.s32 $0x88, s3;
	s6 =	simm.s32 @!p1 $0x1082;
	[sflag:s4] =	ssyncset.s32 $0xFFFFF086  }
0x25: {  	[simem:s6], [sflag:s4] =	dma.local [hbm:s3], $0xF7A  }
0x26: {  	[smem:$0x3F97] =	sst s1;
	(tag) =	ssettag s2;
	_ =	strace s9  }
0x27: {  	s1 =	sld [smem:$0x3FA7]  }
0x28: {  	s2 =	sld [smem:$0x3FA8]  }
0x29: {  	s4 =	sld [smem:$0x3FAA]  }
0x2a: {  	p0 =	seq.s32 s5, $0x0;
	s5 =	sld [smem:$0x3FAB]  }
0x2b: {  	s6 =	sld [smem:$0x3FAC]  }
0x2c: {  	s7 =	sld [smem:$0x3FAD]  }
0x2d: {  	s3 =	simm.s32 $0x108;
	s8 =	sld [smem:$0x3FAE]  }
0x2e: {  	s3 =	simm.s32 @!p0 $0x1082;
	s9 =	sld [smem:$0x3FAF]  }
0x2f: {  	lr =	sadd.s32 s0, s3;
	s0 =	sld [smem:$0x3FA6]  }
0x30: {  	s3 =	sld [smem:$0x3FA9]  }
0x31: {  	[smem:$0x3FB2] =	sst s10  }
0x32: {  	s10 =	sld [smem:$0x3FB0];
	_ =	sdelay $0x3  }
0x33: {  	p0 =	seq.s32 s10, $0x1;
	s10 =	sld [smem:$0x3FB2];
	_ =	sdelay $0x3  }
0x34: {  	[smem:$0x3FB2] =	sst s10  }
0x35: {  	s10 =	sld [smem:$0x3FB1];
	_ =	sdelay $0x3  }
0x36: {  	p1 =	seq.s32 s10, $0x1;
	s10 =	sld [smem:$0x3FB2];
	_ =	sdelay $0x3  }
0x37: {  	[smem:$0x3FB2] =	sst s10  }
0x38: {  	s10 =	sld [smem:$0x3FB3]  }
0x39: {  	_ = 	snop;
	(pc) =	sbr.ind lr, $3  }
0x3a: {  	_ = 	snop  }
0x3b: {  	_ = 	snop  }
0x3c: {  	p2 =	seq.s32 s10, $0x1;
	s10 =	sld [smem:$0x3FB2]  }
0x3d: {  	_ =	shalt  }
0x3e: {  	_ =	shalt  }
0x3f: {  	_ =	shalt  }
0x40: {  	_ =	shalt  }
0x41: {  	_ =	shalt  }
0x42: {  	_ =	shalt  }
0x43: {  	_ =	shalt  }
0x44: {  	_ =	shalt  }
0x45: {  	_ =	shalt  }
0x46: {  	_ =	shalt  }
0x47: {  	_ =	shalt  }
0x48: {  	_ =	shalt  }
0x49: {  	_ =	shalt  }
0x4a: {  	_ =	shalt  }
0x4b: {  	_ =	shalt  }
0x4c: {  	_ =	shalt  }
0x4d: {  	_ =	shalt  }
0x4e: {  	_ =	shalt  }
0x4f: {  	_ =	shalt  }
0x50: {  	_ =	shalt  }
0x51: {  	_ =	shalt  }
0x52: {  	_ =	shalt  }
0x53: {  	_ =	shalt  }
0x54: {  	_ =	shalt  }
0x55: {  	_ =	shalt  }
0x56: {  	_ =	shalt  }
0x57: {  	_ =	shalt  }
0x58: {  	_ =	shalt  }
0x59: {  	_ =	shalt  }
0x5a: {  	_ =	shalt  }
0x5b: {  	_ =	shalt  }
0x5c: {  	_ =	shalt  }
0x5d: {  	_ =	shalt  }
0x5e: {  	_ =	shalt  }
0x5f: {  	_ =	shalt  }
0x60: {  	_ =	shalt  }
0x61: {  	_ =	shalt  }
0x62: {  	_ =	shalt  }
0x63: {  	_ =	shalt  }
0x64: {  	_ =	shalt  }
0x65: {  	_ =	shalt  }
0x66: {  	_ =	shalt  }
0x67: {  	_ =	shalt  }
0x68: {  	_ =	shalt  }
0x69: {  	_ =	shalt  }
0x6a: {  	_ =	shalt  }
0x6b: {  	_ =	shalt  }
0x6c: {  	_ =	shalt  }
0x6d: {  	_ =	shalt  }
0x6e: {  	_ =	shalt  }
0x6f: {  	_ =	shalt  }
0x70: {  	_ =	shalt  }
0x71: {  	_ =	shalt  }
0x72: {  	_ =	shalt  }
0x73: {  	_ =	shalt  }
0x74: {  	_ =	shalt  }
0x75: {  	_ =	shalt  }
0x76: {  	_ =	shalt  }
0x77: {  	_ =	shalt  }
0x78: {  	_ =	shalt  }
0x79: {  	_ =	shalt  }
0x7a: {  	_ =	shalt  }
0x7b: {  	_ =	shalt  }
0x7c: {  	_ =	shalt  }
0x7d: {  	_ =	shalt  }
0x7e: {  	_ =	shalt  }
0x7f: {  	_ =	shalt  }
0x80: {  	_ =	shalt  }
0x81: {  	_ =	shalt  }
0x82: {  	_ =	shalt  }
0x83: {  	_ =	shalt  }
0x84: {  	_ =	shalt  }
0x85: {  	_ =	shalt  }
0x86: {  	_ =	shalt  }
0x87: {  	_ =	shalt  }
.Lfunc_end0:
.L_simem_size_0:
called_computation_lowered:
.L_overlay_start_0:
0x88: {  	s2 =	sld [smem:$0x3FD9]  }
0x89: {  	s3 =	sld [smem:$0x3FFE];
	_ =	sdelay $0x1  }
0x8a: {  	s1 =	srdreg.scid  }
0x8b: {  	s0 =	sand.u32 $0x1, s1  }
0x8c: {  	s17 =	sshll.u32 s0, $0xA;
	s2 =	sadd.s32 s3, s2  }
0x8d: {  	s2 =	sadd.s32 s2, s17  }
0x8e: {  	[smem:$0x3FBE] =	sst s2  }
0x8f: {  	_ = 	snop  }
0x90: {  	s2 =	sld [smem:$0x3FC9]  }
0x91: {  	s18 =	sld [smem:$0x3FD0];
	(tm) =	ssettm $0x1  }
0x92: {  	s4 =	sld [smem:$0x3FFB];
	_ =	sdelay $0x3  }
0x93: {  	_ =	strace s4  }
0x94: {  	s4 =	sld [smem:$0x3FFC];
	_ =	sdelay $0x3  }
0x95: {  	_ =	strace s4  }
0x96: {  	s4 =	sld [smem:$0x3FFD];
	_ =	sdelay $0x3  }
0x97: {  	_ =	strace s4  }
0x98: {  	_ =	strace $0x8FFFFFFF  }
0x99: {  	s19 =	sld [smem:$0x3FDB];
	_ =	sdelay $0x1  }
0x9a: {  	s5 =	simm.s32 $_scs_section_size  }
0x9b: {  	s6 =	simm.s32 $_size__tile_overlayer_lowered;
	s7 =	simm.s32 $_tile_overlayer_lowered  }
0x9c: {  	s22 =	simm.s32 $0x1BFF;
	s21 =	sshll.u32 s7, $0x1;
	s4 =	sadd.s32 s5, s19  }
0x9d: {  	s8 =	simm.s32 $0x0;
	s20 =	sshll.u32 s6, $0x1;
	s6 =	sadd.s32 s21, s4  }
0x9e: {  	[timem:s8], [sflag:s22] =	dma.local [hbm:s6], s20  }
0x9f: {  	_ =	swait.ge [sflag:s22], s20  }
0xa0: {  	s5 =	ssub.s32 $0x0, s20;
	[sflag:s22] =	ssyncset.done $0x0  }
0xa1: {  	[sflag:s22] =	ssyncadd.s32 s5;
	_ =	sdelay $0x1  }
0xa2: {  	s23 =	simm.s32 $0x1B8B  }
0xa3: {  	_ =	swait.ge [sflag:s23], $0x1  }
0xa4: {  	[sflag:s23] =	ssyncset.done $0x0  }
0xa5: {  	s25 =	simm.s32 $0x1B8E;
	s24 =	sld [smem:$0x3FFE];
	[sflag:s23] =	ssyncadd.s32 $0xFFFFFFFF  }
0xa6: {  	s26 =	simm.s32 $execute0_lowered;
	[smem:$0x3FD2] =	sst s25  }
0xa7: {  	s6 =	sshll.u32 s26, $0x1;
	_ =	strace $0x80000046;
	[dreg:$0x1] =	wrdreg $0xFFFFFFFF  }
0xa8: {  	s28 =	simm.s32 $_size_execute0_lowered;
	s4 =	sadd.s32 s4, s6;
	[dreg:$0x0] =	wrdreg $0x0  }
0xa9: {  	s6 =	sshll.u32 s28, $0x1;
	[dreg:$0x2] =	wrdreg s4  }
0xaa: {  	[dreg:$0x3] =	wrdreg s6  }
0xab: {  	[dreg:$0x4] =	wrdreg $0xC0  }
0xac: {  	_ =	task [dreg:s8], $0x5FFFF  }
0xad: {  	[dreg:$0x1] =	wrdreg $0xFFFFFFFF  }
0xae: {  	[dreg:$0x0] =	wrdreg $0x60  }
0xaf: {  	[dreg:$0x2] =	wrdreg s2  }
0xb0: {  	[dreg:$0x3] =	wrdreg s24  }
0xb1: {  	[dreg:$0x4] =	wrdreg s18  }
0xb2: {  	[dreg:$0x5] =	wrdreg $0x8DA00  }
0xb3: {  	[dreg:$0x6] =	wrdreg $0x1CDA00  }
0xb4: {  	[dreg:$0x7] =	wrdreg $0x9  }
0xb5: {  	_ =	task.clear_ibuf [dreg:s8], $0x8FFFF;
	_ =	strace $0x90000046  }
0xb6: {  	s29 =	simm.s32 $0x9;
	_ =	strace $0x80000048  }
0xb7: {  	_ =	swait.ge [sflag:s29], $0x1  }
0xb8: {  	[sflag:s29] =	ssyncadd.s32 $0xFFFFFFFF  }
0xb9: {  	_ =	strace $0x90000048  }
0xba: {  	_ =	sfence  }
0xbb: {  	s30 =	sld [smem:$0x0];
	_ =	sdelay $0x2  }
0xbc: {  	s31 =	sshll.u32 s1, $0xD;
	s1 =	sshrl.u32 s1, $0x2  }
0xbd: {  	s3 =	sand.u32 $0x4000, s31;
	s1 =	sadd.s32 s1, s30  }
0xbe: {  	s0 =	sor.u32 s3, s0;
	s1 =	sshll.u32 s1, $0x11  }
0xbf: {  	s0 =	sor.u32 s1, s0  }
0xc0: {  	s0 =	sadd.s32 $0x8F2B, s0  }
0xc1: {  	[sflag:s0] =	ssyncadd.remote.s32 $0x1  }
0xc2: {  	_ =	sfence.sel $0xFFFF  }
0xc3: {  	[dreg:$0x0] =	wrdreg $0xFFFFFFFF;
	(pc) =	sbr.abs _section_cstart, $3  }
0xc4: {  	[dreg:$0x1] =	wrdreg $0xFFFFFFFF  }
0xc5: {  	_ =	task.clear_ibuf [dreg:s8], $0x2FFFF;
	_ =	strace $0x9FFFFFFF  }
0xc6: {  	(tm) =	ssettm $0x7FFFFFFF  }
0xc7: {  	_ =	shalt  }
tec
execute0_lowered:
.L_overlay_start_1:
0x0: {  	(tag) =	ssettag $0x1  }
0x1: {  	s1 =	rddreg [dreg:$0x0]  }
0x2: {  	s0 =	rddreg [dreg:$0x1]  }
0x3: {  	s3 =	rddreg [dreg:$0x2];
	s31 =	stileid.u32  }
0x4: {  	s2 =	rddreg [dreg:$0x3];
	s6 =	smul.u32 $0x14000, s31  }
0x5: {  	s4 =	rddreg [dreg:$0x4];
	s5 =	simm.s32 $0x0;
	s8 =	smul.u32 $0x50000, s31  }
0x6: {  	s7 =	srdreg.scid;
	s28 =	simm.s32 $0x8820;
	s18 =	smul.u32 $0x9CC, s31  }
0x7: {  	s30 =	simm.s32 $0x2C0;
	s29 =	simm.s32 $0x7;
	s20 =	smul.u32 $0x4E60, s31  }
0x8: {  	[smem:$0x7FF] =	sst s5;
	s7 =	sand.u32 $0x1, s7;
	s26 =	smul.u32 $0xA000, s31  }
0x9: {  	s9 =	sadd.s32 $0x3200, s0;
	s13 =	smul.u32 $0x2800, s31;
	_ =	strace $0x80000047  }
0xa: {  	s11 =	ssub.s32 $0x2, s7;
	p0 =	seq.s32 s7, $0x1;
	s8 =	sshrl.u32 s8, $0x2  }
0xb: {  	s10 =	sshrl.u32 s6, $0x3;
	s6 =	sadd.s32 s6, s2;
	s16 =	sadd.s32 s8, s2  }
0xc: {  	s15 =	sshrl.u32 s11, $0x1;
	[dreg:$0x6] =	wrdreg s6;
	s17 =	sadd.s32 $0x2C00, s16  }
0xd: {  	s14 =	sadd.s32 s9, s18;
	s8 =	sadd.s32 $0x5800, s16;
	[dreg:$0x7] =	wrdreg s17  }
0xe: {  	s24 =	sadd.s32 $0x58, s20;
	s19 =	sadd.s32 $0x8400, s16;
	[dreg:$0x8] =	wrdreg s8  }
0xf: {  	s25 =	sshrl.u32 s20, $0x3;
	s21 =	sadd.s32 $0xB000, s16;
	[dreg:$0x9] =	wrdreg s19  }
0x10: {  	s0 =	sadd.s32 s10, s0;
	s22 =	sadd.s32 $0xDC00, s16;
	[dreg:$0xa] =	wrdreg s21  }
0x11: {  	s10 =	ssub.s32 s11, s15;
	s23 =	sadd.s32 $0x10800, s16;
	[dreg:$0xb] =	wrdreg s22  }
0x12: {  	s6 =	sshrl.u32 s24, $0x3;
	s7 =	sadd.s32 $0x13400, s16;
	[dreg:$0xc] =	wrdreg s23  }
0x13: {  	s12 =	sadd.s32 s9, s25;
	s6 =	sadd.s32 s9, s6;
	[dreg:$0xd] =	wrdreg s7  }
0x14: {  	s15 =	sshrl.u32 s26, $0x2;
	s0 =	sadd.s32 $0x16C00, s0;
	[dreg:$0xe] =	wrdreg s6  }
0x15: {  	s11 =	simm.s32 $0x108;
	s16 =	sadd.s32 s13, s4;
	[dreg:$0xf] =	wrdreg s0  }
0x16: {  	s24 =	sadd.s32 $0x9CC0, s12;
	s25 =	sadd.s32 $0x9CD6, s12;
	[dreg:$0x10] =	wrdreg s16  }
0x17: {  	s26 =	smax.u32 s10, $0x1;
	s10 =	simm.s32 $0x1;
	[dreg:$0x1b] =	wrdreg s24  }
0x18: {  	s8 =	sadd.s32 $0x4E658, s20;
	s0 =	sadd.s32 s15, s4;
	[dreg:$0x1c] =	wrdreg s25  }
0x19: {  	s7 =	sshrl.u32 s13, $0x3;
	s23 =	sadd.s32 $0x16, s12;
	[dreg:$0x1d] =	wrdreg s26  }
0x1a: {  	s12 =	simm.s32 $0x58;
	s13 =	simm.s32 $0x2;
	s15 =	simm.s32 $0x4  }
0x1b: {  	s16 =	simm.s32 $0x420;
	s17 =	sadd.s32 $0x580, s0;
	[dreg:$0x1a] =	wrdreg s23  }
0x1c: {  	s24 =	simm.s32 $0x5C20;
	s18 =	sadd.s32 $0xB00, s0;
	[dreg:$0x11] =	wrdreg s17  }
0x1d: {  	s25 =	simm.s32 $0x210;
	s3 =	sadd.s32 s3, s7;
	[dreg:$0x13] =	wrdreg s18  }
0x1e: {  	s26 =	simm.s32 $0x6;
	s19 =	sadd.s32 $0x1080, s0;
	[dreg:$0x14] =	wrdreg s3  }
0x1f: {  	s8 =	sshrl.u32 s8, $0x3;
	s20 =	sadd.s32 $0x1600, s0;
	[dreg:$0x15] =	wrdreg s19  }
0x20: {  	s21 =	sadd.s32 $0x1B80, s0;
	s22 =	sadd.s32 $0x2100, s0;
	[dreg:$0x16] =	wrdreg s20  }
0x21: {  	s0 =	sadd.s32 $0x2680, s0;
	s7 =	simm.s32 $0x8;
	[dreg:$0x17] =	wrdreg s21  }
.Ltmp0:
0x22: {  	s23 =	simm.s32 $0x3;
	[dreg:$0x18] =	wrdreg s22;
	(pc) =	sbr.rel .LBB2_1-.Ltmp0, $4  }
0x23: {  	s8 =	sadd.s32 s9, s8;
	[dreg:$0x19] =	wrdreg s0;
	s9 =	simm.s32 $0x3C8  }
0x24: {  	s18 =	simm.s32 $0x4E600;
	s19 =	simm.s32 $0xB0;
	s20 =	simm.s32 $0x160  }
0x25: {  	s21 =	simm.s32 $0x3020;
	s22 =	simm.s32 $0x5;
	s3 =	simm.s32 $0x1B8  }
0x26: {  	v0 =	vimm.f32 $0.0e+00;
	v1 =	vimm.f32 $1.000000000e+00;
	s0 =	simm.s32 $0x0;
	[dreg:$0x12] =	wrdreg s8;
	s8 =	simm.s32 $0x370  }
.LBB2_13:
0x27: {  	[sflag:s7] =	ssyncset.done $0x0  }
0x28: {  	[sflag:s7] =	ssyncadd.s32 $0xFFFFFA80  }
0x29: {  	[bflag:$0x0] =	sbarrier.arrive $0xFFFF  }
0x2a: {  	s0 =	sshll.u32 s31, $0x6;
	s3 =	rddreg [dreg:$0x10]  }
0x2b: {  	s0 =	sor.u32 $0x1C08, s0;
	s6 =	rddreg [dreg:$0x14];
	s3 =	sshrl.u32 s3, $0x3  }
0x2c: {  	[hbm:s6], [sflag:s0] =	dma.local [spmem:s3], $0x500  }
0x2d: {  	_ =	swait.ge [sflag:s7], $0x500  }
0x2e: {  	[sflag:s7] =	ssyncset.done $0x0  }
0x2f: {  	s11 =	simm.s32 $0x108;
	s6 =	rddreg [dreg:$0x1e];
	[sflag:s7] =	ssyncadd.s32 $0xFFFFFB00  }
.LBB2_14:
0x30: {  	s6 =	sadd.s32 $0x1, s6;
	s0 =	rddreg [dreg:$0x1d]  }
0x31: {  	p1 =	sne.s32 s6, s0  }
.Ltmp1:
0x32: {  	_ = 	snop;
	(pc) =	sbr.rel @!p1 .LBB2_15-.Ltmp1, $2  }
0x33: {  	_ =	sdelay $0x2  }
0x34: {  	s3 =	simm.s32 $0x1B8;
	s0 =	smov.u32 s6  }
.LBB2_1:
.Ltmp2:
0x35: {  	(pc) =	sbr.rel @!p0 .LBB2_2-.Ltmp2, $2  }
0x36: {  	_ =	sdelay $0x2  }
0x37: {  	[dreg:$0x1e] =	wrdreg s0  }
0x38: {  	s6 =	simm.s32 $0x40;
	s17 =	simm.s32 $0x0  }
.LBB2_8:
0x39: {  	p1 =	sne.s32 s6, $0x15C0;
	[tilespmem:s17+$0x8820] =	vst v0;
	s0 =	smov.u32 s6;
	s6 =	sadd.s32 $0x40, s6  }
.Ltmp3:
0x3a: {  	(pc) =	sbr.rel @p1 .LBB2_8-.Ltmp3, $2  }
0x3b: {  	_ =	sdelay $0x2  }
0x3c: {  	s17 =	sshra.s32 s0, $0x2  }
0x3d: {  	[tilespmem:s17+$0x8820] =	vst v0;
	s0 =	rddreg [dreg:$0x10]  }
0x3e: {  	[spmem:s0] =	stream.linear.scatter [tilespmem:s28], [sflag:$0x8], $0x580, $0x38;
	[tilespmem:$0x1F5A0] =	vst v63  }
0x3f: {  	_ =	swait.ge [sflag:s7], $0x580  }
0x40: {  	[sflag:s7] =	ssyncset.done $0x0  }
0x41: {  	s6 =	rddreg [dreg:$0x11];
	[sflag:s7] =	ssyncadd.s32 $0xFFFFFA80  }
0x42: {  	[spmem:s6] =	stream.linear.scatter [tilespmem:s28], [sflag:$0x8], $0x580, $0x38;
	[tilespmem:$0x1F5A0] =	vst v63  }
0x43: {  	_ =	swait.ge [sflag:s7], $0x580  }
0x44: {  	[sflag:s7] =	ssyncset.done $0x0  }
0x45: {  	s11 =	rddreg [dreg:$0x13];
	[sflag:s7] =	ssyncadd.s32 $0xFFFFFA80  }
0x46: {  	[spmem:s11] =	stream.linear.scatter [tilespmem:s28], [sflag:$0x8], $0x580, $0x38;
	[tilespmem:$0x1F5A0] =	vst v63  }
0x47: {  	_ =	swait.ge [sflag:s7], $0x580  }
0x48: {  	[sflag:s7] =	ssyncset.done $0x0  }
0x49: {  	s17 =	rddreg [dreg:$0x15];
	[sflag:s7] =	ssyncadd.s32 $0xFFFFFA80  }
0x4a: {  	[spmem:s17] =	stream.linear.scatter [tilespmem:s28], [sflag:$0x8], $0x580, $0x38;
	[tilespmem:$0x1F5A0] =	vst v63  }
0x4b: {  	_ =	swait.ge [sflag:s7], $0x580  }
0x4c: {  	[sflag:s7] =	ssyncset.done $0x0  }
0x4d: {  	s3 =	rddreg [dreg:$0x16];
	[sflag:s7] =	ssyncadd.s32 $0xFFFFFA80  }
0x4e: {  	[spmem:s3] =	stream.linear.scatter [tilespmem:s28], [sflag:$0x8], $0x580, $0x38;
	[tilespmem:$0x1F5A0] =	vst v63  }
0x4f: {  	_ =	swait.ge [sflag:s7], $0x580  }
0x50: {  	[sflag:s7] =	ssyncset.done $0x0  }
0x51: {  	s6 =	rddreg [dreg:$0x17];
	[sflag:s7] =	ssyncadd.s32 $0xFFFFFA80  }
0x52: {  	[spmem:s6] =	stream.linear.scatter [tilespmem:s28], [sflag:$0x8], $0x580, $0x38;
	[tilespmem:$0x1F5A0] =	vst v63  }
0x53: {  	_ =	swait.ge [sflag:s7], $0x580  }
0x54: {  	[sflag:s7] =	ssyncset.done $0x0  }
0x55: {  	s11 =	rddreg [dreg:$0x18];
	[sflag:s7] =	ssyncadd.s32 $0xFFFFFA80  }
0x56: {  	[spmem:s11] =	stream.linear.scatter [tilespmem:s28], [sflag:$0x8], $0x580, $0x38;
	[tilespmem:$0x1F5A0] =	vst v63  }
0x57: {  	_ =	swait.ge [sflag:s7], $0x580  }
0x58: {  	[sflag:s7] =	ssyncset.done $0x0  }
0x59: {  	s17 =	rddreg [dreg:$0x19];
	[sflag:s7] =	ssyncadd.s32 $0xFFFFFA80  }
0x5a: {  	[spmem:s17] =	stream.linear.scatter [tilespmem:s28], [sflag:$0x8], $0x180, $0x38;
	[tilespmem:$0x1F5A0] =	vst v63  }
0x5b: {  	_ =	swait.ge [sflag:s7], $0x180  }
0x5c: {  	[sflag:s7] =	ssyncset.done $0x0  }
0x5d: {  	s6 =	simm.s32 $0x40;
	s17 =	simm.s32 $0x0;
	[sflag:s7] =	ssyncadd.s32 $0xFFFFFE80  }
.LBB2_10:
0x5e: {  	p1 =	sne.s32 s6, $0x15C0;
	[tilespmem:s17+$0x8820] =	vst v1;
	s0 =	smov.u32 s6;
	s6 =	sadd.s32 $0x40, s6  }
.Ltmp4:
0x5f: {  	(pc) =	sbr.rel @p1 .LBB2_10-.Ltmp4, $2  }
0x60: {  	_ =	sdelay $0x2  }
0x61: {  	s17 =	sshra.s32 s0, $0x2  }
0x62: {  	[tilespmem:s17+$0x8820] =	vst v1  }
0x63: {  	[bflag:$0x0] =	sbarrier.arrive $0xFFFF  }
0x64: {  	s0 =	simm.s32 $0x0;
	s3 =	rddreg [dreg:$0x1b]  }
0x65: {  	[tilespmem:s30], [sflag:$0x1] =	stream.linear.gather [hbm4b:s3+s0], $0x58, $0x38;
	[tilespmem:$0x1F5A0] =	vst v63  }
0x66: {  	s6 =	simm.s32 $0x318;
	s17 =	rddreg [dreg:$0x12]  }
0x67: {  	[tilespmem:s6], [sflag:$0x2] =	stream.linear.gather [hbm4b:s17+s0], $0x58, $0x38;
	[tilespmem:$0x1F5A0] =	vst v63  }
0x68: {  	s6 =	rddreg [dreg:$0x1c]  }
0x69: {  	[tilespmem:s8], [sflag:$0x3] =	stream.linear.gather [hbm4b:s6+s0], $0x58, $0x38;
	[tilespmem:$0x1F5A0] =	vst v63  }
0x6a: {  	_ =	swait.ge [sflag:s10], $0x58  }
0x6b: {  	s11 =	sadd.s32 $0x0, s14;
	[sflag:s10] =	ssyncset.done $0x0  }
0x6c: {  	s0 =	sadd.s32 $0x9CE1, s11;
	[sflag:s10] =	ssyncadd.s32 $0xFFFFFFA8  }
0x6d: {  	[tilespmem:s9], [sflag:$0x4] =	stream.linear.gather [hbm4b:s0+s5], $0x58, $0x38;
	[tilespmem:$0x1F5A0] =	vst v63  }
0x6e: {  	_ = 	snop  }
0x6f: {  	[spmem:s4] =	stream.indirect.scatter.add.f32 [tilespmem:s28], [sflag:$0x8], $0x10, s30, s12, $0xb8;
	[tilespmem:$0x1F5A0] =	vst v63  }
0x70: {  	_ =	swait.ge [sflag:s7], $0x580  }
0x71: {  	[sflag:s7] =	ssyncset.done $0x0  }
0x72: {  	[sflag:s7] =	ssyncadd.s32 $0xFFFFFA80  }
0x73: {  	p1 =	por $0x0, $0x0;
	_ =	swait.ge [sflag:s13], $0x58  }
0x74: {  	s3 =	simm.s32 @p1 $0x318;
	s6 =	simm.s32 @p1 $0x8820;
	[sflag:s13] =	ssyncset.done $0x0  }
0x75: {  	s8 =	simm.s32 @p1 $0x8;
	s0 =	simm.s32 @p1 $0x58;
	[sflag:s13] =	ssyncadd.s32 $0xFFFFFFA8  }
0x76: {  	[spmem:s4] =	stream.indirect.scatter.add.f32 @p1 [tilespmem:s6], [sflag:$0x8], $0x10, s3, s0, $0xb8;
	[tilespmem:$0x1F5A0] =	vst v63  }
0x77: {  	_ =	swait.ge @p1 [sflag:s8], $0x580  }
0x78: {  	[sflag:s8] =	ssyncset.done @p1 $0x0  }
0x79: {  	s0 =	simm.s32 @p1 $0x3;
	[sflag:s8] =	ssyncadd.s32 @p1 $0xFFFFFA80  }
0x7a: {  	s11 =	simm.s32 @!p1 $0x2C0;
	_ =	swait.ge @p1 [sflag:s0], $0x58  }
0x7b: {  	s9 =	simm.s32 @!p1 $0x0;
	s3 =	sadd.s32 @!p1 $0x0, s14;
	[sflag:s0] =	ssyncset.done @p1 $0x0  }
0x7c: {  	s6 =	sadd.s32 @!p1 $0x9CEC, s3;
	s8 =	simm.s32 @!p1 $0x8820;
	[sflag:s0] =	ssyncadd.s32 @p1 $0xFFFFFFA8  }
0x7d: {  	[tilespmem:s11], [sflag:$0x1] =	stream.linear.gather @!p1 [hbm4b:s6+s9], $0x58, $0x38;
	[tilespmem:$0x1F5A0] =	vst v63  }
0x7e: {  	s0 =	simm.s32 @!p1 $0x58;
	s6 =	simm.s32 @!p1 $0x318;
	s11 =	simm.s32 @!p1 $0x8  }
0x7f: {  	[spmem:s4] =	stream.indirect.scatter.add.f32 @!p1 [tilespmem:s8], [sflag:$0x8], $0x10, s6, s0, $0xb8;
	[tilespmem:$0x1F5A0] =	vst v63  }
0x80: {  	_ =	swait.ge @!p1 [sflag:s11], $0x580  }
0x81: {  	[sflag:s11] =	ssyncset.done @!p1 $0x0  }
0x82: {  	s0 =	simm.s32 @!p1 $0x3;
	[sflag:s11] =	ssyncadd.s32 @!p1 $0xFFFFFA80  }
0x83: {  	_ =	swait.ge @!p1 [sflag:s0], $0x58  }
0x84: {  	[sflag:s0] =	ssyncset.done @!p1 $0x0  }
0x85: {  	s8 =	sadd.s32 @!p1 $0x9CF7, s3;
	[sflag:s0] =	ssyncadd.s32 @!p1 $0xFFFFFFA8  }
0x86: {  	[tilespmem:s6], [sflag:$0x2] =	stream.linear.gather @!p1 [hbm4b:s8+s9], $0x58, $0x38;
	[tilespmem:$0x1F5A0] =	vst v63  }
0x87: {  	s17 =	simm.s32 $0x370  }
0x88: {  	[spmem:s4] =	stream.indirect.scatter.add.f32 [tilespmem:s28], [sflag:$0x8], $0x10, s17, s12, $0xb8;
	[tilespmem:$0x1F5A0] =	vst v63  }
0x89: {  	_ =	swait.ge [sflag:s7], $0x580  }
0x8a: {  	[sflag:s7] =	ssyncset.done $0x0  }
0x8b: {  	[sflag:s7] =	ssyncadd.s32 $0xFFFFFA80  }
0x8c: {  	_ =	swait.ge [sflag:s15], $0x58  }
0x8d: {  	[sflag:s15] =	ssyncset.done $0x0  }
0x8e: {  	s0 =	sadd.s32 @!p1 $0x9D02, s3;
	s3 =	simm.s32 @!p1 $0x370;
	[sflag:s15] =	ssyncadd.s32 $0xFFFFFFA8  }
0x8f: {  	[tilespmem:s3], [sflag:$0x3] =	stream.linear.gather @!p1 [hbm4b:s0+s9], $0x58, $0x38;
	[tilespmem:$0x1F5A0] =	vst v63  }
0x90: {  	s9 =	simm.s32 $0x3C8  }
0x91: {  	[spmem:s4] =	stream.indirect.scatter.add.f32 [tilespmem:s28], [sflag:$0x8], $0x10, s9, s12, $0xb8;
	[tilespmem:$0x1F5A0] =	vst v63  }
0x92: {  	s6 =	simm.s32 $0x2C;
	_ =	swait.ge [sflag:s7], $0x580  }
.LBB2_12:
0x93: {  	[sflag:s7] =	ssyncset.done $0x0;
	s0 =	smov.u32 s6;
	s6 =	sadd.s32 $0x2C, s6  }
0x94: {  	p1 =	sne.s32 s6, $0x9CC;
	[sflag:s7] =	ssyncadd.s32 $0xFFFFFA80  }
0x95: {  	_ =	swait.ge [sflag:s10], $0x58  }
0x96: {  	s3 =	sadd.s32 s0, s14;
	[sflag:s10] =	ssyncset.done $0x0  }
0x97: {  	s3 =	sadd.s32 $0x9CE1, s3;
	[sflag:s10] =	ssyncadd.s32 $0xFFFFFFA8  }
0x98: {  	[tilespmem:s9], [sflag:$0x4] =	stream.linear.gather [hbm4b:s3+s5], $0x58, $0x38;
	[tilespmem:$0x1F5A0] =	vst v63  }
0x99: {  	_ = 	snop  }
0x9a: {  	[spmem:s4] =	stream.indirect.scatter.add.f32 [tilespmem:s28], [sflag:$0x8], $0x10, s30, s12, $0xb8;
	[tilespmem:$0x1F5A0] =	vst v63  }
0x9b: {  	_ =	swait.ge [sflag:s7], $0x580  }
0x9c: {  	[sflag:s7] =	ssyncset.done $0x0  }
0x9d: {  	[sflag:s7] =	ssyncadd.s32 $0xFFFFFA80  }
0x9e: {  	_ =	swait.ge [sflag:s13], $0x58  }
0x9f: {  	p2 =	seq.s32 s0, $0x9A0;
	[sflag:s13] =	ssyncset.done $0x0  }
0xa0: {  	s8 =	simm.s32 @p2 $0x318;
	s3 =	simm.s32 @p2 $0x58;
	[sflag:s13] =	ssyncadd.s32 $0xFFFFFFA8  }
0xa1: {  	s11 =	simm.s32 @p2 $0x8;
	s0 =	sadd.s32 @!p2 s0, s14;
	s9 =	simm.s32 @p2 $0x8820  }
0xa2: {  	[spmem:s4] =	stream.indirect.scatter.add.f32 @p2 [tilespmem:s9], [sflag:$0x8], $0x10, s8, s3, $0xb8;
	[tilespmem:$0x1F5A0] =	vst v63  }
0xa3: {  	s3 =	sadd.s32 @!p2 $0x9CEC, s0;
	s8 =	sadd.s32 @!p2 $0x9CF7, s0;
	_ =	swait.ge @p2 [sflag:s11], $0x580  }
0xa4: {  	s9 =	simm.s32 @p2 $0x3;
	s0 =	sadd.s32 @!p2 $0x9D02, s0;
	[sflag:s11] =	ssyncset.done @p2 $0x0  }
0xa5: {  	[sflag:s11] =	ssyncadd.s32 @p2 $0xFFFFFA80  }
0xa6: {  	s11 =	simm.s32 @!p2 $0x8820;
	_ =	swait.ge @p2 [sflag:s9], $0x58  }
0xa7: {  	s17 =	simm.s32 @!p2 $0x0;
	s28 =	simm.s32 @!p2 $0x2C0;
	[sflag:s9] =	ssyncset.done @p2 $0x0  }
0xa8: {  	s30 =	simm.s32 @!p2 $0x318;
	[sflag:s9] =	ssyncadd.s32 @p2 $0xFFFFFFA8;
	s9 =	simm.s32 @!p2 $0x58  }
0xa9: {  	[tilespmem:s28], [sflag:$0x1] =	stream.linear.gather @!p2 [hbm4b:s3+s17], $0x58, $0x38;
	[tilespmem:$0x1F5A0] =	vst v63  }
0xaa: {  	s28 =	simm.s32 $0x8820  }
0xab: {  	s3 =	simm.s32 @!p2 $0x8  }
0xac: {  	[spmem:s4] =	stream.indirect.scatter.add.f32 @!p2 [tilespmem:s11], [sflag:$0x8], $0x10, s30, s9, $0xb8;
	[tilespmem:$0x1F5A0] =	vst v63  }
0xad: {  	_ =	swait.ge @!p2 [sflag:s3], $0x580  }
0xae: {  	s9 =	simm.s32 @!p2 $0x3;
	[sflag:s3] =	ssyncset.done @!p2 $0x0  }
0xaf: {  	[sflag:s3] =	ssyncadd.s32 @!p2 $0xFFFFFA80  }
0xb0: {  	_ =	swait.ge @!p2 [sflag:s9], $0x58  }
0xb1: {  	[sflag:s9] =	ssyncset.done @!p2 $0x0  }
0xb2: {  	[sflag:s9] =	ssyncadd.s32 @!p2 $0xFFFFFFA8;
	s9 =	simm.s32 $0x3C8  }
0xb3: {  	[tilespmem:s30], [sflag:$0x2] =	stream.linear.gather @!p2 [hbm4b:s8+s17], $0x58, $0x38;
	[tilespmem:$0x1F5A0] =	vst v63  }
0xb4: {  	s8 =	simm.s32 $0x370;
	s30 =	simm.s32 $0x2C0;
	_ =	sdelay $0x1  }
0xb5: {  	[spmem:s4] =	stream.indirect.scatter.add.f32 [tilespmem:s28], [sflag:$0x8], $0x10, s8, s12, $0xb8;
	[tilespmem:$0x1F5A0] =	vst v63  }
0xb6: {  	_ =	swait.ge [sflag:s7], $0x580  }
0xb7: {  	[sflag:s7] =	ssyncset.done $0x0  }
0xb8: {  	[sflag:s7] =	ssyncadd.s32 $0xFFFFFA80  }
0xb9: {  	_ =	swait.ge [sflag:s15], $0x58  }
0xba: {  	s3 =	simm.s32 @!p2 $0x370;
	[sflag:s15] =	ssyncset.done $0x0  }
.Ltmp5:
0xbb: {  	[sflag:s15] =	ssyncadd.s32 $0xFFFFFFA8;
	(pc) =	sbr.rel @p1 .LBB2_12-.Ltmp5, $4  }
0xbc: {  	[tilespmem:s3], [sflag:$0x3] =	stream.linear.gather @!p2 [hbm4b:s0+s17], $0x58, $0x38;
	[tilespmem:$0x1F5A0] =	vst v63  }
0xbd: {  	_ = 	snop  }
0xbe: {  	[spmem:s4] =	stream.indirect.scatter.add.f32 [tilespmem:s28], [sflag:$0x8], $0x10, s9, s12, $0xb8;
	[tilespmem:$0x1F5A0] =	vst v63  }
0xbf: {  	_ =	swait.ge [sflag:s7], $0x580  }
.Ltmp6:
0xc0: {  	_ = 	snop;
	(pc) =	sbr.rel .LBB2_13-.Ltmp6, $1  }
0xc1: {  	_ =	sdelay $0x3  }
.LBB2_2:
0xc2: {  	s6 =	sshra.s32 s5, $0x2;
	s17 =	sadd.s32 $0x200, s5  }
.LBB2_3:
0xc3: {  	p1 =	sne.s32 s17, $0xAE00;
	[tilespmem:s6+$0x490] =	vst v0  }
0xc4: {  	[tilespmem:s6+$0x420] =	vst v0  }
0xc5: {  	[tilespmem:s6+$0x430] =	vst v0  }
.Ltmp7:
0xc6: {  	[tilespmem:s6+$0x440] =	vst v0;
	(pc) =	sbr.rel @p1 .LBB2_3-.Ltmp7, $4  }
0xc7: {  	[tilespmem:s6+$0x450] =	vst v0  }
0xc8: {  	[tilespmem:s6+$0x460] =	vst v0  }
0xc9: {  	[tilespmem:s6+$0x470] =	vst v0  }
0xca: {  	[tilespmem:s6+$0x480] =	vst v0;
	s6 =	sshra.s32 s17, $0x2;
	s17 =	sadd.s32 $0x200, s17  }
0xcb: {  	[tilespmem:s6+$0x490] =	vst v0  }
0xcc: {  	[tilespmem:s6+$0x420] =	vst v0  }
0xcd: {  	[tilespmem:s6+$0x430] =	vst v0  }
0xce: {  	[tilespmem:s6+$0x440] =	vst v0  }
0xcf: {  	[tilespmem:s6+$0x450] =	vst v0  }
0xd0: {  	[tilespmem:s6+$0x460] =	vst v0  }
0xd1: {  	[tilespmem:s6+$0x470] =	vst v0  }
0xd2: {  	[tilespmem:s6+$0x480] =	vst v0;
	s0 =	rddreg [dreg:$0x6]  }
0xd3: {  	[spmem:s0] =	stream.linear.scatter [tilespmem:s16], [sflag:$0x8], $0x2C00, $0x38;
	[tilespmem:$0x1F5A0] =	vst v63  }
0xd4: {  	_ =	swait.ge [sflag:s7], $0x2C00  }
0xd5: {  	[sflag:s7] =	ssyncset.done $0x0  }
0xd6: {  	s28 =	rddreg [dreg:$0x7];
	[sflag:s7] =	ssyncadd.s32 $0xFFFFD400  }
0xd7: {  	[spmem:s28] =	stream.linear.scatter [tilespmem:s16], [sflag:$0x8], $0x2C00, $0x38;
	[tilespmem:$0x1F5A0] =	vst v63  }
0xd8: {  	_ =	swait.ge [sflag:s7], $0x2C00  }
0xd9: {  	[sflag:s7] =	ssyncset.done $0x0  }
0xda: {  	s30 =	rddreg [dreg:$0x8];
	[sflag:s7] =	ssyncadd.s32 $0xFFFFD400  }
0xdb: {  	[spmem:s30] =	stream.linear.scatter [tilespmem:s16], [sflag:$0x8], $0x2C00, $0x38;
	[tilespmem:$0x1F5A0] =	vst v63  }
0xdc: {  	_ =	swait.ge [sflag:s7], $0x2C00  }
0xdd: {  	[sflag:s7] =	ssyncset.done $0x0  }
0xde: {  	s31 =	rddreg [dreg:$0x9];
	[sflag:s7] =	ssyncadd.s32 $0xFFFFD400  }
0xdf: {  	[spmem:s31] =	stream.linear.scatter [tilespmem:s16], [sflag:$0x8], $0x2C00, $0x38;
	[tilespmem:$0x1F5A0] =	vst v63  }
0xe0: {  	_ =	swait.ge [sflag:s7], $0x2C00  }
0xe1: {  	[sflag:s7] =	ssyncset.done $0x0  }
0xe2: {  	s4 =	rddreg [dreg:$0xa];
	[sflag:s7] =	ssyncadd.s32 $0xFFFFD400  }
0xe3: {  	[spmem:s4] =	stream.linear.scatter [tilespmem:s16], [sflag:$0x8], $0x2C00, $0x38;
	[tilespmem:$0x1F5A0] =	vst v63  }
0xe4: {  	_ =	swait.ge [sflag:s7], $0x2C00  }
0xe5: {  	[sflag:s7] =	ssyncset.done $0x0  }
0xe6: {  	s6 =	rddreg [dreg:$0xb];
	[sflag:s7] =	ssyncadd.s32 $0xFFFFD400  }
0xe7: {  	[spmem:s6] =	stream.linear.scatter [tilespmem:s16], [sflag:$0x8], $0x2C00, $0x38;
	[tilespmem:$0x1F5A0] =	vst v63  }
0xe8: {  	_ =	swait.ge [sflag:s7], $0x2C00  }
0xe9: {  	[sflag:s7] =	ssyncset.done $0x0  }
0xea: {  	s8 =	rddreg [dreg:$0xc];
	[sflag:s7] =	ssyncadd.s32 $0xFFFFD400  }
0xeb: {  	[spmem:s8] =	stream.linear.scatter [tilespmem:s16], [sflag:$0x8], $0x2C00, $0x38;
	[tilespmem:$0x1F5A0] =	vst v63  }
0xec: {  	_ =	swait.ge [sflag:s7], $0x2C00  }
0xed: {  	[sflag:s7] =	ssyncset.done $0x0  }
0xee: {  	s9 =	rddreg [dreg:$0xd];
	[sflag:s7] =	ssyncadd.s32 $0xFFFFD400  }
0xef: {  	[spmem:s9] =	stream.linear.scatter [tilespmem:s16], [sflag:$0x8], $0xC00, $0x38;
	[tilespmem:$0x1F5A0] =	vst v63  }
0xf0: {  	_ =	swait.ge [sflag:s7], $0xC00  }
0xf1: {  	[sflag:s7] =	ssyncset.done $0x0  }
0xf2: {  	[sflag:s7] =	ssyncadd.s32 $0xFFFFF400  }
0xf3: {  	s17 =	simm.s32 $0x0;
	[bflag:$0x0] =	sbarrier.arrive $0xFFFF  }
0xf4: {  	[tilespmem:s17], [sflag:$0x1] =	stream.strided.gather [hbm4b:s14+s12], $0xB0, s18, s12, $0x38;
	[tilespmem:$0x1F5A0] =	vst v63  }
0xf5: {  	s28 =	rddreg [dreg:$0xe]  }
0xf6: {  	[tilespmem:s19], [sflag:$0x2] =	stream.strided.gather [hbm4b:s28+s12], $0xB0, s18, s12, $0x38;
	[tilespmem:$0x1F5A0] =	vst v63  }
0xf7: {  	s30 =	rddreg [dreg:$0x1a]  }
0xf8: {  	[tilespmem:s20], [sflag:$0x3] =	stream.strided.gather [hbm4b:s30+s12], $0xB0, s18, s12, $0x38;
	[tilespmem:$0x1F5A0] =	vst v63  }
0xf9: {  	_ =	swait.ge [sflag:s10], $0xB0  }
0xfa: {  	[sflag:s10] =	ssyncset.done $0x0  }
0xfb: {  	[sflag:s10] =	ssyncadd.s32 $0xFFFFFF50  }
0xfc: {  	[tilespmem:s16], [sflag:$0x5] =	stream.indirect.gather [hbm4b:s1+s12], $0x80, s17, s12, $0xb8;
	[tilespmem:$0x1F5A0] =	vst v63  }
0xfd: {  	_ =	swait.ge [sflag:s13], $0xB0  }
0xfe: {  	[sflag:s13] =	ssyncset.done $0x0  }
0xff: {  	[sflag:s13] =	ssyncadd.s32 $0xFFFFFF50  }
0x100: {  	[tilespmem:s21], [sflag:$0x6] =	stream.indirect.gather [hbm4b:s1+s12], $0x80, s19, s12, $0xb8;
	[tilespmem:$0x1F5A0] =	vst v63  }
0x101: {  	_ =	swait.ge [sflag:s22], $0x2C00  }
0x102: {  	[sflag:s22] =	ssyncset.done $0x0  }
0x103: {  	[sflag:s22] =	ssyncadd.s32 $0xFFFFD400  }
0x104: {  	_ =	swait.ge [sflag:s23], $0xB0  }
0x105: {  	[sflag:s23] =	ssyncset.done $0x0  }
0x106: {  	s6 =	sadd.s32 $0x0, s14;
	[sflag:s23] =	ssyncadd.s32 $0xFFFFFF50  }
0x107: {  	[tilespmem:s24], [sflag:$0x7] =	stream.indirect.gather [hbm4b:s1+s12], $0x80, s20, s12, $0xb8;
	[tilespmem:$0x1F5A0] =	vst v63  }
0x108: {  	s17 =	sadd.s32 $0x21, s6  }
0x109: {  	[tilespmem:s25], [sflag:$0x4] =	stream.strided.gather [hbm4b:s17+s12], $0xB0, s18, s12, $0x38;
	[tilespmem:$0x1F5A0] =	vst v63  }
0x10a: {  	_ = 	snop  }
0x10b: {  	[spmem:s2] =	stream.indirect.scatter.add.f32 [tilespmem:s16], [sflag:$0x8], $0x80, s12, s12, $0xb8;
	[tilespmem:$0x1F5A0] =	vst v63  }
0x10c: {  	_ =	swait.ge [sflag:s7], $0x2C00  }
0x10d: {  	[sflag:s7] =	ssyncset.done $0x0  }
0x10e: {  	[sflag:s7] =	ssyncadd.s32 $0xFFFFD400  }
0x10f: {  	_ =	swait.ge [sflag:s26], $0x2C00  }
0x110: {  	[sflag:s26] =	ssyncset.done $0x0  }
0x111: {  	[sflag:s26] =	ssyncadd.s32 $0xFFFFD400  }
0x112: {  	_ =	swait.ge [sflag:s15], $0xB0  }
0x113: {  	[sflag:s15] =	ssyncset.done $0x0  }
0x114: {  	[sflag:s15] =	ssyncadd.s32 $0xFFFFFF50  }
0x115: {  	[tilespmem:s16], [sflag:$0x5] =	stream.indirect.gather [hbm4b:s1+s12], $0x80, s25, s12, $0xb8;
	[tilespmem:$0x1F5A0] =	vst v63  }
0x116: {  	s31 =	sadd.s32 $0x2C, s6  }
0x117: {  	[tilespmem:s5], [sflag:$0x1] =	stream.strided.gather [hbm4b:s31+s12], $0xB0, s18, s12, $0x38;
	[tilespmem:$0x1F5A0] =	vst v63  }
0x118: {  	_ = 	snop  }
0x119: {  	[spmem:s2] =	stream.indirect.scatter.add.f32 [tilespmem:s21], [sflag:$0x8], $0x80, s11, s12, $0xb8;
	[tilespmem:$0x1F5A0] =	vst v63  }
0x11a: {  	_ =	swait.ge [sflag:s7], $0x2C00  }
0x11b: {  	[sflag:s7] =	ssyncset.done $0x0  }
0x11c: {  	[sflag:s7] =	ssyncadd.s32 $0xFFFFD400  }
0x11d: {  	_ =	swait.ge [sflag:s29], $0x2C00  }
0x11e: {  	[sflag:s29] =	ssyncset.done $0x0  }
0x11f: {  	[sflag:s29] =	ssyncadd.s32 $0xFFFFD400  }
0x120: {  	_ =	swait.ge [sflag:s10], $0xB0  }
0x121: {  	[sflag:s10] =	ssyncset.done $0x0  }
0x122: {  	[sflag:s10] =	ssyncadd.s32 $0xFFFFFF50  }
0x123: {  	[tilespmem:s21], [sflag:$0x6] =	stream.indirect.gather [hbm4b:s1+s12], $0x80, s5, s12, $0xb8;
	[tilespmem:$0x1F5A0] =	vst v63  }
0x124: {  	s0 =	sadd.s32 $0x37, s6  }
0x125: {  	[tilespmem:s19], [sflag:$0x2] =	stream.strided.gather [hbm4b:s0+s12], $0xB0, s18, s12, $0x38;
	[tilespmem:$0x1F5A0] =	vst v63  }
0x126: {  	_ = 	snop  }
0x127: {  	[spmem:s2] =	stream.indirect.scatter.add.f32 [tilespmem:s24], [sflag:$0x8], $0x80, s3, s12, $0xb8;
	[tilespmem:$0x1F5A0] =	vst v63  }
0x128: {  	_ =	swait.ge [sflag:s7], $0x2C00  }
0x129: {  	[sflag:s7] =	ssyncset.done $0x0  }
0x12a: {  	[sflag:s7] =	ssyncadd.s32 $0xFFFFD400  }
0x12b: {  	_ =	swait.ge [sflag:s22], $0x2C00  }
0x12c: {  	[sflag:s22] =	ssyncset.done $0x0  }
0x12d: {  	[sflag:s22] =	ssyncadd.s32 $0xFFFFD400  }
0x12e: {  	_ =	swait.ge [sflag:s13], $0xB0  }
0x12f: {  	[sflag:s13] =	ssyncset.done $0x0  }
0x130: {  	[sflag:s13] =	ssyncadd.s32 $0xFFFFFF50  }
0x131: {  	[tilespmem:s24], [sflag:$0x7] =	stream.indirect.gather [hbm4b:s1+s12], $0x80, s19, s12, $0xb8;
	[tilespmem:$0x1F5A0] =	vst v63  }
0x132: {  	s4 =	sadd.s32 $0x42, s6  }
0x133: {  	[tilespmem:s20], [sflag:$0x3] =	stream.strided.gather [hbm4b:s4+s12], $0xB0, s18, s12, $0x38;
	[tilespmem:$0x1F5A0] =	vst v63  }
0x134: {  	s9 =	simm.s32 $0x268  }
0x135: {  	[spmem:s2] =	stream.indirect.scatter.add.f32 [tilespmem:s16], [sflag:$0x8], $0x80, s9, s12, $0xb8;
	[tilespmem:$0x1F5A0] =	vst v63  }
0x136: {  	_ =	swait.ge [sflag:s7], $0x2C00  }
0x137: {  	[sflag:s7] =	ssyncset.done $0x0  }
0x138: {  	[sflag:s7] =	ssyncadd.s32 $0xFFFFD400  }
0x139: {  	_ =	swait.ge [sflag:s26], $0x2C00  }
0x13a: {  	[sflag:s26] =	ssyncset.done $0x0  }
0x13b: {  	[sflag:s26] =	ssyncadd.s32 $0xFFFFD400  }
0x13c: {  	_ =	swait.ge [sflag:s23], $0xB0  }
0x13d: {  	[sflag:s23] =	ssyncset.done $0x0  }
0x13e: {  	[sflag:s23] =	ssyncadd.s32 $0xFFFFFF50  }
0x13f: {  	[tilespmem:s16], [sflag:$0x5] =	stream.indirect.gather [hbm4b:s1+s12], $0x80, s20, s12, $0xb8;
	[tilespmem:$0x1F5A0] =	vst v63  }
0x140: {  	s8 =	sadd.s32 $0x4D, s6  }
0x141: {  	[tilespmem:s25], [sflag:$0x4] =	stream.strided.gather [hbm4b:s8+s12], $0xB0, s18, s12, $0x38;
	[tilespmem:$0x1F5A0] =	vst v63  }
0x142: {  	_ = 	snop  }
0x143: {  	[spmem:s2] =	stream.indirect.scatter.add.f32 [tilespmem:s21], [sflag:$0x8], $0x80, s12, s12, $0xb8;
	[tilespmem:$0x1F5A0] =	vst v63  }
0x144: {  	_ =	swait.ge [sflag:s7], $0x2C00  }
0x145: {  	[sflag:s7] =	ssyncset.done $0x0  }
0x146: {  	[sflag:s7] =	ssyncadd.s32 $0xFFFFD400  }
0x147: {  	_ =	swait.ge [sflag:s29], $0x2C00  }
0x148: {  	[sflag:s29] =	ssyncset.done $0x0  }
0x149: {  	[sflag:s29] =	ssyncadd.s32 $0xFFFFD400  }
0x14a: {  	_ =	swait.ge [sflag:s15], $0xB0  }
0x14b: {  	[sflag:s15] =	ssyncset.done $0x0  }
0x14c: {  	[sflag:s15] =	ssyncadd.s32 $0xFFFFFF50  }
0x14d: {  	[tilespmem:s21], [sflag:$0x6] =	stream.indirect.gather [hbm4b:s1+s12], $0x80, s25, s12, $0xb8;
	[tilespmem:$0x1F5A0] =	vst v63  }
0x14e: {  	s28 =	sadd.s32 $0x58, s6  }
0x14f: {  	[tilespmem:s5], [sflag:$0x1] =	stream.strided.gather [hbm4b:s28+s12], $0xB0, s18, s12, $0x38;
	[tilespmem:$0x1F5A0] =	vst v63  }
0x150: {  	_ = 	snop  }
0x151: {  	[spmem:s2] =	stream.indirect.scatter.add.f32 [tilespmem:s24], [sflag:$0x8], $0x80, s11, s12, $0xb8;
	[tilespmem:$0x1F5A0] =	vst v63  }
0x152: {  	_ =	swait.ge [sflag:s7], $0x2C00  }
0x153: {  	[sflag:s7] =	ssyncset.done $0x0  }
0x154: {  	[sflag:s7] =	ssyncadd.s32 $0xFFFFD400  }
0x155: {  	_ =	swait.ge [sflag:s22], $0x2C00  }
0x156: {  	[sflag:s22] =	ssyncset.done $0x0  }
0x157: {  	[sflag:s22] =	ssyncadd.s32 $0xFFFFD400  }
0x158: {  	_ =	swait.ge [sflag:s10], $0xB0  }
0x159: {  	[sflag:s10] =	ssyncset.done $0x0  }
0x15a: {  	[sflag:s10] =	ssyncadd.s32 $0xFFFFFF50  }
0x15b: {  	[tilespmem:s24], [sflag:$0x7] =	stream.indirect.gather [hbm4b:s1+s12], $0x80, s5, s12, $0xb8;
	[tilespmem:$0x1F5A0] =	vst v63  }
0x15c: {  	s30 =	sadd.s32 $0x63, s6  }
0x15d: {  	[tilespmem:s19], [sflag:$0x2] =	stream.strided.gather [hbm4b:s30+s12], $0xB0, s18, s12, $0x38;
	[tilespmem:$0x1F5A0] =	vst v63  }
0x15e: {  	_ = 	snop  }
0x15f: {  	[spmem:s2] =	stream.indirect.scatter.add.f32 [tilespmem:s16], [sflag:$0x8], $0x80, s3, s12, $0xb8;
	[tilespmem:$0x1F5A0] =	vst v63  }
0x160: {  	_ =	swait.ge [sflag:s7], $0x2C00  }
0x161: {  	[sflag:s7] =	ssyncset.done $0x0  }
0x162: {  	[sflag:s7] =	ssyncadd.s32 $0xFFFFD400  }
0x163: {  	_ =	swait.ge [sflag:s26], $0x2C00  }
0x164: {  	[sflag:s26] =	ssyncset.done $0x0  }
0x165: {  	[sflag:s26] =	ssyncadd.s32 $0xFFFFD400  }
0x166: {  	_ =	swait.ge [sflag:s13], $0xB0  }
0x167: {  	[sflag:s13] =	ssyncset.done $0x0  }
0x168: {  	[sflag:s13] =	ssyncadd.s32 $0xFFFFFF50  }
0x169: {  	[tilespmem:s16], [sflag:$0x5] =	stream.indirect.gather [hbm4b:s1+s12], $0x80, s19, s12, $0xb8;
	[tilespmem:$0x1F5A0] =	vst v63  }
0x16a: {  	s31 =	sadd.s32 $0x6E, s6  }
0x16b: {  	[tilespmem:s20], [sflag:$0x3] =	stream.strided.gather [hbm4b:s31+s12], $0xB0, s18, s12, $0x38;
	[tilespmem:$0x1F5A0] =	vst v63  }
0x16c: {  	_ = 	snop  }
0x16d: {  	[spmem:s2] =	stream.indirect.scatter.add.f32 [tilespmem:s21], [sflag:$0x8], $0x80, s9, s12, $0xb8;
	[tilespmem:$0x1F5A0] =	vst v63  }
0x16e: {  	_ =	swait.ge [sflag:s7], $0x2C00  }
0x16f: {  	[sflag:s7] =	ssyncset.done $0x0  }
0x170: {  	[sflag:s7] =	ssyncadd.s32 $0xFFFFD400  }
0x171: {  	_ =	swait.ge [sflag:s29], $0x2C00  }
0x172: {  	[sflag:s29] =	ssyncset.done $0x0  }
0x173: {  	[sflag:s29] =	ssyncadd.s32 $0xFFFFD400  }
0x174: {  	_ =	swait.ge [sflag:s23], $0xB0  }
0x175: {  	[sflag:s23] =	ssyncset.done $0x0  }
0x176: {  	[sflag:s23] =	ssyncadd.s32 $0xFFFFFF50  }
0x177: {  	[tilespmem:s21], [sflag:$0x6] =	stream.indirect.gather [hbm4b:s1+s12], $0x80, s20, s12, $0xb8;
	[tilespmem:$0x1F5A0] =	vst v63  }
0x178: {  	s6 =	sadd.s32 $0x79, s6  }
0x179: {  	[tilespmem:s25], [sflag:$0x4] =	stream.strided.gather [hbm4b:s6+s12], $0xB0, s18, s12, $0x38;
	[tilespmem:$0x1F5A0] =	vst v63  }
0x17a: {  	_ = 	snop  }
0x17b: {  	[spmem:s2] =	stream.indirect.scatter.add.f32 [tilespmem:s24], [sflag:$0x8], $0x80, s12, s12, $0xb8;
	[tilespmem:$0x1F5A0] =	vst v63  }
0x17c: {  	_ =	swait.ge [sflag:s7], $0x2C00  }
0x17d: {  	[sflag:s7] =	ssyncset.done $0x0  }
0x17e: {  	[sflag:s7] =	ssyncadd.s32 $0xFFFFD400  }
0x17f: {  	_ =	swait.ge [sflag:s22], $0x2C00  }
0x180: {  	[sflag:s22] =	ssyncset.done $0x0  }
0x181: {  	[sflag:s22] =	ssyncadd.s32 $0xFFFFD400  }
0x182: {  	_ =	swait.ge [sflag:s15], $0xB0  }
0x183: {  	p1 =	por $0x1, $0x1;
	[sflag:s15] =	ssyncset.done $0x0  }
0x184: {  	s0 =	sadd.s32 @p1 $0x0, s14;
	s4 =	simm.s32 @p1 $0x0;
	[sflag:s15] =	ssyncadd.s32 $0xFFFFFF50  }
0x185: {  	[tilespmem:s24], [sflag:$0x7] =	stream.indirect.gather [hbm4b:s1+s12], $0x80, s25, s12, $0xb8;
	[tilespmem:$0x1F5A0] =	vst v63  }
0x186: {  	s3 =	simm.s32 @p1 $0x4E600;
	s31 =	simm.s32 @p1 $0x58;
	s6 =	sadd.s32 @p1 $0x84, s0  }
0x187: {  	[tilespmem:s4], [sflag:$0x1] =	stream.strided.gather @p1 [hbm4b:s6+s31], $0xB0, s3, s31, $0x38;
	[tilespmem:$0x1F5A0] =	vst v63  }
0x188: {  	s17 =	simm.s32 @p1 $0x108;
	s8 =	simm.s32 @p1 $0x420;
	s6 =	simm.s32 @p1 $0x8  }
0x189: {  	[spmem:s2] =	stream.indirect.scatter.add.f32 @p1 [tilespmem:s8], [sflag:$0x8], $0x80, s17, s31, $0xb8;
	[tilespmem:$0x1F5A0] =	vst v63  }
0x18a: {  	_ =	swait.ge @p1 [sflag:s6], $0x2C00  }
0x18b: {  	[sflag:s6] =	ssyncset.done @p1 $0x0  }
0x18c: {  	s17 =	simm.s32 @p1 $0x6;
	[sflag:s6] =	ssyncadd.s32 @p1 $0xFFFFD400  }
0x18d: {  	_ =	swait.ge @p1 [sflag:s17], $0x2C00  }
0x18e: {  	[sflag:s17] =	ssyncset.done @p1 $0x0  }
0x18f: {  	[sflag:s17] =	ssyncadd.s32 @p1 $0xFFFFD400;
	s17 =	simm.s32 @p1 $0x1  }
0x190: {  	_ =	swait.ge @p1 [sflag:s17], $0xB0  }
0x191: {  	[sflag:s17] =	ssyncset.done @p1 $0x0  }
0x192: {  	[sflag:s17] =	ssyncadd.s32 @p1 $0xFFFFFF50  }
0x193: {  	[tilespmem:s8], [sflag:$0x5] =	stream.indirect.gather @p1 [hbm4b:s1+s31], $0x80, s4, s31, $0xb8;
	[tilespmem:$0x1F5A0] =	vst v63  }
0x194: {  	s17 =	sadd.s32 @p1 $0x8F, s0;
	s4 =	simm.s32 @p1 $0xB0  }
0x195: {  	[tilespmem:s4], [sflag:$0x2] =	stream.strided.gather @p1 [hbm4b:s17+s31], $0xB0, s3, s31, $0x38;
	[tilespmem:$0x1F5A0] =	vst v63  }
0x196: {  	s8 =	simm.s32 @p1 $0x1B8;
	s17 =	simm.s32 @p1 $0x3020  }
0x197: {  	[spmem:s2] =	stream.indirect.scatter.add.f32 @p1 [tilespmem:s17], [sflag:$0x8], $0x80, s8, s31, $0xb8;
	[tilespmem:$0x1F5A0] =	vst v63  }
0x198: {  	_ =	swait.ge @p1 [sflag:s6], $0x2C00  }
0x199: {  	[sflag:s6] =	ssyncset.done @p1 $0x0  }
0x19a: {  	[sflag:s6] =	ssyncadd.s32 @p1 $0xFFFFD400;
	s6 =	simm.s32 @p1 $0x7  }
0x19b: {  	_ =	swait.ge @p1 [sflag:s6], $0x2C00  }
0x19c: {  	[sflag:s6] =	ssyncset.done @p1 $0x0  }
0x19d: {  	[sflag:s6] =	ssyncadd.s32 @p1 $0xFFFFD400;
	s6 =	simm.s32 @p1 $0x2  }
0x19e: {  	_ =	swait.ge @p1 [sflag:s6], $0xB0  }
0x19f: {  	[sflag:s6] =	ssyncset.done @p1 $0x0  }
0x1a0: {  	[sflag:s6] =	ssyncadd.s32 @p1 $0xFFFFFF50  }
0x1a1: {  	[tilespmem:s17], [sflag:$0x6] =	stream.indirect.gather @p1 [hbm4b:s1+s31], $0x80, s4, s31, $0xb8;
	[tilespmem:$0x1F5A0] =	vst v63  }
0x1a2: {  	s6 =	sadd.s32 @p1 $0x9A, s0;
	s0 =	simm.s32 @!p1 $0x108;
	s17 =	simm.s32 @p1 $0x160  }
0x1a3: {  	[tilespmem:s17], [sflag:$0x3] =	stream.strided.gather @p1 [hbm4b:s6+s31], $0xB0, s3, s31, $0x38;
	[tilespmem:$0x1F5A0] =	vst v63  }
0x1a4: {  	s17 =	simm.s32 @!p1 $0x58;
	s31 =	simm.s32 @!p1 $0x420;
	s6 =	simm.s32 @!p1 $0x8  }
0x1a5: {  	[spmem:s2] =	stream.indirect.scatter.add.f32 @!p1 [tilespmem:s31], [sflag:$0x8], $0x80, s0, s17, $0xb8;
	[tilespmem:$0x1F5A0] =	vst v63  }
0x1a6: {  	_ =	swait.ge @!p1 [sflag:s6], $0x2C00  }
0x1a7: {  	[sflag:s6] =	ssyncset.done @!p1 $0x0  }
0x1a8: {  	s31 =	simm.s32 @!p1 $0x6;
	[sflag:s6] =	ssyncadd.s32 @!p1 $0xFFFFD400  }
0x1a9: {  	_ =	swait.ge @!p1 [sflag:s31], $0x2C00  }
0x1aa: {  	[sflag:s31] =	ssyncset.done @!p1 $0x0  }
0x1ab: {  	s0 =	simm.s32 @!p1 $0x1B8;
	[sflag:s31] =	ssyncadd.s32 @!p1 $0xFFFFD400;
	s31 =	simm.s32 @!p1 $0x3020  }
0x1ac: {  	[spmem:s2] =	stream.indirect.scatter.add.f32 @!p1 [tilespmem:s31], [sflag:$0x8], $0x80, s0, s17, $0xb8;
	[tilespmem:$0x1F5A0] =	vst v63  }
0x1ad: {  	_ =	swait.ge @!p1 [sflag:s6], $0x2C00  }
0x1ae: {  	[sflag:s6] =	ssyncset.done @!p1 $0x0  }
0x1af: {  	[sflag:s6] =	ssyncadd.s32 @!p1 $0xFFFFD400;
	s6 =	simm.s32 @!p1 $0x7  }
0x1b0: {  	_ =	swait.ge @!p1 [sflag:s6], $0x2C00  }
0x1b1: {  	s19 =	simm.s32 $0x1B8;
	[sflag:s6] =	ssyncset.done @!p1 $0x0  }
0x1b2: {  	s4 =	simm.s32 $0xB0;
	s17 =	simm.s32 $0x84;
	[sflag:s6] =	ssyncadd.s32 @!p1 $0xFFFFD400  }
0x1b3: {  	[spmem:s2] =	stream.indirect.scatter.add.f32 [tilespmem:s24], [sflag:$0x8], $0x80, s9, s12, $0xb8;
	[tilespmem:$0x1F5A0] =	vst v63  }
.LBB2_5:
0x1b4: {  	_ =	swait.ge [sflag:s7], $0x2C00;
	s31 =	smov.u32 s17;
	s17 =	sadd.s32 $0x84, s17  }
0x1b5: {  	p1 =	sne.s32 s17, $0x9CC;
	[sflag:s7] =	ssyncset.done $0x0  }
0x1b6: {  	[sflag:s7] =	ssyncadd.s32 $0xFFFFD400  }
0x1b7: {  	_ =	swait.ge [sflag:s22], $0x2C00  }
0x1b8: {  	[sflag:s22] =	ssyncset.done $0x0  }
0x1b9: {  	[sflag:s22] =	ssyncadd.s32 $0xFFFFD400  }
0x1ba: {  	s6 =	sadd.s32 s31, s14;
	_ =	swait.ge [sflag:s23], $0xB0  }
0x1bb: {  	[sflag:s23] =	ssyncset.done $0x0  }
0x1bc: {  	[sflag:s23] =	ssyncadd.s32 $0xFFFFFF50  }
0x1bd: {  	[tilespmem:s24], [sflag:$0x7] =	stream.indirect.gather [hbm4b:s1+s12], $0x80, s20, s12, $0xb8;
	[tilespmem:$0x1F5A0] =	vst v63  }
0x1be: {  	s8 =	sadd.s32 $0x21, s6  }
0x1bf: {  	[tilespmem:s25], [sflag:$0x4] =	stream.strided.gather [hbm4b:s8+s12], $0xB0, s18, s12, $0x38;
	[tilespmem:$0x1F5A0] =	vst v63  }
0x1c0: {  	_ = 	snop  }
0x1c1: {  	[spmem:s2] =	stream.indirect.scatter.add.f32 [tilespmem:s16], [sflag:$0x8], $0x80, s12, s12, $0xb8;
	[tilespmem:$0x1F5A0] =	vst v63  }
0x1c2: {  	_ =	swait.ge [sflag:s7], $0x2C00  }
0x1c3: {  	[sflag:s7] =	ssyncset.done $0x0  }
0x1c4: {  	[sflag:s7] =	ssyncadd.s32 $0xFFFFD400  }
0x1c5: {  	_ =	swait.ge [sflag:s26], $0x2C00  }
0x1c6: {  	[sflag:s26] =	ssyncset.done $0x0  }
0x1c7: {  	[sflag:s26] =	ssyncadd.s32 $0xFFFFD400  }
0x1c8: {  	_ =	swait.ge [sflag:s15], $0xB0  }
0x1c9: {  	[sflag:s15] =	ssyncset.done $0x0  }
0x1ca: {  	[sflag:s15] =	ssyncadd.s32 $0xFFFFFF50  }
0x1cb: {  	[tilespmem:s16], [sflag:$0x5] =	stream.indirect.gather [hbm4b:s1+s12], $0x80, s25, s12, $0xb8;
	[tilespmem:$0x1F5A0] =	vst v63  }
0x1cc: {  	s8 =	sadd.s32 $0x2C, s6  }
0x1cd: {  	[tilespmem:s5], [sflag:$0x1] =	stream.strided.gather [hbm4b:s8+s12], $0xB0, s18, s12, $0x38;
	[tilespmem:$0x1F5A0] =	vst v63  }
0x1ce: {  	_ = 	snop  }
0x1cf: {  	[spmem:s2] =	stream.indirect.scatter.add.f32 [tilespmem:s21], [sflag:$0x8], $0x80, s11, s12, $0xb8;
	[tilespmem:$0x1F5A0] =	vst v63  }
0x1d0: {  	_ =	swait.ge [sflag:s7], $0x2C00  }
0x1d1: {  	[sflag:s7] =	ssyncset.done $0x0  }
0x1d2: {  	[sflag:s7] =	ssyncadd.s32 $0xFFFFD400  }
0x1d3: {  	_ =	swait.ge [sflag:s29], $0x2C00  }
0x1d4: {  	[sflag:s29] =	ssyncset.done $0x0  }
0x1d5: {  	[sflag:s29] =	ssyncadd.s32 $0xFFFFD400  }
0x1d6: {  	_ =	swait.ge [sflag:s10], $0xB0  }
0x1d7: {  	[sflag:s10] =	ssyncset.done $0x0  }
0x1d8: {  	[sflag:s10] =	ssyncadd.s32 $0xFFFFFF50  }
0x1d9: {  	[tilespmem:s21], [sflag:$0x6] =	stream.indirect.gather [hbm4b:s1+s12], $0x80, s5, s12, $0xb8;
	[tilespmem:$0x1F5A0] =	vst v63  }
0x1da: {  	s8 =	sadd.s32 $0x37, s6  }
0x1db: {  	[tilespmem:s4], [sflag:$0x2] =	stream.strided.gather [hbm4b:s8+s12], $0xB0, s18, s12, $0x38;
	[tilespmem:$0x1F5A0] =	vst v63  }
0x1dc: {  	_ = 	snop  }
0x1dd: {  	[spmem:s2] =	stream.indirect.scatter.add.f32 [tilespmem:s24], [sflag:$0x8], $0x80, s19, s12, $0xb8;
	[tilespmem:$0x1F5A0] =	vst v63  }
0x1de: {  	_ =	swait.ge [sflag:s7], $0x2C00  }
0x1df: {  	[sflag:s7] =	ssyncset.done $0x0  }
0x1e0: {  	[sflag:s7] =	ssyncadd.s32 $0xFFFFD400  }
0x1e1: {  	_ =	swait.ge [sflag:s22], $0x2C00  }
0x1e2: {  	[sflag:s22] =	ssyncset.done $0x0  }
0x1e3: {  	[sflag:s22] =	ssyncadd.s32 $0xFFFFD400  }
0x1e4: {  	_ =	swait.ge [sflag:s13], $0xB0  }
0x1e5: {  	[sflag:s13] =	ssyncset.done $0x0  }
0x1e6: {  	[sflag:s13] =	ssyncadd.s32 $0xFFFFFF50  }
0x1e7: {  	[tilespmem:s24], [sflag:$0x7] =	stream.indirect.gather [hbm4b:s1+s12], $0x80, s4, s12, $0xb8;
	[tilespmem:$0x1F5A0] =	vst v63  }
0x1e8: {  	s8 =	sadd.s32 $0x42, s6  }
0x1e9: {  	[tilespmem:s20], [sflag:$0x3] =	stream.strided.gather [hbm4b:s8+s12], $0xB0, s18, s12, $0x38;
	[tilespmem:$0x1F5A0] =	vst v63  }
0x1ea: {  	_ = 	snop  }
0x1eb: {  	[spmem:s2] =	stream.indirect.scatter.add.f32 [tilespmem:s16], [sflag:$0x8], $0x80, s9, s12, $0xb8;
	[tilespmem:$0x1F5A0] =	vst v63  }
0x1ec: {  	_ =	swait.ge [sflag:s7], $0x2C00  }
0x1ed: {  	[sflag:s7] =	ssyncset.done $0x0  }
0x1ee: {  	[sflag:s7] =	ssyncadd.s32 $0xFFFFD400  }
0x1ef: {  	_ =	swait.ge [sflag:s26], $0x2C00  }
0x1f0: {  	[sflag:s26] =	ssyncset.done $0x0  }
0x1f1: {  	[sflag:s26] =	ssyncadd.s32 $0xFFFFD400  }
0x1f2: {  	_ =	swait.ge [sflag:s23], $0xB0  }
0x1f3: {  	[sflag:s23] =	ssyncset.done $0x0  }
0x1f4: {  	[sflag:s23] =	ssyncadd.s32 $0xFFFFFF50  }
0x1f5: {  	[tilespmem:s16], [sflag:$0x5] =	stream.indirect.gather [hbm4b:s1+s12], $0x80, s20, s12, $0xb8;
	[tilespmem:$0x1F5A0] =	vst v63  }
0x1f6: {  	s8 =	sadd.s32 $0x4D, s6  }
0x1f7: {  	[tilespmem:s25], [sflag:$0x4] =	stream.strided.gather [hbm4b:s8+s12], $0xB0, s18, s12, $0x38;
	[tilespmem:$0x1F5A0] =	vst v63  }
0x1f8: {  	_ = 	snop  }
0x1f9: {  	[spmem:s2] =	stream.indirect.scatter.add.f32 [tilespmem:s21], [sflag:$0x8], $0x80, s12, s12, $0xb8;
	[tilespmem:$0x1F5A0] =	vst v63  }
0x1fa: {  	_ =	swait.ge [sflag:s7], $0x2C00  }
0x1fb: {  	[sflag:s7] =	ssyncset.done $0x0  }
0x1fc: {  	[sflag:s7] =	ssyncadd.s32 $0xFFFFD400  }
0x1fd: {  	_ =	swait.ge [sflag:s29], $0x2C00  }
0x1fe: {  	[sflag:s29] =	ssyncset.done $0x0  }
0x1ff: {  	[sflag:s29] =	ssyncadd.s32 $0xFFFFD400  }
0x200: {  	_ =	swait.ge [sflag:s15], $0xB0  }
0x201: {  	[sflag:s15] =	ssyncset.done $0x0  }
0x202: {  	[sflag:s15] =	ssyncadd.s32 $0xFFFFFF50  }
0x203: {  	[tilespmem:s21], [sflag:$0x6] =	stream.indirect.gather [hbm4b:s1+s12], $0x80, s25, s12, $0xb8;
	[tilespmem:$0x1F5A0] =	vst v63  }
0x204: {  	s8 =	sadd.s32 $0x58, s6  }
0x205: {  	[tilespmem:s5], [sflag:$0x1] =	stream.strided.gather [hbm4b:s8+s12], $0xB0, s18, s12, $0x38;
	[tilespmem:$0x1F5A0] =	vst v63  }
0x206: {  	_ = 	snop  }
0x207: {  	[spmem:s2] =	stream.indirect.scatter.add.f32 [tilespmem:s24], [sflag:$0x8], $0x80, s11, s12, $0xb8;
	[tilespmem:$0x1F5A0] =	vst v63  }
0x208: {  	_ =	swait.ge [sflag:s7], $0x2C00  }
0x209: {  	[sflag:s7] =	ssyncset.done $0x0  }
0x20a: {  	[sflag:s7] =	ssyncadd.s32 $0xFFFFD400  }
0x20b: {  	_ =	swait.ge [sflag:s22], $0x2C00  }
0x20c: {  	[sflag:s22] =	ssyncset.done $0x0  }
0x20d: {  	[sflag:s22] =	ssyncadd.s32 $0xFFFFD400  }
0x20e: {  	_ =	swait.ge [sflag:s10], $0xB0  }
0x20f: {  	[sflag:s10] =	ssyncset.done $0x0  }
0x210: {  	[sflag:s10] =	ssyncadd.s32 $0xFFFFFF50  }
0x211: {  	[tilespmem:s24], [sflag:$0x7] =	stream.indirect.gather [hbm4b:s1+s12], $0x80, s5, s12, $0xb8;
	[tilespmem:$0x1F5A0] =	vst v63  }
0x212: {  	s8 =	sadd.s32 $0x63, s6  }
0x213: {  	[tilespmem:s4], [sflag:$0x2] =	stream.strided.gather [hbm4b:s8+s12], $0xB0, s18, s12, $0x38;
	[tilespmem:$0x1F5A0] =	vst v63  }
0x214: {  	_ = 	snop  }
0x215: {  	[spmem:s2] =	stream.indirect.scatter.add.f32 [tilespmem:s16], [sflag:$0x8], $0x80, s19, s12, $0xb8;
	[tilespmem:$0x1F5A0] =	vst v63  }
0x216: {  	_ =	swait.ge [sflag:s7], $0x2C00  }
0x217: {  	[sflag:s7] =	ssyncset.done $0x0  }
0x218: {  	[sflag:s7] =	ssyncadd.s32 $0xFFFFD400  }
0x219: {  	_ =	swait.ge [sflag:s26], $0x2C00  }
0x21a: {  	[sflag:s26] =	ssyncset.done $0x0  }
0x21b: {  	[sflag:s26] =	ssyncadd.s32 $0xFFFFD400  }
0x21c: {  	_ =	swait.ge [sflag:s13], $0xB0  }
0x21d: {  	[sflag:s13] =	ssyncset.done $0x0  }
0x21e: {  	[sflag:s13] =	ssyncadd.s32 $0xFFFFFF50  }
0x21f: {  	[tilespmem:s16], [sflag:$0x5] =	stream.indirect.gather [hbm4b:s1+s12], $0x80, s4, s12, $0xb8;
	[tilespmem:$0x1F5A0] =	vst v63  }
0x220: {  	s8 =	sadd.s32 $0x6E, s6  }
0x221: {  	[tilespmem:s20], [sflag:$0x3] =	stream.strided.gather [hbm4b:s8+s12], $0xB0, s18, s12, $0x38;
	[tilespmem:$0x1F5A0] =	vst v63  }
0x222: {  	_ = 	snop  }
0x223: {  	[spmem:s2] =	stream.indirect.scatter.add.f32 [tilespmem:s21], [sflag:$0x8], $0x80, s9, s12, $0xb8;
	[tilespmem:$0x1F5A0] =	vst v63  }
0x224: {  	_ =	swait.ge [sflag:s7], $0x2C00  }
0x225: {  	[sflag:s7] =	ssyncset.done $0x0  }
0x226: {  	[sflag:s7] =	ssyncadd.s32 $0xFFFFD400  }
0x227: {  	_ =	swait.ge [sflag:s29], $0x2C00  }
0x228: {  	[sflag:s29] =	ssyncset.done $0x0  }
0x229: {  	[sflag:s29] =	ssyncadd.s32 $0xFFFFD400  }
0x22a: {  	_ =	swait.ge [sflag:s23], $0xB0  }
0x22b: {  	[sflag:s23] =	ssyncset.done $0x0  }
0x22c: {  	[sflag:s23] =	ssyncadd.s32 $0xFFFFFF50  }
0x22d: {  	[tilespmem:s21], [sflag:$0x6] =	stream.indirect.gather [hbm4b:s1+s12], $0x80, s20, s12, $0xb8;
	[tilespmem:$0x1F5A0] =	vst v63  }
0x22e: {  	s6 =	sadd.s32 $0x79, s6  }
0x22f: {  	[tilespmem:s25], [sflag:$0x4] =	stream.strided.gather [hbm4b:s6+s12], $0xB0, s18, s12, $0x38;
	[tilespmem:$0x1F5A0] =	vst v63  }
0x230: {  	_ = 	snop  }
0x231: {  	[spmem:s2] =	stream.indirect.scatter.add.f32 [tilespmem:s24], [sflag:$0x8], $0x80, s12, s12, $0xb8;
	[tilespmem:$0x1F5A0] =	vst v63  }
0x232: {  	_ =	swait.ge [sflag:s7], $0x2C00  }
0x233: {  	[sflag:s7] =	ssyncset.done $0x0  }
0x234: {  	[sflag:s7] =	ssyncadd.s32 $0xFFFFD400  }
0x235: {  	_ =	swait.ge [sflag:s22], $0x2C00  }
0x236: {  	[sflag:s22] =	ssyncset.done $0x0  }
0x237: {  	[sflag:s22] =	ssyncadd.s32 $0xFFFFD400  }
0x238: {  	p2 =	sne.s32 s31, $0x948;
	_ =	swait.ge [sflag:s15], $0xB0  }
0x239: {  	s8 =	sadd.s32 @p2 s31, s14;
	s9 =	simm.s32 @p2 $0x108;
	[sflag:s15] =	ssyncset.done $0x0  }
0x23a: {  	s11 =	simm.s32 @p2 $0x0;
	s6 =	simm.s32 @p2 $0x4E600;
	[sflag:s15] =	ssyncadd.s32 $0xFFFFFF50  }
0x23b: {  	[tilespmem:s24], [sflag:$0x7] =	stream.indirect.gather [hbm4b:s1+s12], $0x80, s25, s12, $0xb8;
	[tilespmem:$0x1F5A0] =	vst v63  }
0x23c: {  	s30 =	simm.s32 @p2 $0x420;
	s31 =	simm.s32 @p2 $0x58;
	s28 =	sadd.s32 @p2 $0x84, s8  }
0x23d: {  	[tilespmem:s11], [sflag:$0x1] =	stream.strided.gather @p2 [hbm4b:s28+s31], $0xB0, s6, s31, $0x38;
	[tilespmem:$0x1F5A0] =	vst v63  }
0x23e: {  	s0 =	sadd.s32 @p2 $0x8F, s8;
	s8 =	sadd.s32 @p2 $0x9A, s8;
	s28 =	simm.s32 @p2 $0x8  }
0x23f: {  	[spmem:s2] =	stream.indirect.scatter.add.f32 @p2 [tilespmem:s30], [sflag:$0x8], $0x80, s9, s31, $0xb8;
	[tilespmem:$0x1F5A0] =	vst v63  }
0x240: {  	_ =	swait.ge @p2 [sflag:s28], $0x2C00  }
0x241: {  	s9 =	simm.s32 @p2 $0x6;
	[sflag:s28] =	ssyncset.done @p2 $0x0  }
0x242: {  	[sflag:s28] =	ssyncadd.s32 @p2 $0xFFFFD400  }
0x243: {  	_ =	swait.ge @p2 [sflag:s9], $0x2C00  }
0x244: {  	s3 =	simm.s32 @p2 $0x1;
	[sflag:s9] =	ssyncset.done @p2 $0x0  }
0x245: {  	[sflag:s9] =	ssyncadd.s32 @p2 $0xFFFFD400  }
0x246: {  	_ =	swait.ge @p2 [sflag:s3], $0xB0  }
0x247: {  	[sflag:s3] =	ssyncset.done @p2 $0x0  }
0x248: {  	[sflag:s3] =	ssyncadd.s32 @p2 $0xFFFFFF50;
	s3 =	simm.s32 @p2 $0xB0  }
0x249: {  	[tilespmem:s30], [sflag:$0x5] =	stream.indirect.gather @p2 [hbm4b:s1+s31], $0x80, s11, s31, $0xb8;
	[tilespmem:$0x1F5A0] =	vst v63  }
0x24a: {  	s9 =	simm.s32 @p2 $0x1B8;
	s11 =	simm.s32 @p2 $0x3020  }
0x24b: {  	[tilespmem:s3], [sflag:$0x2] =	stream.strided.gather @p2 [hbm4b:s0+s31], $0xB0, s6, s31, $0x38;
	[tilespmem:$0x1F5A0] =	vst v63  }
0x24c: {  	_ = 	snop  }
0x24d: {  	[spmem:s2] =	stream.indirect.scatter.add.f32 @p2 [tilespmem:s11], [sflag:$0x8], $0x80, s9, s31, $0xb8;
	[tilespmem:$0x1F5A0] =	vst v63  }
0x24e: {  	_ =	swait.ge @p2 [sflag:s28], $0x2C00  }
0x24f: {  	s0 =	simm.s32 @p2 $0x7;
	[sflag:s28] =	ssyncset.done @p2 $0x0  }
0x250: {  	[sflag:s28] =	ssyncadd.s32 @p2 $0xFFFFD400  }
0x251: {  	_ =	swait.ge @p2 [sflag:s0], $0x2C00  }
0x252: {  	s9 =	simm.s32 @p2 $0x2;
	[sflag:s0] =	ssyncset.done @p2 $0x0  }
0x253: {  	[sflag:s0] =	ssyncadd.s32 @p2 $0xFFFFD400  }
0x254: {  	_ =	swait.ge @p2 [sflag:s9], $0xB0  }
0x255: {  	[sflag:s9] =	ssyncset.done @p2 $0x0  }
0x256: {  	s0 =	simm.s32 @p2 $0x160;
	[sflag:s9] =	ssyncadd.s32 @p2 $0xFFFFFF50  }
0x257: {  	[tilespmem:s11], [sflag:$0x6] =	stream.indirect.gather @p2 [hbm4b:s1+s31], $0x80, s3, s31, $0xb8;
	[tilespmem:$0x1F5A0] =	vst v63  }
0x258: {  	s9 =	simm.s32 @!p2 $0x108;
	s3 =	simm.s32 @!p2 $0x58;
	s11 =	simm.s32 @!p2 $0x420  }
0x259: {  	[tilespmem:s0], [sflag:$0x3] =	stream.strided.gather @p2 [hbm4b:s8+s31], $0xB0, s6, s31, $0x38;
	[tilespmem:$0x1F5A0] =	vst v63  }
0x25a: {  	s0 =	simm.s32 @!p2 $0x8  }
0x25b: {  	[spmem:s2] =	stream.indirect.scatter.add.f32 @!p2 [tilespmem:s11], [sflag:$0x8], $0x80, s9, s3, $0xb8;
	[tilespmem:$0x1F5A0] =	vst v63  }
0x25c: {  	s11 =	simm.s32 $0x108  }
0x25d: {  	_ =	swait.ge @!p2 [sflag:s0], $0x2C00  }
0x25e: {  	s6 =	simm.s32 @!p2 $0x6;
	[sflag:s0] =	ssyncset.done @!p2 $0x0  }
0x25f: {  	[sflag:s0] =	ssyncadd.s32 @!p2 $0xFFFFD400  }
0x260: {  	_ =	swait.ge @!p2 [sflag:s6], $0x2C00  }
0x261: {  	s8 =	simm.s32 @!p2 $0x1B8;
	s9 =	simm.s32 @!p2 $0x3020;
	[sflag:s6] =	ssyncset.done @!p2 $0x0  }
0x262: {  	[sflag:s6] =	ssyncadd.s32 @!p2 $0xFFFFD400  }
0x263: {  	[spmem:s2] =	stream.indirect.scatter.add.f32 @!p2 [tilespmem:s9], [sflag:$0x8], $0x80, s8, s3, $0xb8;
	[tilespmem:$0x1F5A0] =	vst v63  }
0x264: {  	s9 =	simm.s32 $0x268  }
0x265: {  	_ =	swait.ge @!p2 [sflag:s0], $0x2C00  }
0x266: {  	s3 =	simm.s32 @!p2 $0x7;
	[sflag:s0] =	ssyncset.done @!p2 $0x0  }
.Ltmp8:
0x267: {  	[sflag:s0] =	ssyncadd.s32 @!p2 $0xFFFFD400;
	(pc) =	sbr.rel @p1 .LBB2_5-.Ltmp8, $4  }
0x268: {  	_ =	swait.ge @!p2 [sflag:s3], $0x2C00  }
0x269: {  	[sflag:s3] =	ssyncset.done @!p2 $0x0  }
0x26a: {  	[sflag:s3] =	ssyncadd.s32 @!p2 $0xFFFFD400  }
0x26b: {  	[spmem:s2] =	stream.indirect.scatter.add.f32 [tilespmem:s24], [sflag:$0x8], $0x80, s9, s12, $0xb8;
	[tilespmem:$0x1F5A0] =	vst v63  }
0x26c: {  	_ =	swait.ge [sflag:s7], $0x2C00  }
0x26d: {  	[sflag:s7] =	ssyncset.done $0x0  }
0x26e: {  	[sflag:s7] =	ssyncadd.s32 $0xFFFFD400  }
0x26f: {  	s31 =	stileid.u32;
	[bflag:$0x0] =	sbarrier.arrive $0xFFFF  }
0x270: {  	s0 =	sshll.u32 s31, $0x6;
	s3 =	rddreg [dreg:$0x6]  }
0x271: {  	s0 =	sor.u32 $0x1C08, s0;
	s6 =	rddreg [dreg:$0xf];
	s3 =	sshrl.u32 s3, $0x3  }
0x272: {  	[hbm:s6], [sflag:s0] =	dma.local [spmem:s3], $0x2800  }
.Ltmp9:
0x273: {  	_ = 	snop;
	(pc) =	sbr.rel .LBB2_14-.Ltmp9, $4  }
0x274: {  	_ =	swait.ge [sflag:s7], $0x2800  }
0x275: {  	s28 =	simm.s32 $0x8820;
	s30 =	simm.s32 $0x2C0;
	[sflag:s7] =	ssyncset.done $0x0  }
0x276: {  	s8 =	simm.s32 $0x370;
	s6 =	rddreg [dreg:$0x1e];
	[sflag:s7] =	ssyncadd.s32 $0xFFFFD800  }
0x277: {  	s9 =	simm.s32 $0x3C8;
	s19 =	simm.s32 $0xB0;
	s4 =	rddreg [dreg:$0x4]  }
.LBB2_15:
0x278: {  	_ =	sfence.sel $0x180000  }
0x279: {  	[bflag:$0x0] =	sbarrier.arrive $0xFFFF  }
0x27a: {  	_ =	strace $0x90000047  }
0x27b: {  	[bflag:$0x2] =	sbarrier.arrive $0xFFFF  }
0x27c: {  	p0 =	sne.s32 s31, $0x0;
	s0 =	rddreg [dreg:$0x5]  }
0x27d: {  	s0 =	sadd.s32 @!p0 $0x100000, s0  }
0x27e: {  	[sflag:s0] =	ssyncadd.tile.s32 @!p0 $0x1;
	_ =	shalt  }
.Lfunc_end2:
_tile_overlayer_lowered:
.L_overlay_start_2:
0x27f: {  	(tag) =	ssettag $0x2  }
0x280: {  	s0 =	rddreg [dreg:$0x0];
	s2 =	stileid.u32  }
0x281: {  	s1 =	rddreg [dreg:$0x1];
	p0 =	sne.s32 s2, $0x0  }
0x282: {  	s3 =	rddreg [dreg:$0x2];
	[bflag:$0x3] =	sbarrier.arrive $0xFFFF;
	s2 =	simm.s32 @!p0 $0x1C08  }
0x283: {  	[timem:s3], [sflag:s2] =	dma.local @!p0 [hbm:s0], s1  }
0x284: {  	s0 =	simm.s32 @!p0 $0x8  }
0x285: {  	_ =	swait.ge @!p0 [sflag:s0], s1  }
0x286: {  	s1 =	ssub.s32 @!p0 $0x0, s1;
	[sflag:s0] =	ssyncset.done @!p0 $0x0  }
0x287: {  	[sflag:s0] =	ssyncadd.s32 @!p0 s1  }
0x288: {  	[bflag:$0x3] =	sbarrier.arrive $0xFFFF  }
0x289: {  	_ =	shalt  }

// kernel: kernel.9.cloned.1.call-start
scs
__scs_entry_jumppad:
0x0: {  	(pc) =	sbr.rel $0x88, $3  }
0x1: {  	(tag) =	ssettag $0x0;
	lr =	simm.s32 $0x1  }
0x2: {  	[smem:$0x3F97] =	sst lr;
	_ =	strace $0xD0000000  }
0x3: {  	_ = 	snop  }
0x4: {  	_ = 	snop  }
0x5: {  	_ = 	snop  }
0x6: {  	_ = 	snop  }
0x7: {  	_ = 	snop  }
__scs_overlays_trampoline_lowered:
0x8: {  	[smem:$0x3FA6] =	sst s0  }
0x9: {  	[smem:$0x3FA7] =	sst s1  }
0xa: {  	[smem:$0x3FA8] =	sst s2  }
0xb: {  	[smem:$0x3FA9] =	sst s3  }
0xc: {  	[smem:$0x3FAA] =	sst s4  }
0xd: {  	[smem:$0x3FAB] =	sst s5  }
0xe: {  	[smem:$0x3FAC] =	sst s6  }
0xf: {  	[smem:$0x3FAD] =	sst s7  }
0x10: {  	[smem:$0x3FAE] =	sst s8  }
0x11: {  	[smem:$0x3FAF] =	sst s9;
	s0 =	simm.s32 @!p0 $0x0  }
0x12: {  	s1 =	sld [smem:$0x3F95];
	s0 =	simm.s32 @p0 $0x1  }
0x13: {  	[smem:$0x3FB0] =	sst s0;
	s0 =	simm.s32 @!p1 $0x0  }
0x14: {  	s2 =	sld [smem:$0x3F94];
	s0 =	simm.s32 @p1 $0x1  }
0x15: {  	[smem:$0x3FB1] =	sst s0;
	s0 =	simm.s32 @!p2 $0x0  }
0x16: {  	s3 =	sld [smem:$0x3FDB];
	s0 =	simm.s32 @p2 $0x1  }
0x17: {  	s4 =	simm.s32 $0x1BF5;
	[smem:$0x3FB3] =	sst s0  }
0x18: {  	s0 =	sld [smem:$0x3F96];
	_ =	swait.ge [sflag:s4], $0x0  }
0x19: {  	s7 =	sld [smem:$0x3F97]  }
0x1a: {  	s8 =	sadd.s32 $0xFFFFE003, lr  }
0x1b: {  	s9 =	sadd.s32 $0xFFFFFEF7, lr;
	s5 =	simm.s32 $0xFFFFFFFF;
	p2 =	slt.u32 s8, $0xFFFFF086  }
0x1c: {  	p1 =	slt.u32 s9, $0xF7A;
	s5 =	simm.s32 @!p2 $0x0  }
0x1d: {  	s5 =	simm.s32 @p1 $0x1;
	p0 =	seq.s32 s7, s2  }
0x1e: {  	s7 =	smul.u32 @!p0 $0xF7A, s2;
	p2 =	seq.s32 @!p0 s5, $0x0  }
0x1f: {  	s9 =	smul.u32 $0xF7A, s1;
	s8 =	simm.s32 @!p0 $0x1BF5;
	p2 =	por !p2, p0  }
0x20: {  	[sflag:s8] =	ssyncset.s32 @!p0 $0xFFFFF086;
	s6 =	sadd.s32 @!p0 s3, s7;
	s7 =	simm.s32 @!p0 $0x108  }
0x21: {  	s3 =	sadd.s32 s3, s9;
	s6 =	sadd.s32 @!p0 $0x88, s6;
	s7 =	simm.s32 @p2 $0x1082  }
0x22: {  	[simem:s7], [sflag:s8] =	dma.local @!p0 [hbm:s6], $0xF7A  }
0x23: {  	s9 =	sor.u32 $0xD0000000, s2;
	s6 =	simm.s32 $0x108;
	_ =	swait.ge @!p0 [sflag:s8], $0x0  }
0x24: {  	s3 =	sadd.s32 $0x88, s3;
	s6 =	simm.s32 @!p1 $0x1082;
	[sflag:s4] =	ssyncset.s32 $0xFFFFF086  }
0x25: {  	[simem:s6], [sflag:s4] =	dma.local [hbm:s3], $0xF7A  }
0x26: {  	[smem:$0x3F97] =	sst s1;
	(tag) =	ssettag s2;
	_ =	strace s9  }
0x27: {  	s1 =	sld [smem:$0x3FA7]  }
0x28: {  	s2 =	sld [smem:$0x3FA8]  }
0x29: {  	s4 =	sld [smem:$0x3FAA]  }
0x2a: {  	p0 =	seq.s32 s5, $0x0;
	s5 =	sld [smem:$0x3FAB]  }
0x2b: {  	s6 =	sld [smem:$0x3FAC]  }
0x2c: {  	s7 =	sld [smem:$0x3FAD]  }
0x2d: {  	s3 =	simm.s32 $0x108;
	s8 =	sld [smem:$0x3FAE]  }
0x2e: {  	s3 =	simm.s32 @!p0 $0x1082;
	s9 =	sld [smem:$0x3FAF]  }
0x2f: {  	lr =	sadd.s32 s0, s3;
	s0 =	sld [smem:$0x3FA6]  }
0x30: {  	s3 =	sld [smem:$0x3FA9]  }
0x31: {  	[smem:$0x3FB2] =	sst s10  }
0x32: {  	s10 =	sld [smem:$0x3FB0];
	_ =	sdelay $0x3  }
0x33: {  	p0 =	seq.s32 s10, $0x1;
	s10 =	sld [smem:$0x3FB2];
	_ =	sdelay $0x3  }
0x34: {  	[smem:$0x3FB2] =	sst s10  }
0x35: {  	s10 =	sld [smem:$0x3FB1];
	_ =	sdelay $0x3  }
0x36: {  	p1 =	seq.s32 s10, $0x1;
	s10 =	sld [smem:$0x3FB2];
	_ =	sdelay $0x3  }
0x37: {  	[smem:$0x3FB2] =	sst s10  }
0x38: {  	s10 =	sld [smem:$0x3FB3]  }
0x39: {  	_ = 	snop;
	(pc) =	sbr.ind lr, $3  }
0x3a: {  	_ = 	snop  }
0x3b: {  	_ = 	snop  }
0x3c: {  	p2 =	seq.s32 s10, $0x1;
	s10 =	sld [smem:$0x3FB2]  }
0x3d: {  	_ =	shalt  }
0x3e: {  	_ =	shalt  }
0x3f: {  	_ =	shalt  }
0x40: {  	_ =	shalt  }
0x41: {  	_ =	shalt  }
0x42: {  	_ =	shalt  }
0x43: {  	_ =	shalt  }
0x44: {  	_ =	shalt  }
0x45: {  	_ =	shalt  }
0x46: {  	_ =	shalt  }
0x47: {  	_ =	shalt  }
0x48: {  	_ =	shalt  }
0x49: {  	_ =	shalt  }
0x4a: {  	_ =	shalt  }
0x4b: {  	_ =	shalt  }
0x4c: {  	_ =	shalt  }
0x4d: {  	_ =	shalt  }
0x4e: {  	_ =	shalt  }
0x4f: {  	_ =	shalt  }
0x50: {  	_ =	shalt  }
0x51: {  	_ =	shalt  }
0x52: {  	_ =	shalt  }
0x53: {  	_ =	shalt  }
0x54: {  	_ =	shalt  }
0x55: {  	_ =	shalt  }
0x56: {  	_ =	shalt  }
0x57: {  	_ =	shalt  }
0x58: {  	_ =	shalt  }
0x59: {  	_ =	shalt  }
0x5a: {  	_ =	shalt  }
0x5b: {  	_ =	shalt  }
0x5c: {  	_ =	shalt  }
0x5d: {  	_ =	shalt  }
0x5e: {  	_ =	shalt  }
0x5f: {  	_ =	shalt  }
0x60: {  	_ =	shalt  }
0x61: {  	_ =	shalt  }
0x62: {  	_ =	shalt  }
0x63: {  	_ =	shalt  }
0x64: {  	_ =	shalt  }
0x65: {  	_ =	shalt  }
0x66: {  	_ =	shalt  }
0x67: {  	_ =	shalt  }
0x68: {  	_ =	shalt  }
0x69: {  	_ =	shalt  }
0x6a: {  	_ =	shalt  }
0x6b: {  	_ =	shalt  }
0x6c: {  	_ =	shalt  }
0x6d: {  	_ =	shalt  }
0x6e: {  	_ =	shalt  }
0x6f: {  	_ =	shalt  }
0x70: {  	_ =	shalt  }
0x71: {  	_ =	shalt  }
0x72: {  	_ =	shalt  }
0x73: {  	_ =	shalt  }
0x74: {  	_ =	shalt  }
0x75: {  	_ =	shalt  }
0x76: {  	_ =	shalt  }
0x77: {  	_ =	shalt  }
0x78: {  	_ =	shalt  }
0x79: {  	_ =	shalt  }
0x7a: {  	_ =	shalt  }
0x7b: {  	_ =	shalt  }
0x7c: {  	_ =	shalt  }
0x7d: {  	_ =	shalt  }
0x7e: {  	_ =	shalt  }
0x7f: {  	_ =	shalt  }
0x80: {  	_ =	shalt  }
0x81: {  	_ =	shalt  }
0x82: {  	_ =	shalt  }
0x83: {  	_ =	shalt  }
0x84: {  	_ =	shalt  }
0x85: {  	_ =	shalt  }
0x86: {  	_ =	shalt  }
0x87: {  	_ =	shalt  }
.Lfunc_end0:
.L_simem_size_0:
called_computation.1_lowered:
.L_overlay_start_0:
0x88: {  	s2 =	sld [smem:$0x3FD9]  }
0x89: {  	s3 =	sld [smem:$0x3FFE];
	_ =	sdelay $0x1  }
0x8a: {  	s1 =	srdreg.scid  }
0x8b: {  	s0 =	sand.u32 $0x1, s1  }
0x8c: {  	s17 =	sshll.u32 s0, $0xA;
	s2 =	sadd.s32 s3, s2  }
0x8d: {  	s2 =	sadd.s32 s2, s17  }
0x8e: {  	[smem:$0x3FBE] =	sst s2  }
0x8f: {  	_ = 	snop  }
0x90: {  	s2 =	sld [smem:$0x3FD0];
	(tm) =	ssettm $0x1  }
0x91: {  	s18 =	sld [smem:$0x3FFB];
	_ =	sdelay $0x3  }
0x92: {  	_ =	strace s18  }
0x93: {  	s3 =	sld [smem:$0x3FFC];
	_ =	sdelay $0x3  }
0x94: {  	_ =	strace s3  }
0x95: {  	s3 =	sld [smem:$0x3FFD];
	_ =	sdelay $0x3  }
0x96: {  	_ =	strace s3  }
0x97: {  	_ =	strace $0x8FFFFFFF  }
0x98: {  	s19 =	sld [smem:$0x3FDB];
	_ =	sdelay $0x1  }
0x99: {  	s4 =	simm.s32 $_scs_section_size  }
0x9a: {  	s5 =	simm.s32 $_size__tile_overlayer_lowered;
	s6 =	simm.s32 $_tile_overlayer_lowered  }
0x9b: {  	s22 =	simm.s32 $0x1BFF;
	s21 =	sshll.u32 s6, $0x1;
	s3 =	sadd.s32 s4, s19  }
0x9c: {  	s7 =	simm.s32 $0x0;
	s20 =	sshll.u32 s5, $0x1;
	s5 =	sadd.s32 s21, s3  }
0x9d: {  	[timem:s7], [sflag:s22] =	dma.local [hbm:s5], s20  }
0x9e: {  	_ =	swait.ge [sflag:s22], s20  }
0x9f: {  	s4 =	ssub.s32 $0x0, s20;
	[sflag:s22] =	ssyncset.done $0x0  }
0xa0: {  	[sflag:s22] =	ssyncadd.s32 s4;
	_ =	sdelay $0x1  }
0xa1: {  	s23 =	simm.s32 $0x1B8B  }
0xa2: {  	_ =	swait.ge [sflag:s23], $0x1  }
0xa3: {  	[sflag:s23] =	ssyncset.done $0x0  }
0xa4: {  	s25 =	simm.s32 $0x1B8E;
	s24 =	sld [smem:$0x3FFE];
	[sflag:s23] =	ssyncadd.s32 $0xFFFFFFFF  }
0xa5: {  	s26 =	simm.s32 $execute0_lowered;
	[smem:$0x3FD2] =	sst s25  }
0xa6: {  	s5 =	sshll.u32 s26, $0x1;
	_ =	strace $0x80000049;
	[dreg:$0x1] =	wrdreg $0xFFFFFFFF  }
0xa7: {  	s28 =	simm.s32 $_size_execute0_lowered;
	s3 =	sadd.s32 s3, s5;
	[dreg:$0x0] =	wrdreg $0x0  }
0xa8: {  	s5 =	sshll.u32 s28, $0x1;
	[dreg:$0x2] =	wrdreg s3  }
0xa9: {  	[dreg:$0x3] =	wrdreg s5  }
0xaa: {  	[dreg:$0x4] =	wrdreg $0xC0  }
0xab: {  	_ =	task [dreg:s7], $0x5FFFF  }
0xac: {  	[dreg:$0x1] =	wrdreg $0xFFFFFFFF  }
0xad: {  	[dreg:$0x0] =	wrdreg $0x60  }
0xae: {  	[dreg:$0x2] =	wrdreg s2  }
0xaf: {  	[dreg:$0x3] =	wrdreg s24  }
0xb0: {  	[dreg:$0x4] =	wrdreg $0x86C00  }
0xb1: {  	[dreg:$0x5] =	wrdreg $0x9  }
0xb2: {  	_ =	task.clear_ibuf [dreg:s7], $0x6FFFF;
	_ =	strace $0x90000049  }
0xb3: {  	s29 =	simm.s32 $0x9;
	_ =	strace $0x8000004B  }
0xb4: {  	_ =	swait.ge [sflag:s29], $0x1  }
0xb5: {  	[sflag:s29] =	ssyncadd.s32 $0xFFFFFFFF  }
0xb6: {  	_ =	strace $0x9000004B  }
0xb7: {  	_ =	sfence  }
0xb8: {  	s30 =	sld [smem:$0x0];
	_ =	sdelay $0x2  }
0xb9: {  	s31 =	sshll.u32 s1, $0xD;
	s1 =	sshrl.u32 s1, $0x2  }
0xba: {  	s3 =	sand.u32 $0x4000, s31;
	s1 =	sadd.s32 s1, s30  }
0xbb: {  	s0 =	sor.u32 s3, s0;
	s1 =	sshll.u32 s1, $0x11  }
0xbc: {  	s0 =	sor.u32 s1, s0  }
0xbd: {  	s0 =	sadd.s32 $0x8F2B, s0  }
0xbe: {  	[sflag:s0] =	ssyncadd.remote.s32 $0x1  }
0xbf: {  	_ =	sfence.sel $0xFFFF  }
0xc0: {  	[dreg:$0x0] =	wrdreg $0xFFFFFFFF;
	(pc) =	sbr.abs _section_cstart, $3  }
0xc1: {  	[dreg:$0x1] =	wrdreg $0xFFFFFFFF  }
0xc2: {  	_ =	task.clear_ibuf [dreg:s7], $0x2FFFF;
	_ =	strace $0x9FFFFFFF  }
0xc3: {  	(tm) =	ssettm $0x7FFFFFFF  }
tec
execute0_lowered:
.L_overlay_start_1:
0x0: {  	(tag) =	ssettag $0x1  }
0x1: {  	s1 =	srdreg.scid  }
0x2: {  	s1 =	sand.u32 $0x1, s1  }
0x3: {  	p0 =	seq.s32 s1, $0x1  }
.Ltmp0:
0x4: {  	s2 =	rddreg [dreg:$0x0];
	(pc) =	sbr.rel @p0 .LBB2_6-.Ltmp0, $4  }
0x5: {  	s4 =	rddreg [dreg:$0x1]  }
0x6: {  	s3 =	rddreg [dreg:$0x2];
	s5 =	simm.s32 $0x0  }
0x7: {  	[smem:$0x7FF] =	sst s5  }
0x8: {  	s0 =	rddreg [dreg:$0x3];
	s9 =	stileid.u32;
	_ =	strace $0x8000004A  }
0x9: {  	s5 =	smul.u32 $0x50000, s9  }
0xa: {  	s6 =	smul.u32 $0x14000, s9  }
0xb: {  	s18 =	sadd.s32 $0x3200, s4;
	s30 =	smul.u32 $0x4E60, s9  }
0xc: {  	s19 =	smul.u32 $0x9CC, s9;
	s5 =	sshrl.u32 s5, $0x2;
	s7 =	sshrl.u32 s6, $0x3  }
0xd: {  	s0 =	sadd.s32 s6, s3;
	s11 =	sadd.s32 $0x58, s30;
	s6 =	sshrl.u32 s30, $0x3  }
0xe: {  	s5 =	sadd.s32 s5, s3;
	s7 =	sadd.s32 s7, s4;
	s31 =	sshrl.u32 s11, $0x3  }
0xf: {  	s6 =	sadd.s32 s18, s6;
	s11 =	sadd.s32 s18, s19;
	s17 =	sadd.s32 $0x2C00, s5  }
0x10: {  	s16 =	sadd.s32 $0x5800, s5;
	s15 =	sadd.s32 $0x8400, s5;
	s14 =	sadd.s32 $0xB000, s5  }
0x11: {  	s10 =	sadd.s32 $0xDC00, s5;
	s8 =	sadd.s32 $0x10800, s5;
	s9 =	sadd.s32 $0x13400, s5  }
0x12: {  	s12 =	sadd.s32 s18, s31;
	s13 =	sadd.s32 $0x16, s6;
	s1 =	sadd.s32 $0x16C00, s7  }
0x13: {  	v0 =	vimm.f32 $0.0e+00;
	s6 =	simm.s32 $0x0;
	s7 =	simm.s32 $0x200;
	[dreg:$0x5] =	wrdreg s1  }
.LBB2_2:
0x14: {  	p0 =	sne.s32 s7, $0xAE00;
	[tilespmem:s6+$0x330] =	vst v0  }
0x15: {  	[tilespmem:s6+$0x2C0] =	vst v0  }
0x16: {  	[tilespmem:s6+$0x2D0] =	vst v0  }
.Ltmp1:
0x17: {  	[tilespmem:s6+$0x2E0] =	vst v0;
	(pc) =	sbr.rel @p0 .LBB2_2-.Ltmp1, $4  }
0x18: {  	[tilespmem:s6+$0x2F0] =	vst v0  }
0x19: {  	[tilespmem:s6+$0x300] =	vst v0  }
0x1a: {  	[tilespmem:s6+$0x310] =	vst v0  }
0x1b: {  	[tilespmem:s6+$0x320] =	vst v0;
	s6 =	sshra.s32 s7, $0x2;
	s7 =	sadd.s32 $0x200, s7  }
0x1c: {  	[tilespmem:s6+$0x330] =	vst v0  }
0x1d: {  	[tilespmem:s6+$0x2C0] =	vst v0  }
0x1e: {  	[tilespmem:s6+$0x2D0] =	vst v0  }
0x1f: {  	[tilespmem:s6+$0x2E0] =	vst v0  }
0x20: {  	[tilespmem:s6+$0x2F0] =	vst v0  }
0x21: {  	[tilespmem:s6+$0x300] =	vst v0  }
0x22: {  	[tilespmem:s6+$0x310] =	vst v0  }
0x23: {  	[tilespmem:s6+$0x320] =	vst v0;
	s7 =	simm.s32 $0x2C0;
	[dreg:$0x4] =	wrdreg s0;
	s6 =	simm.s32 $0x8  }
0x24: {  	[spmem:s0] =	stream.linear.scatter [tilespmem:s7], [sflag:$0x8], $0x2C00, $0x38;
	[tilespmem:$0x1C6C0] =	vst v63  }
0x25: {  	_ =	swait.ge [sflag:s6], $0x2C00  }
0x26: {  	[sflag:s6] =	ssyncset.done $0x0  }
0x27: {  	[sflag:s6] =	ssyncadd.s32 $0xFFFFD400  }
0x28: {  	[spmem:s17] =	stream.linear.scatter [tilespmem:s7], [sflag:$0x8], $0x2C00, $0x38;
	[tilespmem:$0x1C6C0] =	vst v63  }
0x29: {  	_ =	swait.ge [sflag:s6], $0x2C00  }
0x2a: {  	[sflag:s6] =	ssyncset.done $0x0  }
0x2b: {  	[sflag:s6] =	ssyncadd.s32 $0xFFFFD400  }
0x2c: {  	[spmem:s16] =	stream.linear.scatter [tilespmem:s7], [sflag:$0x8], $0x2C00, $0x38;
	[tilespmem:$0x1C6C0] =	vst v63  }
0x2d: {  	_ =	swait.ge [sflag:s6], $0x2C00  }
0x2e: {  	[sflag:s6] =	ssyncset.done $0x0  }
0x2f: {  	[sflag:s6] =	ssyncadd.s32 $0xFFFFD400  }
0x30: {  	[spmem:s15] =	stream.linear.scatter [tilespmem:s7], [sflag:$0x8], $0x2C00, $0x38;
	[tilespmem:$0x1C6C0] =	vst v63  }
0x31: {  	_ =	swait.ge [sflag:s6], $0x2C00  }
0x32: {  	[sflag:s6] =	ssyncset.done $0x0  }
0x33: {  	[sflag:s6] =	ssyncadd.s32 $0xFFFFD400  }
0x34: {  	[spmem:s14] =	stream.linear.scatter [tilespmem:s7], [sflag:$0x8], $0x2C00, $0x38;
	[tilespmem:$0x1C6C0] =	vst v63  }
0x35: {  	_ =	swait.ge [sflag:s6], $0x2C00  }
0x36: {  	[sflag:s6] =	ssyncset.done $0x0  }
0x37: {  	[sflag:s6] =	ssyncadd.s32 $0xFFFFD400  }
0x38: {  	[spmem:s10] =	stream.linear.scatter [tilespmem:s7], [sflag:$0x8], $0x2C00, $0x38;
	[tilespmem:$0x1C6C0] =	vst v63  }
0x39: {  	_ =	swait.ge [sflag:s6], $0x2C00  }
0x3a: {  	[sflag:s6] =	ssyncset.done $0x0  }
0x3b: {  	[sflag:s6] =	ssyncadd.s32 $0xFFFFD400  }
0x3c: {  	[spmem:s8] =	stream.linear.scatter [tilespmem:s7], [sflag:$0x8], $0x2C00, $0x38;
	[tilespmem:$0x1C6C0] =	vst v63  }
0x3d: {  	_ =	swait.ge [sflag:s6], $0x2C00  }
0x3e: {  	[sflag:s6] =	ssyncset.done $0x0  }
0x3f: {  	[sflag:s6] =	ssyncadd.s32 $0xFFFFD400  }
0x40: {  	[spmem:s9] =	stream.linear.scatter [tilespmem:s7], [sflag:$0x8], $0xC00, $0x38;
	[tilespmem:$0x1C6C0] =	vst v63  }
0x41: {  	_ =	swait.ge [sflag:s6], $0xC00  }
0x42: {  	[sflag:s6] =	ssyncset.done $0x0  }
0x43: {  	s10 =	simm.s32 $0x0;
	[sflag:s6] =	ssyncadd.s32 $0xFFFFF400  }
0x44: {  	s8 =	simm.s32 $0x58;
	s9 =	simm.s32 $0x4E600;
	[bflag:$0x0] =	sbarrier.arrive $0xFFFF  }
0x45: {  	[tilespmem:s10], [sflag:$0x1] =	stream.strided.gather [hbm4b:s11+s8], $0xB0, s9, s8, $0x38;
	[tilespmem:$0x1C6C0] =	vst v63  }
0x46: {  	s11 =	simm.s32 $0xB0  }
0x47: {  	[tilespmem:s11], [sflag:$0x2] =	stream.strided.gather [hbm4b:s12+s8], $0xB0, s9, s8, $0x38;
	[tilespmem:$0x1C6C0] =	vst v63  }
0x48: {  	s12 =	simm.s32 $0x160  }
0x49: {  	[tilespmem:s12], [sflag:$0x3] =	stream.strided.gather [hbm4b:s13+s8], $0xB0, s9, s8, $0x38;
	[tilespmem:$0x1C6C0] =	vst v63  }
0x4a: {  	s13 =	simm.s32 $0x1  }
0x4b: {  	_ =	swait.ge [sflag:s13], $0xB0  }
0x4c: {  	[sflag:s13] =	ssyncset.done $0x0  }
0x4d: {  	s14 =	simm.s32 $0x2;
	[sflag:s13] =	ssyncadd.s32 $0xFFFFFF50  }
0x4e: {  	[tilespmem:s7], [sflag:$0x5] =	stream.indirect.gather [hbm4b:s2+s8], $0x80, s10, s8, $0xb8;
	[tilespmem:$0x1C6C0] =	vst v63  }
0x4f: {  	_ =	swait.ge [sflag:s14], $0xB0  }
0x50: {  	[sflag:s14] =	ssyncset.done $0x0  }
0x51: {  	s16 =	simm.s32 $0x5;
	s15 =	simm.s32 $0x2EC0;
	[sflag:s14] =	ssyncadd.s32 $0xFFFFFF50  }
0x52: {  	[tilespmem:s15], [sflag:$0x6] =	stream.indirect.gather [hbm4b:s2+s8], $0x80, s11, s8, $0xb8;
	[tilespmem:$0x1C6C0] =	vst v63  }
0x53: {  	_ =	swait.ge [sflag:s16], $0x2C00  }
0x54: {  	[sflag:s16] =	ssyncset.done $0x0  }
0x55: {  	s17 =	simm.s32 $0x3;
	[sflag:s16] =	ssyncadd.s32 $0xFFFFD400  }
0x56: {  	_ =	swait.ge [sflag:s17], $0xB0  }
0x57: {  	s18 =	sadd.s32 s19, s18;
	[sflag:s17] =	ssyncset.done $0x0  }
0x58: {  	s19 =	simm.s32 $0x5AC0;
	s28 =	sadd.s32 $0x0, s18;
	[sflag:s17] =	ssyncadd.s32 $0xFFFFFF50  }
0x59: {  	[tilespmem:s19], [sflag:$0x7] =	stream.indirect.gather [hbm4b:s2+s8], $0x80, s12, s8, $0xb8;
	[tilespmem:$0x1C6C0] =	vst v63  }
0x5a: {  	s20 =	simm.s32 $0x210;
	s21 =	sadd.s32 $0x21, s28  }
0x5b: {  	[tilespmem:s20], [sflag:$0x4] =	stream.strided.gather [hbm4b:s21+s8], $0xB0, s9, s8, $0x38;
	[tilespmem:$0x1C6C0] =	vst v63  }
0x5c: {  	_ = 	snop  }
0x5d: {  	[spmem:s3] =	stream.indirect.scatter.add.f32 [tilespmem:s7], [sflag:$0x8], $0x80, s8, s8, $0xb8;
	[tilespmem:$0x1C6C0] =	vst v63  }
0x5e: {  	_ =	swait.ge [sflag:s6], $0x2C00  }
0x5f: {  	[sflag:s6] =	ssyncset.done $0x0  }
0x60: {  	s21 =	simm.s32 $0x6;
	[sflag:s6] =	ssyncadd.s32 $0xFFFFD400  }
0x61: {  	_ =	swait.ge [sflag:s21], $0x2C00  }
0x62: {  	[sflag:s21] =	ssyncset.done $0x0  }
0x63: {  	s22 =	simm.s32 $0x4;
	[sflag:s21] =	ssyncadd.s32 $0xFFFFD400  }
0x64: {  	_ =	swait.ge [sflag:s22], $0xB0  }
0x65: {  	[sflag:s22] =	ssyncset.done $0x0  }
0x66: {  	[sflag:s22] =	ssyncadd.s32 $0xFFFFFF50  }
0x67: {  	[tilespmem:s7], [sflag:$0x5] =	stream.indirect.gather [hbm4b:s2+s8], $0x80, s20, s8, $0xb8;
	[tilespmem:$0x1C6C0] =	vst v63  }
0x68: {  	s23 =	sadd.s32 $0x2C, s28  }
0x69: {  	[tilespmem:s10], [sflag:$0x1] =	stream.strided.gather [hbm4b:s23+s8], $0xB0, s9, s8, $0x38;
	[tilespmem:$0x1C6C0] =	vst v63  }
0x6a: {  	s23 =	simm.s32 $0x108  }
0x6b: {  	[spmem:s3] =	stream.indirect.scatter.add.f32 [tilespmem:s15], [sflag:$0x8], $0x80, s23, s8, $0xb8;
	[tilespmem:$0x1C6C0] =	vst v63  }
0x6c: {  	_ =	swait.ge [sflag:s6], $0x2C00  }
0x6d: {  	[sflag:s6] =	ssyncset.done $0x0  }
0x6e: {  	s24 =	simm.s32 $0x7;
	[sflag:s6] =	ssyncadd.s32 $0xFFFFD400  }
0x6f: {  	_ =	swait.ge [sflag:s24], $0x2C00  }
0x70: {  	[sflag:s24] =	ssyncset.done $0x0  }
0x71: {  	[sflag:s24] =	ssyncadd.s32 $0xFFFFD400  }
0x72: {  	_ =	swait.ge [sflag:s13], $0xB0  }
0x73: {  	[sflag:s13] =	ssyncset.done $0x0  }
0x74: {  	[sflag:s13] =	ssyncadd.s32 $0xFFFFFF50  }
0x75: {  	[tilespmem:s15], [sflag:$0x6] =	stream.indirect.gather [hbm4b:s2+s8], $0x80, s10, s8, $0xb8;
	[tilespmem:$0x1C6C0] =	vst v63  }
0x76: {  	s25 =	sadd.s32 $0x37, s28  }
0x77: {  	[tilespmem:s11], [sflag:$0x2] =	stream.strided.gather [hbm4b:s25+s8], $0xB0, s9, s8, $0x38;
	[tilespmem:$0x1C6C0] =	vst v63  }
0x78: {  	s1 =	simm.s32 $0x1B8  }
0x79: {  	[spmem:s3] =	stream.indirect.scatter.add.f32 [tilespmem:s19], [sflag:$0x8], $0x80, s1, s8, $0xb8;
	[tilespmem:$0x1C6C0] =	vst v63  }
0x7a: {  	_ =	swait.ge [sflag:s6], $0x2C00  }
0x7b: {  	[sflag:s6] =	ssyncset.done $0x0  }
0x7c: {  	[sflag:s6] =	ssyncadd.s32 $0xFFFFD400  }
0x7d: {  	_ =	swait.ge [sflag:s16], $0x2C00  }
0x7e: {  	[sflag:s16] =	ssyncset.done $0x0  }
0x7f: {  	[sflag:s16] =	ssyncadd.s32 $0xFFFFD400  }
0x80: {  	_ =	swait.ge [sflag:s14], $0xB0  }
0x81: {  	[sflag:s14] =	ssyncset.done $0x0  }
0x82: {  	[sflag:s14] =	ssyncadd.s32 $0xFFFFFF50  }
0x83: {  	[tilespmem:s19], [sflag:$0x7] =	stream.indirect.gather [hbm4b:s2+s8], $0x80, s11, s8, $0xb8;
	[tilespmem:$0x1C6C0] =	vst v63  }
0x84: {  	s26 =	sadd.s32 $0x42, s28  }
0x85: {  	[tilespmem:s12], [sflag:$0x3] =	stream.strided.gather [hbm4b:s26+s8], $0xB0, s9, s8, $0x38;
	[tilespmem:$0x1C6C0] =	vst v63  }
0x86: {  	s26 =	simm.s32 $0x268  }
0x87: {  	[spmem:s3] =	stream.indirect.scatter.add.f32 [tilespmem:s7], [sflag:$0x8], $0x80, s26, s8, $0xb8;
	[tilespmem:$0x1C6C0] =	vst v63  }
0x88: {  	_ =	swait.ge [sflag:s6], $0x2C00  }
0x89: {  	[sflag:s6] =	ssyncset.done $0x0  }
0x8a: {  	[sflag:s6] =	ssyncadd.s32 $0xFFFFD400  }
0x8b: {  	_ =	swait.ge [sflag:s21], $0x2C00  }
0x8c: {  	[sflag:s21] =	ssyncset.done $0x0  }
0x8d: {  	[sflag:s21] =	ssyncadd.s32 $0xFFFFD400  }
0x8e: {  	_ =	swait.ge [sflag:s17], $0xB0  }
0x8f: {  	[sflag:s17] =	ssyncset.done $0x0  }
0x90: {  	[sflag:s17] =	ssyncadd.s32 $0xFFFFFF50  }
0x91: {  	[tilespmem:s7], [sflag:$0x5] =	stream.indirect.gather [hbm4b:s2+s8], $0x80, s12, s8, $0xb8;
	[tilespmem:$0x1C6C0] =	vst v63  }
0x92: {  	s29 =	sadd.s32 $0x4D, s28  }
0x93: {  	[tilespmem:s20], [sflag:$0x4] =	stream.strided.gather [hbm4b:s29+s8], $0xB0, s9, s8, $0x38;
	[tilespmem:$0x1C6C0] =	vst v63  }
0x94: {  	_ = 	snop  }
0x95: {  	[spmem:s3] =	stream.indirect.scatter.add.f32 [tilespmem:s15], [sflag:$0x8], $0x80, s8, s8, $0xb8;
	[tilespmem:$0x1C6C0] =	vst v63  }
0x96: {  	_ =	swait.ge [sflag:s6], $0x2C00  }
0x97: {  	[sflag:s6] =	ssyncset.done $0x0  }
0x98: {  	[sflag:s6] =	ssyncadd.s32 $0xFFFFD400  }
0x99: {  	_ =	swait.ge [sflag:s24], $0x2C00  }
0x9a: {  	[sflag:s24] =	ssyncset.done $0x0  }
0x9b: {  	[sflag:s24] =	ssyncadd.s32 $0xFFFFD400  }
0x9c: {  	_ =	swait.ge [sflag:s22], $0xB0  }
0x9d: {  	[sflag:s22] =	ssyncset.done $0x0  }
0x9e: {  	[sflag:s22] =	ssyncadd.s32 $0xFFFFFF50  }
0x9f: {  	[tilespmem:s15], [sflag:$0x6] =	stream.indirect.gather [hbm4b:s2+s8], $0x80, s20, s8, $0xb8;
	[tilespmem:$0x1C6C0] =	vst v63  }
0xa0: {  	s25 =	sadd.s32 $0x58, s28  }
0xa1: {  	[tilespmem:s10], [sflag:$0x1] =	stream.strided.gather [hbm4b:s25+s8], $0xB0, s9, s8, $0x38;
	[tilespmem:$0x1C6C0] =	vst v63  }
0xa2: {  	_ = 	snop  }
0xa3: {  	[spmem:s3] =	stream.indirect.scatter.add.f32 [tilespmem:s19], [sflag:$0x8], $0x80, s23, s8, $0xb8;
	[tilespmem:$0x1C6C0] =	vst v63  }
0xa4: {  	_ =	swait.ge [sflag:s6], $0x2C00  }
0xa5: {  	[sflag:s6] =	ssyncset.done $0x0  }
0xa6: {  	[sflag:s6] =	ssyncadd.s32 $0xFFFFD400  }
0xa7: {  	_ =	swait.ge [sflag:s16], $0x2C00  }
0xa8: {  	[sflag:s16] =	ssyncset.done $0x0  }
0xa9: {  	[sflag:s16] =	ssyncadd.s32 $0xFFFFD400  }
0xaa: {  	_ =	swait.ge [sflag:s13], $0xB0  }
0xab: {  	[sflag:s13] =	ssyncset.done $0x0  }
0xac: {  	[sflag:s13] =	ssyncadd.s32 $0xFFFFFF50  }
0xad: {  	[tilespmem:s19], [sflag:$0x7] =	stream.indirect.gather [hbm4b:s2+s8], $0x80, s10, s8, $0xb8;
	[tilespmem:$0x1C6C0] =	vst v63  }
0xae: {  	s30 =	sadd.s32 $0x63, s28  }
0xaf: {  	[tilespmem:s11], [sflag:$0x2] =	stream.strided.gather [hbm4b:s30+s8], $0xB0, s9, s8, $0x38;
	[tilespmem:$0x1C6C0] =	vst v63  }
0xb0: {  	_ = 	snop  }
0xb1: {  	[spmem:s3] =	stream.indirect.scatter.add.f32 [tilespmem:s7], [sflag:$0x8], $0x80, s1, s8, $0xb8;
	[tilespmem:$0x1C6C0] =	vst v63  }
0xb2: {  	_ =	swait.ge [sflag:s6], $0x2C00  }
0xb3: {  	[sflag:s6] =	ssyncset.done $0x0  }
0xb4: {  	[sflag:s6] =	ssyncadd.s32 $0xFFFFD400  }
0xb5: {  	_ =	swait.ge [sflag:s21], $0x2C00  }
0xb6: {  	[sflag:s21] =	ssyncset.done $0x0  }
0xb7: {  	[sflag:s21] =	ssyncadd.s32 $0xFFFFD400  }
0xb8: {  	_ =	swait.ge [sflag:s14], $0xB0  }
0xb9: {  	[sflag:s14] =	ssyncset.done $0x0  }
0xba: {  	[sflag:s14] =	ssyncadd.s32 $0xFFFFFF50  }
0xbb: {  	[tilespmem:s7], [sflag:$0x5] =	stream.indirect.gather [hbm4b:s2+s8], $0x80, s11, s8, $0xb8;
	[tilespmem:$0x1C6C0] =	vst v63  }
0xbc: {  	s31 =	sadd.s32 $0x6E, s28  }
0xbd: {  	[tilespmem:s12], [sflag:$0x3] =	stream.strided.gather [hbm4b:s31+s8], $0xB0, s9, s8, $0x38;
	[tilespmem:$0x1C6C0] =	vst v63  }
0xbe: {  	_ = 	snop  }
0xbf: {  	[spmem:s3] =	stream.indirect.scatter.add.f32 [tilespmem:s15], [sflag:$0x8], $0x80, s26, s8, $0xb8;
	[tilespmem:$0x1C6C0] =	vst v63  }
0xc0: {  	_ =	swait.ge [sflag:s6], $0x2C00  }
0xc1: {  	[sflag:s6] =	ssyncset.done $0x0  }
0xc2: {  	[sflag:s6] =	ssyncadd.s32 $0xFFFFD400  }
0xc3: {  	_ =	swait.ge [sflag:s24], $0x2C00  }
0xc4: {  	[sflag:s24] =	ssyncset.done $0x0  }
0xc5: {  	[sflag:s24] =	ssyncadd.s32 $0xFFFFD400  }
0xc6: {  	_ =	swait.ge [sflag:s17], $0xB0  }
0xc7: {  	[sflag:s17] =	ssyncset.done $0x0  }
0xc8: {  	[sflag:s17] =	ssyncadd.s32 $0xFFFFFF50  }
0xc9: {  	[tilespmem:s15], [sflag:$0x6] =	stream.indirect.gather [hbm4b:s2+s8], $0x80, s12, s8, $0xb8;
	[tilespmem:$0x1C6C0] =	vst v63  }
0xca: {  	s28 =	sadd.s32 $0x79, s28  }
0xcb: {  	[tilespmem:s20], [sflag:$0x4] =	stream.strided.gather [hbm4b:s28+s8], $0xB0, s9, s8, $0x38;
	[tilespmem:$0x1C6C0] =	vst v63  }
0xcc: {  	_ = 	snop  }
0xcd: {  	[spmem:s3] =	stream.indirect.scatter.add.f32 [tilespmem:s19], [sflag:$0x8], $0x80, s8, s8, $0xb8;
	[tilespmem:$0x1C6C0] =	vst v63  }
0xce: {  	_ =	swait.ge [sflag:s6], $0x2C00  }
0xcf: {  	[sflag:s6] =	ssyncset.done $0x0  }
0xd0: {  	[sflag:s6] =	ssyncadd.s32 $0xFFFFD400  }
0xd1: {  	_ =	swait.ge [sflag:s16], $0x2C00  }
0xd2: {  	[sflag:s16] =	ssyncset.done $0x0  }
0xd3: {  	[sflag:s16] =	ssyncadd.s32 $0xFFFFD400  }
0xd4: {  	_ =	swait.ge [sflag:s22], $0xB0  }
0xd5: {  	p0 =	por $0x1, $0x1;
	[sflag:s22] =	ssyncset.done $0x0  }
0xd6: {  	s0 =	simm.s32 @p0 $0x58;
	s28 =	sadd.s32 @p0 $0x0, s18;
	[sflag:s22] =	ssyncadd.s32 $0xFFFFFF50  }
0xd7: {  	[tilespmem:s19], [sflag:$0x7] =	stream.indirect.gather [hbm4b:s2+s8], $0x80, s20, s8, $0xb8;
	[tilespmem:$0x1C6C0] =	vst v63  }
0xd8: {  	s29 =	simm.s32 @p0 $0x4E600;
	s30 =	simm.s32 @p0 $0x0;
	s31 =	sadd.s32 @p0 $0x84, s28  }
0xd9: {  	[tilespmem:s30], [sflag:$0x1] =	stream.strided.gather @p0 [hbm4b:s31+s0], $0xB0, s29, s0, $0x38;
	[tilespmem:$0x1C6C0] =	vst v63  }
0xda: {  	s5 =	simm.s32 @p0 $0x2C0;
	s31 =	simm.s32 @p0 $0x108  }
0xdb: {  	[spmem:s3] =	stream.indirect.scatter.add.f32 @p0 [tilespmem:s5], [sflag:$0x8], $0x80, s31, s0, $0xb8;
	[tilespmem:$0x1C6C0] =	vst v63  }
0xdc: {  	s31 =	simm.s32 @p0 $0x8  }
0xdd: {  	_ =	swait.ge @p0 [sflag:s31], $0x2C00  }
0xde: {  	[sflag:s31] =	ssyncset.done @p0 $0x0  }
0xdf: {  	s4 =	simm.s32 @p0 $0x6;
	[sflag:s31] =	ssyncadd.s32 @p0 $0xFFFFD400  }
0xe0: {  	_ =	swait.ge @p0 [sflag:s4], $0x2C00  }
0xe1: {  	[sflag:s4] =	ssyncset.done @p0 $0x0  }
0xe2: {  	[sflag:s4] =	ssyncadd.s32 @p0 $0xFFFFD400;
	s4 =	simm.s32 @p0 $0x1  }
0xe3: {  	_ =	swait.ge @p0 [sflag:s4], $0xB0  }
0xe4: {  	[sflag:s4] =	ssyncset.done @p0 $0x0  }
0xe5: {  	[sflag:s4] =	ssyncadd.s32 @p0 $0xFFFFFF50  }
0xe6: {  	[tilespmem:s5], [sflag:$0x5] =	stream.indirect.gather @p0 [hbm4b:s2+s0], $0x80, s30, s0, $0xb8;
	[tilespmem:$0x1C6C0] =	vst v63  }
0xe7: {  	s4 =	sadd.s32 @p0 $0x8F, s28;
	s5 =	simm.s32 @p0 $0xB0  }
0xe8: {  	[tilespmem:s5], [sflag:$0x2] =	stream.strided.gather @p0 [hbm4b:s4+s0], $0xB0, s29, s0, $0x38;
	[tilespmem:$0x1C6C0] =	vst v63  }
0xe9: {  	s30 =	simm.s32 @p0 $0x2EC0;
	s4 =	simm.s32 @p0 $0x1B8  }
0xea: {  	[spmem:s3] =	stream.indirect.scatter.add.f32 @p0 [tilespmem:s30], [sflag:$0x8], $0x80, s4, s0, $0xb8;
	[tilespmem:$0x1C6C0] =	vst v63  }
0xeb: {  	_ =	swait.ge @p0 [sflag:s31], $0x2C00  }
0xec: {  	[sflag:s31] =	ssyncset.done @p0 $0x0  }
0xed: {  	s4 =	simm.s32 @p0 $0x7;
	[sflag:s31] =	ssyncadd.s32 @p0 $0xFFFFD400  }
0xee: {  	_ =	swait.ge @p0 [sflag:s4], $0x2C00  }
0xef: {  	[sflag:s4] =	ssyncset.done @p0 $0x0  }
0xf0: {  	[sflag:s4] =	ssyncadd.s32 @p0 $0xFFFFD400;
	s4 =	simm.s32 @p0 $0x2  }
0xf1: {  	_ =	swait.ge @p0 [sflag:s4], $0xB0  }
0xf2: {  	[sflag:s4] =	ssyncset.done @p0 $0x0  }
0xf3: {  	[sflag:s4] =	ssyncadd.s32 @p0 $0xFFFFFF50  }
0xf4: {  	[tilespmem:s30], [sflag:$0x6] =	stream.indirect.gather @p0 [hbm4b:s2+s0], $0x80, s5, s0, $0xb8;
	[tilespmem:$0x1C6C0] =	vst v63  }
0xf5: {  	s4 =	sadd.s32 @p0 $0x9A, s28;
	s28 =	simm.s32 @!p0 $0x8;
	s5 =	simm.s32 @p0 $0x160  }
0xf6: {  	[tilespmem:s5], [sflag:$0x3] =	stream.strided.gather @p0 [hbm4b:s4+s0], $0xB0, s29, s0, $0x38;
	[tilespmem:$0x1C6C0] =	vst v63  }
0xf7: {  	s0 =	simm.s32 @!p0 $0x58;
	s4 =	simm.s32 @!p0 $0x108;
	s5 =	simm.s32 @!p0 $0x2C0  }
0xf8: {  	[spmem:s3] =	stream.indirect.scatter.add.f32 @!p0 [tilespmem:s5], [sflag:$0x8], $0x80, s4, s0, $0xb8;
	[tilespmem:$0x1C6C0] =	vst v63  }
0xf9: {  	_ =	swait.ge @!p0 [sflag:s28], $0x2C00  }
0xfa: {  	[sflag:s28] =	ssyncset.done @!p0 $0x0  }
0xfb: {  	s4 =	simm.s32 @!p0 $0x6;
	[sflag:s28] =	ssyncadd.s32 @!p0 $0xFFFFD400  }
0xfc: {  	_ =	swait.ge @!p0 [sflag:s4], $0x2C00  }
0xfd: {  	[sflag:s4] =	ssyncset.done @!p0 $0x0  }
0xfe: {  	s5 =	simm.s32 @!p0 $0x1B8;
	[sflag:s4] =	ssyncadd.s32 @!p0 $0xFFFFD400;
	s4 =	simm.s32 @!p0 $0x2EC0  }
0xff: {  	[spmem:s3] =	stream.indirect.scatter.add.f32 @!p0 [tilespmem:s4], [sflag:$0x8], $0x80, s5, s0, $0xb8;
	[tilespmem:$0x1C6C0] =	vst v63  }
0x100: {  	_ =	swait.ge @!p0 [sflag:s28], $0x2C00  }
0x101: {  	[sflag:s28] =	ssyncset.done @!p0 $0x0  }
0x102: {  	s0 =	simm.s32 @!p0 $0x7;
	[sflag:s28] =	ssyncadd.s32 @!p0 $0xFFFFD400  }
0x103: {  	_ =	swait.ge @!p0 [sflag:s0], $0x2C00  }
0x104: {  	[sflag:s0] =	ssyncset.done @!p0 $0x0  }
0x105: {  	s28 =	simm.s32 $0x84;
	[sflag:s0] =	ssyncadd.s32 @!p0 $0xFFFFD400  }
0x106: {  	[spmem:s3] =	stream.indirect.scatter.add.f32 [tilespmem:s19], [sflag:$0x8], $0x80, s26, s8, $0xb8;
	[tilespmem:$0x1C6C0] =	vst v63  }
.LBB2_4:
0x107: {  	_ =	swait.ge [sflag:s6], $0x2C00;
	s29 =	smov.u32 s28;
	s28 =	sadd.s32 $0x84, s28  }
0x108: {  	p0 =	sne.s32 s28, $0x9CC;
	[sflag:s6] =	ssyncset.done $0x0  }
0x109: {  	[sflag:s6] =	ssyncadd.s32 $0xFFFFD400  }
0x10a: {  	_ =	swait.ge [sflag:s16], $0x2C00  }
0x10b: {  	[sflag:s16] =	ssyncset.done $0x0  }
0x10c: {  	[sflag:s16] =	ssyncadd.s32 $0xFFFFD400  }
0x10d: {  	s30 =	sadd.s32 s29, s18;
	_ =	swait.ge [sflag:s17], $0xB0  }
0x10e: {  	[sflag:s17] =	ssyncset.done $0x0  }
0x10f: {  	[sflag:s17] =	ssyncadd.s32 $0xFFFFFF50  }
0x110: {  	[tilespmem:s19], [sflag:$0x7] =	stream.indirect.gather [hbm4b:s2+s8], $0x80, s12, s8, $0xb8;
	[tilespmem:$0x1C6C0] =	vst v63  }
0x111: {  	s0 =	sadd.s32 $0x21, s30  }
0x112: {  	[tilespmem:s20], [sflag:$0x4] =	stream.strided.gather [hbm4b:s0+s8], $0xB0, s9, s8, $0x38;
	[tilespmem:$0x1C6C0] =	vst v63  }
0x113: {  	_ = 	snop  }
0x114: {  	[spmem:s3] =	stream.indirect.scatter.add.f32 [tilespmem:s7], [sflag:$0x8], $0x80, s8, s8, $0xb8;
	[tilespmem:$0x1C6C0] =	vst v63  }
0x115: {  	_ =	swait.ge [sflag:s6], $0x2C00  }
0x116: {  	[sflag:s6] =	ssyncset.done $0x0  }
0x117: {  	[sflag:s6] =	ssyncadd.s32 $0xFFFFD400  }
0x118: {  	_ =	swait.ge [sflag:s21], $0x2C00  }
0x119: {  	[sflag:s21] =	ssyncset.done $0x0  }
0x11a: {  	[sflag:s21] =	ssyncadd.s32 $0xFFFFD400  }
0x11b: {  	_ =	swait.ge [sflag:s22], $0xB0  }
0x11c: {  	[sflag:s22] =	ssyncset.done $0x0  }
0x11d: {  	[sflag:s22] =	ssyncadd.s32 $0xFFFFFF50  }
0x11e: {  	[tilespmem:s7], [sflag:$0x5] =	stream.indirect.gather [hbm4b:s2+s8], $0x80, s20, s8, $0xb8;
	[tilespmem:$0x1C6C0] =	vst v63  }
0x11f: {  	s0 =	sadd.s32 $0x2C, s30  }
0x120: {  	[tilespmem:s10], [sflag:$0x1] =	stream.strided.gather [hbm4b:s0+s8], $0xB0, s9, s8, $0x38;
	[tilespmem:$0x1C6C0] =	vst v63  }
0x121: {  	s1 =	simm.s32 $0x108  }
0x122: {  	[spmem:s3] =	stream.indirect.scatter.add.f32 [tilespmem:s15], [sflag:$0x8], $0x80, s1, s8, $0xb8;
	[tilespmem:$0x1C6C0] =	vst v63  }
0x123: {  	_ =	swait.ge [sflag:s6], $0x2C00  }
0x124: {  	[sflag:s6] =	ssyncset.done $0x0  }
0x125: {  	[sflag:s6] =	ssyncadd.s32 $0xFFFFD400  }
0x126: {  	_ =	swait.ge [sflag:s24], $0x2C00  }
0x127: {  	[sflag:s24] =	ssyncset.done $0x0  }
0x128: {  	[sflag:s24] =	ssyncadd.s32 $0xFFFFD400  }
0x129: {  	_ =	swait.ge [sflag:s13], $0xB0  }
0x12a: {  	[sflag:s13] =	ssyncset.done $0x0  }
0x12b: {  	[sflag:s13] =	ssyncadd.s32 $0xFFFFFF50  }
0x12c: {  	[tilespmem:s15], [sflag:$0x6] =	stream.indirect.gather [hbm4b:s2+s8], $0x80, s10, s8, $0xb8;
	[tilespmem:$0x1C6C0] =	vst v63  }
0x12d: {  	s0 =	sadd.s32 $0x37, s30  }
0x12e: {  	[tilespmem:s11], [sflag:$0x2] =	stream.strided.gather [hbm4b:s0+s8], $0xB0, s9, s8, $0x38;
	[tilespmem:$0x1C6C0] =	vst v63  }
0x12f: {  	s4 =	simm.s32 $0x1B8  }
0x130: {  	[spmem:s3] =	stream.indirect.scatter.add.f32 [tilespmem:s19], [sflag:$0x8], $0x80, s4, s8, $0xb8;
	[tilespmem:$0x1C6C0] =	vst v63  }
0x131: {  	_ =	swait.ge [sflag:s6], $0x2C00  }
0x132: {  	[sflag:s6] =	ssyncset.done $0x0  }
0x133: {  	[sflag:s6] =	ssyncadd.s32 $0xFFFFD400  }
0x134: {  	_ =	swait.ge [sflag:s16], $0x2C00  }
0x135: {  	[sflag:s16] =	ssyncset.done $0x0  }
0x136: {  	[sflag:s16] =	ssyncadd.s32 $0xFFFFD400  }
0x137: {  	_ =	swait.ge [sflag:s14], $0xB0  }
0x138: {  	[sflag:s14] =	ssyncset.done $0x0  }
0x139: {  	[sflag:s14] =	ssyncadd.s32 $0xFFFFFF50  }
0x13a: {  	[tilespmem:s19], [sflag:$0x7] =	stream.indirect.gather [hbm4b:s2+s8], $0x80, s11, s8, $0xb8;
	[tilespmem:$0x1C6C0] =	vst v63  }
0x13b: {  	s0 =	sadd.s32 $0x42, s30  }
0x13c: {  	[tilespmem:s12], [sflag:$0x3] =	stream.strided.gather [hbm4b:s0+s8], $0xB0, s9, s8, $0x38;
	[tilespmem:$0x1C6C0] =	vst v63  }
0x13d: {  	_ = 	snop  }
0x13e: {  	[spmem:s3] =	stream.indirect.scatter.add.f32 [tilespmem:s7], [sflag:$0x8], $0x80, s26, s8, $0xb8;
	[tilespmem:$0x1C6C0] =	vst v63  }
0x13f: {  	_ =	swait.ge [sflag:s6], $0x2C00  }
0x140: {  	[sflag:s6] =	ssyncset.done $0x0  }
0x141: {  	[sflag:s6] =	ssyncadd.s32 $0xFFFFD400  }
0x142: {  	_ =	swait.ge [sflag:s21], $0x2C00  }
0x143: {  	[sflag:s21] =	ssyncset.done $0x0  }
0x144: {  	[sflag:s21] =	ssyncadd.s32 $0xFFFFD400  }
0x145: {  	_ =	swait.ge [sflag:s17], $0xB0  }
0x146: {  	[sflag:s17] =	ssyncset.done $0x0  }
0x147: {  	[sflag:s17] =	ssyncadd.s32 $0xFFFFFF50  }
0x148: {  	[tilespmem:s7], [sflag:$0x5] =	stream.indirect.gather [hbm4b:s2+s8], $0x80, s12, s8, $0xb8;
	[tilespmem:$0x1C6C0] =	vst v63  }
0x149: {  	s0 =	sadd.s32 $0x4D, s30  }
0x14a: {  	[tilespmem:s20], [sflag:$0x4] =	stream.strided.gather [hbm4b:s0+s8], $0xB0, s9, s8, $0x38;
	[tilespmem:$0x1C6C0] =	vst v63  }
0x14b: {  	_ = 	snop  }
0x14c: {  	[spmem:s3] =	stream.indirect.scatter.add.f32 [tilespmem:s15], [sflag:$0x8], $0x80, s8, s8, $0xb8;
	[tilespmem:$0x1C6C0] =	vst v63  }
0x14d: {  	_ =	swait.ge [sflag:s6], $0x2C00  }
0x14e: {  	[sflag:s6] =	ssyncset.done $0x0  }
0x14f: {  	[sflag:s6] =	ssyncadd.s32 $0xFFFFD400  }
0x150: {  	_ =	swait.ge [sflag:s24], $0x2C00  }
0x151: {  	[sflag:s24] =	ssyncset.done $0x0  }
0x152: {  	[sflag:s24] =	ssyncadd.s32 $0xFFFFD400  }
0x153: {  	_ =	swait.ge [sflag:s22], $0xB0  }
0x154: {  	[sflag:s22] =	ssyncset.done $0x0  }
0x155: {  	[sflag:s22] =	ssyncadd.s32 $0xFFFFFF50  }
0x156: {  	[tilespmem:s15], [sflag:$0x6] =	stream.indirect.gather [hbm4b:s2+s8], $0x80, s20, s8, $0xb8;
	[tilespmem:$0x1C6C0] =	vst v63  }
0x157: {  	s0 =	sadd.s32 $0x58, s30  }
0x158: {  	[tilespmem:s10], [sflag:$0x1] =	stream.strided.gather [hbm4b:s0+s8], $0xB0, s9, s8, $0x38;
	[tilespmem:$0x1C6C0] =	vst v63  }
0x159: {  	_ = 	snop  }
0x15a: {  	[spmem:s3] =	stream.indirect.scatter.add.f32 [tilespmem:s19], [sflag:$0x8], $0x80, s1, s8, $0xb8;
	[tilespmem:$0x1C6C0] =	vst v63  }
0x15b: {  	_ =	swait.ge [sflag:s6], $0x2C00  }
0x15c: {  	[sflag:s6] =	ssyncset.done $0x0  }
0x15d: {  	[sflag:s6] =	ssyncadd.s32 $0xFFFFD400  }
0x15e: {  	_ =	swait.ge [sflag:s16], $0x2C00  }
0x15f: {  	[sflag:s16] =	ssyncset.done $0x0  }
0x160: {  	[sflag:s16] =	ssyncadd.s32 $0xFFFFD400  }
0x161: {  	_ =	swait.ge [sflag:s13], $0xB0  }
0x162: {  	[sflag:s13] =	ssyncset.done $0x0  }
0x163: {  	[sflag:s13] =	ssyncadd.s32 $0xFFFFFF50  }
0x164: {  	[tilespmem:s19], [sflag:$0x7] =	stream.indirect.gather [hbm4b:s2+s8], $0x80, s10, s8, $0xb8;
	[tilespmem:$0x1C6C0] =	vst v63  }
0x165: {  	s0 =	sadd.s32 $0x63, s30  }
0x166: {  	[tilespmem:s11], [sflag:$0x2] =	stream.strided.gather [hbm4b:s0+s8], $0xB0, s9, s8, $0x38;
	[tilespmem:$0x1C6C0] =	vst v63  }
0x167: {  	_ = 	snop  }
0x168: {  	[spmem:s3] =	stream.indirect.scatter.add.f32 [tilespmem:s7], [sflag:$0x8], $0x80, s4, s8, $0xb8;
	[tilespmem:$0x1C6C0] =	vst v63  }
0x169: {  	_ =	swait.ge [sflag:s6], $0x2C00  }
0x16a: {  	[sflag:s6] =	ssyncset.done $0x0  }
0x16b: {  	[sflag:s6] =	ssyncadd.s32 $0xFFFFD400  }
0x16c: {  	_ =	swait.ge [sflag:s21], $0x2C00  }
0x16d: {  	[sflag:s21] =	ssyncset.done $0x0  }
0x16e: {  	[sflag:s21] =	ssyncadd.s32 $0xFFFFD400  }
0x16f: {  	_ =	swait.ge [sflag:s14], $0xB0  }
0x170: {  	[sflag:s14] =	ssyncset.done $0x0  }
0x171: {  	[sflag:s14] =	ssyncadd.s32 $0xFFFFFF50  }
0x172: {  	[tilespmem:s7], [sflag:$0x5] =	stream.indirect.gather [hbm4b:s2+s8], $0x80, s11, s8, $0xb8;
	[tilespmem:$0x1C6C0] =	vst v63  }
0x173: {  	s0 =	sadd.s32 $0x6E, s30  }
0x174: {  	[tilespmem:s12], [sflag:$0x3] =	stream.strided.gather [hbm4b:s0+s8], $0xB0, s9, s8, $0x38;
	[tilespmem:$0x1C6C0] =	vst v63  }
0x175: {  	_ = 	snop  }
0x176: {  	[spmem:s3] =	stream.indirect.scatter.add.f32 [tilespmem:s15], [sflag:$0x8], $0x80, s26, s8, $0xb8;
	[tilespmem:$0x1C6C0] =	vst v63  }
0x177: {  	_ =	swait.ge [sflag:s6], $0x2C00  }
0x178: {  	[sflag:s6] =	ssyncset.done $0x0  }
0x179: {  	[sflag:s6] =	ssyncadd.s32 $0xFFFFD400  }
0x17a: {  	_ =	swait.ge [sflag:s24], $0x2C00  }
0x17b: {  	[sflag:s24] =	ssyncset.done $0x0  }
0x17c: {  	[sflag:s24] =	ssyncadd.s32 $0xFFFFD400  }
0x17d: {  	_ =	swait.ge [sflag:s17], $0xB0  }
0x17e: {  	[sflag:s17] =	ssyncset.done $0x0  }
0x17f: {  	[sflag:s17] =	ssyncadd.s32 $0xFFFFFF50  }
0x180: {  	[tilespmem:s15], [sflag:$0x6] =	stream.indirect.gather [hbm4b:s2+s8], $0x80, s12, s8, $0xb8;
	[tilespmem:$0x1C6C0] =	vst v63  }
0x181: {  	s0 =	sadd.s32 $0x79, s30  }
0x182: {  	[tilespmem:s20], [sflag:$0x4] =	stream.strided.gather [hbm4b:s0+s8], $0xB0, s9, s8, $0x38;
	[tilespmem:$0x1C6C0] =	vst v63  }
0x183: {  	_ = 	snop  }
0x184: {  	[spmem:s3] =	stream.indirect.scatter.add.f32 [tilespmem:s19], [sflag:$0x8], $0x80, s8, s8, $0xb8;
	[tilespmem:$0x1C6C0] =	vst v63  }
0x185: {  	_ =	swait.ge [sflag:s6], $0x2C00  }
0x186: {  	[sflag:s6] =	ssyncset.done $0x0  }
0x187: {  	[sflag:s6] =	ssyncadd.s32 $0xFFFFD400  }
0x188: {  	_ =	swait.ge [sflag:s16], $0x2C00  }
0x189: {  	[sflag:s16] =	ssyncset.done $0x0  }
0x18a: {  	[sflag:s16] =	ssyncadd.s32 $0xFFFFD400  }
0x18b: {  	p1 =	sne.s32 s29, $0x948;
	_ =	swait.ge [sflag:s22], $0xB0  }
0x18c: {  	s4 =	simm.s32 @p1 $0x108;
	s0 =	sadd.s32 @p1 s29, s18;
	[sflag:s22] =	ssyncset.done $0x0  }
0x18d: {  	s5 =	simm.s32 @p1 $0x0;
	s29 =	simm.s32 @p1 $0x4E600;
	[sflag:s22] =	ssyncadd.s32 $0xFFFFFF50  }
0x18e: {  	[tilespmem:s19], [sflag:$0x7] =	stream.indirect.gather [hbm4b:s2+s8], $0x80, s20, s8, $0xb8;
	[tilespmem:$0x1C6C0] =	vst v63  }
0x18f: {  	s1 =	simm.s32 @p1 $0x2C0;
	s30 =	simm.s32 @p1 $0x58;
	s31 =	sadd.s32 @p1 $0x84, s0  }
0x190: {  	[tilespmem:s5], [sflag:$0x1] =	stream.strided.gather @p1 [hbm4b:s31+s30], $0xB0, s29, s30, $0x38;
	[tilespmem:$0x1C6C0] =	vst v63  }
0x191: {  	s23 =	sadd.s32 @p1 $0x8F, s0;
	s0 =	sadd.s32 @p1 $0x9A, s0;
	s31 =	simm.s32 @p1 $0x8  }
0x192: {  	[spmem:s3] =	stream.indirect.scatter.add.f32 @p1 [tilespmem:s1], [sflag:$0x8], $0x80, s4, s30, $0xb8;
	[tilespmem:$0x1C6C0] =	vst v63  }
0x193: {  	_ =	swait.ge @p1 [sflag:s31], $0x2C00  }
0x194: {  	s4 =	simm.s32 @p1 $0x6;
	[sflag:s31] =	ssyncset.done @p1 $0x0  }
0x195: {  	[sflag:s31] =	ssyncadd.s32 @p1 $0xFFFFD400  }
0x196: {  	_ =	swait.ge @p1 [sflag:s4], $0x2C00  }
0x197: {  	s25 =	simm.s32 @p1 $0x1;
	[sflag:s4] =	ssyncset.done @p1 $0x0  }
0x198: {  	[sflag:s4] =	ssyncadd.s32 @p1 $0xFFFFD400  }
0x199: {  	_ =	swait.ge @p1 [sflag:s25], $0xB0  }
0x19a: {  	[sflag:s25] =	ssyncset.done @p1 $0x0  }
0x19b: {  	s4 =	simm.s32 @p1 $0xB0;
	[sflag:s25] =	ssyncadd.s32 @p1 $0xFFFFFF50  }
0x19c: {  	[tilespmem:s1], [sflag:$0x5] =	stream.indirect.gather @p1 [hbm4b:s2+s30], $0x80, s5, s30, $0xb8;
	[tilespmem:$0x1C6C0] =	vst v63  }
0x19d: {  	s1 =	simm.s32 @p1 $0x1B8;
	s5 =	simm.s32 @p1 $0x2EC0  }
0x19e: {  	[tilespmem:s4], [sflag:$0x2] =	stream.strided.gather @p1 [hbm4b:s23+s30], $0xB0, s29, s30, $0x38;
	[tilespmem:$0x1C6C0] =	vst v63  }
0x19f: {  	_ = 	snop  }
0x1a0: {  	[spmem:s3] =	stream.indirect.scatter.add.f32 @p1 [tilespmem:s5], [sflag:$0x8], $0x80, s1, s30, $0xb8;
	[tilespmem:$0x1C6C0] =	vst v63  }
0x1a1: {  	_ =	swait.ge @p1 [sflag:s31], $0x2C00  }
0x1a2: {  	s1 =	simm.s32 @p1 $0x7;
	[sflag:s31] =	ssyncset.done @p1 $0x0  }
0x1a3: {  	[sflag:s31] =	ssyncadd.s32 @p1 $0xFFFFD400  }
0x1a4: {  	_ =	swait.ge @p1 [sflag:s1], $0x2C00  }
0x1a5: {  	s23 =	simm.s32 @p1 $0x2;
	[sflag:s1] =	ssyncset.done @p1 $0x0  }
0x1a6: {  	[sflag:s1] =	ssyncadd.s32 @p1 $0xFFFFD400  }
0x1a7: {  	_ =	swait.ge @p1 [sflag:s23], $0xB0  }
0x1a8: {  	[sflag:s23] =	ssyncset.done @p1 $0x0  }
0x1a9: {  	s1 =	simm.s32 @p1 $0x160;
	[sflag:s23] =	ssyncadd.s32 @p1 $0xFFFFFF50  }
0x1aa: {  	[tilespmem:s5], [sflag:$0x6] =	stream.indirect.gather @p1 [hbm4b:s2+s30], $0x80, s4, s30, $0xb8;
	[tilespmem:$0x1C6C0] =	vst v63  }
0x1ab: {  	s23 =	simm.s32 @!p1 $0x2C0;
	s4 =	simm.s32 @!p1 $0x58;
	s5 =	simm.s32 @!p1 $0x108  }
0x1ac: {  	[tilespmem:s1], [sflag:$0x3] =	stream.strided.gather @p1 [hbm4b:s0+s30], $0xB0, s29, s30, $0x38;
	[tilespmem:$0x1C6C0] =	vst v63  }
0x1ad: {  	s0 =	simm.s32 @!p1 $0x8  }
0x1ae: {  	[spmem:s3] =	stream.indirect.scatter.add.f32 @!p1 [tilespmem:s23], [sflag:$0x8], $0x80, s5, s4, $0xb8;
	[tilespmem:$0x1C6C0] =	vst v63  }
0x1af: {  	_ =	swait.ge @!p1 [sflag:s0], $0x2C00  }
0x1b0: {  	s1 =	simm.s32 @!p1 $0x6;
	[sflag:s0] =	ssyncset.done @!p1 $0x0  }
0x1b1: {  	[sflag:s0] =	ssyncadd.s32 @!p1 $0xFFFFD400  }
0x1b2: {  	_ =	swait.ge @!p1 [sflag:s1], $0x2C00  }
0x1b3: {  	s5 =	simm.s32 @!p1 $0x1B8;
	s23 =	simm.s32 @!p1 $0x2EC0;
	[sflag:s1] =	ssyncset.done @!p1 $0x0  }
0x1b4: {  	[sflag:s1] =	ssyncadd.s32 @!p1 $0xFFFFD400  }
0x1b5: {  	[spmem:s3] =	stream.indirect.scatter.add.f32 @!p1 [tilespmem:s23], [sflag:$0x8], $0x80, s5, s4, $0xb8;
	[tilespmem:$0x1C6C0] =	vst v63  }
0x1b6: {  	_ =	swait.ge @!p1 [sflag:s0], $0x2C00  }
0x1b7: {  	s1 =	simm.s32 @!p1 $0x7;
	[sflag:s0] =	ssyncset.done @!p1 $0x0  }
.Ltmp2:
0x1b8: {  	[sflag:s0] =	ssyncadd.s32 @!p1 $0xFFFFD400;
	(pc) =	sbr.rel @p0 .LBB2_4-.Ltmp2, $4  }
0x1b9: {  	_ =	swait.ge @!p1 [sflag:s1], $0x2C00  }
0x1ba: {  	[sflag:s1] =	ssyncset.done @!p1 $0x0  }
0x1bb: {  	[sflag:s1] =	ssyncadd.s32 @!p1 $0xFFFFD400  }
0x1bc: {  	[spmem:s3] =	stream.indirect.scatter.add.f32 [tilespmem:s19], [sflag:$0x8], $0x80, s26, s8, $0xb8;
	[tilespmem:$0x1C6C0] =	vst v63  }
0x1bd: {  	_ =	swait.ge [sflag:s6], $0x2C00  }
0x1be: {  	[sflag:s6] =	ssyncset.done $0x0  }
0x1bf: {  	[sflag:s6] =	ssyncadd.s32 $0xFFFFD400  }
0x1c0: {  	s9 =	stileid.u32;
	[bflag:$0x0] =	sbarrier.arrive $0xFFFF  }
0x1c1: {  	s31 =	simm.s32 $0x8;
	s0 =	sshll.u32 s9, $0x6;
	s1 =	rddreg [dreg:$0x4]  }
0x1c2: {  	s0 =	sor.u32 $0x1C08, s0;
	s2 =	rddreg [dreg:$0x5];
	s1 =	sshrl.u32 s1, $0x3  }
0x1c3: {  	[hbm:s2], [sflag:s0] =	dma.local [spmem:s1], $0x2800  }
0x1c4: {  	_ =	swait.ge [sflag:s31], $0x2800  }
0x1c5: {  	[sflag:s31] =	ssyncset.done $0x0  }
0x1c6: {  	[sflag:s31] =	ssyncadd.s32 $0xFFFFD800  }
0x1c7: {  	s0 =	rddreg [dreg:$0x3]  }
.LBB2_6:
0x1c8: {  	_ =	sfence.sel $0x180000  }
0x1c9: {  	[bflag:$0x0] =	sbarrier.arrive $0xFFFF  }
0x1ca: {  	p0 =	sne.s32 s9, $0x0;
	_ =	strace $0x9000004A  }
0x1cb: {  	s0 =	sadd.s32 @!p0 $0x100000, s0;
	[bflag:$0x2] =	sbarrier.arrive $0xFFFF  }
0x1cc: {  	[sflag:s0] =	ssyncadd.tile.s32 @!p0 $0x1;
	_ =	shalt  }
.Lfunc_end2:
_tile_overlayer_lowered:
.L_overlay_start_2:
0x1cd: {  	(tag) =	ssettag $0x2  }
0x1ce: {  	s0 =	rddreg [dreg:$0x0];
	s2 =	stileid.u32  }
0x1cf: {  	s1 =	rddreg [dreg:$0x1];
	p0 =	sne.s32 s2, $0x0  }
0x1d0: {  	s3 =	rddreg [dreg:$0x2];
	[bflag:$0x3] =	sbarrier.arrive $0xFFFF;
	s2 =	simm.s32 @!p0 $0x1C08  }
0x1d1: {  	[timem:s3], [sflag:s2] =	dma.local @!p0 [hbm:s0], s1  }
0x1d2: {  	s0 =	simm.s32 @!p0 $0x8  }
0x1d3: {  	_ =	swait.ge @!p0 [sflag:s0], s1  }
0x1d4: {  	s1 =	ssub.s32 @!p0 $0x0, s1;
	[sflag:s0] =	ssyncset.done @!p0 $0x0  }
0x1d5: {  	[sflag:s0] =	ssyncadd.s32 @!p0 s1  }
0x1d6: {  	[bflag:$0x3] =	sbarrier.arrive $0xFFFF  }
0x1d7: {  	_ =	shalt  }

</sc_bundles>
